<compile_context>
chip_gen: v7x
topology: tpu7x:2x2x1
jax: 0.10.2.dev20260603
libtpu: 0.0.44.dev20260713+nightly
codegen_flags: <defaults>
</compile_context>

<pallas_src>
import functools

import jax
import jax.numpy as jnp
from jax import lax
from jax.experimental import pallas as pl
from jax.experimental.pallas import tpu as pltpu
from jax.experimental.pallas import tpu_sc as plsc

_B = 8
_H = 512
_W = 512
_HW = _H * _W
_N = _B * _HW
_NW = 32
_PIX_W = _N // _NW
_T = 8192
_NCH = _PIX_W // _T
_G = _T // 16


def _build_sc_call():
    mesh = plsc.VectorSubcoreMesh(core_axis_name="c", subcore_axis_name="s")

    @functools.partial(
        pl.kernel,
        mesh=mesh,
        compiler_params=pltpu.CompilerParams(needs_layout_passes=False),
        out_type=jax.ShapeDtypeStruct((_N // 128, 4, 128), jnp.float32),
        scratch_types=[
            pltpu.VMEM((2 * _T,), jnp.float32),
            pltpu.VMEM((2 * 3 * (_T // 128), 1, 128), jnp.float32),
            pltpu.VMEM((_B, 16), jnp.float32),
            pltpu.SemaphoreType.DMA,
            pltpu.SemaphoreType.DMA,
            pltpu.SemaphoreType.DMA,
            pltpu.SemaphoreType.DMA,
        ],
    )
    def unproject(depth_hbm, intr_hbm, out_hbm, d_v, o_v, k_v,
                  sin0, sin1, sout0, sout1):
        wid = lax.axis_index("c") * 16 + lax.axis_index("s")
        b = wid // 4
        pltpu.sync_copy(intr_hbm, k_v)

        kv = k_v[b, :]
        k00 = kv[0]
        k01 = kv[1]
        k02 = kv[2]
        k10 = kv[3]
        k11 = kv[4]
        k12 = kv[5]
        k20 = kv[6]
        k21 = kv[7]
        k22 = kv[8]

        m00 = k11 * k22 - k12 * k21
        m01 = k10 * k22 - k12 * k20
        m02 = k10 * k21 - k11 * k20
        det = k00 * m00 - k01 * m01 + k02 * m02
        det_v = jnp.broadcast_to(det, (16,))
        rdet = (jnp.float32(1.0) / det_v)[0]
        a00 = m00 * rdet
        a01 = (k02 * k21 - k01 * k22) * rdet
        a02 = (k01 * k12 - k02 * k11) * rdet
        a10 = -m01 * rdet
        a11 = (k00 * k22 - k02 * k20) * rdet
        a12 = (k02 * k10 - k00 * k12) * rdet
        a20 = m02 * rdet
        a21 = (k01 * k20 - k00 * k21) * rdet
        a22 = (k00 * k11 - k01 * k10) * rdet

        b0x = a02 + 0.5 * (a00 + a01)
        b0y = a12 + 0.5 * (a10 + a11)
        b0z = a22 + 0.5 * (a20 + a21)

        iota_i = lax.iota(jnp.int32, 16)
        pim0 = wid * _PIX_W - b * _HW
        sins = (sin0, sin1)
        souts = (sout0, sout1)

        def start_in(ci):
            base = wid * _PIX_W + ci * _T
            return pltpu.async_copy(
                depth_hbm.at[pl.ds(base, _T)],
                d_v.at[pl.ds((ci % 2) * _T, _T)],
                sins[ci % 2],
            )

        nblk = _T // 128

        def start_out(ci):
            blk0 = (wid * _PIX_W + ci * _T) // 128
            slot = ci % 2
            return [
                pltpu.async_copy(
                    o_v.at[pl.ds((slot * 3 + p) * nblk, nblk), :, :],
                    out_hbm.at[pl.ds(blk0, nblk), pl.ds(p, 1), :],
                    souts[slot],
                )
                for p in range(3)
            ]

        in_cp = [start_in(0)]
        out_cp = [None, None]
        for ci in range(_NCH):
            slot = ci % 2
            if ci + 1 < _NCH:
                in_cp.append(start_in(ci + 1))
            in_cp[ci].wait()
            if out_cp[slot] is not None:
                for cp in out_cp[slot]:
                    cp.wait()
            d_off = slot * _T

            @plsc.parallel_loop(0, _G, unroll=4)
            def group_body(g):
                s = pim0 + ci * _T + g * 16
                w0 = (jnp.bitwise_and(lax.shift_right_logical(s, 10), 3) * 128
                      + jnp.bitwise_and(s, 127))
                h = (jnp.bitwise_and(lax.shift_right_logical(s, 12), 63) * 8
                     + jnp.bitwise_and(lax.shift_right_logical(s, 7), 7))
                wf = (w0 + iota_i).astype(jnp.float32)
                hf = lax.broadcast(h, (16,)).astype(jnp.float32)
                cx = a00 * wf + (a01 * hf + b0x)
                cy = a10 * wf + (a11 * hf + b0y)
                cz = a20 * wf + (a21 * hf + b0z)
                d = d_v[pl.ds(d_off + g * 16, 16)]
                blk = (jnp.bitwise_and(lax.shift_right_logical(g, 8), 1) * 32
                       + jnp.bitwise_and(lax.shift_right_logical(g, 3), 7) * 4
                       + jnp.bitwise_and(lax.shift_right_logical(g, 6), 3))
                l0 = jnp.bitwise_and(g, 7) * 16
                row = slot * (3 * _G // 8) + blk
                o_v[row, 0, pl.ds(l0, 16)] = d * cx
                o_v[row + _G // 8, 0, pl.ds(l0, 16)] = d * cy
                o_v[row + _G // 4, 0, pl.ds(l0, 16)] = d * cz

            out_cp[slot] = start_out(ci)
        for cps in out_cp:
            if cps is not None:
                for cp in cps:
                    cp.wait()

    return unproject


_unproject_call = _build_sc_call()


@jax.jit
def kernel(depth, intrinsics):
    depth_flat = (
        depth.reshape(_B, _H // 8, 8, _W // 128, 128)
        .transpose(0, 1, 3, 2, 4)
        .reshape(-1)
    )
    intr_pad = jnp.pad(intrinsics.reshape(_B, 9), ((0, 0), (0, 7)))
    out_rec = _unproject_call(depth_flat, intr_pad)
    out4 = out_rec.transpose(0, 2, 1).reshape(_N, 4)
    return out4[:, :3]

# --- scband reference (transcript-rebuilt; emitter-appended) ---
"""Pipeline reference for scband-pts-unprojector-40338332844085 (READ-ONLY COPY).

The authoritative reference and input builder live on the scoring server;
editing this copy changes nothing except your own understanding.
"""

import jax, jax.numpy as jnp
import numpy as np


def setup_inputs(seed: int = 0) -> dict:
    key = jax.random.key(seed)
    k1, k2 = jax.random.split(key)
    depth = jax.random.uniform(k1, (8, 1, 512, 512), dtype=jnp.float32)
    intrinsics = jax.random.normal(k2, (8, 3, 3), dtype=jnp.float32)
    return {"depth": depth, "intrinsics": intrinsics}


def reference(depth, intrinsics):
    B, _, H, W = depth.shape
    xs = (jnp.linspace(0.0, W - 1, W).astype(jnp.float32) + 0.5).reshape(1, 1, 1, W)
    xs = jnp.broadcast_to(xs, (1, 1, H, W))
    ys = (jnp.linspace(0.0, H - 1, H).astype(jnp.float32) + 0.5).reshape(1, 1, H, 1)
    ys = jnp.broadcast_to(ys, (1, 1, H, W))
    ones = jnp.ones((1, 1, H, W), dtype=jnp.float32)
    xyzs = jnp.concatenate((xs, ys, ones), axis=1).reshape(1, 3, -1)
    d = depth.reshape(B, 1, -1)
    projected_coors = xyzs * d
    invK = jnp.linalg.inv(intrinsics)
    xyz_source = jnp.matmul(invK, projected_coors)
    xyz_source = jnp.concatenate((xyz_source, jnp.ones_like(xyz_source[:, 0:1])), axis=1)
    xyz_world = xyz_source[:, 0:3]
    xyz_world = jnp.transpose(xyz_world, (0, 2, 1)).reshape(-1, 3)
    return xyz_world

if __name__ == "__main__":
    import jax
    _d = setup_inputs()
    print(jax.jit(kernel)(*tuple(_d.values())))

</pallas_src>

<mosaic_0001>
#map = affine_map<(d0, d1) -> (0)>
#map1 = affine_map<(d0, d1) -> (0, 0)>
#map2 = affine_map<(d0, d1) -> (0, 0, 0)>
module attributes {stable_mosaic.version = 14 : i64} {
  func.func @unproject(%arg0: i32, %arg1: i32, %arg2: memref<2097152xf32, #tpu.memory_space<hbm>>, %arg3: memref<8x16xf32, #tpu.memory_space<hbm>>, %arg4: memref<16384x4x128xf32, #tpu.memory_space<hbm>>, %arg5: memref<16384xf32, #tpu.memory_space<vmem>>, %arg6: memref<384x1x128xf32, #tpu.memory_space<vmem>>, %arg7: memref<8x16xf32, #tpu.memory_space<vmem>>, %arg8: memref<!tpu.dma_semaphore, #tpu.memory_space<semaphore_mem>>, %arg9: memref<!tpu.dma_semaphore, #tpu.memory_space<semaphore_mem>>, %arg10: memref<!tpu.dma_semaphore, #tpu.memory_space<semaphore_mem>>, %arg11: memref<!tpu.dma_semaphore, #tpu.memory_space<semaphore_mem>>) attributes {dimension_semantics = [#tpu.dimension_semantics<core_parallel>, #tpu.dimension_semantics<subcore_parallel>], iteration_bounds = array<i64: 2, 16>, scalar_prefetch = 0 : i64, scratch_operands = 7 : i64, tpu.core_type = #tpu.core_type<sc_vector_subcore>, window_params = [{transform_indices = #map}, {transform_indices = #map1}, {transform_indices = #map2}]} {
    %mul3A = arith.constant 16 : i32
    %mul3A_0 = arith.muli %arg0, %mul3A : i32
    %add3A = arith.addi %mul3A_0, %arg1 : i32
    %jit3A = arith.constant 4 : i32
    %div3A = arith.divsi %add3A, %jit3A : i32
    %sign3A = arith.constant 0 : i32
    %sign3A_1 = arith.cmpi sgt, %add3A, %sign3A : i32
    %sign3A_2 = arith.extui %sign3A_1 : i1 to i32
    %sign3A_3 = arith.constant 0 : i32
    %sign3A_4 = arith.cmpi slt, %add3A, %sign3A_3 : i32
    %sign3A_5 = arith.extui %sign3A_4 : i1 to i32
    %sign3A_6 = arith.subi %sign3A_2, %sign3A_5 : i32
    %sign3A_7 = arith.constant 0 : i32
    %sign3A_8 = arith.cmpi sgt, %jit3A, %sign3A_7 : i32
    %sign3A_9 = arith.extui %sign3A_8 : i1 to i32
    %sign3A_10 = arith.constant 0 : i32
    %sign3A_11 = arith.cmpi slt, %jit3A, %sign3A_10 : i32
    %sign3A_12 = arith.extui %sign3A_11 : i1 to i32
    %sign3A_13 = arith.subi %sign3A_9, %sign3A_12 : i32
    %ne3A = arith.cmpi ne, %sign3A_6, %sign3A_13 : i32
    %rem3A = arith.remsi %add3A, %jit3A : i32
    %ne3A_14 = arith.constant 0 : i32
    %ne3A_15 = arith.cmpi ne, %rem3A, %ne3A_14 : i32
    %and3A = arith.andi %ne3A, %ne3A_15 : i1
    %sub3A = arith.constant 1 : i32
    %sub3A_16 = arith.subi %div3A, %sub3A : i32
    %select_n3A = arith.select %and3A, %sub3A_16, %div3A : i32
    "tpu.region"() ({
      %run_scoped3A = tpu.sem_alloc : memref<!tpu.dma_semaphore, #tpu.memory_space<semaphore_mem>>
      tpu.enqueue_dma source(%arg3 : memref<8x16xf32, #tpu.memory_space<hbm>>) target(%arg7 : memref<8x16xf32, #tpu.memory_space<vmem>>) target_semaphore(%run_scoped3A : memref<!tpu.dma_semaphore, #tpu.memory_space<semaphore_mem>>)
      tpu.wait_dma2 semaphore(%run_scoped3A : memref<!tpu.dma_semaphore, #tpu.memory_space<semaphore_mem>>) src(%arg3 : memref<8x16xf32, #tpu.memory_space<hbm>>) dst(%arg7 : memref<8x16xf32, #tpu.memory_space<vmem>>)
      tpu.yield
    }) : () -> ()
    %get3A = arith.index_cast %select_n3A : i32 to index
    %get3A_17 = arith.constant 0 : index
    %get3A_18 = tpu.vector_load %arg7[%get3A, %get3A_17] {strides = array<i32>} : memref<8x16xf32, #tpu.memory_space<vmem>>, vector<16xf32>,
    %slice3A = vector.extract_strided_slice %get3A_18 {offsets = [0], sizes = [1], strides = [1]} : vector<16xf32> to vector<1xf32>
    %squeeze3A = vector.extract %slice3A[0] : f32 from vector<1xf32>
    %slice3A_19 = vector.extract_strided_slice %get3A_18 {offsets = [1], sizes = [1], strides = [1]} : vector<16xf32> to vector<1xf32>
    %squeeze3A_20 = vector.extract %slice3A_19[0] : f32 from vector<1xf32>
    %slice3A_21 = vector.extract_strided_slice %get3A_18 {offsets = [2], sizes = [1], strides = [1]} : vector<16xf32> to vector<1xf32>
    %squeeze3A_22 = vector.extract %slice3A_21[0] : f32 from vector<1xf32>
    %slice3A_23 = vector.extract_strided_slice %get3A_18 {offsets = [3], sizes = [1], strides = [1]} : vector<16xf32> to vector<1xf32>
    %squeeze3A_24 = vector.extract %slice3A_23[0] : f32 from vector<1xf32>
    %slice3A_25 = vector.extract_strided_slice %get3A_18 {offsets = [4], sizes = [1], strides = [1]} : vector<16xf32> to vector<1xf32>
    %squeeze3A_26 = vector.extract %slice3A_25[0] : f32 from vector<1xf32>
    %slice3A_27 = vector.extract_strided_slice %get3A_18 {offsets = [5], sizes = [1], strides = [1]} : vector<16xf32> to vector<1xf32>
    %squeeze3A_28 = vector.extract %slice3A_27[0] : f32 from vector<1xf32>
    %slice3A_29 = vector.extract_strided_slice %get3A_18 {offsets = [6], sizes = [1], strides = [1]} : vector<16xf32> to vector<1xf32>
    %squeeze3A_30 = vector.extract %slice3A_29[0] : f32 from vector<1xf32>
    %slice3A_31 = vector.extract_strided_slice %get3A_18 {offsets = [7], sizes = [1], strides = [1]} : vector<16xf32> to vector<1xf32>
    %squeeze3A_32 = vector.extract %slice3A_31[0] : f32 from vector<1xf32>
    %slice3A_33 = vector.extract_strided_slice %get3A_18 {offsets = [8], sizes = [1], strides = [1]} : vector<16xf32> to vector<1xf32>
    %squeeze3A_34 = vector.extract %slice3A_33[0] : f32 from vector<1xf32>
    %mul3A_35 = arith.mulf %squeeze3A_26, %squeeze3A_34 : f32
    %mul3A_36 = arith.mulf %squeeze3A_28, %squeeze3A_32 : f32
    %sub3A_37 = arith.subf %mul3A_35, %mul3A_36 : f32
    %mul3A_38 = arith.mulf %squeeze3A_24, %squeeze3A_34 : f32
    %mul3A_39 = arith.mulf %squeeze3A_28, %squeeze3A_30 : f32
    %sub3A_40 = arith.subf %mul3A_38, %mul3A_39 : f32
    %mul3A_41 = arith.mulf %squeeze3A_24, %squeeze3A_32 : f32
    %mul3A_42 = arith.mulf %squeeze3A_26, %squeeze3A_30 : f32
    %sub3A_43 = arith.subf %mul3A_41, %mul3A_42 : f32
    %mul3A_44 = arith.mulf %squeeze3A, %sub3A_37 : f32
    %mul3A_45 = arith.mulf %squeeze3A_20, %sub3A_40 : f32
    %sub3A_46 = arith.subf %mul3A_44, %mul3A_45 : f32
    %mul3A_47 = arith.mulf %squeeze3A_22, %sub3A_43 : f32
    %add3A_48 = arith.addf %sub3A_46, %mul3A_47 : f32
    %broadcast_in_dim3A = vector.broadcast %add3A_48 : f32 to vector<16xf32>
    %div3A_49 = arith.constant 1.000000e+00 : f32
    %div3A_50 = vector.broadcast %div3A_49 : f32 to vector<16xf32>
    %div3A_51 = arith.divf %div3A_50, %broadcast_in_dim3A : vector<16xf32>
    %slice3A_52 = vector.extract_strided_slice %div3A_51 {offsets = [0], sizes = [1], strides = [1]} : vector<16xf32> to vector<1xf32>
    %squeeze3A_53 = vector.extract %slice3A_52[0] : f32 from vector<1xf32>
    %mul3A_54 = arith.mulf %sub3A_37, %squeeze3A_53 : f32
    %mul3A_55 = arith.mulf %squeeze3A_22, %squeeze3A_32 : f32
    %mul3A_56 = arith.mulf %squeeze3A_20, %squeeze3A_34 : f32
    %sub3A_57 = arith.subf %mul3A_55, %mul3A_56 : f32
    %mul3A_58 = arith.mulf %sub3A_57, %squeeze3A_53 : f32
    %mul3A_59 = arith.mulf %squeeze3A_20, %squeeze3A_28 : f32
    %mul3A_60 = arith.mulf %squeeze3A_22, %squeeze3A_26 : f32
    %sub3A_61 = arith.subf %mul3A_59, %mul3A_60 : f32
    %mul3A_62 = arith.mulf %sub3A_61, %squeeze3A_53 : f32
    %neg3A = arith.constant 0.000000e+00 : f32
    %neg3A_63 = arith.subf %neg3A, %sub3A_40 : f32
    %mul3A_64 = arith.mulf %neg3A_63, %squeeze3A_53 : f32
    %mul3A_65 = arith.mulf %squeeze3A, %squeeze3A_34 : f32
    %mul3A_66 = arith.mulf %squeeze3A_22, %squeeze3A_30 : f32
    %sub3A_67 = arith.subf %mul3A_65, %mul3A_66 : f32
    %mul3A_68 = arith.mulf %sub3A_67, %squeeze3A_53 : f32
    %mul3A_69 = arith.mulf %squeeze3A_22, %squeeze3A_24 : f32
    %mul3A_70 = arith.mulf %squeeze3A, %squeeze3A_28 : f32
    %sub3A_71 = arith.subf %mul3A_69, %mul3A_70 : f32
    %mul3A_72 = arith.mulf %sub3A_71, %squeeze3A_53 : f32
    %mul3A_73 = arith.mulf %sub3A_43, %squeeze3A_53 : f32
    %mul3A_74 = arith.mulf %squeeze3A_20, %squeeze3A_30 : f32
    %mul3A_75 = arith.mulf %squeeze3A, %squeeze3A_32 : f32
    %sub3A_76 = arith.subf %mul3A_74, %mul3A_75 : f32
    %mul3A_77 = arith.mulf %sub3A_76, %squeeze3A_53 : f32
    %mul3A_78 = arith.mulf %squeeze3A, %squeeze3A_26 : f32
    %mul3A_79 = arith.mulf %squeeze3A_20, %squeeze3A_24 : f32
    %sub3A_80 = arith.subf %mul3A_78, %mul3A_79 : f32
    %mul3A_81 = arith.mulf %sub3A_80, %squeeze3A_53 : f32
    %add3A_82 = arith.addf %mul3A_54, %mul3A_58 : f32
    %mul3A_83 = arith.constant 5.000000e-01 : f32
    %mul3A_84 = arith.mulf %mul3A_83, %add3A_82 : f32
    %add3A_85 = arith.addf %mul3A_62, %mul3A_84 : f32
    %add3A_86 = arith.addf %mul3A_64, %mul3A_68 : f32
    %mul3A_87 = arith.constant 5.000000e-01 : f32
    %mul3A_88 = arith.mulf %mul3A_87, %add3A_86 : f32
    %add3A_89 = arith.addf %mul3A_72, %mul3A_88 : f32
    %add3A_90 = arith.addf %mul3A_73, %mul3A_77 : f32
    %mul3A_91 = arith.constant 5.000000e-01 : f32
    %mul3A_92 = arith.mulf %mul3A_91, %add3A_90 : f32
    %add3A_93 = arith.addf %mul3A_81, %mul3A_92 : f32
    %iota3A = tpu.iota {dimensions = array<i32: 0>} : vector<16xi32>
    %mul3A_94 = arith.constant 65536 : i32
    %mul3A_95 = arith.muli %add3A, %mul3A_94 : i32
    %mul3A_96 = arith.constant 262144 : i32
    %mul3A_97 = arith.muli %select_n3A, %mul3A_96 : i32
    %sub3A_98 = arith.subi %mul3A_95, %mul3A_97 : i32
    %mul3A_99 = arith.constant 65536 : i32
    %mul3A_100 = arith.muli %add3A, %mul3A_99 : i32
    %add3A_101 = arith.constant 0 : i32
    %add3A_102 = arith.addi %mul3A_100, %add3A_101 : i32
    %dma_start3A = arith.constant 0 : i32
    %dma_start3A_103 = tpu.memref_slice %arg5[%dma_start3A] : memref<16384xf32, #tpu.memory_space<vmem>> -> memref<8192xf32, #tpu.memory_space<vmem>>
    %dma_start3A_104 = tpu.memref_slice %arg2[%add3A_102] : memref<2097152xf32, #tpu.memory_space<hbm>> -> memref<8192xf32, #tpu.memory_space<hbm>>
    %dma_start3A_105 = arith.constant 0 : i32
    %dma_start3A_106 = tpu.memref_slice %arg5[%dma_start3A_105] : memref<16384xf32, #tpu.memory_space<vmem>> -> memref<8192xf32, #tpu.memory_space<vmem>>
    %dma_start3A_107 = tpu.memref_slice %arg2[%add3A_102] : memref<2097152xf32, #tpu.memory_space<hbm>> -> memref<8192xf32, #tpu.memory_space<hbm>>
    tpu.enqueue_dma source(%dma_start3A_107 : memref<8192xf32, #tpu.memory_space<hbm>>) target(%dma_start3A_106 : memref<8192xf32, #tpu.memory_space<vmem>>) target_semaphore(%arg8 : memref<!tpu.dma_semaphore, #tpu.memory_space<semaphore_mem>>)
    %mul3A_108 = arith.constant 65536 : i32
    %mul3A_109 = arith.muli %add3A, %mul3A_108 : i32
    %add3A_110 = arith.constant 8192 : i32
    %add3A_111 = arith.addi %mul3A_109, %add3A_110 : i32
    %dma_start3A_112 = arith.constant 8192 : i32
    %dma_start3A_113 = tpu.memref_slice %arg5[%dma_start3A_112] : memref<16384xf32, #tpu.memory_space<vmem>> -> memref<8192xf32, #tpu.memory_space<vmem>>
    %dma_start3A_114 = tpu.memref_slice %arg2[%add3A_111] : memref<2097152xf32, #tpu.memory_space<hbm>> -> memref<8192xf32, #tpu.memory_space<hbm>>
    %dma_start3A_115 = arith.constant 8192 : i32
    %dma_start3A_116 = tpu.memref_slice %arg5[%dma_start3A_115] : memref<16384xf32, #tpu.memory_space<vmem>> -> memref<8192xf32, #tpu.memory_space<vmem>>
    %dma_start3A_117 = tpu.memref_slice %arg2[%add3A_111] : memref<2097152xf32, #tpu.memory_space<hbm>> -> memref<8192xf32, #tpu.memory_space<hbm>>
    tpu.enqueue_dma source(%dma_start3A_117 : memref<8192xf32, #tpu.memory_space<hbm>>) target(%dma_start3A_116 : memref<8192xf32, #tpu.memory_space<vmem>>) target_semaphore(%arg9 : memref<!tpu.dma_semaphore, #tpu.memory_space<semaphore_mem>>)
    %dma_wait3A = arith.constant 0 : i32
    %dma_wait3A_118 = tpu.memref_slice %arg5[%dma_wait3A] : memref<16384xf32, #tpu.memory_space<vmem>> -> memref<8192xf32, #tpu.memory_space<vmem>>
    %dma_wait3A_119 = tpu.memref_slice %arg2[%add3A_102] : memref<2097152xf32, #tpu.memory_space<hbm>> -> memref<8192xf32, #tpu.memory_space<hbm>>
    %dma_wait3A_120 = arith.constant 0 : i32
    %dma_wait3A_121 = tpu.memref_slice %arg5[%dma_wait3A_120] : memref<16384xf32, #tpu.memory_space<vmem>> -> memref<8192xf32, #tpu.memory_space<vmem>>
    %dma_wait3A_122 = tpu.memref_slice %arg2[%add3A_102] : memref<2097152xf32, #tpu.memory_space<hbm>> -> memref<8192xf32, #tpu.memory_space<hbm>>
    tpu.wait_dma2 semaphore(%arg8 : memref<!tpu.dma_semaphore, #tpu.memory_space<semaphore_mem>>) src(%dma_wait3A_122 : memref<8192xf32, #tpu.memory_space<hbm>>) dst(%dma_wait3A_121 : memref<8192xf32, #tpu.memory_space<vmem>>)
    %parallel_loop3A = arith.constant 0 : i32
    %parallel_loop3A_123 = arith.constant 512 : i32
    %parallel_loop3A_124 = arith.constant 1 : i32
    scf.for %parallel_loop3A_1144 = %parallel_loop3A to %parallel_loop3A_123 step %parallel_loop3A_124  : i32 {
      %parallel_loop3A_1145 = arith.constant 0 : i32
      %parallel_loop3A_1146 = arith.addi %sub3A_98, %parallel_loop3A_1145 : i32
      %parallel_loop3A_1147 = arith.constant 16 : i32
      %parallel_loop3A_1148 = arith.muli %parallel_loop3A_1144, %parallel_loop3A_1147 : i32
      %parallel_loop3A_1149 = arith.addi %parallel_loop3A_1146, %parallel_loop3A_1148 : i32
      %parallel_loop3A_1150 = arith.constant 10 : i32
      %parallel_loop3A_1151 = arith.shrui %parallel_loop3A_1149, %parallel_loop3A_1150 : i32
      %parallel_loop3A_1152 = arith.constant 3 : i32
      %parallel_loop3A_1153 = arith.andi %parallel_loop3A_1151, %parallel_loop3A_1152 : i32
      %parallel_loop3A_1154 = arith.constant 128 : i32
      %parallel_loop3A_1155 = arith.muli %parallel_loop3A_1153, %parallel_loop3A_1154 : i32
      %parallel_loop3A_1156 = arith.constant 127 : i32
      %parallel_loop3A_1157 = arith.andi %parallel_loop3A_1149, %parallel_loop3A_1156 : i32
      %parallel_loop3A_1158 = arith.addi %parallel_loop3A_1155, %parallel_loop3A_1157 : i32
      %parallel_loop3A_1159 = arith.constant 12 : i32
      %parallel_loop3A_1160 = arith.shrui %parallel_loop3A_1149, %parallel_loop3A_1159 : i32
      %parallel_loop3A_1161 = arith.constant 63 : i32
      %parallel_loop3A_1162 = arith.andi %parallel_loop3A_1160, %parallel_loop3A_1161 : i32
      %parallel_loop3A_1163 = arith.constant 8 : i32
      %parallel_loop3A_1164 = arith.muli %parallel_loop3A_1162, %parallel_loop3A_1163 : i32
      %parallel_loop3A_1165 = arith.constant 7 : i32
      %parallel_loop3A_1166 = arith.shrui %parallel_loop3A_1149, %parallel_loop3A_1165 : i32
      %parallel_loop3A_1167 = arith.constant 7 : i32
      %parallel_loop3A_1168 = arith.andi %parallel_loop3A_1166, %parallel_loop3A_1167 : i32
      %parallel_loop3A_1169 = arith.addi %parallel_loop3A_1164, %parallel_loop3A_1168 : i32
      %parallel_loop3A_1170 = vector.broadcast %parallel_loop3A_1158 : i32 to vector<16xi32>
      %parallel_loop3A_1171 = arith.addi %parallel_loop3A_1170, %iota3A : vector<16xi32>
      %parallel_loop3A_1172 = arith.sitofp %parallel_loop3A_1171 : vector<16xi32> to vector<16xf32>
      %parallel_loop3A_1173 = vector.broadcast %parallel_loop3A_1169 : i32 to vector<16xi32>
      %parallel_loop3A_1174 = arith.sitofp %parallel_loop3A_1173 : vector<16xi32> to vector<16xf32>
      %parallel_loop3A_1175 = vector.broadcast %mul3A_54 : f32 to vector<16xf32>
      %parallel_loop3A_1176 = arith.mulf %parallel_loop3A_1175, %parallel_loop3A_1172 : vector<16xf32>
      %parallel_loop3A_1177 = vector.broadcast %mul3A_58 : f32 to vector<16xf32>
      %parallel_loop3A_1178 = arith.mulf %parallel_loop3A_1177, %parallel_loop3A_1174 : vector<16xf32>
      %parallel_loop3A_1179 = vector.broadcast %add3A_85 : f32 to vector<16xf32>
      %parallel_loop3A_1180 = arith.addf %parallel_loop3A_1178, %parallel_loop3A_1179 : vector<16xf32>
      %parallel_loop3A_1181 = arith.addf %parallel_loop3A_1176, %parallel_loop3A_1180 : vector<16xf32>
      %parallel_loop3A_1182 = vector.broadcast %mul3A_64 : f32 to vector<16xf32>
      %parallel_loop3A_1183 = arith.mulf %parallel_loop3A_1182, %parallel_loop3A_1172 : vector<16xf32>
      %parallel_loop3A_1184 = vector.broadcast %mul3A_68 : f32 to vector<16xf32>
      %parallel_loop3A_1185 = arith.mulf %parallel_loop3A_1184, %parallel_loop3A_1174 : vector<16xf32>
      %parallel_loop3A_1186 = vector.broadcast %add3A_89 : f32 to vector<16xf32>
      %parallel_loop3A_1187 = arith.addf %parallel_loop3A_1185, %parallel_loop3A_1186 : vector<16xf32>
      %parallel_loop3A_1188 = arith.addf %parallel_loop3A_1183, %parallel_loop3A_1187 : vector<16xf32>
      %parallel_loop3A_1189 = vector.broadcast %mul3A_73 : f32 to vector<16xf32>
      %parallel_loop3A_1190 = arith.mulf %parallel_loop3A_1189, %parallel_loop3A_1172 : vector<16xf32>
      %parallel_loop3A_1191 = vector.broadcast %mul3A_77 : f32 to vector<16xf32>
      %parallel_loop3A_1192 = arith.mulf %parallel_loop3A_1191, %parallel_loop3A_1174 : vector<16xf32>
      %parallel_loop3A_1193 = vector.broadcast %add3A_93 : f32 to vector<16xf32>
      %parallel_loop3A_1194 = arith.addf %parallel_loop3A_1192, %parallel_loop3A_1193 : vector<16xf32>
      %parallel_loop3A_1195 = arith.addf %parallel_loop3A_1190, %parallel_loop3A_1194 : vector<16xf32>
      %parallel_loop3A_1196 = arith.constant 16 : i32
      %parallel_loop3A_1197 = arith.muli %parallel_loop3A_1144, %parallel_loop3A_1196 : i32
      %parallel_loop3A_1198 = arith.constant 0 : i32
      %parallel_loop3A_1199 = arith.addi %parallel_loop3A_1198, %parallel_loop3A_1197 : i32
      %parallel_loop3A_1200 = arith.index_cast %parallel_loop3A_1199 : i32 to index
      %parallel_loop3A_1201 = tpu.vector_load %arg5[%parallel_loop3A_1200] {strides = array<i32>} : memref<16384xf32, #tpu.memory_space<vmem>>, vector<16xf32>,
      %parallel_loop3A_1202 = arith.constant 8 : i32
      %parallel_loop3A_1203 = arith.shrui %parallel_loop3A_1144, %parallel_loop3A_1202 : i32
      %parallel_loop3A_1204 = arith.constant 1 : i32
      %parallel_loop3A_1205 = arith.andi %parallel_loop3A_1203, %parallel_loop3A_1204 : i32
      %parallel_loop3A_1206 = arith.constant 32 : i32
      %parallel_loop3A_1207 = arith.muli %parallel_loop3A_1205, %parallel_loop3A_1206 : i32
      %parallel_loop3A_1208 = arith.constant 3 : i32
      %parallel_loop3A_1209 = arith.shrui %parallel_loop3A_1144, %parallel_loop3A_1208 : i32
      %parallel_loop3A_1210 = arith.constant 7 : i32
      %parallel_loop3A_1211 = arith.andi %parallel_loop3A_1209, %parallel_loop3A_1210 : i32
      %parallel_loop3A_1212 = arith.constant 4 : i32
      %parallel_loop3A_1213 = arith.muli %parallel_loop3A_1211, %parallel_loop3A_1212 : i32
      %parallel_loop3A_1214 = arith.addi %parallel_loop3A_1207, %parallel_loop3A_1213 : i32
      %parallel_loop3A_1215 = arith.constant 6 : i32
      %parallel_loop3A_1216 = arith.shrui %parallel_loop3A_1144, %parallel_loop3A_1215 : i32
      %parallel_loop3A_1217 = arith.constant 3 : i32
      %parallel_loop3A_1218 = arith.andi %parallel_loop3A_1216, %parallel_loop3A_1217 : i32
      %parallel_loop3A_1219 = arith.addi %parallel_loop3A_1214, %parallel_loop3A_1218 : i32
      %parallel_loop3A_1220 = arith.constant 7 : i32
      %parallel_loop3A_1221 = arith.andi %parallel_loop3A_1144, %parallel_loop3A_1220 : i32
      %parallel_loop3A_1222 = arith.constant 16 : i32
      %parallel_loop3A_1223 = arith.muli %parallel_loop3A_1221, %parallel_loop3A_1222 : i32
      %parallel_loop3A_1224 = arith.constant 0 : i32
      %parallel_loop3A_1225 = arith.addi %parallel_loop3A_1224, %parallel_loop3A_1219 : i32
      %parallel_loop3A_1226 = arith.mulf %parallel_loop3A_1201, %parallel_loop3A_1181 : vector<16xf32>
      %parallel_loop3A_1227 = arith.constant 0 : i32
      %parallel_loop3A_1228 = arith.index_cast %parallel_loop3A_1225 : i32 to index
      %parallel_loop3A_1229 = arith.index_cast %parallel_loop3A_1227 : i32 to index
      %parallel_loop3A_1230 = arith.index_cast %parallel_loop3A_1223 : i32 to index
      %parallel_loop3A_1231 = tpu.vector_load %arg6[%parallel_loop3A_1228, %parallel_loop3A_1229, %parallel_loop3A_1230] {strides = array<i32>} : memref<384x1x128xf32, #tpu.memory_space<vmem>>, vector<16xf32>,
      tpu.vector_store %arg6[%parallel_loop3A_1228, %parallel_loop3A_1229, %parallel_loop3A_1230], %parallel_loop3A_1226 {strides = array<i32>} : memref<384x1x128xf32, #tpu.memory_space<vmem>>, vector<16xf32>,
      %parallel_loop3A_1232 = arith.mulf %parallel_loop3A_1201, %parallel_loop3A_1188 : vector<16xf32>
      %parallel_loop3A_1233 = arith.constant 64 : i32
      %parallel_loop3A_1234 = arith.addi %parallel_loop3A_1225, %parallel_loop3A_1233 : i32
      %parallel_loop3A_1235 = arith.constant 0 : i32
      %parallel_loop3A_1236 = arith.index_cast %parallel_loop3A_1234 : i32 to index
      %parallel_loop3A_1237 = arith.index_cast %parallel_loop3A_1235 : i32 to index
      %parallel_loop3A_1238 = arith.index_cast %parallel_loop3A_1223 : i32 to index
      %parallel_loop3A_1239 = tpu.vector_load %arg6[%parallel_loop3A_1236, %parallel_loop3A_1237, %parallel_loop3A_1238] {strides = array<i32>} : memref<384x1x128xf32, #tpu.memory_space<vmem>>, vector<16xf32>,
      tpu.vector_store %arg6[%parallel_loop3A_1236, %parallel_loop3A_1237, %parallel_loop3A_1238], %parallel_loop3A_1232 {strides = array<i32>} : memref<384x1x128xf32, #tpu.memory_space<vmem>>, vector<16xf32>,
      %parallel_loop3A_1240 = arith.mulf %parallel_loop3A_1201, %parallel_loop3A_1195 : vector<16xf32>
      %parallel_loop3A_1241 = arith.constant 128 : i32
      %parallel_loop3A_1242 = arith.addi %parallel_loop3A_1225, %parallel_loop3A_1241 : i32
      %parallel_loop3A_1243 = arith.constant 0 : i32
      %parallel_loop3A_1244 = arith.index_cast %parallel_loop3A_1242 : i32 to index
      %parallel_loop3A_1245 = arith.index_cast %parallel_loop3A_1243 : i32 to index
      %parallel_loop3A_1246 = arith.index_cast %parallel_loop3A_1223 : i32 to index
      %parallel_loop3A_1247 = tpu.vector_load %arg6[%parallel_loop3A_1244, %parallel_loop3A_1245, %parallel_loop3A_1246] {strides = array<i32>} : memref<384x1x128xf32, #tpu.memory_space<vmem>>, vector<16xf32>,
      tpu.vector_store %arg6[%parallel_loop3A_1244, %parallel_loop3A_1245, %parallel_loop3A_1246], %parallel_loop3A_1240 {strides = array<i32>} : memref<384x1x128xf32, #tpu.memory_space<vmem>>, vector<16xf32>,
    } {sc.loop_unroll_factor = 4 : i64, sc.parallel_access}
    %mul3A_125 = arith.constant 65536 : i32
    %mul3A_126 = arith.muli %add3A, %mul3A_125 : i32
    %add3A_127 = arith.constant 0 : i32
    %add3A_128 = arith.addi %mul3A_126, %add3A_127 : i32
    %jit3A_129 = arith.constant 128 : i32
    %div3A_130 = arith.divsi %add3A_128, %jit3A_129 : i32
    %sign3A_131 = arith.constant 0 : i32
    %sign3A_132 = arith.cmpi sgt, %add3A_128, %sign3A_131 : i32
    %sign3A_133 = arith.extui %sign3A_132 : i1 to i32
    %sign3A_134 = arith.constant 0 : i32
    %sign3A_135 = arith.cmpi slt, %add3A_128, %sign3A_134 : i32
    %sign3A_136 = arith.extui %sign3A_135 : i1 to i32
    %sign3A_137 = arith.subi %sign3A_133, %sign3A_136 : i32
    %sign3A_138 = arith.constant 0 : i32
    %sign3A_139 = arith.cmpi sgt, %jit3A_129, %sign3A_138 : i32
    %sign3A_140 = arith.extui %sign3A_139 : i1 to i32
    %sign3A_141 = arith.constant 0 : i32
    %sign3A_142 = arith.cmpi slt, %jit3A_129, %sign3A_141 : i32
    %sign3A_143 = arith.extui %sign3A_142 : i1 to i32
    %sign3A_144 = arith.subi %sign3A_140, %sign3A_143 : i32
    %ne3A_145 = arith.cmpi ne, %sign3A_137, %sign3A_144 : i32
    %rem3A_146 = arith.remsi %add3A_128, %jit3A_129 : i32
    %ne3A_147 = arith.constant 0 : i32
    %ne3A_148 = arith.cmpi ne, %rem3A_146, %ne3A_147 : i32
    %and3A_149 = arith.andi %ne3A_145, %ne3A_148 : i1
    %sub3A_150 = arith.constant 1 : i32
    %sub3A_151 = arith.subi %div3A_130, %sub3A_150 : i32
    %select_n3A_152 = arith.select %and3A_149, %sub3A_151, %div3A_130 : i32
    %dma_start3A_153 = arith.constant 0 : i32
    %dma_start3A_154 = arith.constant 0 : i32
    %dma_start3A_155 = arith.constant 0 : i32
    %dma_start3A_156 = tpu.memref_slice %arg6[%dma_start3A_153, %dma_start3A_154, %dma_start3A_155] : memref<384x1x128xf32, #tpu.memory_space<vmem>> -> memref<64x1x128xf32, #tpu.memory_space<vmem>>
    %dma_start3A_157 = arith.constant 0 : i32
    %dma_start3A_158 = arith.constant 0 : i32
    %dma_start3A_159 = tpu.memref_slice %arg4[%select_n3A_152, %dma_start3A_157, %dma_start3A_158] : memref<16384x4x128xf32, #tpu.memory_space<hbm>> -> memref<64x1x128xf32, #tpu.memory_space<hbm>>
    %dma_start3A_160 = arith.constant 0 : i32
    %dma_start3A_161 = arith.constant 0 : i32
    %dma_start3A_162 = tpu.memref_slice %arg4[%select_n3A_152, %dma_start3A_160, %dma_start3A_161] : memref<16384x4x128xf32, #tpu.memory_space<hbm>> -> memref<64x1x128xf32, #tpu.memory_space<hbm>>
    %dma_start3A_163 = arith.constant 0 : i32
    %dma_start3A_164 = arith.constant 0 : i32
    %dma_start3A_165 = arith.constant 0 : i32
    %dma_start3A_166 = tpu.memref_slice %arg6[%dma_start3A_163, %dma_start3A_164, %dma_start3A_165] : memref<384x1x128xf32, #tpu.memory_space<vmem>> -> memref<64x1x128xf32, #tpu.memory_space<vmem>>
    tpu.enqueue_dma source(%dma_start3A_166 : memref<64x1x128xf32, #tpu.memory_space<vmem>>) target(%dma_start3A_162 : memref<64x1x128xf32, #tpu.memory_space<hbm>>) target_semaphore(%arg10 : memref<!tpu.dma_semaphore, #tpu.memory_space<semaphore_mem>>)
    %dma_start3A_167 = arith.constant 64 : i32
    %dma_start3A_168 = arith.constant 0 : i32
    %dma_start3A_169 = arith.constant 0 : i32
    %dma_start3A_170 = tpu.memref_slice %arg6[%dma_start3A_167, %dma_start3A_168, %dma_start3A_169] : memref<384x1x128xf32, #tpu.memory_space<vmem>> -> memref<64x1x128xf32, #tpu.memory_space<vmem>>
    %dma_start3A_171 = arith.constant 1 : i32
    %dma_start3A_172 = arith.constant 0 : i32
    %dma_start3A_173 = tpu.memref_slice %arg4[%select_n3A_152, %dma_start3A_171, %dma_start3A_172] : memref<16384x4x128xf32, #tpu.memory_space<hbm>> -> memref<64x1x128xf32, #tpu.memory_space<hbm>>
    %dma_start3A_174 = arith.constant 1 : i32
    %dma_start3A_175 = arith.constant 0 : i32
    %dma_start3A_176 = tpu.memref_slice %arg4[%select_n3A_152, %dma_start3A_174, %dma_start3A_175] : memref<16384x4x128xf32, #tpu.memory_space<hbm>> -> memref<64x1x128xf32, #tpu.memory_space<hbm>>
    %dma_start3A_177 = arith.constant 64 : i32
    %dma_start3A_178 = arith.constant 0 : i32
    %dma_start3A_179 = arith.constant 0 : i32
    %dma_start3A_180 = tpu.memref_slice %arg6[%dma_start3A_177, %dma_start3A_178, %dma_start3A_179] : memref<384x1x128xf32, #tpu.memory_space<vmem>> -> memref<64x1x128xf32, #tpu.memory_space<vmem>>
    tpu.enqueue_dma source(%dma_start3A_180 : memref<64x1x128xf32, #tpu.memory_space<vmem>>) target(%dma_start3A_176 : memref<64x1x128xf32, #tpu.memory_space<hbm>>) target_semaphore(%arg10 : memref<!tpu.dma_semaphore, #tpu.memory_space<semaphore_mem>>)
    %dma_start3A_181 = arith.constant 128 : i32
    %dma_start3A_182 = arith.constant 0 : i32
    %dma_start3A_183 = arith.constant 0 : i32
    %dma_start3A_184 = tpu.memref_slice %arg6[%dma_start3A_181, %dma_start3A_182, %dma_start3A_183] : memref<384x1x128xf32, #tpu.memory_space<vmem>> -> memref<64x1x128xf32, #tpu.memory_space<vmem>>
    %dma_start3A_185 = arith.constant 2 : i32
    %dma_start3A_186 = arith.constant 0 : i32
    %dma_start3A_187 = tpu.memref_slice %arg4[%select_n3A_152, %dma_start3A_185, %dma_start3A_186] : memref<16384x4x128xf32, #tpu.memory_space<hbm>> -> memref<64x1x128xf32, #tpu.memory_space<hbm>>
    %dma_start3A_188 = arith.constant 2 : i32
    %dma_start3A_189 = arith.constant 0 : i32
    %dma_start3A_190 = tpu.memref_slice %arg4[%select_n3A_152, %dma_start3A_188, %dma_start3A_189] : memref<16384x4x128xf32, #tpu.memory_space<hbm>> -> memref<64x1x128xf32, #tpu.memory_space<hbm>>
    %dma_start3A_191 = arith.constant 128 : i32
    %dma_start3A_192 = arith.constant 0 : i32
    %dma_start3A_193 = arith.constant 0 : i32
    %dma_start3A_194 = tpu.memref_slice %arg6[%dma_start3A_191, %dma_start3A_192, %dma_start3A_193] : memref<384x1x128xf32, #tpu.memory_space<vmem>> -> memref<64x1x128xf32, #tpu.memory_space<vmem>>
    tpu.enqueue_dma source(%dma_start3A_194 : memref<64x1x128xf32, #tpu.memory_space<vmem>>) target(%dma_start3A_190 : memref<64x1x128xf32, #tpu.memory_space<hbm>>) target_semaphore(%arg10 : memref<!tpu.dma_semaphore, #tpu.memory_space<semaphore_mem>>)
    %mul3A_195 = arith.constant 65536 : i32
    %mul3A_196 = arith.muli %add3A, %mul3A_195 : i32
    %add3A_197 = arith.constant 16384 : i32
    %add3A_198 = arith.addi %mul3A_196, %add3A_197 : i32
    %dma_start3A_199 = arith.constant 0 : i32
    %dma_start3A_200 = tpu.memref_slice %arg5[%dma_start3A_199] : memref<16384xf32, #tpu.memory_space<vmem>> -> memref<8192xf32, #tpu.memory_space<vmem>>
    %dma_start3A_201 = tpu.memref_slice %arg2[%add3A_198] : memref<2097152xf32, #tpu.memory_space<hbm>> -> memref<8192xf32, #tpu.memory_space<hbm>>
    %dma_start3A_202 = arith.constant 0 : i32
    %dma_start3A_203 = tpu.memref_slice %arg5[%dma_start3A_202] : memref<16384xf32, #tpu.memory_space<vmem>> -> memref<8192xf32, #tpu.memory_space<vmem>>
    %dma_start3A_204 = tpu.memref_slice %arg2[%add3A_198] : memref<2097152xf32, #tpu.memory_space<hbm>> -> memref<8192xf32, #tpu.memory_space<hbm>>
    tpu.enqueue_dma source(%dma_start3A_204 : memref<8192xf32, #tpu.memory_space<hbm>>) target(%dma_start3A_203 : memref<8192xf32, #tpu.memory_space<vmem>>) target_semaphore(%arg8 : memref<!tpu.dma_semaphore, #tpu.memory_space<semaphore_mem>>)
    %dma_wait3A_205 = arith.constant 8192 : i32
    %dma_wait3A_206 = tpu.memref_slice %arg5[%dma_wait3A_205] : memref<16384xf32, #tpu.memory_space<vmem>> -> memref<8192xf32, #tpu.memory_space<vmem>>
    %dma_wait3A_207 = tpu.memref_slice %arg2[%add3A_111] : memref<2097152xf32, #tpu.memory_space<hbm>> -> memref<8192xf32, #tpu.memory_space<hbm>>
    %dma_wait3A_208 = arith.constant 8192 : i32
    %dma_wait3A_209 = tpu.memref_slice %arg5[%dma_wait3A_208] : memref<16384xf32, #tpu.memory_space<vmem>> -> memref<8192xf32, #tpu.memory_space<vmem>>
    %dma_wait3A_210 = tpu.memref_slice %arg2[%add3A_111] : memref<2097152xf32, #tpu.memory_space<hbm>> -> memref<8192xf32, #tpu.memory_space<hbm>>
    tpu.wait_dma2 semaphore(%arg9 : memref<!tpu.dma_semaphore, #tpu.memory_space<semaphore_mem>>) src(%dma_wait3A_210 : memref<8192xf32, #tpu.memory_space<hbm>>) dst(%dma_wait3A_209 : memref<8192xf32, #tpu.memory_space<vmem>>)
    %parallel_loop3A_211 = arith.constant 0 : i32
    %parallel_loop3A_212 = arith.constant 512 : i32
    %parallel_loop3A_213 = arith.constant 1 : i32
    scf.for %parallel_loop3A_1144 = %parallel_loop3A_211 to %parallel_loop3A_212 step %parallel_loop3A_213  : i32 {
      %parallel_loop3A_1145 = arith.constant 8192 : i32
      %parallel_loop3A_1146 = arith.addi %sub3A_98, %parallel_loop3A_1145 : i32
      %parallel_loop3A_1147 = arith.constant 16 : i32
      %parallel_loop3A_1148 = arith.muli %parallel_loop3A_1144, %parallel_loop3A_1147 : i32
      %parallel_loop3A_1149 = arith.addi %parallel_loop3A_1146, %parallel_loop3A_1148 : i32
      %parallel_loop3A_1150 = arith.constant 10 : i32
      %parallel_loop3A_1151 = arith.shrui %parallel_loop3A_1149, %parallel_loop3A_1150 : i32
      %parallel_loop3A_1152 = arith.constant 3 : i32
      %parallel_loop3A_1153 = arith.andi %parallel_loop3A_1151, %parallel_loop3A_1152 : i32
      %parallel_loop3A_1154 = arith.constant 128 : i32
      %parallel_loop3A_1155 = arith.muli %parallel_loop3A_1153, %parallel_loop3A_1154 : i32
      %parallel_loop3A_1156 = arith.constant 127 : i32
      %parallel_loop3A_1157 = arith.andi %parallel_loop3A_1149, %parallel_loop3A_1156 : i32
      %parallel_loop3A_1158 = arith.addi %parallel_loop3A_1155, %parallel_loop3A_1157 : i32
      %parallel_loop3A_1159 = arith.constant 12 : i32
      %parallel_loop3A_1160 = arith.shrui %parallel_loop3A_1149, %parallel_loop3A_1159 : i32
      %parallel_loop3A_1161 = arith.constant 63 : i32
      %parallel_loop3A_1162 = arith.andi %parallel_loop3A_1160, %parallel_loop3A_1161 : i32
      %parallel_loop3A_1163 = arith.constant 8 : i32
      %parallel_loop3A_1164 = arith.muli %parallel_loop3A_1162, %parallel_loop3A_1163 : i32
      %parallel_loop3A_1165 = arith.constant 7 : i32
      %parallel_loop3A_1166 = arith.shrui %parallel_loop3A_1149, %parallel_loop3A_1165 : i32
      %parallel_loop3A_1167 = arith.constant 7 : i32
      %parallel_loop3A_1168 = arith.andi %parallel_loop3A_1166, %parallel_loop3A_1167 : i32
      %parallel_loop3A_1169 = arith.addi %parallel_loop3A_1164, %parallel_loop3A_1168 : i32
      %parallel_loop3A_1170 = vector.broadcast %parallel_loop3A_1158 : i32 to vector<16xi32>
      %parallel_loop3A_1171 = arith.addi %parallel_loop3A_1170, %iota3A : vector<16xi32>
      %parallel_loop3A_1172 = arith.sitofp %parallel_loop3A_1171 : vector<16xi32> to vector<16xf32>
      %parallel_loop3A_1173 = vector.broadcast %parallel_loop3A_1169 : i32 to vector<16xi32>
      %parallel_loop3A_1174 = arith.sitofp %parallel_loop3A_1173 : vector<16xi32> to vector<16xf32>
      %parallel_loop3A_1175 = vector.broadcast %mul3A_54 : f32 to vector<16xf32>
      %parallel_loop3A_1176 = arith.mulf %parallel_loop3A_1175, %parallel_loop3A_1172 : vector<16xf32>
      %parallel_loop3A_1177 = vector.broadcast %mul3A_58 : f32 to vector<16xf32>
      %parallel_loop3A_1178 = arith.mulf %parallel_loop3A_1177, %parallel_loop3A_1174 : vector<16xf32>
      %parallel_loop3A_1179 = vector.broadcast %add3A_85 : f32 to vector<16xf32>
      %parallel_loop3A_1180 = arith.addf %parallel_loop3A_1178, %parallel_loop3A_1179 : vector<16xf32>
      %parallel_loop3A_1181 = arith.addf %parallel_loop3A_1176, %parallel_loop3A_1180 : vector<16xf32>
      %parallel_loop3A_1182 = vector.broadcast %mul3A_64 : f32 to vector<16xf32>
      %parallel_loop3A_1183 = arith.mulf %parallel_loop3A_1182, %parallel_loop3A_1172 : vector<16xf32>
      %parallel_loop3A_1184 = vector.broadcast %mul3A_68 : f32 to vector<16xf32>
      %parallel_loop3A_1185 = arith.mulf %parallel_loop3A_1184, %parallel_loop3A_1174 : vector<16xf32>
      %parallel_loop3A_1186 = vector.broadcast %add3A_89 : f32 to vector<16xf32>
      %parallel_loop3A_1187 = arith.addf %parallel_loop3A_1185, %parallel_loop3A_1186 : vector<16xf32>
      %parallel_loop3A_1188 = arith.addf %parallel_loop3A_1183, %parallel_loop3A_1187 : vector<16xf32>
      %parallel_loop3A_1189 = vector.broadcast %mul3A_73 : f32 to vector<16xf32>
      %parallel_loop3A_1190 = arith.mulf %parallel_loop3A_1189, %parallel_loop3A_1172 : vector<16xf32>
      %parallel_loop3A_1191 = vector.broadcast %mul3A_77 : f32 to vector<16xf32>
      %parallel_loop3A_1192 = arith.mulf %parallel_loop3A_1191, %parallel_loop3A_1174 : vector<16xf32>
      %parallel_loop3A_1193 = vector.broadcast %add3A_93 : f32 to vector<16xf32>
      %parallel_loop3A_1194 = arith.addf %parallel_loop3A_1192, %parallel_loop3A_1193 : vector<16xf32>
      %parallel_loop3A_1195 = arith.addf %parallel_loop3A_1190, %parallel_loop3A_1194 : vector<16xf32>
      %parallel_loop3A_1196 = arith.constant 16 : i32
      %parallel_loop3A_1197 = arith.muli %parallel_loop3A_1144, %parallel_loop3A_1196 : i32
      %parallel_loop3A_1198 = arith.constant 8192 : i32
      %parallel_loop3A_1199 = arith.addi %parallel_loop3A_1198, %parallel_loop3A_1197 : i32
      %parallel_loop3A_1200 = arith.index_cast %parallel_loop3A_1199 : i32 to index
      %parallel_loop3A_1201 = tpu.vector_load %arg5[%parallel_loop3A_1200] {strides = array<i32>} : memref<16384xf32, #tpu.memory_space<vmem>>, vector<16xf32>,
      %parallel_loop3A_1202 = arith.constant 8 : i32
      %parallel_loop3A_1203 = arith.shrui %parallel_loop3A_1144, %parallel_loop3A_1202 : i32
      %parallel_loop3A_1204 = arith.constant 1 : i32
      %parallel_loop3A_1205 = arith.andi %parallel_loop3A_1203, %parallel_loop3A_1204 : i32
      %parallel_loop3A_1206 = arith.constant 32 : i32
      %parallel_loop3A_1207 = arith.muli %parallel_loop3A_1205, %parallel_loop3A_1206 : i32
      %parallel_loop3A_1208 = arith.constant 3 : i32
      %parallel_loop3A_1209 = arith.shrui %parallel_loop3A_1144, %parallel_loop3A_1208 : i32
      %parallel_loop3A_1210 = arith.constant 7 : i32
      %parallel_loop3A_1211 = arith.andi %parallel_loop3A_1209, %parallel_loop3A_1210 : i32
      %parallel_loop3A_1212 = arith.constant 4 : i32
      %parallel_loop3A_1213 = arith.muli %parallel_loop3A_1211, %parallel_loop3A_1212 : i32
      %parallel_loop3A_1214 = arith.addi %parallel_loop3A_1207, %parallel_loop3A_1213 : i32
      %parallel_loop3A_1215 = arith.constant 6 : i32
      %parallel_loop3A_1216 = arith.shrui %parallel_loop3A_1144, %parallel_loop3A_1215 : i32
      %parallel_loop3A_1217 = arith.constant 3 : i32
      %parallel_loop3A_1218 = arith.andi %parallel_loop3A_1216, %parallel_loop3A_1217 : i32
      %parallel_loop3A_1219 = arith.addi %parallel_loop3A_1214, %parallel_loop3A_1218 : i32
      %parallel_loop3A_1220 = arith.constant 7 : i32
      %parallel_loop3A_1221 = arith.andi %parallel_loop3A_1144, %parallel_loop3A_1220 : i32
      %parallel_loop3A_1222 = arith.constant 16 : i32
      %parallel_loop3A_1223 = arith.muli %parallel_loop3A_1221, %parallel_loop3A_1222 : i32
      %parallel_loop3A_1224 = arith.constant 192 : i32
      %parallel_loop3A_1225 = arith.addi %parallel_loop3A_1224, %parallel_loop3A_1219 : i32
      %parallel_loop3A_1226 = arith.mulf %parallel_loop3A_1201, %parallel_loop3A_1181 : vector<16xf32>
      %parallel_loop3A_1227 = arith.constant 0 : i32
      %parallel_loop3A_1228 = arith.index_cast %parallel_loop3A_1225 : i32 to index
      %parallel_loop3A_1229 = arith.index_cast %parallel_loop3A_1227 : i32 to index
      %parallel_loop3A_1230 = arith.index_cast %parallel_loop3A_1223 : i32 to index
      %parallel_loop3A_1231 = tpu.vector_load %arg6[%parallel_loop3A_1228, %parallel_loop3A_1229, %parallel_loop3A_1230] {strides = array<i32>} : memref<384x1x128xf32, #tpu.memory_space<vmem>>, vector<16xf32>,
      tpu.vector_store %arg6[%parallel_loop3A_1228, %parallel_loop3A_1229, %parallel_loop3A_1230], %parallel_loop3A_1226 {strides = array<i32>} : memref<384x1x128xf32, #tpu.memory_space<vmem>>, vector<16xf32>,
      %parallel_loop3A_1232 = arith.mulf %parallel_loop3A_1201, %parallel_loop3A_1188 : vector<16xf32>
      %parallel_loop3A_1233 = arith.constant 64 : i32
      %parallel_loop3A_1234 = arith.addi %parallel_loop3A_1225, %parallel_loop3A_1233 : i32
      %parallel_loop3A_1235 = arith.constant 0 : i32
      %parallel_loop3A_1236 = arith.index_cast %parallel_loop3A_1234 : i32 to index
      %parallel_loop3A_1237 = arith.index_cast %parallel_loop3A_1235 : i32 to index
      %parallel_loop3A_1238 = arith.index_cast %parallel_loop3A_1223 : i32 to index
      %parallel_loop3A_1239 = tpu.vector_load %arg6[%parallel_loop3A_1236, %parallel_loop3A_1237, %parallel_loop3A_1238] {strides = array<i32>} : memref<384x1x128xf32, #tpu.memory_space<vmem>>, vector<16xf32>,
      tpu.vector_store %arg6[%parallel_loop3A_1236, %parallel_loop3A_1237, %parallel_loop3A_1238], %parallel_loop3A_1232 {strides = array<i32>} : memref<384x1x128xf32, #tpu.memory_space<vmem>>, vector<16xf32>,
      %parallel_loop3A_1240 = arith.mulf %parallel_loop3A_1201, %parallel_loop3A_1195 : vector<16xf32>
      %parallel_loop3A_1241 = arith.constant 128 : i32
      %parallel_loop3A_1242 = arith.addi %parallel_loop3A_1225, %parallel_loop3A_1241 : i32
      %parallel_loop3A_1243 = arith.constant 0 : i32
      %parallel_loop3A_1244 = arith.index_cast %parallel_loop3A_1242 : i32 to index
      %parallel_loop3A_1245 = arith.index_cast %parallel_loop3A_1243 : i32 to index
      %parallel_loop3A_1246 = arith.index_cast %parallel_loop3A_1223 : i32 to index
      %parallel_loop3A_1247 = tpu.vector_load %arg6[%parallel_loop3A_1244, %parallel_loop3A_1245, %parallel_loop3A_1246] {strides = array<i32>} : memref<384x1x128xf32, #tpu.memory_space<vmem>>, vector<16xf32>,
      tpu.vector_store %arg6[%parallel_loop3A_1244, %parallel_loop3A_1245, %parallel_loop3A_1246], %parallel_loop3A_1240 {strides = array<i32>} : memref<384x1x128xf32, #tpu.memory_space<vmem>>, vector<16xf32>,
    } {sc.loop_unroll_factor = 4 : i64, sc.parallel_access}
    %mul3A_214 = arith.constant 65536 : i32
    %mul3A_215 = arith.muli %add3A, %mul3A_214 : i32
    %add3A_216 = arith.constant 8192 : i32
    %add3A_217 = arith.addi %mul3A_215, %add3A_216 : i32
    %jit3A_218 = arith.constant 128 : i32
    %div3A_219 = arith.divsi %add3A_217, %jit3A_218 : i32
    %sign3A_220 = arith.constant 0 : i32
    %sign3A_221 = arith.cmpi sgt, %add3A_217, %sign3A_220 : i32
    %sign3A_222 = arith.extui %sign3A_221 : i1 to i32
    %sign3A_223 = arith.constant 0 : i32
    %sign3A_224 = arith.cmpi slt, %add3A_217, %sign3A_223 : i32
    %sign3A_225 = arith.extui %sign3A_224 : i1 to i32
    %sign3A_226 = arith.subi %sign3A_222, %sign3A_225 : i32
    %sign3A_227 = arith.constant 0 : i32
    %sign3A_228 = arith.cmpi sgt, %jit3A_218, %sign3A_227 : i32
    %sign3A_229 = arith.extui %sign3A_228 : i1 to i32
    %sign3A_230 = arith.constant 0 : i32
    %sign3A_231 = arith.cmpi slt, %jit3A_218, %sign3A_230 : i32
    %sign3A_232 = arith.extui %sign3A_231 : i1 to i32
    %sign3A_233 = arith.subi %sign3A_229, %sign3A_232 : i32
    %ne3A_234 = arith.cmpi ne, %sign3A_226, %sign3A_233 : i32
    %rem3A_235 = arith.remsi %add3A_217, %jit3A_218 : i32
    %ne3A_236 = arith.constant 0 : i32
    %ne3A_237 = arith.cmpi ne, %rem3A_235, %ne3A_236 : i32
    %and3A_238 = arith.andi %ne3A_234, %ne3A_237 : i1
    %sub3A_239 = arith.constant 1 : i32
    %sub3A_240 = arith.subi %div3A_219, %sub3A_239 : i32
    %select_n3A_241 = arith.select %and3A_238, %sub3A_240, %div3A_219 : i32
    %dma_start3A_242 = arith.constant 192 : i32
    %dma_start3A_243 = arith.constant 0 : i32
    %dma_start3A_244 = arith.constant 0 : i32
    %dma_start3A_245 = tpu.memref_slice %arg6[%dma_start3A_242, %dma_start3A_243, %dma_start3A_244] : memref<384x1x128xf32, #tpu.memory_space<vmem>> -> memref<64x1x128xf32, #tpu.memory_space<vmem>>
    %dma_start3A_246 = arith.constant 0 : i32
    %dma_start3A_247 = arith.constant 0 : i32
    %dma_start3A_248 = tpu.memref_slice %arg4[%select_n3A_241, %dma_start3A_246, %dma_start3A_247] : memref<16384x4x128xf32, #tpu.memory_space<hbm>> -> memref<64x1x128xf32, #tpu.memory_space<hbm>>
    %dma_start3A_249 = arith.constant 0 : i32
    %dma_start3A_250 = arith.constant 0 : i32
    %dma_start3A_251 = tpu.memref_slice %arg4[%select_n3A_241, %dma_start3A_249, %dma_start3A_250] : memref<16384x4x128xf32, #tpu.memory_space<hbm>> -> memref<64x1x128xf32, #tpu.memory_space<hbm>>
    %dma_start3A_252 = arith.constant 192 : i32
    %dma_start3A_253 = arith.constant 0 : i32
    %dma_start3A_254 = arith.constant 0 : i32
    %dma_start3A_255 = tpu.memref_slice %arg6[%dma_start3A_252, %dma_start3A_253, %dma_start3A_254] : memref<384x1x128xf32, #tpu.memory_space<vmem>> -> memref<64x1x128xf32, #tpu.memory_space<vmem>>
    tpu.enqueue_dma source(%dma_start3A_255 : memref<64x1x128xf32, #tpu.memory_space<vmem>>) target(%dma_start3A_251 : memref<64x1x128xf32, #tpu.memory_space<hbm>>) target_semaphore(%arg11 : memref<!tpu.dma_semaphore, #tpu.memory_space<semaphore_mem>>)
    %dma_start3A_256 = arith.constant 256 : i32
    %dma_start3A_257 = arith.constant 0 : i32
    %dma_start3A_258 = arith.constant 0 : i32
    %dma_start3A_259 = tpu.memref_slice %arg6[%dma_start3A_256, %dma_start3A_257, %dma_start3A_258] : memref<384x1x128xf32, #tpu.memory_space<vmem>> -> memref<64x1x128xf32, #tpu.memory_space<vmem>>
    %dma_start3A_260 = arith.constant 1 : i32
    %dma_start3A_261 = arith.constant 0 : i32
    %dma_start3A_262 = tpu.memref_slice %arg4[%select_n3A_241, %dma_start3A_260, %dma_start3A_261] : memref<16384x4x128xf32, #tpu.memory_space<hbm>> -> memref<64x1x128xf32, #tpu.memory_space<hbm>>
    %dma_start3A_263 = arith.constant 1 : i32
    %dma_start3A_264 = arith.constant 0 : i32
    %dma_start3A_265 = tpu.memref_slice %arg4[%select_n3A_241, %dma_start3A_263, %dma_start3A_264] : memref<16384x4x128xf32, #tpu.memory_space<hbm>> -> memref<64x1x128xf32, #tpu.memory_space<hbm>>
    %dma_start3A_266 = arith.constant 256 : i32
    %dma_start3A_267 = arith.constant 0 : i32
    %dma_start3A_268 = arith.constant 0 : i32
    %dma_start3A_269 = tpu.memref_slice %arg6[%dma_start3A_266, %dma_start3A_267, %dma_start3A_268] : memref<384x1x128xf32, #tpu.memory_space<vmem>> -> memref<64x1x128xf32, #tpu.memory_space<vmem>>
    tpu.enqueue_dma source(%dma_start3A_269 : memref<64x1x128xf32, #tpu.memory_space<vmem>>) target(%dma_start3A_265 : memref<64x1x128xf32, #tpu.memory_space<hbm>>) target_semaphore(%arg11 : memref<!tpu.dma_semaphore, #tpu.memory_space<semaphore_mem>>)
    %dma_start3A_270 = arith.constant 320 : i32
    %dma_start3A_271 = arith.constant 0 : i32
    %dma_start3A_272 = arith.constant 0 : i32
    %dma_start3A_273 = tpu.memref_slice %arg6[%dma_start3A_270, %dma_start3A_271, %dma_start3A_272] : memref<384x1x128xf32, #tpu.memory_space<vmem>> -> memref<64x1x128xf32, #tpu.memory_space<vmem>>
    %dma_start3A_274 = arith.constant 2 : i32
    %dma_start3A_275 = arith.constant 0 : i32
    %dma_start3A_276 = tpu.memref_slice %arg4[%select_n3A_241, %dma_start3A_274, %dma_start3A_275] : memref<16384x4x128xf32, #tpu.memory_space<hbm>> -> memref<64x1x128xf32, #tpu.memory_space<hbm>>
    %dma_start3A_277 = arith.constant 2 : i32
    %dma_start3A_278 = arith.constant 0 : i32
    %dma_start3A_279 = tpu.memref_slice %arg4[%select_n3A_241, %dma_start3A_277, %dma_start3A_278] : memref<16384x4x128xf32, #tpu.memory_space<hbm>> -> memref<64x1x128xf32, #tpu.memory_space<hbm>>
    %dma_start3A_280 = arith.constant 320 : i32
    %dma_start3A_281 = arith.constant 0 : i32
    %dma_start3A_282 = arith.constant 0 : i32
    %dma_start3A_283 = tpu.memref_slice %arg6[%dma_start3A_280, %dma_start3A_281, %dma_start3A_282] : memref<384x1x128xf32, #tpu.memory_space<vmem>> -> memref<64x1x128xf32, #tpu.memory_space<vmem>>
    tpu.enqueue_dma source(%dma_start3A_283 : memref<64x1x128xf32, #tpu.memory_space<vmem>>) target(%dma_start3A_279 : memref<64x1x128xf32, #tpu.memory_space<hbm>>) target_semaphore(%arg11 : memref<!tpu.dma_semaphore, #tpu.memory_space<semaphore_mem>>)
    %mul3A_284 = arith.constant 65536 : i32
    %mul3A_285 = arith.muli %add3A, %mul3A_284 : i32
    %add3A_286 = arith.constant 24576 : i32
    %add3A_287 = arith.addi %mul3A_285, %add3A_286 : i32
    %dma_start3A_288 = arith.constant 8192 : i32
    %dma_start3A_289 = tpu.memref_slice %arg5[%dma_start3A_288] : memref<16384xf32, #tpu.memory_space<vmem>> -> memref<8192xf32, #tpu.memory_space<vmem>>
    %dma_start3A_290 = tpu.memref_slice %arg2[%add3A_287] : memref<2097152xf32, #tpu.memory_space<hbm>> -> memref<8192xf32, #tpu.memory_space<hbm>>
    %dma_start3A_291 = arith.constant 8192 : i32
    %dma_start3A_292 = tpu.memref_slice %arg5[%dma_start3A_291] : memref<16384xf32, #tpu.memory_space<vmem>> -> memref<8192xf32, #tpu.memory_space<vmem>>
    %dma_start3A_293 = tpu.memref_slice %arg2[%add3A_287] : memref<2097152xf32, #tpu.memory_space<hbm>> -> memref<8192xf32, #tpu.memory_space<hbm>>
    tpu.enqueue_dma source(%dma_start3A_293 : memref<8192xf32, #tpu.memory_space<hbm>>) target(%dma_start3A_292 : memref<8192xf32, #tpu.memory_space<vmem>>) target_semaphore(%arg9 : memref<!tpu.dma_semaphore, #tpu.memory_space<semaphore_mem>>)
    %dma_wait3A_294 = arith.constant 0 : i32
    %dma_wait3A_295 = tpu.memref_slice %arg5[%dma_wait3A_294] : memref<16384xf32, #tpu.memory_space<vmem>> -> memref<8192xf32, #tpu.memory_space<vmem>>
    %dma_wait3A_296 = tpu.memref_slice %arg2[%add3A_198] : memref<2097152xf32, #tpu.memory_space<hbm>> -> memref<8192xf32, #tpu.memory_space<hbm>>
    %dma_wait3A_297 = arith.constant 0 : i32
    %dma_wait3A_298 = tpu.memref_slice %arg5[%dma_wait3A_297] : memref<16384xf32, #tpu.memory_space<vmem>> -> memref<8192xf32, #tpu.memory_space<vmem>>
    %dma_wait3A_299 = tpu.memref_slice %arg2[%add3A_198] : memref<2097152xf32, #tpu.memory_space<hbm>> -> memref<8192xf32, #tpu.memory_space<hbm>>
    tpu.wait_dma2 semaphore(%arg8 : memref<!tpu.dma_semaphore, #tpu.memory_space<semaphore_mem>>) src(%dma_wait3A_299 : memref<8192xf32, #tpu.memory_space<hbm>>) dst(%dma_wait3A_298 : memref<8192xf32, #tpu.memory_space<vmem>>)
    %dma_wait3A_300 = arith.constant 0 : i32
    %dma_wait3A_301 = arith.constant 0 : i32
    %dma_wait3A_302 = arith.constant 0 : i32
    %dma_wait3A_303 = tpu.memref_slice %arg6[%dma_wait3A_300, %dma_wait3A_301, %dma_wait3A_302] : memref<384x1x128xf32, #tpu.memory_space<vmem>> -> memref<64x1x128xf32, #tpu.memory_space<vmem>>
    %dma_wait3A_304 = arith.constant 0 : i32
    %dma_wait3A_305 = arith.constant 0 : i32
    %dma_wait3A_306 = tpu.memref_slice %arg4[%select_n3A_152, %dma_wait3A_304, %dma_wait3A_305] : memref<16384x4x128xf32, #tpu.memory_space<hbm>> -> memref<64x1x128xf32, #tpu.memory_space<hbm>>
    %dma_wait3A_307 = arith.constant 0 : i32
    %dma_wait3A_308 = arith.constant 0 : i32
    %dma_wait3A_309 = tpu.memref_slice %arg4[%select_n3A_152, %dma_wait3A_307, %dma_wait3A_308] : memref<16384x4x128xf32, #tpu.memory_space<hbm>> -> memref<64x1x128xf32, #tpu.memory_space<hbm>>
    %dma_wait3A_310 = arith.constant 0 : i32
    %dma_wait3A_311 = arith.constant 0 : i32
    %dma_wait3A_312 = arith.constant 0 : i32
    %dma_wait3A_313 = tpu.memref_slice %arg6[%dma_wait3A_310, %dma_wait3A_311, %dma_wait3A_312] : memref<384x1x128xf32, #tpu.memory_space<vmem>> -> memref<64x1x128xf32, #tpu.memory_space<vmem>>
    tpu.wait_dma2 semaphore(%arg10 : memref<!tpu.dma_semaphore, #tpu.memory_space<semaphore_mem>>) src(%dma_wait3A_313 : memref<64x1x128xf32, #tpu.memory_space<vmem>>) dst(%dma_wait3A_309 : memref<64x1x128xf32, #tpu.memory_space<hbm>>)
    %dma_wait3A_314 = arith.constant 64 : i32
    %dma_wait3A_315 = arith.constant 0 : i32
    %dma_wait3A_316 = arith.constant 0 : i32
    %dma_wait3A_317 = tpu.memref_slice %arg6[%dma_wait3A_314, %dma_wait3A_315, %dma_wait3A_316] : memref<384x1x128xf32, #tpu.memory_space<vmem>> -> memref<64x1x128xf32, #tpu.memory_space<vmem>>
    %dma_wait3A_318 = arith.constant 1 : i32
    %dma_wait3A_319 = arith.constant 0 : i32
    %dma_wait3A_320 = tpu.memref_slice %arg4[%select_n3A_152, %dma_wait3A_318, %dma_wait3A_319] : memref<16384x4x128xf32, #tpu.memory_space<hbm>> -> memref<64x1x128xf32, #tpu.memory_space<hbm>>
    %dma_wait3A_321 = arith.constant 1 : i32
    %dma_wait3A_322 = arith.constant 0 : i32
    %dma_wait3A_323 = tpu.memref_slice %arg4[%select_n3A_152, %dma_wait3A_321, %dma_wait3A_322] : memref<16384x4x128xf32, #tpu.memory_space<hbm>> -> memref<64x1x128xf32, #tpu.memory_space<hbm>>
    %dma_wait3A_324 = arith.constant 64 : i32
    %dma_wait3A_325 = arith.constant 0 : i32
    %dma_wait3A_326 = arith.constant 0 : i32
    %dma_wait3A_327 = tpu.memref_slice %arg6[%dma_wait3A_324, %dma_wait3A_325, %dma_wait3A_326] : memref<384x1x128xf32, #tpu.memory_space<vmem>> -> memref<64x1x128xf32, #tpu.memory_space<vmem>>
    tpu.wait_dma2 semaphore(%arg10 : memref<!tpu.dma_semaphore, #tpu.memory_space<semaphore_mem>>) src(%dma_wait3A_327 : memref<64x1x128xf32, #tpu.memory_space<vmem>>) dst(%dma_wait3A_323 : memref<64x1x128xf32, #tpu.memory_space<hbm>>)
    %dma_wait3A_328 = arith.constant 128 : i32
    %dma_wait3A_329 = arith.constant 0 : i32
    %dma_wait3A_330 = arith.constant 0 : i32
    %dma_wait3A_331 = tpu.memref_slice %arg6[%dma_wait3A_328, %dma_wait3A_329, %dma_wait3A_330] : memref<384x1x128xf32, #tpu.memory_space<vmem>> -> memref<64x1x128xf32, #tpu.memory_space<vmem>>
    %dma_wait3A_332 = arith.constant 2 : i32
    %dma_wait3A_333 = arith.constant 0 : i32
    %dma_wait3A_334 = tpu.memref_slice %arg4[%select_n3A_152, %dma_wait3A_332, %dma_wait3A_333] : memref<16384x4x128xf32, #tpu.memory_space<hbm>> -> memref<64x1x128xf32, #tpu.memory_space<hbm>>
    %dma_wait3A_335 = arith.constant 2 : i32
    %dma_wait3A_336 = arith.constant 0 : i32
    %dma_wait3A_337 = tpu.memref_slice %arg4[%select_n3A_152, %dma_wait3A_335, %dma_wait3A_336] : memref<16384x4x128xf32, #tpu.memory_space<hbm>> -> memref<64x1x128xf32, #tpu.memory_space<hbm>>
    %dma_wait3A_338 = arith.constant 128 : i32
    %dma_wait3A_339 = arith.constant 0 : i32
    %dma_wait3A_340 = arith.constant 0 : i32
    %dma_wait3A_341 = tpu.memref_slice %arg6[%dma_wait3A_338, %dma_wait3A_339, %dma_wait3A_340] : memref<384x1x128xf32, #tpu.memory_space<vmem>> -> memref<64x1x128xf32, #tpu.memory_space<vmem>>
    tpu.wait_dma2 semaphore(%arg10 : memref<!tpu.dma_semaphore, #tpu.memory_space<semaphore_mem>>) src(%dma_wait3A_341 : memref<64x1x128xf32, #tpu.memory_space<vmem>>) dst(%dma_wait3A_337 : memref<64x1x128xf32, #tpu.memory_space<hbm>>)
    %parallel_loop3A_342 = arith.constant 0 : i32
    %parallel_loop3A_343 = arith.constant 512 : i32
    %parallel_loop3A_344 = arith.constant 1 : i32
    scf.for %parallel_loop3A_1144 = %parallel_loop3A_342 to %parallel_loop3A_343 step %parallel_loop3A_344  : i32 {
      %parallel_loop3A_1145 = arith.constant 16384 : i32
      %parallel_loop3A_1146 = arith.addi %sub3A_98, %parallel_loop3A_1145 : i32
      %parallel_loop3A_1147 = arith.constant 16 : i32
      %parallel_loop3A_1148 = arith.muli %parallel_loop3A_1144, %parallel_loop3A_1147 : i32
      %parallel_loop3A_1149 = arith.addi %parallel_loop3A_1146, %parallel_loop3A_1148 : i32
      %parallel_loop3A_1150 = arith.constant 10 : i32
      %parallel_loop3A_1151 = arith.shrui %parallel_loop3A_1149, %parallel_loop3A_1150 : i32
      %parallel_loop3A_1152 = arith.constant 3 : i32
      %parallel_loop3A_1153 = arith.andi %parallel_loop3A_1151, %parallel_loop3A_1152 : i32
      %parallel_loop3A_1154 = arith.constant 128 : i32
      %parallel_loop3A_1155 = arith.muli %parallel_loop3A_1153, %parallel_loop3A_1154 : i32
      %parallel_loop3A_1156 = arith.constant 127 : i32
      %parallel_loop3A_1157 = arith.andi %parallel_loop3A_1149, %parallel_loop3A_1156 : i32
      %parallel_loop3A_1158 = arith.addi %parallel_loop3A_1155, %parallel_loop3A_1157 : i32
      %parallel_loop3A_1159 = arith.constant 12 : i32
      %parallel_loop3A_1160 = arith.shrui %parallel_loop3A_1149, %parallel_loop3A_1159 : i32
      %parallel_loop3A_1161 = arith.constant 63 : i32
      %parallel_loop3A_1162 = arith.andi %parallel_loop3A_1160, %parallel_loop3A_1161 : i32
      %parallel_loop3A_1163 = arith.constant 8 : i32
      %parallel_loop3A_1164 = arith.muli %parallel_loop3A_1162, %parallel_loop3A_1163 : i32
      %parallel_loop3A_1165 = arith.constant 7 : i32
      %parallel_loop3A_1166 = arith.shrui %parallel_loop3A_1149, %parallel_loop3A_1165 : i32
      %parallel_loop3A_1167 = arith.constant 7 : i32
      %parallel_loop3A_1168 = arith.andi %parallel_loop3A_1166, %parallel_loop3A_1167 : i32
      %parallel_loop3A_1169 = arith.addi %parallel_loop3A_1164, %parallel_loop3A_1168 : i32
      %parallel_loop3A_1170 = vector.broadcast %parallel_loop3A_1158 : i32 to vector<16xi32>
      %parallel_loop3A_1171 = arith.addi %parallel_loop3A_1170, %iota3A : vector<16xi32>
      %parallel_loop3A_1172 = arith.sitofp %parallel_loop3A_1171 : vector<16xi32> to vector<16xf32>
      %parallel_loop3A_1173 = vector.broadcast %parallel_loop3A_1169 : i32 to vector<16xi32>
      %parallel_loop3A_1174 = arith.sitofp %parallel_loop3A_1173 : vector<16xi32> to vector<16xf32>
      %parallel_loop3A_1175 = vector.broadcast %mul3A_54 : f32 to vector<16xf32>
      %parallel_loop3A_1176 = arith.mulf %parallel_loop3A_1175, %parallel_loop3A_1172 : vector<16xf32>
      %parallel_loop3A_1177 = vector.broadcast %mul3A_58 : f32 to vector<16xf32>
      %parallel_loop3A_1178 = arith.mulf %parallel_loop3A_1177, %parallel_loop3A_1174 : vector<16xf32>
      %parallel_loop3A_1179 = vector.broadcast %add3A_85 : f32 to vector<16xf32>
      %parallel_loop3A_1180 = arith.addf %parallel_loop3A_1178, %parallel_loop3A_1179 : vector<16xf32>
      %parallel_loop3A_1181 = arith.addf %parallel_loop3A_1176, %parallel_loop3A_1180 : vector<16xf32>
      %parallel_loop3A_1182 = vector.broadcast %mul3A_64 : f32 to vector<16xf32>
      %parallel_loop3A_1183 = arith.mulf %parallel_loop3A_1182, %parallel_loop3A_1172 : vector<16xf32>
      %parallel_loop3A_1184 = vector.broadcast %mul3A_68 : f32 to vector<16xf32>
      %parallel_loop3A_1185 = arith.mulf %parallel_loop3A_1184, %parallel_loop3A_1174 : vector<16xf32>
      %parallel_loop3A_1186 = vector.broadcast %add3A_89 : f32 to vector<16xf32>
      %parallel_loop3A_1187 = arith.addf %parallel_loop3A_1185, %parallel_loop3A_1186 : vector<16xf32>
      %parallel_loop3A_1188 = arith.addf %parallel_loop3A_1183, %parallel_loop3A_1187 : vector<16xf32>
      %parallel_loop3A_1189 = vector.broadcast %mul3A_73 : f32 to vector<16xf32>
      %parallel_loop3A_1190 = arith.mulf %parallel_loop3A_1189, %parallel_loop3A_1172 : vector<16xf32>
      %parallel_loop3A_1191 = vector.broadcast %mul3A_77 : f32 to vector<16xf32>
      %parallel_loop3A_1192 = arith.mulf %parallel_loop3A_1191, %parallel_loop3A_1174 : vector<16xf32>
      %parallel_loop3A_1193 = vector.broadcast %add3A_93 : f32 to vector<16xf32>
      %parallel_loop3A_1194 = arith.addf %parallel_loop3A_1192, %parallel_loop3A_1193 : vector<16xf32>
      %parallel_loop3A_1195 = arith.addf %parallel_loop3A_1190, %parallel_loop3A_1194 : vector<16xf32>
      %parallel_loop3A_1196 = arith.constant 16 : i32
      %parallel_loop3A_1197 = arith.muli %parallel_loop3A_1144, %parallel_loop3A_1196 : i32
      %parallel_loop3A_1198 = arith.constant 0 : i32
      %parallel_loop3A_1199 = arith.addi %parallel_loop3A_1198, %parallel_loop3A_1197 : i32
      %parallel_loop3A_1200 = arith.index_cast %parallel_loop3A_1199 : i32 to index
      %parallel_loop3A_1201 = tpu.vector_load %arg5[%parallel_loop3A_1200] {strides = array<i32>} : memref<16384xf32, #tpu.memory_space<vmem>>, vector<16xf32>,
      %parallel_loop3A_1202 = arith.constant 8 : i32
      %parallel_loop3A_1203 = arith.shrui %parallel_loop3A_1144, %parallel_loop3A_1202 : i32
      %parallel_loop3A_1204 = arith.constant 1 : i32
      %parallel_loop3A_1205 = arith.andi %parallel_loop3A_1203, %parallel_loop3A_1204 : i32
      %parallel_loop3A_1206 = arith.constant 32 : i32
      %parallel_loop3A_1207 = arith.muli %parallel_loop3A_1205, %parallel_loop3A_1206 : i32
      %parallel_loop3A_1208 = arith.constant 3 : i32
      %parallel_loop3A_1209 = arith.shrui %parallel_loop3A_1144, %parallel_loop3A_1208 : i32
      %parallel_loop3A_1210 = arith.constant 7 : i32
      %parallel_loop3A_1211 = arith.andi %parallel_loop3A_1209, %parallel_loop3A_1210 : i32
      %parallel_loop3A_1212 = arith.constant 4 : i32
      %parallel_loop3A_1213 = arith.muli %parallel_loop3A_1211, %parallel_loop3A_1212 : i32
      %parallel_loop3A_1214 = arith.addi %parallel_loop3A_1207, %parallel_loop3A_1213 : i32
      %parallel_loop3A_1215 = arith.constant 6 : i32
      %parallel_loop3A_1216 = arith.shrui %parallel_loop3A_1144, %parallel_loop3A_1215 : i32
      %parallel_loop3A_1217 = arith.constant 3 : i32
      %parallel_loop3A_1218 = arith.andi %parallel_loop3A_1216, %parallel_loop3A_1217 : i32
      %parallel_loop3A_1219 = arith.addi %parallel_loop3A_1214, %parallel_loop3A_1218 : i32
      %parallel_loop3A_1220 = arith.constant 7 : i32
      %parallel_loop3A_1221 = arith.andi %parallel_loop3A_1144, %parallel_loop3A_1220 : i32
      %parallel_loop3A_1222 = arith.constant 16 : i32
      %parallel_loop3A_1223 = arith.muli %parallel_loop3A_1221, %parallel_loop3A_1222 : i32
      %parallel_loop3A_1224 = arith.constant 0 : i32
      %parallel_loop3A_1225 = arith.addi %parallel_loop3A_1224, %parallel_loop3A_1219 : i32
      %parallel_loop3A_1226 = arith.mulf %parallel_loop3A_1201, %parallel_loop3A_1181 : vector<16xf32>
      %parallel_loop3A_1227 = arith.constant 0 : i32
      %parallel_loop3A_1228 = arith.index_cast %parallel_loop3A_1225 : i32 to index
      %parallel_loop3A_1229 = arith.index_cast %parallel_loop3A_1227 : i32 to index
      %parallel_loop3A_1230 = arith.index_cast %parallel_loop3A_1223 : i32 to index
      %parallel_loop3A_1231 = tpu.vector_load %arg6[%parallel_loop3A_1228, %parallel_loop3A_1229, %parallel_loop3A_1230] {strides = array<i32>} : memref<384x1x128xf32, #tpu.memory_space<vmem>>, vector<16xf32>,
      tpu.vector_store %arg6[%parallel_loop3A_1228, %parallel_loop3A_1229, %parallel_loop3A_1230], %parallel_loop3A_1226 {strides = array<i32>} : memref<384x1x128xf32, #tpu.memory_space<vmem>>, vector<16xf32>,
      %parallel_loop3A_1232 = arith.mulf %parallel_loop3A_1201, %parallel_loop3A_1188 : vector<16xf32>
      %parallel_loop3A_1233 = arith.constant 64 : i32
      %parallel_loop3A_1234 = arith.addi %parallel_loop3A_1225, %parallel_loop3A_1233 : i32
      %parallel_loop3A_1235 = arith.constant 0 : i32
      %parallel_loop3A_1236 = arith.index_cast %parallel_loop3A_1234 : i32 to index
      %parallel_loop3A_1237 = arith.index_cast %parallel_loop3A_1235 : i32 to index
      %parallel_loop3A_1238 = arith.index_cast %parallel_loop3A_1223 : i32 to index
      %parallel_loop3A_1239 = tpu.vector_load %arg6[%parallel_loop3A_1236, %parallel_loop3A_1237, %parallel_loop3A_1238] {strides = array<i32>} : memref<384x1x128xf32, #tpu.memory_space<vmem>>, vector<16xf32>,
      tpu.vector_store %arg6[%parallel_loop3A_1236, %parallel_loop3A_1237, %parallel_loop3A_1238], %parallel_loop3A_1232 {strides = array<i32>} : memref<384x1x128xf32, #tpu.memory_space<vmem>>, vector<16xf32>,
      %parallel_loop3A_1240 = arith.mulf %parallel_loop3A_1201, %parallel_loop3A_1195 : vector<16xf32>
      %parallel_loop3A_1241 = arith.constant 128 : i32
      %parallel_loop3A_1242 = arith.addi %parallel_loop3A_1225, %parallel_loop3A_1241 : i32
      %parallel_loop3A_1243 = arith.constant 0 : i32
      %parallel_loop3A_1244 = arith.index_cast %parallel_loop3A_1242 : i32 to index
      %parallel_loop3A_1245 = arith.index_cast %parallel_loop3A_1243 : i32 to index
      %parallel_loop3A_1246 = arith.index_cast %parallel_loop3A_1223 : i32 to index
      %parallel_loop3A_1247 = tpu.vector_load %arg6[%parallel_loop3A_1244, %parallel_loop3A_1245, %parallel_loop3A_1246] {strides = array<i32>} : memref<384x1x128xf32, #tpu.memory_space<vmem>>, vector<16xf32>,
      tpu.vector_store %arg6[%parallel_loop3A_1244, %parallel_loop3A_1245, %parallel_loop3A_1246], %parallel_loop3A_1240 {strides = array<i32>} : memref<384x1x128xf32, #tpu.memory_space<vmem>>, vector<16xf32>,
    } {sc.loop_unroll_factor = 4 : i64, sc.parallel_access}
    %mul3A_345 = arith.constant 65536 : i32
    %mul3A_346 = arith.muli %add3A, %mul3A_345 : i32
    %add3A_347 = arith.constant 16384 : i32
    %add3A_348 = arith.addi %mul3A_346, %add3A_347 : i32
    %jit3A_349 = arith.constant 128 : i32
    %div3A_350 = arith.divsi %add3A_348, %jit3A_349 : i32
    %sign3A_351 = arith.constant 0 : i32
    %sign3A_352 = arith.cmpi sgt, %add3A_348, %sign3A_351 : i32
    %sign3A_353 = arith.extui %sign3A_352 : i1 to i32
    %sign3A_354 = arith.constant 0 : i32
    %sign3A_355 = arith.cmpi slt, %add3A_348, %sign3A_354 : i32
    %sign3A_356 = arith.extui %sign3A_355 : i1 to i32
    %sign3A_357 = arith.subi %sign3A_353, %sign3A_356 : i32
    %sign3A_358 = arith.constant 0 : i32
    %sign3A_359 = arith.cmpi sgt, %jit3A_349, %sign3A_358 : i32
    %sign3A_360 = arith.extui %sign3A_359 : i1 to i32
    %sign3A_361 = arith.constant 0 : i32
    %sign3A_362 = arith.cmpi slt, %jit3A_349, %sign3A_361 : i32
    %sign3A_363 = arith.extui %sign3A_362 : i1 to i32
    %sign3A_364 = arith.subi %sign3A_360, %sign3A_363 : i32
    %ne3A_365 = arith.cmpi ne, %sign3A_357, %sign3A_364 : i32
    %rem3A_366 = arith.remsi %add3A_348, %jit3A_349 : i32
    %ne3A_367 = arith.constant 0 : i32
    %ne3A_368 = arith.cmpi ne, %rem3A_366, %ne3A_367 : i32
    %and3A_369 = arith.andi %ne3A_365, %ne3A_368 : i1
    %sub3A_370 = arith.constant 1 : i32
    %sub3A_371 = arith.subi %div3A_350, %sub3A_370 : i32
    %select_n3A_372 = arith.select %and3A_369, %sub3A_371, %div3A_350 : i32
    %dma_start3A_373 = arith.constant 0 : i32
    %dma_start3A_374 = arith.constant 0 : i32
    %dma_start3A_375 = arith.constant 0 : i32
    %dma_start3A_376 = tpu.memref_slice %arg6[%dma_start3A_373, %dma_start3A_374, %dma_start3A_375] : memref<384x1x128xf32, #tpu.memory_space<vmem>> -> memref<64x1x128xf32, #tpu.memory_space<vmem>>
    %dma_start3A_377 = arith.constant 0 : i32
    %dma_start3A_378 = arith.constant 0 : i32
    %dma_start3A_379 = tpu.memref_slice %arg4[%select_n3A_372, %dma_start3A_377, %dma_start3A_378] : memref<16384x4x128xf32, #tpu.memory_space<hbm>> -> memref<64x1x128xf32, #tpu.memory_space<hbm>>
    %dma_start3A_380 = arith.constant 0 : i32
    %dma_start3A_381 = arith.constant 0 : i32
    %dma_start3A_382 = tpu.memref_slice %arg4[%select_n3A_372, %dma_start3A_380, %dma_start3A_381] : memref<16384x4x128xf32, #tpu.memory_space<hbm>> -> memref<64x1x128xf32, #tpu.memory_space<hbm>>
    %dma_start3A_383 = arith.constant 0 : i32
    %dma_start3A_384 = arith.constant 0 : i32
    %dma_start3A_385 = arith.constant 0 : i32
    %dma_start3A_386 = tpu.memref_slice %arg6[%dma_start3A_383, %dma_start3A_384, %dma_start3A_385] : memref<384x1x128xf32, #tpu.memory_space<vmem>> -> memref<64x1x128xf32, #tpu.memory_space<vmem>>
    tpu.enqueue_dma source(%dma_start3A_386 : memref<64x1x128xf32, #tpu.memory_space<vmem>>) target(%dma_start3A_382 : memref<64x1x128xf32, #tpu.memory_space<hbm>>) target_semaphore(%arg10 : memref<!tpu.dma_semaphore, #tpu.memory_space<semaphore_mem>>)
    %dma_start3A_387 = arith.constant 64 : i32
    %dma_start3A_388 = arith.constant 0 : i32
    %dma_start3A_389 = arith.constant 0 : i32
    %dma_start3A_390 = tpu.memref_slice %arg6[%dma_start3A_387, %dma_start3A_388, %dma_start3A_389] : memref<384x1x128xf32, #tpu.memory_space<vmem>> -> memref<64x1x128xf32, #tpu.memory_space<vmem>>
    %dma_start3A_391 = arith.constant 1 : i32
    %dma_start3A_392 = arith.constant 0 : i32
    %dma_start3A_393 = tpu.memref_slice %arg4[%select_n3A_372, %dma_start3A_391, %dma_start3A_392] : memref<16384x4x128xf32, #tpu.memory_space<hbm>> -> memref<64x1x128xf32, #tpu.memory_space<hbm>>
    %dma_start3A_394 = arith.constant 1 : i32
    %dma_start3A_395 = arith.constant 0 : i32
    %dma_start3A_396 = tpu.memref_slice %arg4[%select_n3A_372, %dma_start3A_394, %dma_start3A_395] : memref<16384x4x128xf32, #tpu.memory_space<hbm>> -> memref<64x1x128xf32, #tpu.memory_space<hbm>>
    %dma_start3A_397 = arith.constant 64 : i32
    %dma_start3A_398 = arith.constant 0 : i32
    %dma_start3A_399 = arith.constant 0 : i32
    %dma_start3A_400 = tpu.memref_slice %arg6[%dma_start3A_397, %dma_start3A_398, %dma_start3A_399] : memref<384x1x128xf32, #tpu.memory_space<vmem>> -> memref<64x1x128xf32, #tpu.memory_space<vmem>>
    tpu.enqueue_dma source(%dma_start3A_400 : memref<64x1x128xf32, #tpu.memory_space<vmem>>) target(%dma_start3A_396 : memref<64x1x128xf32, #tpu.memory_space<hbm>>) target_semaphore(%arg10 : memref<!tpu.dma_semaphore, #tpu.memory_space<semaphore_mem>>)
    %dma_start3A_401 = arith.constant 128 : i32
    %dma_start3A_402 = arith.constant 0 : i32
    %dma_start3A_403 = arith.constant 0 : i32
    %dma_start3A_404 = tpu.memref_slice %arg6[%dma_start3A_401, %dma_start3A_402, %dma_start3A_403] : memref<384x1x128xf32, #tpu.memory_space<vmem>> -> memref<64x1x128xf32, #tpu.memory_space<vmem>>
    %dma_start3A_405 = arith.constant 2 : i32
    %dma_start3A_406 = arith.constant 0 : i32
    %dma_start3A_407 = tpu.memref_slice %arg4[%select_n3A_372, %dma_start3A_405, %dma_start3A_406] : memref<16384x4x128xf32, #tpu.memory_space<hbm>> -> memref<64x1x128xf32, #tpu.memory_space<hbm>>
    %dma_start3A_408 = arith.constant 2 : i32
    %dma_start3A_409 = arith.constant 0 : i32
    %dma_start3A_410 = tpu.memref_slice %arg4[%select_n3A_372, %dma_start3A_408, %dma_start3A_409] : memref<16384x4x128xf32, #tpu.memory_space<hbm>> -> memref<64x1x128xf32, #tpu.memory_space<hbm>>
    %dma_start3A_411 = arith.constant 128 : i32
    %dma_start3A_412 = arith.constant 0 : i32
    %dma_start3A_413 = arith.constant 0 : i32
    %dma_start3A_414 = tpu.memref_slice %arg6[%dma_start3A_411, %dma_start3A_412, %dma_start3A_413] : memref<384x1x128xf32, #tpu.memory_space<vmem>> -> memref<64x1x128xf32, #tpu.memory_space<vmem>>
    tpu.enqueue_dma source(%dma_start3A_414 : memref<64x1x128xf32, #tpu.memory_space<vmem>>) target(%dma_start3A_410 : memref<64x1x128xf32, #tpu.memory_space<hbm>>) target_semaphore(%arg10 : memref<!tpu.dma_semaphore, #tpu.memory_space<semaphore_mem>>)
    %mul3A_415 = arith.constant 65536 : i32
    %mul3A_416 = arith.muli %add3A, %mul3A_415 : i32
    %add3A_417 = arith.constant 32768 : i32
    %add3A_418 = arith.addi %mul3A_416, %add3A_417 : i32
    %dma_start3A_419 = arith.constant 0 : i32
    %dma_start3A_420 = tpu.memref_slice %arg5[%dma_start3A_419] : memref<16384xf32, #tpu.memory_space<vmem>> -> memref<8192xf32, #tpu.memory_space<vmem>>
    %dma_start3A_421 = tpu.memref_slice %arg2[%add3A_418] : memref<2097152xf32, #tpu.memory_space<hbm>> -> memref<8192xf32, #tpu.memory_space<hbm>>
    %dma_start3A_422 = arith.constant 0 : i32
    %dma_start3A_423 = tpu.memref_slice %arg5[%dma_start3A_422] : memref<16384xf32, #tpu.memory_space<vmem>> -> memref<8192xf32, #tpu.memory_space<vmem>>
    %dma_start3A_424 = tpu.memref_slice %arg2[%add3A_418] : memref<2097152xf32, #tpu.memory_space<hbm>> -> memref<8192xf32, #tpu.memory_space<hbm>>
    tpu.enqueue_dma source(%dma_start3A_424 : memref<8192xf32, #tpu.memory_space<hbm>>) target(%dma_start3A_423 : memref<8192xf32, #tpu.memory_space<vmem>>) target_semaphore(%arg8 : memref<!tpu.dma_semaphore, #tpu.memory_space<semaphore_mem>>)
    %dma_wait3A_425 = arith.constant 8192 : i32
    %dma_wait3A_426 = tpu.memref_slice %arg5[%dma_wait3A_425] : memref<16384xf32, #tpu.memory_space<vmem>> -> memref<8192xf32, #tpu.memory_space<vmem>>
    %dma_wait3A_427 = tpu.memref_slice %arg2[%add3A_287] : memref<2097152xf32, #tpu.memory_space<hbm>> -> memref<8192xf32, #tpu.memory_space<hbm>>
    %dma_wait3A_428 = arith.constant 8192 : i32
    %dma_wait3A_429 = tpu.memref_slice %arg5[%dma_wait3A_428] : memref<16384xf32, #tpu.memory_space<vmem>> -> memref<8192xf32, #tpu.memory_space<vmem>>
    %dma_wait3A_430 = tpu.memref_slice %arg2[%add3A_287] : memref<2097152xf32, #tpu.memory_space<hbm>> -> memref<8192xf32, #tpu.memory_space<hbm>>
    tpu.wait_dma2 semaphore(%arg9 : memref<!tpu.dma_semaphore, #tpu.memory_space<semaphore_mem>>) src(%dma_wait3A_430 : memref<8192xf32, #tpu.memory_space<hbm>>) dst(%dma_wait3A_429 : memref<8192xf32, #tpu.memory_space<vmem>>)
    %dma_wait3A_431 = arith.constant 192 : i32
    %dma_wait3A_432 = arith.constant 0 : i32
    %dma_wait3A_433 = arith.constant 0 : i32
    %dma_wait3A_434 = tpu.memref_slice %arg6[%dma_wait3A_431, %dma_wait3A_432, %dma_wait3A_433] : memref<384x1x128xf32, #tpu.memory_space<vmem>> -> memref<64x1x128xf32, #tpu.memory_space<vmem>>
    %dma_wait3A_435 = arith.constant 0 : i32
    %dma_wait3A_436 = arith.constant 0 : i32
    %dma_wait3A_437 = tpu.memref_slice %arg4[%select_n3A_241, %dma_wait3A_435, %dma_wait3A_436] : memref<16384x4x128xf32, #tpu.memory_space<hbm>> -> memref<64x1x128xf32, #tpu.memory_space<hbm>>
    %dma_wait3A_438 = arith.constant 0 : i32
    %dma_wait3A_439 = arith.constant 0 : i32
    %dma_wait3A_440 = tpu.memref_slice %arg4[%select_n3A_241, %dma_wait3A_438, %dma_wait3A_439] : memref<16384x4x128xf32, #tpu.memory_space<hbm>> -> memref<64x1x128xf32, #tpu.memory_space<hbm>>
    %dma_wait3A_441 = arith.constant 192 : i32
    %dma_wait3A_442 = arith.constant 0 : i32
    %dma_wait3A_443 = arith.constant 0 : i32
    %dma_wait3A_444 = tpu.memref_slice %arg6[%dma_wait3A_441, %dma_wait3A_442, %dma_wait3A_443] : memref<384x1x128xf32, #tpu.memory_space<vmem>> -> memref<64x1x128xf32, #tpu.memory_space<vmem>>
    tpu.wait_dma2 semaphore(%arg11 : memref<!tpu.dma_semaphore, #tpu.memory_space<semaphore_mem>>) src(%dma_wait3A_444 : memref<64x1x128xf32, #tpu.memory_space<vmem>>) dst(%dma_wait3A_440 : memref<64x1x128xf32, #tpu.memory_space<hbm>>)
    %dma_wait3A_445 = arith.constant 256 : i32
    %dma_wait3A_446 = arith.constant 0 : i32
    %dma_wait3A_447 = arith.constant 0 : i32
    %dma_wait3A_448 = tpu.memref_slice %arg6[%dma_wait3A_445, %dma_wait3A_446, %dma_wait3A_447] : memref<384x1x128xf32, #tpu.memory_space<vmem>> -> memref<64x1x128xf32, #tpu.memory_space<vmem>>
    %dma_wait3A_449 = arith.constant 1 : i32
    %dma_wait3A_450 = arith.constant 0 : i32
    %dma_wait3A_451 = tpu.memref_slice %arg4[%select_n3A_241, %dma_wait3A_449, %dma_wait3A_450] : memref<16384x4x128xf32, #tpu.memory_space<hbm>> -> memref<64x1x128xf32, #tpu.memory_space<hbm>>
    %dma_wait3A_452 = arith.constant 1 : i32
    %dma_wait3A_453 = arith.constant 0 : i32
    %dma_wait3A_454 = tpu.memref_slice %arg4[%select_n3A_241, %dma_wait3A_452, %dma_wait3A_453] : memref<16384x4x128xf32, #tpu.memory_space<hbm>> -> memref<64x1x128xf32, #tpu.memory_space<hbm>>
    %dma_wait3A_455 = arith.constant 256 : i32
    %dma_wait3A_456 = arith.constant 0 : i32
    %dma_wait3A_457 = arith.constant 0 : i32
    %dma_wait3A_458 = tpu.memref_slice %arg6[%dma_wait3A_455, %dma_wait3A_456, %dma_wait3A_457] : memref<384x1x128xf32, #tpu.memory_space<vmem>> -> memref<64x1x128xf32, #tpu.memory_space<vmem>>
    tpu.wait_dma2 semaphore(%arg11 : memref<!tpu.dma_semaphore, #tpu.memory_space<semaphore_mem>>) src(%dma_wait3A_458 : memref<64x1x128xf32, #tpu.memory_space<vmem>>) dst(%dma_wait3A_454 : memref<64x1x128xf32, #tpu.memory_space<hbm>>)
    %dma_wait3A_459 = arith.constant 320 : i32
    %dma_wait3A_460 = arith.constant 0 : i32
    %dma_wait3A_461 = arith.constant 0 : i32
    %dma_wait3A_462 = tpu.memref_slice %arg6[%dma_wait3A_459, %dma_wait3A_460, %dma_wait3A_461] : memref<384x1x128xf32, #tpu.memory_space<vmem>> -> memref<64x1x128xf32, #tpu.memory_space<vmem>>
    %dma_wait3A_463 = arith.constant 2 : i32
    %dma_wait3A_464 = arith.constant 0 : i32
    %dma_wait3A_465 = tpu.memref_slice %arg4[%select_n3A_241, %dma_wait3A_463, %dma_wait3A_464] : memref<16384x4x128xf32, #tpu.memory_space<hbm>> -> memref<64x1x128xf32, #tpu.memory_space<hbm>>
    %dma_wait3A_466 = arith.constant 2 : i32
    %dma_wait3A_467 = arith.constant 0 : i32
    %dma_wait3A_468 = tpu.memref_slice %arg4[%select_n3A_241, %dma_wait3A_466, %dma_wait3A_467] : memref<16384x4x128xf32, #tpu.memory_space<hbm>> -> memref<64x1x128xf32, #tpu.memory_space<hbm>>
    %dma_wait3A_469 = arith.constant 320 : i32
    %dma_wait3A_470 = arith.constant 0 : i32
    %dma_wait3A_471 = arith.constant 0 : i32
    %dma_wait3A_472 = tpu.memref_slice %arg6[%dma_wait3A_469, %dma_wait3A_470, %dma_wait3A_471] : memref<384x1x128xf32, #tpu.memory_space<vmem>> -> memref<64x1x128xf32, #tpu.memory_space<vmem>>
    tpu.wait_dma2 semaphore(%arg11 : memref<!tpu.dma_semaphore, #tpu.memory_space<semaphore_mem>>) src(%dma_wait3A_472 : memref<64x1x128xf32, #tpu.memory_space<vmem>>) dst(%dma_wait3A_468 : memref<64x1x128xf32, #tpu.memory_space<hbm>>)
    %parallel_loop3A_473 = arith.constant 0 : i32
    %parallel_loop3A_474 = arith.constant 512 : i32
    %parallel_loop3A_475 = arith.constant 1 : i32
    scf.for %parallel_loop3A_1144 = %parallel_loop3A_473 to %parallel_loop3A_474 step %parallel_loop3A_475  : i32 {
      %parallel_loop3A_1145 = arith.constant 24576 : i32
      %parallel_loop3A_1146 = arith.addi %sub3A_98, %parallel_loop3A_1145 : i32
      %parallel_loop3A_1147 = arith.constant 16 : i32
      %parallel_loop3A_1148 = arith.muli %parallel_loop3A_1144, %parallel_loop3A_1147 : i32
      %parallel_loop3A_1149 = arith.addi %parallel_loop3A_1146, %parallel_loop3A_1148 : i32
      %parallel_loop3A_1150 = arith.constant 10 : i32
      %parallel_loop3A_1151 = arith.shrui %parallel_loop3A_1149, %parallel_loop3A_1150 : i32
      %parallel_loop3A_1152 = arith.constant 3 : i32
      %parallel_loop3A_1153 = arith.andi %parallel_loop3A_1151, %parallel_loop3A_1152 : i32
      %parallel_loop3A_1154 = arith.constant 128 : i32
      %parallel_loop3A_1155 = arith.muli %parallel_loop3A_1153, %parallel_loop3A_1154 : i32
      %parallel_loop3A_1156 = arith.constant 127 : i32
      %parallel_loop3A_1157 = arith.andi %parallel_loop3A_1149, %parallel_loop3A_1156 : i32
      %parallel_loop3A_1158 = arith.addi %parallel_loop3A_1155, %parallel_loop3A_1157 : i32
      %parallel_loop3A_1159 = arith.constant 12 : i32
      %parallel_loop3A_1160 = arith.shrui %parallel_loop3A_1149, %parallel_loop3A_1159 : i32
      %parallel_loop3A_1161 = arith.constant 63 : i32
      %parallel_loop3A_1162 = arith.andi %parallel_loop3A_1160, %parallel_loop3A_1161 : i32
      %parallel_loop3A_1163 = arith.constant 8 : i32
      %parallel_loop3A_1164 = arith.muli %parallel_loop3A_1162, %parallel_loop3A_1163 : i32
      %parallel_loop3A_1165 = arith.constant 7 : i32
      %parallel_loop3A_1166 = arith.shrui %parallel_loop3A_1149, %parallel_loop3A_1165 : i32
      %parallel_loop3A_1167 = arith.constant 7 : i32
      %parallel_loop3A_1168 = arith.andi %parallel_loop3A_1166, %parallel_loop3A_1167 : i32
      %parallel_loop3A_1169 = arith.addi %parallel_loop3A_1164, %parallel_loop3A_1168 : i32
      %parallel_loop3A_1170 = vector.broadcast %parallel_loop3A_1158 : i32 to vector<16xi32>
      %parallel_loop3A_1171 = arith.addi %parallel_loop3A_1170, %iota3A : vector<16xi32>
      %parallel_loop3A_1172 = arith.sitofp %parallel_loop3A_1171 : vector<16xi32> to vector<16xf32>
      %parallel_loop3A_1173 = vector.broadcast %parallel_loop3A_1169 : i32 to vector<16xi32>
      %parallel_loop3A_1174 = arith.sitofp %parallel_loop3A_1173 : vector<16xi32> to vector<16xf32>
      %parallel_loop3A_1175 = vector.broadcast %mul3A_54 : f32 to vector<16xf32>
      %parallel_loop3A_1176 = arith.mulf %parallel_loop3A_1175, %parallel_loop3A_1172 : vector<16xf32>
      %parallel_loop3A_1177 = vector.broadcast %mul3A_58 : f32 to vector<16xf32>
      %parallel_loop3A_1178 = arith.mulf %parallel_loop3A_1177, %parallel_loop3A_1174 : vector<16xf32>
      %parallel_loop3A_1179 = vector.broadcast %add3A_85 : f32 to vector<16xf32>
      %parallel_loop3A_1180 = arith.addf %parallel_loop3A_1178, %parallel_loop3A_1179 : vector<16xf32>
      %parallel_loop3A_1181 = arith.addf %parallel_loop3A_1176, %parallel_loop3A_1180 : vector<16xf32>
      %parallel_loop3A_1182 = vector.broadcast %mul3A_64 : f32 to vector<16xf32>
      %parallel_loop3A_1183 = arith.mulf %parallel_loop3A_1182, %parallel_loop3A_1172 : vector<16xf32>
      %parallel_loop3A_1184 = vector.broadcast %mul3A_68 : f32 to vector<16xf32>
      %parallel_loop3A_1185 = arith.mulf %parallel_loop3A_1184, %parallel_loop3A_1174 : vector<16xf32>
      %parallel_loop3A_1186 = vector.broadcast %add3A_89 : f32 to vector<16xf32>
      %parallel_loop3A_1187 = arith.addf %parallel_loop3A_1185, %parallel_loop3A_1186 : vector<16xf32>
      %parallel_loop3A_1188 = arith.addf %parallel_loop3A_1183, %parallel_loop3A_1187 : vector<16xf32>
      %parallel_loop3A_1189 = vector.broadcast %mul3A_73 : f32 to vector<16xf32>
      %parallel_loop3A_1190 = arith.mulf %parallel_loop3A_1189, %parallel_loop3A_1172 : vector<16xf32>
      %parallel_loop3A_1191 = vector.broadcast %mul3A_77 : f32 to vector<16xf32>
      %parallel_loop3A_1192 = arith.mulf %parallel_loop3A_1191, %parallel_loop3A_1174 : vector<16xf32>
      %parallel_loop3A_1193 = vector.broadcast %add3A_93 : f32 to vector<16xf32>
      %parallel_loop3A_1194 = arith.addf %parallel_loop3A_1192, %parallel_loop3A_1193 : vector<16xf32>
      %parallel_loop3A_1195 = arith.addf %parallel_loop3A_1190, %parallel_loop3A_1194 : vector<16xf32>
      %parallel_loop3A_1196 = arith.constant 16 : i32
      %parallel_loop3A_1197 = arith.muli %parallel_loop3A_1144, %parallel_loop3A_1196 : i32
      %parallel_loop3A_1198 = arith.constant 8192 : i32
      %parallel_loop3A_1199 = arith.addi %parallel_loop3A_1198, %parallel_loop3A_1197 : i32
      %parallel_loop3A_1200 = arith.index_cast %parallel_loop3A_1199 : i32 to index
      %parallel_loop3A_1201 = tpu.vector_load %arg5[%parallel_loop3A_1200] {strides = array<i32>} : memref<16384xf32, #tpu.memory_space<vmem>>, vector<16xf32>,
      %parallel_loop3A_1202 = arith.constant 8 : i32
      %parallel_loop3A_1203 = arith.shrui %parallel_loop3A_1144, %parallel_loop3A_1202 : i32
      %parallel_loop3A_1204 = arith.constant 1 : i32
      %parallel_loop3A_1205 = arith.andi %parallel_loop3A_1203, %parallel_loop3A_1204 : i32
      %parallel_loop3A_1206 = arith.constant 32 : i32
      %parallel_loop3A_1207 = arith.muli %parallel_loop3A_1205, %parallel_loop3A_1206 : i32
      %parallel_loop3A_1208 = arith.constant 3 : i32
      %parallel_loop3A_1209 = arith.shrui %parallel_loop3A_1144, %parallel_loop3A_1208 : i32
      %parallel_loop3A_1210 = arith.constant 7 : i32
      %parallel_loop3A_1211 = arith.andi %parallel_loop3A_1209, %parallel_loop3A_1210 : i32
      %parallel_loop3A_1212 = arith.constant 4 : i32
      %parallel_loop3A_1213 = arith.muli %parallel_loop3A_1211, %parallel_loop3A_1212 : i32
      %parallel_loop3A_1214 = arith.addi %parallel_loop3A_1207, %parallel_loop3A_1213 : i32
      %parallel_loop3A_1215 = arith.constant 6 : i32
      %parallel_loop3A_1216 = arith.shrui %parallel_loop3A_1144, %parallel_loop3A_1215 : i32
      %parallel_loop3A_1217 = arith.constant 3 : i32
      %parallel_loop3A_1218 = arith.andi %parallel_loop3A_1216, %parallel_loop3A_1217 : i32
      %parallel_loop3A_1219 = arith.addi %parallel_loop3A_1214, %parallel_loop3A_1218 : i32
      %parallel_loop3A_1220 = arith.constant 7 : i32
      %parallel_loop3A_1221 = arith.andi %parallel_loop3A_1144, %parallel_loop3A_1220 : i32
      %parallel_loop3A_1222 = arith.constant 16 : i32
      %parallel_loop3A_1223 = arith.muli %parallel_loop3A_1221, %parallel_loop3A_1222 : i32
      %parallel_loop3A_1224 = arith.constant 192 : i32
      %parallel_loop3A_1225 = arith.addi %parallel_loop3A_1224, %parallel_loop3A_1219 : i32
      %parallel_loop3A_1226 = arith.mulf %parallel_loop3A_1201, %parallel_loop3A_1181 : vector<16xf32>
      %parallel_loop3A_1227 = arith.constant 0 : i32
      %parallel_loop3A_1228 = arith.index_cast %parallel_loop3A_1225 : i32 to index
      %parallel_loop3A_1229 = arith.index_cast %parallel_loop3A_1227 : i32 to index
      %parallel_loop3A_1230 = arith.index_cast %parallel_loop3A_1223 : i32 to index
      %parallel_loop3A_1231 = tpu.vector_load %arg6[%parallel_loop3A_1228, %parallel_loop3A_1229, %parallel_loop3A_1230] {strides = array<i32>} : memref<384x1x128xf32, #tpu.memory_space<vmem>>, vector<16xf32>,
      tpu.vector_store %arg6[%parallel_loop3A_1228, %parallel_loop3A_1229, %parallel_loop3A_1230], %parallel_loop3A_1226 {strides = array<i32>} : memref<384x1x128xf32, #tpu.memory_space<vmem>>, vector<16xf32>,
      %parallel_loop3A_1232 = arith.mulf %parallel_loop3A_1201, %parallel_loop3A_1188 : vector<16xf32>
      %parallel_loop3A_1233 = arith.constant 64 : i32
      %parallel_loop3A_1234 = arith.addi %parallel_loop3A_1225, %parallel_loop3A_1233 : i32
      %parallel_loop3A_1235 = arith.constant 0 : i32
      %parallel_loop3A_1236 = arith.index_cast %parallel_loop3A_1234 : i32 to index
      %parallel_loop3A_1237 = arith.index_cast %parallel_loop3A_1235 : i32 to index
      %parallel_loop3A_1238 = arith.index_cast %parallel_loop3A_1223 : i32 to index
      %parallel_loop3A_1239 = tpu.vector_load %arg6[%parallel_loop3A_1236, %parallel_loop3A_1237, %parallel_loop3A_1238] {strides = array<i32>} : memref<384x1x128xf32, #tpu.memory_space<vmem>>, vector<16xf32>,
      tpu.vector_store %arg6[%parallel_loop3A_1236, %parallel_loop3A_1237, %parallel_loop3A_1238], %parallel_loop3A_1232 {strides = array<i32>} : memref<384x1x128xf32, #tpu.memory_space<vmem>>, vector<16xf32>,
      %parallel_loop3A_1240 = arith.mulf %parallel_loop3A_1201, %parallel_loop3A_1195 : vector<16xf32>
      %parallel_loop3A_1241 = arith.constant 128 : i32
      %parallel_loop3A_1242 = arith.addi %parallel_loop3A_1225, %parallel_loop3A_1241 : i32
      %parallel_loop3A_1243 = arith.constant 0 : i32
      %parallel_loop3A_1244 = arith.index_cast %parallel_loop3A_1242 : i32 to index
      %parallel_loop3A_1245 = arith.index_cast %parallel_loop3A_1243 : i32 to index
      %parallel_loop3A_1246 = arith.index_cast %parallel_loop3A_1223 : i32 to index
      %parallel_loop3A_1247 = tpu.vector_load %arg6[%parallel_loop3A_1244, %parallel_loop3A_1245, %parallel_loop3A_1246] {strides = array<i32>} : memref<384x1x128xf32, #tpu.memory_space<vmem>>, vector<16xf32>,
      tpu.vector_store %arg6[%parallel_loop3A_1244, %parallel_loop3A_1245, %parallel_loop3A_1246], %parallel_loop3A_1240 {strides = array<i32>} : memref<384x1x128xf32, #tpu.memory_space<vmem>>, vector<16xf32>,
    } {sc.loop_unroll_factor = 4 : i64, sc.parallel_access}
    %mul3A_476 = arith.constant 65536 : i32
    %mul3A_477 = arith.muli %add3A, %mul3A_476 : i32
    %add3A_478 = arith.constant 24576 : i32
    %add3A_479 = arith.addi %mul3A_477, %add3A_478 : i32
    %jit3A_480 = arith.constant 128 : i32
    %div3A_481 = arith.divsi %add3A_479, %jit3A_480 : i32
    %sign3A_482 = arith.constant 0 : i32
    %sign3A_483 = arith.cmpi sgt, %add3A_479, %sign3A_482 : i32
    %sign3A_484 = arith.extui %sign3A_483 : i1 to i32
    %sign3A_485 = arith.constant 0 : i32
    %sign3A_486 = arith.cmpi slt, %add3A_479, %sign3A_485 : i32
    %sign3A_487 = arith.extui %sign3A_486 : i1 to i32
    %sign3A_488 = arith.subi %sign3A_484, %sign3A_487 : i32
    %sign3A_489 = arith.constant 0 : i32
    %sign3A_490 = arith.cmpi sgt, %jit3A_480, %sign3A_489 : i32
    %sign3A_491 = arith.extui %sign3A_490 : i1 to i32
    %sign3A_492 = arith.constant 0 : i32
    %sign3A_493 = arith.cmpi slt, %jit3A_480, %sign3A_492 : i32
    %sign3A_494 = arith.extui %sign3A_493 : i1 to i32
    %sign3A_495 = arith.subi %sign3A_491, %sign3A_494 : i32
    %ne3A_496 = arith.cmpi ne, %sign3A_488, %sign3A_495 : i32
    %rem3A_497 = arith.remsi %add3A_479, %jit3A_480 : i32
    %ne3A_498 = arith.constant 0 : i32
    %ne3A_499 = arith.cmpi ne, %rem3A_497, %ne3A_498 : i32
    %and3A_500 = arith.andi %ne3A_496, %ne3A_499 : i1
    %sub3A_501 = arith.constant 1 : i32
    %sub3A_502 = arith.subi %div3A_481, %sub3A_501 : i32
    %select_n3A_503 = arith.select %and3A_500, %sub3A_502, %div3A_481 : i32
    %dma_start3A_504 = arith.constant 192 : i32
    %dma_start3A_505 = arith.constant 0 : i32
    %dma_start3A_506 = arith.constant 0 : i32
    %dma_start3A_507 = tpu.memref_slice %arg6[%dma_start3A_504, %dma_start3A_505, %dma_start3A_506] : memref<384x1x128xf32, #tpu.memory_space<vmem>> -> memref<64x1x128xf32, #tpu.memory_space<vmem>>
    %dma_start3A_508 = arith.constant 0 : i32
    %dma_start3A_509 = arith.constant 0 : i32
    %dma_start3A_510 = tpu.memref_slice %arg4[%select_n3A_503, %dma_start3A_508, %dma_start3A_509] : memref<16384x4x128xf32, #tpu.memory_space<hbm>> -> memref<64x1x128xf32, #tpu.memory_space<hbm>>
    %dma_start3A_511 = arith.constant 0 : i32
    %dma_start3A_512 = arith.constant 0 : i32
    %dma_start3A_513 = tpu.memref_slice %arg4[%select_n3A_503, %dma_start3A_511, %dma_start3A_512] : memref<16384x4x128xf32, #tpu.memory_space<hbm>> -> memref<64x1x128xf32, #tpu.memory_space<hbm>>
    %dma_start3A_514 = arith.constant 192 : i32
    %dma_start3A_515 = arith.constant 0 : i32
    %dma_start3A_516 = arith.constant 0 : i32
    %dma_start3A_517 = tpu.memref_slice %arg6[%dma_start3A_514, %dma_start3A_515, %dma_start3A_516] : memref<384x1x128xf32, #tpu.memory_space<vmem>> -> memref<64x1x128xf32, #tpu.memory_space<vmem>>
    tpu.enqueue_dma source(%dma_start3A_517 : memref<64x1x128xf32, #tpu.memory_space<vmem>>) target(%dma_start3A_513 : memref<64x1x128xf32, #tpu.memory_space<hbm>>) target_semaphore(%arg11 : memref<!tpu.dma_semaphore, #tpu.memory_space<semaphore_mem>>)
    %dma_start3A_518 = arith.constant 256 : i32
    %dma_start3A_519 = arith.constant 0 : i32
    %dma_start3A_520 = arith.constant 0 : i32
    %dma_start3A_521 = tpu.memref_slice %arg6[%dma_start3A_518, %dma_start3A_519, %dma_start3A_520] : memref<384x1x128xf32, #tpu.memory_space<vmem>> -> memref<64x1x128xf32, #tpu.memory_space<vmem>>
    %dma_start3A_522 = arith.constant 1 : i32
    %dma_start3A_523 = arith.constant 0 : i32
    %dma_start3A_524 = tpu.memref_slice %arg4[%select_n3A_503, %dma_start3A_522, %dma_start3A_523] : memref<16384x4x128xf32, #tpu.memory_space<hbm>> -> memref<64x1x128xf32, #tpu.memory_space<hbm>>
    %dma_start3A_525 = arith.constant 1 : i32
    %dma_start3A_526 = arith.constant 0 : i32
    %dma_start3A_527 = tpu.memref_slice %arg4[%select_n3A_503, %dma_start3A_525, %dma_start3A_526] : memref<16384x4x128xf32, #tpu.memory_space<hbm>> -> memref<64x1x128xf32, #tpu.memory_space<hbm>>
    %dma_start3A_528 = arith.constant 256 : i32
    %dma_start3A_529 = arith.constant 0 : i32
    %dma_start3A_530 = arith.constant 0 : i32
    %dma_start3A_531 = tpu.memref_slice %arg6[%dma_start3A_528, %dma_start3A_529, %dma_start3A_530] : memref<384x1x128xf32, #tpu.memory_space<vmem>> -> memref<64x1x128xf32, #tpu.memory_space<vmem>>
    tpu.enqueue_dma source(%dma_start3A_531 : memref<64x1x128xf32, #tpu.memory_space<vmem>>) target(%dma_start3A_527 : memref<64x1x128xf32, #tpu.memory_space<hbm>>) target_semaphore(%arg11 : memref<!tpu.dma_semaphore, #tpu.memory_space<semaphore_mem>>)
    %dma_start3A_532 = arith.constant 320 : i32
    %dma_start3A_533 = arith.constant 0 : i32
    %dma_start3A_534 = arith.constant 0 : i32
    %dma_start3A_535 = tpu.memref_slice %arg6[%dma_start3A_532, %dma_start3A_533, %dma_start3A_534] : memref<384x1x128xf32, #tpu.memory_space<vmem>> -> memref<64x1x128xf32, #tpu.memory_space<vmem>>
    %dma_start3A_536 = arith.constant 2 : i32
    %dma_start3A_537 = arith.constant 0 : i32
    %dma_start3A_538 = tpu.memref_slice %arg4[%select_n3A_503, %dma_start3A_536, %dma_start3A_537] : memref<16384x4x128xf32, #tpu.memory_space<hbm>> -> memref<64x1x128xf32, #tpu.memory_space<hbm>>
    %dma_start3A_539 = arith.constant 2 : i32
    %dma_start3A_540 = arith.constant 0 : i32
    %dma_start3A_541 = tpu.memref_slice %arg4[%select_n3A_503, %dma_start3A_539, %dma_start3A_540] : memref<16384x4x128xf32, #tpu.memory_space<hbm>> -> memref<64x1x128xf32, #tpu.memory_space<hbm>>
    %dma_start3A_542 = arith.constant 320 : i32
    %dma_start3A_543 = arith.constant 0 : i32
    %dma_start3A_544 = arith.constant 0 : i32
    %dma_start3A_545 = tpu.memref_slice %arg6[%dma_start3A_542, %dma_start3A_543, %dma_start3A_544] : memref<384x1x128xf32, #tpu.memory_space<vmem>> -> memref<64x1x128xf32, #tpu.memory_space<vmem>>
    tpu.enqueue_dma source(%dma_start3A_545 : memref<64x1x128xf32, #tpu.memory_space<vmem>>) target(%dma_start3A_541 : memref<64x1x128xf32, #tpu.memory_space<hbm>>) target_semaphore(%arg11 : memref<!tpu.dma_semaphore, #tpu.memory_space<semaphore_mem>>)
    %mul3A_546 = arith.constant 65536 : i32
    %mul3A_547 = arith.muli %add3A, %mul3A_546 : i32
    %add3A_548 = arith.constant 40960 : i32
    %add3A_549 = arith.addi %mul3A_547, %add3A_548 : i32
    %dma_start3A_550 = arith.constant 8192 : i32
    %dma_start3A_551 = tpu.memref_slice %arg5[%dma_start3A_550] : memref<16384xf32, #tpu.memory_space<vmem>> -> memref<8192xf32, #tpu.memory_space<vmem>>
    %dma_start3A_552 = tpu.memref_slice %arg2[%add3A_549] : memref<2097152xf32, #tpu.memory_space<hbm>> -> memref<8192xf32, #tpu.memory_space<hbm>>
    %dma_start3A_553 = arith.constant 8192 : i32
    %dma_start3A_554 = tpu.memref_slice %arg5[%dma_start3A_553] : memref<16384xf32, #tpu.memory_space<vmem>> -> memref<8192xf32, #tpu.memory_space<vmem>>
    %dma_start3A_555 = tpu.memref_slice %arg2[%add3A_549] : memref<2097152xf32, #tpu.memory_space<hbm>> -> memref<8192xf32, #tpu.memory_space<hbm>>
    tpu.enqueue_dma source(%dma_start3A_555 : memref<8192xf32, #tpu.memory_space<hbm>>) target(%dma_start3A_554 : memref<8192xf32, #tpu.memory_space<vmem>>) target_semaphore(%arg9 : memref<!tpu.dma_semaphore, #tpu.memory_space<semaphore_mem>>)
    %dma_wait3A_556 = arith.constant 0 : i32
    %dma_wait3A_557 = tpu.memref_slice %arg5[%dma_wait3A_556] : memref<16384xf32, #tpu.memory_space<vmem>> -> memref<8192xf32, #tpu.memory_space<vmem>>
    %dma_wait3A_558 = tpu.memref_slice %arg2[%add3A_418] : memref<2097152xf32, #tpu.memory_space<hbm>> -> memref<8192xf32, #tpu.memory_space<hbm>>
    %dma_wait3A_559 = arith.constant 0 : i32
    %dma_wait3A_560 = tpu.memref_slice %arg5[%dma_wait3A_559] : memref<16384xf32, #tpu.memory_space<vmem>> -> memref<8192xf32, #tpu.memory_space<vmem>>
    %dma_wait3A_561 = tpu.memref_slice %arg2[%add3A_418] : memref<2097152xf32, #tpu.memory_space<hbm>> -> memref<8192xf32, #tpu.memory_space<hbm>>
    tpu.wait_dma2 semaphore(%arg8 : memref<!tpu.dma_semaphore, #tpu.memory_space<semaphore_mem>>) src(%dma_wait3A_561 : memref<8192xf32, #tpu.memory_space<hbm>>) dst(%dma_wait3A_560 : memref<8192xf32, #tpu.memory_space<vmem>>)
    %dma_wait3A_562 = arith.constant 0 : i32
    %dma_wait3A_563 = arith.constant 0 : i32
    %dma_wait3A_564 = arith.constant 0 : i32
    %dma_wait3A_565 = tpu.memref_slice %arg6[%dma_wait3A_562, %dma_wait3A_563, %dma_wait3A_564] : memref<384x1x128xf32, #tpu.memory_space<vmem>> -> memref<64x1x128xf32, #tpu.memory_space<vmem>>
    %dma_wait3A_566 = arith.constant 0 : i32
    %dma_wait3A_567 = arith.constant 0 : i32
    %dma_wait3A_568 = tpu.memref_slice %arg4[%select_n3A_372, %dma_wait3A_566, %dma_wait3A_567] : memref<16384x4x128xf32, #tpu.memory_space<hbm>> -> memref<64x1x128xf32, #tpu.memory_space<hbm>>
    %dma_wait3A_569 = arith.constant 0 : i32
    %dma_wait3A_570 = arith.constant 0 : i32
    %dma_wait3A_571 = tpu.memref_slice %arg4[%select_n3A_372, %dma_wait3A_569, %dma_wait3A_570] : memref<16384x4x128xf32, #tpu.memory_space<hbm>> -> memref<64x1x128xf32, #tpu.memory_space<hbm>>
    %dma_wait3A_572 = arith.constant 0 : i32
    %dma_wait3A_573 = arith.constant 0 : i32
    %dma_wait3A_574 = arith.constant 0 : i32
    %dma_wait3A_575 = tpu.memref_slice %arg6[%dma_wait3A_572, %dma_wait3A_573, %dma_wait3A_574] : memref<384x1x128xf32, #tpu.memory_space<vmem>> -> memref<64x1x128xf32, #tpu.memory_space<vmem>>
    tpu.wait_dma2 semaphore(%arg10 : memref<!tpu.dma_semaphore, #tpu.memory_space<semaphore_mem>>) src(%dma_wait3A_575 : memref<64x1x128xf32, #tpu.memory_space<vmem>>) dst(%dma_wait3A_571 : memref<64x1x128xf32, #tpu.memory_space<hbm>>)
    %dma_wait3A_576 = arith.constant 64 : i32
    %dma_wait3A_577 = arith.constant 0 : i32
    %dma_wait3A_578 = arith.constant 0 : i32
    %dma_wait3A_579 = tpu.memref_slice %arg6[%dma_wait3A_576, %dma_wait3A_577, %dma_wait3A_578] : memref<384x1x128xf32, #tpu.memory_space<vmem>> -> memref<64x1x128xf32, #tpu.memory_space<vmem>>
    %dma_wait3A_580 = arith.constant 1 : i32
    %dma_wait3A_581 = arith.constant 0 : i32
    %dma_wait3A_582 = tpu.memref_slice %arg4[%select_n3A_372, %dma_wait3A_580, %dma_wait3A_581] : memref<16384x4x128xf32, #tpu.memory_space<hbm>> -> memref<64x1x128xf32, #tpu.memory_space<hbm>>
    %dma_wait3A_583 = arith.constant 1 : i32
    %dma_wait3A_584 = arith.constant 0 : i32
    %dma_wait3A_585 = tpu.memref_slice %arg4[%select_n3A_372, %dma_wait3A_583, %dma_wait3A_584] : memref<16384x4x128xf32, #tpu.memory_space<hbm>> -> memref<64x1x128xf32, #tpu.memory_space<hbm>>
    %dma_wait3A_586 = arith.constant 64 : i32
    %dma_wait3A_587 = arith.constant 0 : i32
    %dma_wait3A_588 = arith.constant 0 : i32
    %dma_wait3A_589 = tpu.memref_slice %arg6[%dma_wait3A_586, %dma_wait3A_587, %dma_wait3A_588] : memref<384x1x128xf32, #tpu.memory_space<vmem>> -> memref<64x1x128xf32, #tpu.memory_space<vmem>>
    tpu.wait_dma2 semaphore(%arg10 : memref<!tpu.dma_semaphore, #tpu.memory_space<semaphore_mem>>) src(%dma_wait3A_589 : memref<64x1x128xf32, #tpu.memory_space<vmem>>) dst(%dma_wait3A_585 : memref<64x1x128xf32, #tpu.memory_space<hbm>>)
    %dma_wait3A_590 = arith.constant 128 : i32
    %dma_wait3A_591 = arith.constant 0 : i32
    %dma_wait3A_592 = arith.constant 0 : i32
    %dma_wait3A_593 = tpu.memref_slice %arg6[%dma_wait3A_590, %dma_wait3A_591, %dma_wait3A_592] : memref<384x1x128xf32, #tpu.memory_space<vmem>> -> memref<64x1x128xf32, #tpu.memory_space<vmem>>
    %dma_wait3A_594 = arith.constant 2 : i32
    %dma_wait3A_595 = arith.constant 0 : i32
    %dma_wait3A_596 = tpu.memref_slice %arg4[%select_n3A_372, %dma_wait3A_594, %dma_wait3A_595] : memref<16384x4x128xf32, #tpu.memory_space<hbm>> -> memref<64x1x128xf32, #tpu.memory_space<hbm>>
    %dma_wait3A_597 = arith.constant 2 : i32
    %dma_wait3A_598 = arith.constant 0 : i32
    %dma_wait3A_599 = tpu.memref_slice %arg4[%select_n3A_372, %dma_wait3A_597, %dma_wait3A_598] : memref<16384x4x128xf32, #tpu.memory_space<hbm>> -> memref<64x1x128xf32, #tpu.memory_space<hbm>>
    %dma_wait3A_600 = arith.constant 128 : i32
    %dma_wait3A_601 = arith.constant 0 : i32
    %dma_wait3A_602 = arith.constant 0 : i32
    %dma_wait3A_603 = tpu.memref_slice %arg6[%dma_wait3A_600, %dma_wait3A_601, %dma_wait3A_602] : memref<384x1x128xf32, #tpu.memory_space<vmem>> -> memref<64x1x128xf32, #tpu.memory_space<vmem>>
    tpu.wait_dma2 semaphore(%arg10 : memref<!tpu.dma_semaphore, #tpu.memory_space<semaphore_mem>>) src(%dma_wait3A_603 : memref<64x1x128xf32, #tpu.memory_space<vmem>>) dst(%dma_wait3A_599 : memref<64x1x128xf32, #tpu.memory_space<hbm>>)
    %parallel_loop3A_604 = arith.constant 0 : i32
    %parallel_loop3A_605 = arith.constant 512 : i32
    %parallel_loop3A_606 = arith.constant 1 : i32
    scf.for %parallel_loop3A_1144 = %parallel_loop3A_604 to %parallel_loop3A_605 step %parallel_loop3A_606  : i32 {
      %parallel_loop3A_1145 = arith.constant 32768 : i32
      %parallel_loop3A_1146 = arith.addi %sub3A_98, %parallel_loop3A_1145 : i32
      %parallel_loop3A_1147 = arith.constant 16 : i32
      %parallel_loop3A_1148 = arith.muli %parallel_loop3A_1144, %parallel_loop3A_1147 : i32
      %parallel_loop3A_1149 = arith.addi %parallel_loop3A_1146, %parallel_loop3A_1148 : i32
      %parallel_loop3A_1150 = arith.constant 10 : i32
      %parallel_loop3A_1151 = arith.shrui %parallel_loop3A_1149, %parallel_loop3A_1150 : i32
      %parallel_loop3A_1152 = arith.constant 3 : i32
      %parallel_loop3A_1153 = arith.andi %parallel_loop3A_1151, %parallel_loop3A_1152 : i32
      %parallel_loop3A_1154 = arith.constant 128 : i32
      %parallel_loop3A_1155 = arith.muli %parallel_loop3A_1153, %parallel_loop3A_1154 : i32
      %parallel_loop3A_1156 = arith.constant 127 : i32
      %parallel_loop3A_1157 = arith.andi %parallel_loop3A_1149, %parallel_loop3A_1156 : i32
      %parallel_loop3A_1158 = arith.addi %parallel_loop3A_1155, %parallel_loop3A_1157 : i32
      %parallel_loop3A_1159 = arith.constant 12 : i32
      %parallel_loop3A_1160 = arith.shrui %parallel_loop3A_1149, %parallel_loop3A_1159 : i32
      %parallel_loop3A_1161 = arith.constant 63 : i32
      %parallel_loop3A_1162 = arith.andi %parallel_loop3A_1160, %parallel_loop3A_1161 : i32
      %parallel_loop3A_1163 = arith.constant 8 : i32
      %parallel_loop3A_1164 = arith.muli %parallel_loop3A_1162, %parallel_loop3A_1163 : i32
      %parallel_loop3A_1165 = arith.constant 7 : i32
      %parallel_loop3A_1166 = arith.shrui %parallel_loop3A_1149, %parallel_loop3A_1165 : i32
      %parallel_loop3A_1167 = arith.constant 7 : i32
      %parallel_loop3A_1168 = arith.andi %parallel_loop3A_1166, %parallel_loop3A_1167 : i32
      %parallel_loop3A_1169 = arith.addi %parallel_loop3A_1164, %parallel_loop3A_1168 : i32
      %parallel_loop3A_1170 = vector.broadcast %parallel_loop3A_1158 : i32 to vector<16xi32>
      %parallel_loop3A_1171 = arith.addi %parallel_loop3A_1170, %iota3A : vector<16xi32>
      %parallel_loop3A_1172 = arith.sitofp %parallel_loop3A_1171 : vector<16xi32> to vector<16xf32>
      %parallel_loop3A_1173 = vector.broadcast %parallel_loop3A_1169 : i32 to vector<16xi32>
      %parallel_loop3A_1174 = arith.sitofp %parallel_loop3A_1173 : vector<16xi32> to vector<16xf32>
      %parallel_loop3A_1175 = vector.broadcast %mul3A_54 : f32 to vector<16xf32>
      %parallel_loop3A_1176 = arith.mulf %parallel_loop3A_1175, %parallel_loop3A_1172 : vector<16xf32>
      %parallel_loop3A_1177 = vector.broadcast %mul3A_58 : f32 to vector<16xf32>
      %parallel_loop3A_1178 = arith.mulf %parallel_loop3A_1177, %parallel_loop3A_1174 : vector<16xf32>
      %parallel_loop3A_1179 = vector.broadcast %add3A_85 : f32 to vector<16xf32>
      %parallel_loop3A_1180 = arith.addf %parallel_loop3A_1178, %parallel_loop3A_1179 : vector<16xf32>
      %parallel_loop3A_1181 = arith.addf %parallel_loop3A_1176, %parallel_loop3A_1180 : vector<16xf32>
      %parallel_loop3A_1182 = vector.broadcast %mul3A_64 : f32 to vector<16xf32>
      %parallel_loop3A_1183 = arith.mulf %parallel_loop3A_1182, %parallel_loop3A_1172 : vector<16xf32>
      %parallel_loop3A_1184 = vector.broadcast %mul3A_68 : f32 to vector<16xf32>
      %parallel_loop3A_1185 = arith.mulf %parallel_loop3A_1184, %parallel_loop3A_1174 : vector<16xf32>
      %parallel_loop3A_1186 = vector.broadcast %add3A_89 : f32 to vector<16xf32>
      %parallel_loop3A_1187 = arith.addf %parallel_loop3A_1185, %parallel_loop3A_1186 : vector<16xf32>
      %parallel_loop3A_1188 = arith.addf %parallel_loop3A_1183, %parallel_loop3A_1187 : vector<16xf32>
      %parallel_loop3A_1189 = vector.broadcast %mul3A_73 : f32 to vector<16xf32>
      %parallel_loop3A_1190 = arith.mulf %parallel_loop3A_1189, %parallel_loop3A_1172 : vector<16xf32>
      %parallel_loop3A_1191 = vector.broadcast %mul3A_77 : f32 to vector<16xf32>
      %parallel_loop3A_1192 = arith.mulf %parallel_loop3A_1191, %parallel_loop3A_1174 : vector<16xf32>
      %parallel_loop3A_1193 = vector.broadcast %add3A_93 : f32 to vector<16xf32>
      %parallel_loop3A_1194 = arith.addf %parallel_loop3A_1192, %parallel_loop3A_1193 : vector<16xf32>
      %parallel_loop3A_1195 = arith.addf %parallel_loop3A_1190, %parallel_loop3A_1194 : vector<16xf32>
      %parallel_loop3A_1196 = arith.constant 16 : i32
      %parallel_loop3A_1197 = arith.muli %parallel_loop3A_1144, %parallel_loop3A_1196 : i32
      %parallel_loop3A_1198 = arith.constant 0 : i32
      %parallel_loop3A_1199 = arith.addi %parallel_loop3A_1198, %parallel_loop3A_1197 : i32
      %parallel_loop3A_1200 = arith.index_cast %parallel_loop3A_1199 : i32 to index
      %parallel_loop3A_1201 = tpu.vector_load %arg5[%parallel_loop3A_1200] {strides = array<i32>} : memref<16384xf32, #tpu.memory_space<vmem>>, vector<16xf32>,
      %parallel_loop3A_1202 = arith.constant 8 : i32
      %parallel_loop3A_1203 = arith.shrui %parallel_loop3A_1144, %parallel_loop3A_1202 : i32
      %parallel_loop3A_1204 = arith.constant 1 : i32
      %parallel_loop3A_1205 = arith.andi %parallel_loop3A_1203, %parallel_loop3A_1204 : i32
      %parallel_loop3A_1206 = arith.constant 32 : i32
      %parallel_loop3A_1207 = arith.muli %parallel_loop3A_1205, %parallel_loop3A_1206 : i32
      %parallel_loop3A_1208 = arith.constant 3 : i32
      %parallel_loop3A_1209 = arith.shrui %parallel_loop3A_1144, %parallel_loop3A_1208 : i32
      %parallel_loop3A_1210 = arith.constant 7 : i32
      %parallel_loop3A_1211 = arith.andi %parallel_loop3A_1209, %parallel_loop3A_1210 : i32
      %parallel_loop3A_1212 = arith.constant 4 : i32
      %parallel_loop3A_1213 = arith.muli %parallel_loop3A_1211, %parallel_loop3A_1212 : i32
      %parallel_loop3A_1214 = arith.addi %parallel_loop3A_1207, %parallel_loop3A_1213 : i32
      %parallel_loop3A_1215 = arith.constant 6 : i32
      %parallel_loop3A_1216 = arith.shrui %parallel_loop3A_1144, %parallel_loop3A_1215 : i32
      %parallel_loop3A_1217 = arith.constant 3 : i32
      %parallel_loop3A_1218 = arith.andi %parallel_loop3A_1216, %parallel_loop3A_1217 : i32
      %parallel_loop3A_1219 = arith.addi %parallel_loop3A_1214, %parallel_loop3A_1218 : i32
      %parallel_loop3A_1220 = arith.constant 7 : i32
      %parallel_loop3A_1221 = arith.andi %parallel_loop3A_1144, %parallel_loop3A_1220 : i32
      %parallel_loop3A_1222 = arith.constant 16 : i32
      %parallel_loop3A_1223 = arith.muli %parallel_loop3A_1221, %parallel_loop3A_1222 : i32
      %parallel_loop3A_1224 = arith.constant 0 : i32
      %parallel_loop3A_1225 = arith.addi %parallel_loop3A_1224, %parallel_loop3A_1219 : i32
      %parallel_loop3A_1226 = arith.mulf %parallel_loop3A_1201, %parallel_loop3A_1181 : vector<16xf32>
      %parallel_loop3A_1227 = arith.constant 0 : i32
      %parallel_loop3A_1228 = arith.index_cast %parallel_loop3A_1225 : i32 to index
      %parallel_loop3A_1229 = arith.index_cast %parallel_loop3A_1227 : i32 to index
      %parallel_loop3A_1230 = arith.index_cast %parallel_loop3A_1223 : i32 to index
      %parallel_loop3A_1231 = tpu.vector_load %arg6[%parallel_loop3A_1228, %parallel_loop3A_1229, %parallel_loop3A_1230] {strides = array<i32>} : memref<384x1x128xf32, #tpu.memory_space<vmem>>, vector<16xf32>,
      tpu.vector_store %arg6[%parallel_loop3A_1228, %parallel_loop3A_1229, %parallel_loop3A_1230], %parallel_loop3A_1226 {strides = array<i32>} : memref<384x1x128xf32, #tpu.memory_space<vmem>>, vector<16xf32>,
      %parallel_loop3A_1232 = arith.mulf %parallel_loop3A_1201, %parallel_loop3A_1188 : vector<16xf32>
      %parallel_loop3A_1233 = arith.constant 64 : i32
      %parallel_loop3A_1234 = arith.addi %parallel_loop3A_1225, %parallel_loop3A_1233 : i32
      %parallel_loop3A_1235 = arith.constant 0 : i32
      %parallel_loop3A_1236 = arith.index_cast %parallel_loop3A_1234 : i32 to index
      %parallel_loop3A_1237 = arith.index_cast %parallel_loop3A_1235 : i32 to index
      %parallel_loop3A_1238 = arith.index_cast %parallel_loop3A_1223 : i32 to index
      %parallel_loop3A_1239 = tpu.vector_load %arg6[%parallel_loop3A_1236, %parallel_loop3A_1237, %parallel_loop3A_1238] {strides = array<i32>} : memref<384x1x128xf32, #tpu.memory_space<vmem>>, vector<16xf32>,
      tpu.vector_store %arg6[%parallel_loop3A_1236, %parallel_loop3A_1237, %parallel_loop3A_1238], %parallel_loop3A_1232 {strides = array<i32>} : memref<384x1x128xf32, #tpu.memory_space<vmem>>, vector<16xf32>,
      %parallel_loop3A_1240 = arith.mulf %parallel_loop3A_1201, %parallel_loop3A_1195 : vector<16xf32>
      %parallel_loop3A_1241 = arith.constant 128 : i32
      %parallel_loop3A_1242 = arith.addi %parallel_loop3A_1225, %parallel_loop3A_1241 : i32
      %parallel_loop3A_1243 = arith.constant 0 : i32
      %parallel_loop3A_1244 = arith.index_cast %parallel_loop3A_1242 : i32 to index
      %parallel_loop3A_1245 = arith.index_cast %parallel_loop3A_1243 : i32 to index
      %parallel_loop3A_1246 = arith.index_cast %parallel_loop3A_1223 : i32 to index
      %parallel_loop3A_1247 = tpu.vector_load %arg6[%parallel_loop3A_1244, %parallel_loop3A_1245, %parallel_loop3A_1246] {strides = array<i32>} : memref<384x1x128xf32, #tpu.memory_space<vmem>>, vector<16xf32>,
      tpu.vector_store %arg6[%parallel_loop3A_1244, %parallel_loop3A_1245, %parallel_loop3A_1246], %parallel_loop3A_1240 {strides = array<i32>} : memref<384x1x128xf32, #tpu.memory_space<vmem>>, vector<16xf32>,
    } {sc.loop_unroll_factor = 4 : i64, sc.parallel_access}
    %mul3A_607 = arith.constant 65536 : i32
    %mul3A_608 = arith.muli %add3A, %mul3A_607 : i32
    %add3A_609 = arith.constant 32768 : i32
    %add3A_610 = arith.addi %mul3A_608, %add3A_609 : i32
    %jit3A_611 = arith.constant 128 : i32
    %div3A_612 = arith.divsi %add3A_610, %jit3A_611 : i32
    %sign3A_613 = arith.constant 0 : i32
    %sign3A_614 = arith.cmpi sgt, %add3A_610, %sign3A_613 : i32
    %sign3A_615 = arith.extui %sign3A_614 : i1 to i32
    %sign3A_616 = arith.constant 0 : i32
    %sign3A_617 = arith.cmpi slt, %add3A_610, %sign3A_616 : i32
    %sign3A_618 = arith.extui %sign3A_617 : i1 to i32
    %sign3A_619 = arith.subi %sign3A_615, %sign3A_618 : i32
    %sign3A_620 = arith.constant 0 : i32
    %sign3A_621 = arith.cmpi sgt, %jit3A_611, %sign3A_620 : i32
    %sign3A_622 = arith.extui %sign3A_621 : i1 to i32
    %sign3A_623 = arith.constant 0 : i32
    %sign3A_624 = arith.cmpi slt, %jit3A_611, %sign3A_623 : i32
    %sign3A_625 = arith.extui %sign3A_624 : i1 to i32
    %sign3A_626 = arith.subi %sign3A_622, %sign3A_625 : i32
    %ne3A_627 = arith.cmpi ne, %sign3A_619, %sign3A_626 : i32
    %rem3A_628 = arith.remsi %add3A_610, %jit3A_611 : i32
    %ne3A_629 = arith.constant 0 : i32
    %ne3A_630 = arith.cmpi ne, %rem3A_628, %ne3A_629 : i32
    %and3A_631 = arith.andi %ne3A_627, %ne3A_630 : i1
    %sub3A_632 = arith.constant 1 : i32
    %sub3A_633 = arith.subi %div3A_612, %sub3A_632 : i32
    %select_n3A_634 = arith.select %and3A_631, %sub3A_633, %div3A_612 : i32
    %dma_start3A_635 = arith.constant 0 : i32
    %dma_start3A_636 = arith.constant 0 : i32
    %dma_start3A_637 = arith.constant 0 : i32
    %dma_start3A_638 = tpu.memref_slice %arg6[%dma_start3A_635, %dma_start3A_636, %dma_start3A_637] : memref<384x1x128xf32, #tpu.memory_space<vmem>> -> memref<64x1x128xf32, #tpu.memory_space<vmem>>
    %dma_start3A_639 = arith.constant 0 : i32
    %dma_start3A_640 = arith.constant 0 : i32
    %dma_start3A_641 = tpu.memref_slice %arg4[%select_n3A_634, %dma_start3A_639, %dma_start3A_640] : memref<16384x4x128xf32, #tpu.memory_space<hbm>> -> memref<64x1x128xf32, #tpu.memory_space<hbm>>
    %dma_start3A_642 = arith.constant 0 : i32
    %dma_start3A_643 = arith.constant 0 : i32
    %dma_start3A_644 = tpu.memref_slice %arg4[%select_n3A_634, %dma_start3A_642, %dma_start3A_643] : memref<16384x4x128xf32, #tpu.memory_space<hbm>> -> memref<64x1x128xf32, #tpu.memory_space<hbm>>
    %dma_start3A_645 = arith.constant 0 : i32
    %dma_start3A_646 = arith.constant 0 : i32
    %dma_start3A_647 = arith.constant 0 : i32
    %dma_start3A_648 = tpu.memref_slice %arg6[%dma_start3A_645, %dma_start3A_646, %dma_start3A_647] : memref<384x1x128xf32, #tpu.memory_space<vmem>> -> memref<64x1x128xf32, #tpu.memory_space<vmem>>
    tpu.enqueue_dma source(%dma_start3A_648 : memref<64x1x128xf32, #tpu.memory_space<vmem>>) target(%dma_start3A_644 : memref<64x1x128xf32, #tpu.memory_space<hbm>>) target_semaphore(%arg10 : memref<!tpu.dma_semaphore, #tpu.memory_space<semaphore_mem>>)
    %dma_start3A_649 = arith.constant 64 : i32
    %dma_start3A_650 = arith.constant 0 : i32
    %dma_start3A_651 = arith.constant 0 : i32
    %dma_start3A_652 = tpu.memref_slice %arg6[%dma_start3A_649, %dma_start3A_650, %dma_start3A_651] : memref<384x1x128xf32, #tpu.memory_space<vmem>> -> memref<64x1x128xf32, #tpu.memory_space<vmem>>
    %dma_start3A_653 = arith.constant 1 : i32
    %dma_start3A_654 = arith.constant 0 : i32
    %dma_start3A_655 = tpu.memref_slice %arg4[%select_n3A_634, %dma_start3A_653, %dma_start3A_654] : memref<16384x4x128xf32, #tpu.memory_space<hbm>> -> memref<64x1x128xf32, #tpu.memory_space<hbm>>
    %dma_start3A_656 = arith.constant 1 : i32
    %dma_start3A_657 = arith.constant 0 : i32
    %dma_start3A_658 = tpu.memref_slice %arg4[%select_n3A_634, %dma_start3A_656, %dma_start3A_657] : memref<16384x4x128xf32, #tpu.memory_space<hbm>> -> memref<64x1x128xf32, #tpu.memory_space<hbm>>
    %dma_start3A_659 = arith.constant 64 : i32
    %dma_start3A_660 = arith.constant 0 : i32
    %dma_start3A_661 = arith.constant 0 : i32
    %dma_start3A_662 = tpu.memref_slice %arg6[%dma_start3A_659, %dma_start3A_660, %dma_start3A_661] : memref<384x1x128xf32, #tpu.memory_space<vmem>> -> memref<64x1x128xf32, #tpu.memory_space<vmem>>
    tpu.enqueue_dma source(%dma_start3A_662 : memref<64x1x128xf32, #tpu.memory_space<vmem>>) target(%dma_start3A_658 : memref<64x1x128xf32, #tpu.memory_space<hbm>>) target_semaphore(%arg10 : memref<!tpu.dma_semaphore, #tpu.memory_space<semaphore_mem>>)
    %dma_start3A_663 = arith.constant 128 : i32
    %dma_start3A_664 = arith.constant 0 : i32
    %dma_start3A_665 = arith.constant 0 : i32
    %dma_start3A_666 = tpu.memref_slice %arg6[%dma_start3A_663, %dma_start3A_664, %dma_start3A_665] : memref<384x1x128xf32, #tpu.memory_space<vmem>> -> memref<64x1x128xf32, #tpu.memory_space<vmem>>
    %dma_start3A_667 = arith.constant 2 : i32
    %dma_start3A_668 = arith.constant 0 : i32
    %dma_start3A_669 = tpu.memref_slice %arg4[%select_n3A_634, %dma_start3A_667, %dma_start3A_668] : memref<16384x4x128xf32, #tpu.memory_space<hbm>> -> memref<64x1x128xf32, #tpu.memory_space<hbm>>
    %dma_start3A_670 = arith.constant 2 : i32
    %dma_start3A_671 = arith.constant 0 : i32
    %dma_start3A_672 = tpu.memref_slice %arg4[%select_n3A_634, %dma_start3A_670, %dma_start3A_671] : memref<16384x4x128xf32, #tpu.memory_space<hbm>> -> memref<64x1x128xf32, #tpu.memory_space<hbm>>
    %dma_start3A_673 = arith.constant 128 : i32
    %dma_start3A_674 = arith.constant 0 : i32
    %dma_start3A_675 = arith.constant 0 : i32
    %dma_start3A_676 = tpu.memref_slice %arg6[%dma_start3A_673, %dma_start3A_674, %dma_start3A_675] : memref<384x1x128xf32, #tpu.memory_space<vmem>> -> memref<64x1x128xf32, #tpu.memory_space<vmem>>
    tpu.enqueue_dma source(%dma_start3A_676 : memref<64x1x128xf32, #tpu.memory_space<vmem>>) target(%dma_start3A_672 : memref<64x1x128xf32, #tpu.memory_space<hbm>>) target_semaphore(%arg10 : memref<!tpu.dma_semaphore, #tpu.memory_space<semaphore_mem>>)
    %mul3A_677 = arith.constant 65536 : i32
    %mul3A_678 = arith.muli %add3A, %mul3A_677 : i32
    %add3A_679 = arith.constant 49152 : i32
    %add3A_680 = arith.addi %mul3A_678, %add3A_679 : i32
    %dma_start3A_681 = arith.constant 0 : i32
    %dma_start3A_682 = tpu.memref_slice %arg5[%dma_start3A_681] : memref<16384xf32, #tpu.memory_space<vmem>> -> memref<8192xf32, #tpu.memory_space<vmem>>
    %dma_start3A_683 = tpu.memref_slice %arg2[%add3A_680] : memref<2097152xf32, #tpu.memory_space<hbm>> -> memref<8192xf32, #tpu.memory_space<hbm>>
    %dma_start3A_684 = arith.constant 0 : i32
    %dma_start3A_685 = tpu.memref_slice %arg5[%dma_start3A_684] : memref<16384xf32, #tpu.memory_space<vmem>> -> memref<8192xf32, #tpu.memory_space<vmem>>
    %dma_start3A_686 = tpu.memref_slice %arg2[%add3A_680] : memref<2097152xf32, #tpu.memory_space<hbm>> -> memref<8192xf32, #tpu.memory_space<hbm>>
    tpu.enqueue_dma source(%dma_start3A_686 : memref<8192xf32, #tpu.memory_space<hbm>>) target(%dma_start3A_685 : memref<8192xf32, #tpu.memory_space<vmem>>) target_semaphore(%arg8 : memref<!tpu.dma_semaphore, #tpu.memory_space<semaphore_mem>>)
    %dma_wait3A_687 = arith.constant 8192 : i32
    %dma_wait3A_688 = tpu.memref_slice %arg5[%dma_wait3A_687] : memref<16384xf32, #tpu.memory_space<vmem>> -> memref<8192xf32, #tpu.memory_space<vmem>>
    %dma_wait3A_689 = tpu.memref_slice %arg2[%add3A_549] : memref<2097152xf32, #tpu.memory_space<hbm>> -> memref<8192xf32, #tpu.memory_space<hbm>>
    %dma_wait3A_690 = arith.constant 8192 : i32
    %dma_wait3A_691 = tpu.memref_slice %arg5[%dma_wait3A_690] : memref<16384xf32, #tpu.memory_space<vmem>> -> memref<8192xf32, #tpu.memory_space<vmem>>
    %dma_wait3A_692 = tpu.memref_slice %arg2[%add3A_549] : memref<2097152xf32, #tpu.memory_space<hbm>> -> memref<8192xf32, #tpu.memory_space<hbm>>
    tpu.wait_dma2 semaphore(%arg9 : memref<!tpu.dma_semaphore, #tpu.memory_space<semaphore_mem>>) src(%dma_wait3A_692 : memref<8192xf32, #tpu.memory_space<hbm>>) dst(%dma_wait3A_691 : memref<8192xf32, #tpu.memory_space<vmem>>)
    %dma_wait3A_693 = arith.constant 192 : i32
    %dma_wait3A_694 = arith.constant 0 : i32
    %dma_wait3A_695 = arith.constant 0 : i32
    %dma_wait3A_696 = tpu.memref_slice %arg6[%dma_wait3A_693, %dma_wait3A_694, %dma_wait3A_695] : memref<384x1x128xf32, #tpu.memory_space<vmem>> -> memref<64x1x128xf32, #tpu.memory_space<vmem>>
    %dma_wait3A_697 = arith.constant 0 : i32
    %dma_wait3A_698 = arith.constant 0 : i32
    %dma_wait3A_699 = tpu.memref_slice %arg4[%select_n3A_503, %dma_wait3A_697, %dma_wait3A_698] : memref<16384x4x128xf32, #tpu.memory_space<hbm>> -> memref<64x1x128xf32, #tpu.memory_space<hbm>>
    %dma_wait3A_700 = arith.constant 0 : i32
    %dma_wait3A_701 = arith.constant 0 : i32
    %dma_wait3A_702 = tpu.memref_slice %arg4[%select_n3A_503, %dma_wait3A_700, %dma_wait3A_701] : memref<16384x4x128xf32, #tpu.memory_space<hbm>> -> memref<64x1x128xf32, #tpu.memory_space<hbm>>
    %dma_wait3A_703 = arith.constant 192 : i32
    %dma_wait3A_704 = arith.constant 0 : i32
    %dma_wait3A_705 = arith.constant 0 : i32
    %dma_wait3A_706 = tpu.memref_slice %arg6[%dma_wait3A_703, %dma_wait3A_704, %dma_wait3A_705] : memref<384x1x128xf32, #tpu.memory_space<vmem>> -> memref<64x1x128xf32, #tpu.memory_space<vmem>>
    tpu.wait_dma2 semaphore(%arg11 : memref<!tpu.dma_semaphore, #tpu.memory_space<semaphore_mem>>) src(%dma_wait3A_706 : memref<64x1x128xf32, #tpu.memory_space<vmem>>) dst(%dma_wait3A_702 : memref<64x1x128xf32, #tpu.memory_space<hbm>>)
    %dma_wait3A_707 = arith.constant 256 : i32
    %dma_wait3A_708 = arith.constant 0 : i32
    %dma_wait3A_709 = arith.constant 0 : i32
    %dma_wait3A_710 = tpu.memref_slice %arg6[%dma_wait3A_707, %dma_wait3A_708, %dma_wait3A_709] : memref<384x1x128xf32, #tpu.memory_space<vmem>> -> memref<64x1x128xf32, #tpu.memory_space<vmem>>
    %dma_wait3A_711 = arith.constant 1 : i32
    %dma_wait3A_712 = arith.constant 0 : i32
    %dma_wait3A_713 = tpu.memref_slice %arg4[%select_n3A_503, %dma_wait3A_711, %dma_wait3A_712] : memref<16384x4x128xf32, #tpu.memory_space<hbm>> -> memref<64x1x128xf32, #tpu.memory_space<hbm>>
    %dma_wait3A_714 = arith.constant 1 : i32
    %dma_wait3A_715 = arith.constant 0 : i32
    %dma_wait3A_716 = tpu.memref_slice %arg4[%select_n3A_503, %dma_wait3A_714, %dma_wait3A_715] : memref<16384x4x128xf32, #tpu.memory_space<hbm>> -> memref<64x1x128xf32, #tpu.memory_space<hbm>>
    %dma_wait3A_717 = arith.constant 256 : i32
    %dma_wait3A_718 = arith.constant 0 : i32
    %dma_wait3A_719 = arith.constant 0 : i32
    %dma_wait3A_720 = tpu.memref_slice %arg6[%dma_wait3A_717, %dma_wait3A_718, %dma_wait3A_719] : memref<384x1x128xf32, #tpu.memory_space<vmem>> -> memref<64x1x128xf32, #tpu.memory_space<vmem>>
    tpu.wait_dma2 semaphore(%arg11 : memref<!tpu.dma_semaphore, #tpu.memory_space<semaphore_mem>>) src(%dma_wait3A_720 : memref<64x1x128xf32, #tpu.memory_space<vmem>>) dst(%dma_wait3A_716 : memref<64x1x128xf32, #tpu.memory_space<hbm>>)
    %dma_wait3A_721 = arith.constant 320 : i32
    %dma_wait3A_722 = arith.constant 0 : i32
    %dma_wait3A_723 = arith.constant 0 : i32
    %dma_wait3A_724 = tpu.memref_slice %arg6[%dma_wait3A_721, %dma_wait3A_722, %dma_wait3A_723] : memref<384x1x128xf32, #tpu.memory_space<vmem>> -> memref<64x1x128xf32, #tpu.memory_space<vmem>>
    %dma_wait3A_725 = arith.constant 2 : i32
    %dma_wait3A_726 = arith.constant 0 : i32
    %dma_wait3A_727 = tpu.memref_slice %arg4[%select_n3A_503, %dma_wait3A_725, %dma_wait3A_726] : memref<16384x4x128xf32, #tpu.memory_space<hbm>> -> memref<64x1x128xf32, #tpu.memory_space<hbm>>
    %dma_wait3A_728 = arith.constant 2 : i32
    %dma_wait3A_729 = arith.constant 0 : i32
    %dma_wait3A_730 = tpu.memref_slice %arg4[%select_n3A_503, %dma_wait3A_728, %dma_wait3A_729] : memref<16384x4x128xf32, #tpu.memory_space<hbm>> -> memref<64x1x128xf32, #tpu.memory_space<hbm>>
    %dma_wait3A_731 = arith.constant 320 : i32
    %dma_wait3A_732 = arith.constant 0 : i32
    %dma_wait3A_733 = arith.constant 0 : i32
    %dma_wait3A_734 = tpu.memref_slice %arg6[%dma_wait3A_731, %dma_wait3A_732, %dma_wait3A_733] : memref<384x1x128xf32, #tpu.memory_space<vmem>> -> memref<64x1x128xf32, #tpu.memory_space<vmem>>
    tpu.wait_dma2 semaphore(%arg11 : memref<!tpu.dma_semaphore, #tpu.memory_space<semaphore_mem>>) src(%dma_wait3A_734 : memref<64x1x128xf32, #tpu.memory_space<vmem>>) dst(%dma_wait3A_730 : memref<64x1x128xf32, #tpu.memory_space<hbm>>)
    %parallel_loop3A_735 = arith.constant 0 : i32
    %parallel_loop3A_736 = arith.constant 512 : i32
    %parallel_loop3A_737 = arith.constant 1 : i32
    scf.for %parallel_loop3A_1144 = %parallel_loop3A_735 to %parallel_loop3A_736 step %parallel_loop3A_737  : i32 {
      %parallel_loop3A_1145 = arith.constant 40960 : i32
      %parallel_loop3A_1146 = arith.addi %sub3A_98, %parallel_loop3A_1145 : i32
      %parallel_loop3A_1147 = arith.constant 16 : i32
      %parallel_loop3A_1148 = arith.muli %parallel_loop3A_1144, %parallel_loop3A_1147 : i32
      %parallel_loop3A_1149 = arith.addi %parallel_loop3A_1146, %parallel_loop3A_1148 : i32
      %parallel_loop3A_1150 = arith.constant 10 : i32
      %parallel_loop3A_1151 = arith.shrui %parallel_loop3A_1149, %parallel_loop3A_1150 : i32
      %parallel_loop3A_1152 = arith.constant 3 : i32
      %parallel_loop3A_1153 = arith.andi %parallel_loop3A_1151, %parallel_loop3A_1152 : i32
      %parallel_loop3A_1154 = arith.constant 128 : i32
      %parallel_loop3A_1155 = arith.muli %parallel_loop3A_1153, %parallel_loop3A_1154 : i32
      %parallel_loop3A_1156 = arith.constant 127 : i32
      %parallel_loop3A_1157 = arith.andi %parallel_loop3A_1149, %parallel_loop3A_1156 : i32
      %parallel_loop3A_1158 = arith.addi %parallel_loop3A_1155, %parallel_loop3A_1157 : i32
      %parallel_loop3A_1159 = arith.constant 12 : i32
      %parallel_loop3A_1160 = arith.shrui %parallel_loop3A_1149, %parallel_loop3A_1159 : i32
      %parallel_loop3A_1161 = arith.constant 63 : i32
      %parallel_loop3A_1162 = arith.andi %parallel_loop3A_1160, %parallel_loop3A_1161 : i32
      %parallel_loop3A_1163 = arith.constant 8 : i32
      %parallel_loop3A_1164 = arith.muli %parallel_loop3A_1162, %parallel_loop3A_1163 : i32
      %parallel_loop3A_1165 = arith.constant 7 : i32
      %parallel_loop3A_1166 = arith.shrui %parallel_loop3A_1149, %parallel_loop3A_1165 : i32
      %parallel_loop3A_1167 = arith.constant 7 : i32
      %parallel_loop3A_1168 = arith.andi %parallel_loop3A_1166, %parallel_loop3A_1167 : i32
      %parallel_loop3A_1169 = arith.addi %parallel_loop3A_1164, %parallel_loop3A_1168 : i32
      %parallel_loop3A_1170 = vector.broadcast %parallel_loop3A_1158 : i32 to vector<16xi32>
      %parallel_loop3A_1171 = arith.addi %parallel_loop3A_1170, %iota3A : vector<16xi32>
      %parallel_loop3A_1172 = arith.sitofp %parallel_loop3A_1171 : vector<16xi32> to vector<16xf32>
      %parallel_loop3A_1173 = vector.broadcast %parallel_loop3A_1169 : i32 to vector<16xi32>
      %parallel_loop3A_1174 = arith.sitofp %parallel_loop3A_1173 : vector<16xi32> to vector<16xf32>
      %parallel_loop3A_1175 = vector.broadcast %mul3A_54 : f32 to vector<16xf32>
      %parallel_loop3A_1176 = arith.mulf %parallel_loop3A_1175, %parallel_loop3A_1172 : vector<16xf32>
      %parallel_loop3A_1177 = vector.broadcast %mul3A_58 : f32 to vector<16xf32>
      %parallel_loop3A_1178 = arith.mulf %parallel_loop3A_1177, %parallel_loop3A_1174 : vector<16xf32>
      %parallel_loop3A_1179 = vector.broadcast %add3A_85 : f32 to vector<16xf32>
      %parallel_loop3A_1180 = arith.addf %parallel_loop3A_1178, %parallel_loop3A_1179 : vector<16xf32>
      %parallel_loop3A_1181 = arith.addf %parallel_loop3A_1176, %parallel_loop3A_1180 : vector<16xf32>
      %parallel_loop3A_1182 = vector.broadcast %mul3A_64 : f32 to vector<16xf32>
      %parallel_loop3A_1183 = arith.mulf %parallel_loop3A_1182, %parallel_loop3A_1172 : vector<16xf32>
      %parallel_loop3A_1184 = vector.broadcast %mul3A_68 : f32 to vector<16xf32>
      %parallel_loop3A_1185 = arith.mulf %parallel_loop3A_1184, %parallel_loop3A_1174 : vector<16xf32>
      %parallel_loop3A_1186 = vector.broadcast %add3A_89 : f32 to vector<16xf32>
      %parallel_loop3A_1187 = arith.addf %parallel_loop3A_1185, %parallel_loop3A_1186 : vector<16xf32>
      %parallel_loop3A_1188 = arith.addf %parallel_loop3A_1183, %parallel_loop3A_1187 : vector<16xf32>
      %parallel_loop3A_1189 = vector.broadcast %mul3A_73 : f32 to vector<16xf32>
      %parallel_loop3A_1190 = arith.mulf %parallel_loop3A_1189, %parallel_loop3A_1172 : vector<16xf32>
      %parallel_loop3A_1191 = vector.broadcast %mul3A_77 : f32 to vector<16xf32>
      %parallel_loop3A_1192 = arith.mulf %parallel_loop3A_1191, %parallel_loop3A_1174 : vector<16xf32>
      %parallel_loop3A_1193 = vector.broadcast %add3A_93 : f32 to vector<16xf32>
      %parallel_loop3A_1194 = arith.addf %parallel_loop3A_1192, %parallel_loop3A_1193 : vector<16xf32>
      %parallel_loop3A_1195 = arith.addf %parallel_loop3A_1190, %parallel_loop3A_1194 : vector<16xf32>
      %parallel_loop3A_1196 = arith.constant 16 : i32
      %parallel_loop3A_1197 = arith.muli %parallel_loop3A_1144, %parallel_loop3A_1196 : i32
      %parallel_loop3A_1198 = arith.constant 8192 : i32
      %parallel_loop3A_1199 = arith.addi %parallel_loop3A_1198, %parallel_loop3A_1197 : i32
      %parallel_loop3A_1200 = arith.index_cast %parallel_loop3A_1199 : i32 to index
      %parallel_loop3A_1201 = tpu.vector_load %arg5[%parallel_loop3A_1200] {strides = array<i32>} : memref<16384xf32, #tpu.memory_space<vmem>>, vector<16xf32>,
      %parallel_loop3A_1202 = arith.constant 8 : i32
      %parallel_loop3A_1203 = arith.shrui %parallel_loop3A_1144, %parallel_loop3A_1202 : i32
      %parallel_loop3A_1204 = arith.constant 1 : i32
      %parallel_loop3A_1205 = arith.andi %parallel_loop3A_1203, %parallel_loop3A_1204 : i32
      %parallel_loop3A_1206 = arith.constant 32 : i32
      %parallel_loop3A_1207 = arith.muli %parallel_loop3A_1205, %parallel_loop3A_1206 : i32
      %parallel_loop3A_1208 = arith.constant 3 : i32
      %parallel_loop3A_1209 = arith.shrui %parallel_loop3A_1144, %parallel_loop3A_1208 : i32
      %parallel_loop3A_1210 = arith.constant 7 : i32
      %parallel_loop3A_1211 = arith.andi %parallel_loop3A_1209, %parallel_loop3A_1210 : i32
      %parallel_loop3A_1212 = arith.constant 4 : i32
      %parallel_loop3A_1213 = arith.muli %parallel_loop3A_1211, %parallel_loop3A_1212 : i32
      %parallel_loop3A_1214 = arith.addi %parallel_loop3A_1207, %parallel_loop3A_1213 : i32
      %parallel_loop3A_1215 = arith.constant 6 : i32
      %parallel_loop3A_1216 = arith.shrui %parallel_loop3A_1144, %parallel_loop3A_1215 : i32
      %parallel_loop3A_1217 = arith.constant 3 : i32
      %parallel_loop3A_1218 = arith.andi %parallel_loop3A_1216, %parallel_loop3A_1217 : i32
      %parallel_loop3A_1219 = arith.addi %parallel_loop3A_1214, %parallel_loop3A_1218 : i32
      %parallel_loop3A_1220 = arith.constant 7 : i32
      %parallel_loop3A_1221 = arith.andi %parallel_loop3A_1144, %parallel_loop3A_1220 : i32
      %parallel_loop3A_1222 = arith.constant 16 : i32
      %parallel_loop3A_1223 = arith.muli %parallel_loop3A_1221, %parallel_loop3A_1222 : i32
      %parallel_loop3A_1224 = arith.constant 192 : i32
      %parallel_loop3A_1225 = arith.addi %parallel_loop3A_1224, %parallel_loop3A_1219 : i32
      %parallel_loop3A_1226 = arith.mulf %parallel_loop3A_1201, %parallel_loop3A_1181 : vector<16xf32>
      %parallel_loop3A_1227 = arith.constant 0 : i32
      %parallel_loop3A_1228 = arith.index_cast %parallel_loop3A_1225 : i32 to index
      %parallel_loop3A_1229 = arith.index_cast %parallel_loop3A_1227 : i32 to index
      %parallel_loop3A_1230 = arith.index_cast %parallel_loop3A_1223 : i32 to index
      %parallel_loop3A_1231 = tpu.vector_load %arg6[%parallel_loop3A_1228, %parallel_loop3A_1229, %parallel_loop3A_1230] {strides = array<i32>} : memref<384x1x128xf32, #tpu.memory_space<vmem>>, vector<16xf32>,
      tpu.vector_store %arg6[%parallel_loop3A_1228, %parallel_loop3A_1229, %parallel_loop3A_1230], %parallel_loop3A_1226 {strides = array<i32>} : memref<384x1x128xf32, #tpu.memory_space<vmem>>, vector<16xf32>,
      %parallel_loop3A_1232 = arith.mulf %parallel_loop3A_1201, %parallel_loop3A_1188 : vector<16xf32>
      %parallel_loop3A_1233 = arith.constant 64 : i32
      %parallel_loop3A_1234 = arith.addi %parallel_loop3A_1225, %parallel_loop3A_1233 : i32
      %parallel_loop3A_1235 = arith.constant 0 : i32
      %parallel_loop3A_1236 = arith.index_cast %parallel_loop3A_1234 : i32 to index
      %parallel_loop3A_1237 = arith.index_cast %parallel_loop3A_1235 : i32 to index
      %parallel_loop3A_1238 = arith.index_cast %parallel_loop3A_1223 : i32 to index
      %parallel_loop3A_1239 = tpu.vector_load %arg6[%parallel_loop3A_1236, %parallel_loop3A_1237, %parallel_loop3A_1238] {strides = array<i32>} : memref<384x1x128xf32, #tpu.memory_space<vmem>>, vector<16xf32>,
      tpu.vector_store %arg6[%parallel_loop3A_1236, %parallel_loop3A_1237, %parallel_loop3A_1238], %parallel_loop3A_1232 {strides = array<i32>} : memref<384x1x128xf32, #tpu.memory_space<vmem>>, vector<16xf32>,
      %parallel_loop3A_1240 = arith.mulf %parallel_loop3A_1201, %parallel_loop3A_1195 : vector<16xf32>
      %parallel_loop3A_1241 = arith.constant 128 : i32
      %parallel_loop3A_1242 = arith.addi %parallel_loop3A_1225, %parallel_loop3A_1241 : i32
      %parallel_loop3A_1243 = arith.constant 0 : i32
      %parallel_loop3A_1244 = arith.index_cast %parallel_loop3A_1242 : i32 to index
      %parallel_loop3A_1245 = arith.index_cast %parallel_loop3A_1243 : i32 to index
      %parallel_loop3A_1246 = arith.index_cast %parallel_loop3A_1223 : i32 to index
      %parallel_loop3A_1247 = tpu.vector_load %arg6[%parallel_loop3A_1244, %parallel_loop3A_1245, %parallel_loop3A_1246] {strides = array<i32>} : memref<384x1x128xf32, #tpu.memory_space<vmem>>, vector<16xf32>,
      tpu.vector_store %arg6[%parallel_loop3A_1244, %parallel_loop3A_1245, %parallel_loop3A_1246], %parallel_loop3A_1240 {strides = array<i32>} : memref<384x1x128xf32, #tpu.memory_space<vmem>>, vector<16xf32>,
    } {sc.loop_unroll_factor = 4 : i64, sc.parallel_access}
    %mul3A_738 = arith.constant 65536 : i32
    %mul3A_739 = arith.muli %add3A, %mul3A_738 : i32
    %add3A_740 = arith.constant 40960 : i32
    %add3A_741 = arith.addi %mul3A_739, %add3A_740 : i32
    %jit3A_742 = arith.constant 128 : i32
    %div3A_743 = arith.divsi %add3A_741, %jit3A_742 : i32
    %sign3A_744 = arith.constant 0 : i32
    %sign3A_745 = arith.cmpi sgt, %add3A_741, %sign3A_744 : i32
    %sign3A_746 = arith.extui %sign3A_745 : i1 to i32
    %sign3A_747 = arith.constant 0 : i32
    %sign3A_748 = arith.cmpi slt, %add3A_741, %sign3A_747 : i32
    %sign3A_749 = arith.extui %sign3A_748 : i1 to i32
    %sign3A_750 = arith.subi %sign3A_746, %sign3A_749 : i32
    %sign3A_751 = arith.constant 0 : i32
    %sign3A_752 = arith.cmpi sgt, %jit3A_742, %sign3A_751 : i32
    %sign3A_753 = arith.extui %sign3A_752 : i1 to i32
    %sign3A_754 = arith.constant 0 : i32
    %sign3A_755 = arith.cmpi slt, %jit3A_742, %sign3A_754 : i32
    %sign3A_756 = arith.extui %sign3A_755 : i1 to i32
    %sign3A_757 = arith.subi %sign3A_753, %sign3A_756 : i32
    %ne3A_758 = arith.cmpi ne, %sign3A_750, %sign3A_757 : i32
    %rem3A_759 = arith.remsi %add3A_741, %jit3A_742 : i32
    %ne3A_760 = arith.constant 0 : i32
    %ne3A_761 = arith.cmpi ne, %rem3A_759, %ne3A_760 : i32
    %and3A_762 = arith.andi %ne3A_758, %ne3A_761 : i1
    %sub3A_763 = arith.constant 1 : i32
    %sub3A_764 = arith.subi %div3A_743, %sub3A_763 : i32
    %select_n3A_765 = arith.select %and3A_762, %sub3A_764, %div3A_743 : i32
    %dma_start3A_766 = arith.constant 192 : i32
    %dma_start3A_767 = arith.constant 0 : i32
    %dma_start3A_768 = arith.constant 0 : i32
    %dma_start3A_769 = tpu.memref_slice %arg6[%dma_start3A_766, %dma_start3A_767, %dma_start3A_768] : memref<384x1x128xf32, #tpu.memory_space<vmem>> -> memref<64x1x128xf32, #tpu.memory_space<vmem>>
    %dma_start3A_770 = arith.constant 0 : i32
    %dma_start3A_771 = arith.constant 0 : i32
    %dma_start3A_772 = tpu.memref_slice %arg4[%select_n3A_765, %dma_start3A_770, %dma_start3A_771] : memref<16384x4x128xf32, #tpu.memory_space<hbm>> -> memref<64x1x128xf32, #tpu.memory_space<hbm>>
    %dma_start3A_773 = arith.constant 0 : i32
    %dma_start3A_774 = arith.constant 0 : i32
    %dma_start3A_775 = tpu.memref_slice %arg4[%select_n3A_765, %dma_start3A_773, %dma_start3A_774] : memref<16384x4x128xf32, #tpu.memory_space<hbm>> -> memref<64x1x128xf32, #tpu.memory_space<hbm>>
    %dma_start3A_776 = arith.constant 192 : i32
    %dma_start3A_777 = arith.constant 0 : i32
    %dma_start3A_778 = arith.constant 0 : i32
    %dma_start3A_779 = tpu.memref_slice %arg6[%dma_start3A_776, %dma_start3A_777, %dma_start3A_778] : memref<384x1x128xf32, #tpu.memory_space<vmem>> -> memref<64x1x128xf32, #tpu.memory_space<vmem>>
    tpu.enqueue_dma source(%dma_start3A_779 : memref<64x1x128xf32, #tpu.memory_space<vmem>>) target(%dma_start3A_775 : memref<64x1x128xf32, #tpu.memory_space<hbm>>) target_semaphore(%arg11 : memref<!tpu.dma_semaphore, #tpu.memory_space<semaphore_mem>>)
    %dma_start3A_780 = arith.constant 256 : i32
    %dma_start3A_781 = arith.constant 0 : i32
    %dma_start3A_782 = arith.constant 0 : i32
    %dma_start3A_783 = tpu.memref_slice %arg6[%dma_start3A_780, %dma_start3A_781, %dma_start3A_782] : memref<384x1x128xf32, #tpu.memory_space<vmem>> -> memref<64x1x128xf32, #tpu.memory_space<vmem>>
    %dma_start3A_784 = arith.constant 1 : i32
    %dma_start3A_785 = arith.constant 0 : i32
    %dma_start3A_786 = tpu.memref_slice %arg4[%select_n3A_765, %dma_start3A_784, %dma_start3A_785] : memref<16384x4x128xf32, #tpu.memory_space<hbm>> -> memref<64x1x128xf32, #tpu.memory_space<hbm>>
    %dma_start3A_787 = arith.constant 1 : i32
    %dma_start3A_788 = arith.constant 0 : i32
    %dma_start3A_789 = tpu.memref_slice %arg4[%select_n3A_765, %dma_start3A_787, %dma_start3A_788] : memref<16384x4x128xf32, #tpu.memory_space<hbm>> -> memref<64x1x128xf32, #tpu.memory_space<hbm>>
    %dma_start3A_790 = arith.constant 256 : i32
    %dma_start3A_791 = arith.constant 0 : i32
    %dma_start3A_792 = arith.constant 0 : i32
    %dma_start3A_793 = tpu.memref_slice %arg6[%dma_start3A_790, %dma_start3A_791, %dma_start3A_792] : memref<384x1x128xf32, #tpu.memory_space<vmem>> -> memref<64x1x128xf32, #tpu.memory_space<vmem>>
    tpu.enqueue_dma source(%dma_start3A_793 : memref<64x1x128xf32, #tpu.memory_space<vmem>>) target(%dma_start3A_789 : memref<64x1x128xf32, #tpu.memory_space<hbm>>) target_semaphore(%arg11 : memref<!tpu.dma_semaphore, #tpu.memory_space<semaphore_mem>>)
    %dma_start3A_794 = arith.constant 320 : i32
    %dma_start3A_795 = arith.constant 0 : i32
    %dma_start3A_796 = arith.constant 0 : i32
    %dma_start3A_797 = tpu.memref_slice %arg6[%dma_start3A_794, %dma_start3A_795, %dma_start3A_796] : memref<384x1x128xf32, #tpu.memory_space<vmem>> -> memref<64x1x128xf32, #tpu.memory_space<vmem>>
    %dma_start3A_798 = arith.constant 2 : i32
    %dma_start3A_799 = arith.constant 0 : i32
    %dma_start3A_800 = tpu.memref_slice %arg4[%select_n3A_765, %dma_start3A_798, %dma_start3A_799] : memref<16384x4x128xf32, #tpu.memory_space<hbm>> -> memref<64x1x128xf32, #tpu.memory_space<hbm>>
    %dma_start3A_801 = arith.constant 2 : i32
    %dma_start3A_802 = arith.constant 0 : i32
    %dma_start3A_803 = tpu.memref_slice %arg4[%select_n3A_765, %dma_start3A_801, %dma_start3A_802] : memref<16384x4x128xf32, #tpu.memory_space<hbm>> -> memref<64x1x128xf32, #tpu.memory_space<hbm>>
    %dma_start3A_804 = arith.constant 320 : i32
    %dma_start3A_805 = arith.constant 0 : i32
    %dma_start3A_806 = arith.constant 0 : i32
    %dma_start3A_807 = tpu.memref_slice %arg6[%dma_start3A_804, %dma_start3A_805, %dma_start3A_806] : memref<384x1x128xf32, #tpu.memory_space<vmem>> -> memref<64x1x128xf32, #tpu.memory_space<vmem>>
    tpu.enqueue_dma source(%dma_start3A_807 : memref<64x1x128xf32, #tpu.memory_space<vmem>>) target(%dma_start3A_803 : memref<64x1x128xf32, #tpu.memory_space<hbm>>) target_semaphore(%arg11 : memref<!tpu.dma_semaphore, #tpu.memory_space<semaphore_mem>>)
    %mul3A_808 = arith.constant 65536 : i32
    %mul3A_809 = arith.muli %add3A, %mul3A_808 : i32
    %add3A_810 = arith.constant 57344 : i32
    %add3A_811 = arith.addi %mul3A_809, %add3A_810 : i32
    %dma_start3A_812 = arith.constant 8192 : i32
    %dma_start3A_813 = tpu.memref_slice %arg5[%dma_start3A_812] : memref<16384xf32, #tpu.memory_space<vmem>> -> memref<8192xf32, #tpu.memory_space<vmem>>
    %dma_start3A_814 = tpu.memref_slice %arg2[%add3A_811] : memref<2097152xf32, #tpu.memory_space<hbm>> -> memref<8192xf32, #tpu.memory_space<hbm>>
    %dma_start3A_815 = arith.constant 8192 : i32
    %dma_start3A_816 = tpu.memref_slice %arg5[%dma_start3A_815] : memref<16384xf32, #tpu.memory_space<vmem>> -> memref<8192xf32, #tpu.memory_space<vmem>>
    %dma_start3A_817 = tpu.memref_slice %arg2[%add3A_811] : memref<2097152xf32, #tpu.memory_space<hbm>> -> memref<8192xf32, #tpu.memory_space<hbm>>
    tpu.enqueue_dma source(%dma_start3A_817 : memref<8192xf32, #tpu.memory_space<hbm>>) target(%dma_start3A_816 : memref<8192xf32, #tpu.memory_space<vmem>>) target_semaphore(%arg9 : memref<!tpu.dma_semaphore, #tpu.memory_space<semaphore_mem>>)
    %dma_wait3A_818 = arith.constant 0 : i32
    %dma_wait3A_819 = tpu.memref_slice %arg5[%dma_wait3A_818] : memref<16384xf32, #tpu.memory_space<vmem>> -> memref<8192xf32, #tpu.memory_space<vmem>>
    %dma_wait3A_820 = tpu.memref_slice %arg2[%add3A_680] : memref<2097152xf32, #tpu.memory_space<hbm>> -> memref<8192xf32, #tpu.memory_space<hbm>>
    %dma_wait3A_821 = arith.constant 0 : i32
    %dma_wait3A_822 = tpu.memref_slice %arg5[%dma_wait3A_821] : memref<16384xf32, #tpu.memory_space<vmem>> -> memref<8192xf32, #tpu.memory_space<vmem>>
    %dma_wait3A_823 = tpu.memref_slice %arg2[%add3A_680] : memref<2097152xf32, #tpu.memory_space<hbm>> -> memref<8192xf32, #tpu.memory_space<hbm>>
    tpu.wait_dma2 semaphore(%arg8 : memref<!tpu.dma_semaphore, #tpu.memory_space<semaphore_mem>>) src(%dma_wait3A_823 : memref<8192xf32, #tpu.memory_space<hbm>>) dst(%dma_wait3A_822 : memref<8192xf32, #tpu.memory_space<vmem>>)
    %dma_wait3A_824 = arith.constant 0 : i32
    %dma_wait3A_825 = arith.constant 0 : i32
    %dma_wait3A_826 = arith.constant 0 : i32
    %dma_wait3A_827 = tpu.memref_slice %arg6[%dma_wait3A_824, %dma_wait3A_825, %dma_wait3A_826] : memref<384x1x128xf32, #tpu.memory_space<vmem>> -> memref<64x1x128xf32, #tpu.memory_space<vmem>>
    %dma_wait3A_828 = arith.constant 0 : i32
    %dma_wait3A_829 = arith.constant 0 : i32
    %dma_wait3A_830 = tpu.memref_slice %arg4[%select_n3A_634, %dma_wait3A_828, %dma_wait3A_829] : memref<16384x4x128xf32, #tpu.memory_space<hbm>> -> memref<64x1x128xf32, #tpu.memory_space<hbm>>
    %dma_wait3A_831 = arith.constant 0 : i32
    %dma_wait3A_832 = arith.constant 0 : i32
    %dma_wait3A_833 = tpu.memref_slice %arg4[%select_n3A_634, %dma_wait3A_831, %dma_wait3A_832] : memref<16384x4x128xf32, #tpu.memory_space<hbm>> -> memref<64x1x128xf32, #tpu.memory_space<hbm>>
    %dma_wait3A_834 = arith.constant 0 : i32
    %dma_wait3A_835 = arith.constant 0 : i32
    %dma_wait3A_836 = arith.constant 0 : i32
    %dma_wait3A_837 = tpu.memref_slice %arg6[%dma_wait3A_834, %dma_wait3A_835, %dma_wait3A_836] : memref<384x1x128xf32, #tpu.memory_space<vmem>> -> memref<64x1x128xf32, #tpu.memory_space<vmem>>
    tpu.wait_dma2 semaphore(%arg10 : memref<!tpu.dma_semaphore, #tpu.memory_space<semaphore_mem>>) src(%dma_wait3A_837 : memref<64x1x128xf32, #tpu.memory_space<vmem>>) dst(%dma_wait3A_833 : memref<64x1x128xf32, #tpu.memory_space<hbm>>)
    %dma_wait3A_838 = arith.constant 64 : i32
    %dma_wait3A_839 = arith.constant 0 : i32
    %dma_wait3A_840 = arith.constant 0 : i32
    %dma_wait3A_841 = tpu.memref_slice %arg6[%dma_wait3A_838, %dma_wait3A_839, %dma_wait3A_840] : memref<384x1x128xf32, #tpu.memory_space<vmem>> -> memref<64x1x128xf32, #tpu.memory_space<vmem>>
    %dma_wait3A_842 = arith.constant 1 : i32
    %dma_wait3A_843 = arith.constant 0 : i32
    %dma_wait3A_844 = tpu.memref_slice %arg4[%select_n3A_634, %dma_wait3A_842, %dma_wait3A_843] : memref<16384x4x128xf32, #tpu.memory_space<hbm>> -> memref<64x1x128xf32, #tpu.memory_space<hbm>>
    %dma_wait3A_845 = arith.constant 1 : i32
    %dma_wait3A_846 = arith.constant 0 : i32
    %dma_wait3A_847 = tpu.memref_slice %arg4[%select_n3A_634, %dma_wait3A_845, %dma_wait3A_846] : memref<16384x4x128xf32, #tpu.memory_space<hbm>> -> memref<64x1x128xf32, #tpu.memory_space<hbm>>
    %dma_wait3A_848 = arith.constant 64 : i32
    %dma_wait3A_849 = arith.constant 0 : i32
    %dma_wait3A_850 = arith.constant 0 : i32
    %dma_wait3A_851 = tpu.memref_slice %arg6[%dma_wait3A_848, %dma_wait3A_849, %dma_wait3A_850] : memref<384x1x128xf32, #tpu.memory_space<vmem>> -> memref<64x1x128xf32, #tpu.memory_space<vmem>>
    tpu.wait_dma2 semaphore(%arg10 : memref<!tpu.dma_semaphore, #tpu.memory_space<semaphore_mem>>) src(%dma_wait3A_851 : memref<64x1x128xf32, #tpu.memory_space<vmem>>) dst(%dma_wait3A_847 : memref<64x1x128xf32, #tpu.memory_space<hbm>>)
    %dma_wait3A_852 = arith.constant 128 : i32
    %dma_wait3A_853 = arith.constant 0 : i32
    %dma_wait3A_854 = arith.constant 0 : i32
    %dma_wait3A_855 = tpu.memref_slice %arg6[%dma_wait3A_852, %dma_wait3A_853, %dma_wait3A_854] : memref<384x1x128xf32, #tpu.memory_space<vmem>> -> memref<64x1x128xf32, #tpu.memory_space<vmem>>
    %dma_wait3A_856 = arith.constant 2 : i32
    %dma_wait3A_857 = arith.constant 0 : i32
    %dma_wait3A_858 = tpu.memref_slice %arg4[%select_n3A_634, %dma_wait3A_856, %dma_wait3A_857] : memref<16384x4x128xf32, #tpu.memory_space<hbm>> -> memref<64x1x128xf32, #tpu.memory_space<hbm>>
    %dma_wait3A_859 = arith.constant 2 : i32
    %dma_wait3A_860 = arith.constant 0 : i32
    %dma_wait3A_861 = tpu.memref_slice %arg4[%select_n3A_634, %dma_wait3A_859, %dma_wait3A_860] : memref<16384x4x128xf32, #tpu.memory_space<hbm>> -> memref<64x1x128xf32, #tpu.memory_space<hbm>>
    %dma_wait3A_862 = arith.constant 128 : i32
    %dma_wait3A_863 = arith.constant 0 : i32
    %dma_wait3A_864 = arith.constant 0 : i32
    %dma_wait3A_865 = tpu.memref_slice %arg6[%dma_wait3A_862, %dma_wait3A_863, %dma_wait3A_864] : memref<384x1x128xf32, #tpu.memory_space<vmem>> -> memref<64x1x128xf32, #tpu.memory_space<vmem>>
    tpu.wait_dma2 semaphore(%arg10 : memref<!tpu.dma_semaphore, #tpu.memory_space<semaphore_mem>>) src(%dma_wait3A_865 : memref<64x1x128xf32, #tpu.memory_space<vmem>>) dst(%dma_wait3A_861 : memref<64x1x128xf32, #tpu.memory_space<hbm>>)
    %parallel_loop3A_866 = arith.constant 0 : i32
    %parallel_loop3A_867 = arith.constant 512 : i32
    %parallel_loop3A_868 = arith.constant 1 : i32
    scf.for %parallel_loop3A_1144 = %parallel_loop3A_866 to %parallel_loop3A_867 step %parallel_loop3A_868  : i32 {
      %parallel_loop3A_1145 = arith.constant 49152 : i32
      %parallel_loop3A_1146 = arith.addi %sub3A_98, %parallel_loop3A_1145 : i32
      %parallel_loop3A_1147 = arith.constant 16 : i32
      %parallel_loop3A_1148 = arith.muli %parallel_loop3A_1144, %parallel_loop3A_1147 : i32
      %parallel_loop3A_1149 = arith.addi %parallel_loop3A_1146, %parallel_loop3A_1148 : i32
      %parallel_loop3A_1150 = arith.constant 10 : i32
      %parallel_loop3A_1151 = arith.shrui %parallel_loop3A_1149, %parallel_loop3A_1150 : i32
      %parallel_loop3A_1152 = arith.constant 3 : i32
      %parallel_loop3A_1153 = arith.andi %parallel_loop3A_1151, %parallel_loop3A_1152 : i32
      %parallel_loop3A_1154 = arith.constant 128 : i32
      %parallel_loop3A_1155 = arith.muli %parallel_loop3A_1153, %parallel_loop3A_1154 : i32
      %parallel_loop3A_1156 = arith.constant 127 : i32
      %parallel_loop3A_1157 = arith.andi %parallel_loop3A_1149, %parallel_loop3A_1156 : i32
      %parallel_loop3A_1158 = arith.addi %parallel_loop3A_1155, %parallel_loop3A_1157 : i32
      %parallel_loop3A_1159 = arith.constant 12 : i32
      %parallel_loop3A_1160 = arith.shrui %parallel_loop3A_1149, %parallel_loop3A_1159 : i32
      %parallel_loop3A_1161 = arith.constant 63 : i32
      %parallel_loop3A_1162 = arith.andi %parallel_loop3A_1160, %parallel_loop3A_1161 : i32
      %parallel_loop3A_1163 = arith.constant 8 : i32
      %parallel_loop3A_1164 = arith.muli %parallel_loop3A_1162, %parallel_loop3A_1163 : i32
      %parallel_loop3A_1165 = arith.constant 7 : i32
      %parallel_loop3A_1166 = arith.shrui %parallel_loop3A_1149, %parallel_loop3A_1165 : i32
      %parallel_loop3A_1167 = arith.constant 7 : i32
      %parallel_loop3A_1168 = arith.andi %parallel_loop3A_1166, %parallel_loop3A_1167 : i32
      %parallel_loop3A_1169 = arith.addi %parallel_loop3A_1164, %parallel_loop3A_1168 : i32
      %parallel_loop3A_1170 = vector.broadcast %parallel_loop3A_1158 : i32 to vector<16xi32>
      %parallel_loop3A_1171 = arith.addi %parallel_loop3A_1170, %iota3A : vector<16xi32>
      %parallel_loop3A_1172 = arith.sitofp %parallel_loop3A_1171 : vector<16xi32> to vector<16xf32>
      %parallel_loop3A_1173 = vector.broadcast %parallel_loop3A_1169 : i32 to vector<16xi32>
      %parallel_loop3A_1174 = arith.sitofp %parallel_loop3A_1173 : vector<16xi32> to vector<16xf32>
      %parallel_loop3A_1175 = vector.broadcast %mul3A_54 : f32 to vector<16xf32>
      %parallel_loop3A_1176 = arith.mulf %parallel_loop3A_1175, %parallel_loop3A_1172 : vector<16xf32>
      %parallel_loop3A_1177 = vector.broadcast %mul3A_58 : f32 to vector<16xf32>
      %parallel_loop3A_1178 = arith.mulf %parallel_loop3A_1177, %parallel_loop3A_1174 : vector<16xf32>
      %parallel_loop3A_1179 = vector.broadcast %add3A_85 : f32 to vector<16xf32>
      %parallel_loop3A_1180 = arith.addf %parallel_loop3A_1178, %parallel_loop3A_1179 : vector<16xf32>
      %parallel_loop3A_1181 = arith.addf %parallel_loop3A_1176, %parallel_loop3A_1180 : vector<16xf32>
      %parallel_loop3A_1182 = vector.broadcast %mul3A_64 : f32 to vector<16xf32>
      %parallel_loop3A_1183 = arith.mulf %parallel_loop3A_1182, %parallel_loop3A_1172 : vector<16xf32>
      %parallel_loop3A_1184 = vector.broadcast %mul3A_68 : f32 to vector<16xf32>
      %parallel_loop3A_1185 = arith.mulf %parallel_loop3A_1184, %parallel_loop3A_1174 : vector<16xf32>
      %parallel_loop3A_1186 = vector.broadcast %add3A_89 : f32 to vector<16xf32>
      %parallel_loop3A_1187 = arith.addf %parallel_loop3A_1185, %parallel_loop3A_1186 : vector<16xf32>
      %parallel_loop3A_1188 = arith.addf %parallel_loop3A_1183, %parallel_loop3A_1187 : vector<16xf32>
      %parallel_loop3A_1189 = vector.broadcast %mul3A_73 : f32 to vector<16xf32>
      %parallel_loop3A_1190 = arith.mulf %parallel_loop3A_1189, %parallel_loop3A_1172 : vector<16xf32>
      %parallel_loop3A_1191 = vector.broadcast %mul3A_77 : f32 to vector<16xf32>
      %parallel_loop3A_1192 = arith.mulf %parallel_loop3A_1191, %parallel_loop3A_1174 : vector<16xf32>
      %parallel_loop3A_1193 = vector.broadcast %add3A_93 : f32 to vector<16xf32>
      %parallel_loop3A_1194 = arith.addf %parallel_loop3A_1192, %parallel_loop3A_1193 : vector<16xf32>
      %parallel_loop3A_1195 = arith.addf %parallel_loop3A_1190, %parallel_loop3A_1194 : vector<16xf32>
      %parallel_loop3A_1196 = arith.constant 16 : i32
      %parallel_loop3A_1197 = arith.muli %parallel_loop3A_1144, %parallel_loop3A_1196 : i32
      %parallel_loop3A_1198 = arith.constant 0 : i32
      %parallel_loop3A_1199 = arith.addi %parallel_loop3A_1198, %parallel_loop3A_1197 : i32
      %parallel_loop3A_1200 = arith.index_cast %parallel_loop3A_1199 : i32 to index
      %parallel_loop3A_1201 = tpu.vector_load %arg5[%parallel_loop3A_1200] {strides = array<i32>} : memref<16384xf32, #tpu.memory_space<vmem>>, vector<16xf32>,
      %parallel_loop3A_1202 = arith.constant 8 : i32
      %parallel_loop3A_1203 = arith.shrui %parallel_loop3A_1144, %parallel_loop3A_1202 : i32
      %parallel_loop3A_1204 = arith.constant 1 : i32
      %parallel_loop3A_1205 = arith.andi %parallel_loop3A_1203, %parallel_loop3A_1204 : i32
      %parallel_loop3A_1206 = arith.constant 32 : i32
      %parallel_loop3A_1207 = arith.muli %parallel_loop3A_1205, %parallel_loop3A_1206 : i32
      %parallel_loop3A_1208 = arith.constant 3 : i32
      %parallel_loop3A_1209 = arith.shrui %parallel_loop3A_1144, %parallel_loop3A_1208 : i32
      %parallel_loop3A_1210 = arith.constant 7 : i32
      %parallel_loop3A_1211 = arith.andi %parallel_loop3A_1209, %parallel_loop3A_1210 : i32
      %parallel_loop3A_1212 = arith.constant 4 : i32
      %parallel_loop3A_1213 = arith.muli %parallel_loop3A_1211, %parallel_loop3A_1212 : i32
      %parallel_loop3A_1214 = arith.addi %parallel_loop3A_1207, %parallel_loop3A_1213 : i32
      %parallel_loop3A_1215 = arith.constant 6 : i32
      %parallel_loop3A_1216 = arith.shrui %parallel_loop3A_1144, %parallel_loop3A_1215 : i32
      %parallel_loop3A_1217 = arith.constant 3 : i32
      %parallel_loop3A_1218 = arith.andi %parallel_loop3A_1216, %parallel_loop3A_1217 : i32
      %parallel_loop3A_1219 = arith.addi %parallel_loop3A_1214, %parallel_loop3A_1218 : i32
      %parallel_loop3A_1220 = arith.constant 7 : i32
      %parallel_loop3A_1221 = arith.andi %parallel_loop3A_1144, %parallel_loop3A_1220 : i32
      %parallel_loop3A_1222 = arith.constant 16 : i32
      %parallel_loop3A_1223 = arith.muli %parallel_loop3A_1221, %parallel_loop3A_1222 : i32
      %parallel_loop3A_1224 = arith.constant 0 : i32
      %parallel_loop3A_1225 = arith.addi %parallel_loop3A_1224, %parallel_loop3A_1219 : i32
      %parallel_loop3A_1226 = arith.mulf %parallel_loop3A_1201, %parallel_loop3A_1181 : vector<16xf32>
      %parallel_loop3A_1227 = arith.constant 0 : i32
      %parallel_loop3A_1228 = arith.index_cast %parallel_loop3A_1225 : i32 to index
      %parallel_loop3A_1229 = arith.index_cast %parallel_loop3A_1227 : i32 to index
      %parallel_loop3A_1230 = arith.index_cast %parallel_loop3A_1223 : i32 to index
      %parallel_loop3A_1231 = tpu.vector_load %arg6[%parallel_loop3A_1228, %parallel_loop3A_1229, %parallel_loop3A_1230] {strides = array<i32>} : memref<384x1x128xf32, #tpu.memory_space<vmem>>, vector<16xf32>,
      tpu.vector_store %arg6[%parallel_loop3A_1228, %parallel_loop3A_1229, %parallel_loop3A_1230], %parallel_loop3A_1226 {strides = array<i32>} : memref<384x1x128xf32, #tpu.memory_space<vmem>>, vector<16xf32>,
      %parallel_loop3A_1232 = arith.mulf %parallel_loop3A_1201, %parallel_loop3A_1188 : vector<16xf32>
      %parallel_loop3A_1233 = arith.constant 64 : i32
      %parallel_loop3A_1234 = arith.addi %parallel_loop3A_1225, %parallel_loop3A_1233 : i32
      %parallel_loop3A_1235 = arith.constant 0 : i32
      %parallel_loop3A_1236 = arith.index_cast %parallel_loop3A_1234 : i32 to index
      %parallel_loop3A_1237 = arith.index_cast %parallel_loop3A_1235 : i32 to index
      %parallel_loop3A_1238 = arith.index_cast %parallel_loop3A_1223 : i32 to index
      %parallel_loop3A_1239 = tpu.vector_load %arg6[%parallel_loop3A_1236, %parallel_loop3A_1237, %parallel_loop3A_1238] {strides = array<i32>} : memref<384x1x128xf32, #tpu.memory_space<vmem>>, vector<16xf32>,
      tpu.vector_store %arg6[%parallel_loop3A_1236, %parallel_loop3A_1237, %parallel_loop3A_1238], %parallel_loop3A_1232 {strides = array<i32>} : memref<384x1x128xf32, #tpu.memory_space<vmem>>, vector<16xf32>,
      %parallel_loop3A_1240 = arith.mulf %parallel_loop3A_1201, %parallel_loop3A_1195 : vector<16xf32>
      %parallel_loop3A_1241 = arith.constant 128 : i32
      %parallel_loop3A_1242 = arith.addi %parallel_loop3A_1225, %parallel_loop3A_1241 : i32
      %parallel_loop3A_1243 = arith.constant 0 : i32
      %parallel_loop3A_1244 = arith.index_cast %parallel_loop3A_1242 : i32 to index
      %parallel_loop3A_1245 = arith.index_cast %parallel_loop3A_1243 : i32 to index
      %parallel_loop3A_1246 = arith.index_cast %parallel_loop3A_1223 : i32 to index
      %parallel_loop3A_1247 = tpu.vector_load %arg6[%parallel_loop3A_1244, %parallel_loop3A_1245, %parallel_loop3A_1246] {strides = array<i32>} : memref<384x1x128xf32, #tpu.memory_space<vmem>>, vector<16xf32>,
      tpu.vector_store %arg6[%parallel_loop3A_1244, %parallel_loop3A_1245, %parallel_loop3A_1246], %parallel_loop3A_1240 {strides = array<i32>} : memref<384x1x128xf32, #tpu.memory_space<vmem>>, vector<16xf32>,
    } {sc.loop_unroll_factor = 4 : i64, sc.parallel_access}
    %mul3A_869 = arith.constant 65536 : i32
    %mul3A_870 = arith.muli %add3A, %mul3A_869 : i32
    %add3A_871 = arith.constant 49152 : i32
    %add3A_872 = arith.addi %mul3A_870, %add3A_871 : i32
    %jit3A_873 = arith.constant 128 : i32
    %div3A_874 = arith.divsi %add3A_872, %jit3A_873 : i32
    %sign3A_875 = arith.constant 0 : i32
    %sign3A_876 = arith.cmpi sgt, %add3A_872, %sign3A_875 : i32
    %sign3A_877 = arith.extui %sign3A_876 : i1 to i32
    %sign3A_878 = arith.constant 0 : i32
    %sign3A_879 = arith.cmpi slt, %add3A_872, %sign3A_878 : i32
    %sign3A_880 = arith.extui %sign3A_879 : i1 to i32
    %sign3A_881 = arith.subi %sign3A_877, %sign3A_880 : i32
    %sign3A_882 = arith.constant 0 : i32
    %sign3A_883 = arith.cmpi sgt, %jit3A_873, %sign3A_882 : i32
    %sign3A_884 = arith.extui %sign3A_883 : i1 to i32
    %sign3A_885 = arith.constant 0 : i32
    %sign3A_886 = arith.cmpi slt, %jit3A_873, %sign3A_885 : i32
    %sign3A_887 = arith.extui %sign3A_886 : i1 to i32
    %sign3A_888 = arith.subi %sign3A_884, %sign3A_887 : i32
    %ne3A_889 = arith.cmpi ne, %sign3A_881, %sign3A_888 : i32
    %rem3A_890 = arith.remsi %add3A_872, %jit3A_873 : i32
    %ne3A_891 = arith.constant 0 : i32
    %ne3A_892 = arith.cmpi ne, %rem3A_890, %ne3A_891 : i32
    %and3A_893 = arith.andi %ne3A_889, %ne3A_892 : i1
    %sub3A_894 = arith.constant 1 : i32
    %sub3A_895 = arith.subi %div3A_874, %sub3A_894 : i32
    %select_n3A_896 = arith.select %and3A_893, %sub3A_895, %div3A_874 : i32
    %dma_start3A_897 = arith.constant 0 : i32
    %dma_start3A_898 = arith.constant 0 : i32
    %dma_start3A_899 = arith.constant 0 : i32
    %dma_start3A_900 = tpu.memref_slice %arg6[%dma_start3A_897, %dma_start3A_898, %dma_start3A_899] : memref<384x1x128xf32, #tpu.memory_space<vmem>> -> memref<64x1x128xf32, #tpu.memory_space<vmem>>
    %dma_start3A_901 = arith.constant 0 : i32
    %dma_start3A_902 = arith.constant 0 : i32
    %dma_start3A_903 = tpu.memref_slice %arg4[%select_n3A_896, %dma_start3A_901, %dma_start3A_902] : memref<16384x4x128xf32, #tpu.memory_space<hbm>> -> memref<64x1x128xf32, #tpu.memory_space<hbm>>
    %dma_start3A_904 = arith.constant 0 : i32
    %dma_start3A_905 = arith.constant 0 : i32
    %dma_start3A_906 = tpu.memref_slice %arg4[%select_n3A_896, %dma_start3A_904, %dma_start3A_905] : memref<16384x4x128xf32, #tpu.memory_space<hbm>> -> memref<64x1x128xf32, #tpu.memory_space<hbm>>
    %dma_start3A_907 = arith.constant 0 : i32
    %dma_start3A_908 = arith.constant 0 : i32
    %dma_start3A_909 = arith.constant 0 : i32
    %dma_start3A_910 = tpu.memref_slice %arg6[%dma_start3A_907, %dma_start3A_908, %dma_start3A_909] : memref<384x1x128xf32, #tpu.memory_space<vmem>> -> memref<64x1x128xf32, #tpu.memory_space<vmem>>
    tpu.enqueue_dma source(%dma_start3A_910 : memref<64x1x128xf32, #tpu.memory_space<vmem>>) target(%dma_start3A_906 : memref<64x1x128xf32, #tpu.memory_space<hbm>>) target_semaphore(%arg10 : memref<!tpu.dma_semaphore, #tpu.memory_space<semaphore_mem>>)
    %dma_start3A_911 = arith.constant 64 : i32
    %dma_start3A_912 = arith.constant 0 : i32
    %dma_start3A_913 = arith.constant 0 : i32
    %dma_start3A_914 = tpu.memref_slice %arg6[%dma_start3A_911, %dma_start3A_912, %dma_start3A_913] : memref<384x1x128xf32, #tpu.memory_space<vmem>> -> memref<64x1x128xf32, #tpu.memory_space<vmem>>
    %dma_start3A_915 = arith.constant 1 : i32
    %dma_start3A_916 = arith.constant 0 : i32
    %dma_start3A_917 = tpu.memref_slice %arg4[%select_n3A_896, %dma_start3A_915, %dma_start3A_916] : memref<16384x4x128xf32, #tpu.memory_space<hbm>> -> memref<64x1x128xf32, #tpu.memory_space<hbm>>
    %dma_start3A_918 = arith.constant 1 : i32
    %dma_start3A_919 = arith.constant 0 : i32
    %dma_start3A_920 = tpu.memref_slice %arg4[%select_n3A_896, %dma_start3A_918, %dma_start3A_919] : memref<16384x4x128xf32, #tpu.memory_space<hbm>> -> memref<64x1x128xf32, #tpu.memory_space<hbm>>
    %dma_start3A_921 = arith.constant 64 : i32
    %dma_start3A_922 = arith.constant 0 : i32
    %dma_start3A_923 = arith.constant 0 : i32
    %dma_start3A_924 = tpu.memref_slice %arg6[%dma_start3A_921, %dma_start3A_922, %dma_start3A_923] : memref<384x1x128xf32, #tpu.memory_space<vmem>> -> memref<64x1x128xf32, #tpu.memory_space<vmem>>
    tpu.enqueue_dma source(%dma_start3A_924 : memref<64x1x128xf32, #tpu.memory_space<vmem>>) target(%dma_start3A_920 : memref<64x1x128xf32, #tpu.memory_space<hbm>>) target_semaphore(%arg10 : memref<!tpu.dma_semaphore, #tpu.memory_space<semaphore_mem>>)
    %dma_start3A_925 = arith.constant 128 : i32
    %dma_start3A_926 = arith.constant 0 : i32
    %dma_start3A_927 = arith.constant 0 : i32
    %dma_start3A_928 = tpu.memref_slice %arg6[%dma_start3A_925, %dma_start3A_926, %dma_start3A_927] : memref<384x1x128xf32, #tpu.memory_space<vmem>> -> memref<64x1x128xf32, #tpu.memory_space<vmem>>
    %dma_start3A_929 = arith.constant 2 : i32
    %dma_start3A_930 = arith.constant 0 : i32
    %dma_start3A_931 = tpu.memref_slice %arg4[%select_n3A_896, %dma_start3A_929, %dma_start3A_930] : memref<16384x4x128xf32, #tpu.memory_space<hbm>> -> memref<64x1x128xf32, #tpu.memory_space<hbm>>
    %dma_start3A_932 = arith.constant 2 : i32
    %dma_start3A_933 = arith.constant 0 : i32
    %dma_start3A_934 = tpu.memref_slice %arg4[%select_n3A_896, %dma_start3A_932, %dma_start3A_933] : memref<16384x4x128xf32, #tpu.memory_space<hbm>> -> memref<64x1x128xf32, #tpu.memory_space<hbm>>
    %dma_start3A_935 = arith.constant 128 : i32
    %dma_start3A_936 = arith.constant 0 : i32
    %dma_start3A_937 = arith.constant 0 : i32
    %dma_start3A_938 = tpu.memref_slice %arg6[%dma_start3A_935, %dma_start3A_936, %dma_start3A_937] : memref<384x1x128xf32, #tpu.memory_space<vmem>> -> memref<64x1x128xf32, #tpu.memory_space<vmem>>
    tpu.enqueue_dma source(%dma_start3A_938 : memref<64x1x128xf32, #tpu.memory_space<vmem>>) target(%dma_start3A_934 : memref<64x1x128xf32, #tpu.memory_space<hbm>>) target_semaphore(%arg10 : memref<!tpu.dma_semaphore, #tpu.memory_space<semaphore_mem>>)
    %dma_wait3A_939 = arith.constant 8192 : i32
    %dma_wait3A_940 = tpu.memref_slice %arg5[%dma_wait3A_939] : memref<16384xf32, #tpu.memory_space<vmem>> -> memref<8192xf32, #tpu.memory_space<vmem>>
    %dma_wait3A_941 = tpu.memref_slice %arg2[%add3A_811] : memref<2097152xf32, #tpu.memory_space<hbm>> -> memref<8192xf32, #tpu.memory_space<hbm>>
    %dma_wait3A_942 = arith.constant 8192 : i32
    %dma_wait3A_943 = tpu.memref_slice %arg5[%dma_wait3A_942] : memref<16384xf32, #tpu.memory_space<vmem>> -> memref<8192xf32, #tpu.memory_space<vmem>>
    %dma_wait3A_944 = tpu.memref_slice %arg2[%add3A_811] : memref<2097152xf32, #tpu.memory_space<hbm>> -> memref<8192xf32, #tpu.memory_space<hbm>>
    tpu.wait_dma2 semaphore(%arg9 : memref<!tpu.dma_semaphore, #tpu.memory_space<semaphore_mem>>) src(%dma_wait3A_944 : memref<8192xf32, #tpu.memory_space<hbm>>) dst(%dma_wait3A_943 : memref<8192xf32, #tpu.memory_space<vmem>>)
    %dma_wait3A_945 = arith.constant 192 : i32
    %dma_wait3A_946 = arith.constant 0 : i32
    %dma_wait3A_947 = arith.constant 0 : i32
    %dma_wait3A_948 = tpu.memref_slice %arg6[%dma_wait3A_945, %dma_wait3A_946, %dma_wait3A_947] : memref<384x1x128xf32, #tpu.memory_space<vmem>> -> memref<64x1x128xf32, #tpu.memory_space<vmem>>
    %dma_wait3A_949 = arith.constant 0 : i32
    %dma_wait3A_950 = arith.constant 0 : i32
    %dma_wait3A_951 = tpu.memref_slice %arg4[%select_n3A_765, %dma_wait3A_949, %dma_wait3A_950] : memref<16384x4x128xf32, #tpu.memory_space<hbm>> -> memref<64x1x128xf32, #tpu.memory_space<hbm>>
    %dma_wait3A_952 = arith.constant 0 : i32
    %dma_wait3A_953 = arith.constant 0 : i32
    %dma_wait3A_954 = tpu.memref_slice %arg4[%select_n3A_765, %dma_wait3A_952, %dma_wait3A_953] : memref<16384x4x128xf32, #tpu.memory_space<hbm>> -> memref<64x1x128xf32, #tpu.memory_space<hbm>>
    %dma_wait3A_955 = arith.constant 192 : i32
    %dma_wait3A_956 = arith.constant 0 : i32
    %dma_wait3A_957 = arith.constant 0 : i32
    %dma_wait3A_958 = tpu.memref_slice %arg6[%dma_wait3A_955, %dma_wait3A_956, %dma_wait3A_957] : memref<384x1x128xf32, #tpu.memory_space<vmem>> -> memref<64x1x128xf32, #tpu.memory_space<vmem>>
    tpu.wait_dma2 semaphore(%arg11 : memref<!tpu.dma_semaphore, #tpu.memory_space<semaphore_mem>>) src(%dma_wait3A_958 : memref<64x1x128xf32, #tpu.memory_space<vmem>>) dst(%dma_wait3A_954 : memref<64x1x128xf32, #tpu.memory_space<hbm>>)
    %dma_wait3A_959 = arith.constant 256 : i32
    %dma_wait3A_960 = arith.constant 0 : i32
    %dma_wait3A_961 = arith.constant 0 : i32
    %dma_wait3A_962 = tpu.memref_slice %arg6[%dma_wait3A_959, %dma_wait3A_960, %dma_wait3A_961] : memref<384x1x128xf32, #tpu.memory_space<vmem>> -> memref<64x1x128xf32, #tpu.memory_space<vmem>>
    %dma_wait3A_963 = arith.constant 1 : i32
    %dma_wait3A_964 = arith.constant 0 : i32
    %dma_wait3A_965 = tpu.memref_slice %arg4[%select_n3A_765, %dma_wait3A_963, %dma_wait3A_964] : memref<16384x4x128xf32, #tpu.memory_space<hbm>> -> memref<64x1x128xf32, #tpu.memory_space<hbm>>
    %dma_wait3A_966 = arith.constant 1 : i32
    %dma_wait3A_967 = arith.constant 0 : i32
    %dma_wait3A_968 = tpu.memref_slice %arg4[%select_n3A_765, %dma_wait3A_966, %dma_wait3A_967] : memref<16384x4x128xf32, #tpu.memory_space<hbm>> -> memref<64x1x128xf32, #tpu.memory_space<hbm>>
    %dma_wait3A_969 = arith.constant 256 : i32
    %dma_wait3A_970 = arith.constant 0 : i32
    %dma_wait3A_971 = arith.constant 0 : i32
    %dma_wait3A_972 = tpu.memref_slice %arg6[%dma_wait3A_969, %dma_wait3A_970, %dma_wait3A_971] : memref<384x1x128xf32, #tpu.memory_space<vmem>> -> memref<64x1x128xf32, #tpu.memory_space<vmem>>
    tpu.wait_dma2 semaphore(%arg11 : memref<!tpu.dma_semaphore, #tpu.memory_space<semaphore_mem>>) src(%dma_wait3A_972 : memref<64x1x128xf32, #tpu.memory_space<vmem>>) dst(%dma_wait3A_968 : memref<64x1x128xf32, #tpu.memory_space<hbm>>)
    %dma_wait3A_973 = arith.constant 320 : i32
    %dma_wait3A_974 = arith.constant 0 : i32
    %dma_wait3A_975 = arith.constant 0 : i32
    %dma_wait3A_976 = tpu.memref_slice %arg6[%dma_wait3A_973, %dma_wait3A_974, %dma_wait3A_975] : memref<384x1x128xf32, #tpu.memory_space<vmem>> -> memref<64x1x128xf32, #tpu.memory_space<vmem>>
    %dma_wait3A_977 = arith.constant 2 : i32
    %dma_wait3A_978 = arith.constant 0 : i32
    %dma_wait3A_979 = tpu.memref_slice %arg4[%select_n3A_765, %dma_wait3A_977, %dma_wait3A_978] : memref<16384x4x128xf32, #tpu.memory_space<hbm>> -> memref<64x1x128xf32, #tpu.memory_space<hbm>>
    %dma_wait3A_980 = arith.constant 2 : i32
    %dma_wait3A_981 = arith.constant 0 : i32
    %dma_wait3A_982 = tpu.memref_slice %arg4[%select_n3A_765, %dma_wait3A_980, %dma_wait3A_981] : memref<16384x4x128xf32, #tpu.memory_space<hbm>> -> memref<64x1x128xf32, #tpu.memory_space<hbm>>
    %dma_wait3A_983 = arith.constant 320 : i32
    %dma_wait3A_984 = arith.constant 0 : i32
    %dma_wait3A_985 = arith.constant 0 : i32
    %dma_wait3A_986 = tpu.memref_slice %arg6[%dma_wait3A_983, %dma_wait3A_984, %dma_wait3A_985] : memref<384x1x128xf32, #tpu.memory_space<vmem>> -> memref<64x1x128xf32, #tpu.memory_space<vmem>>
    tpu.wait_dma2 semaphore(%arg11 : memref<!tpu.dma_semaphore, #tpu.memory_space<semaphore_mem>>) src(%dma_wait3A_986 : memref<64x1x128xf32, #tpu.memory_space<vmem>>) dst(%dma_wait3A_982 : memref<64x1x128xf32, #tpu.memory_space<hbm>>)
    %parallel_loop3A_987 = arith.constant 0 : i32
    %parallel_loop3A_988 = arith.constant 512 : i32
    %parallel_loop3A_989 = arith.constant 1 : i32
    scf.for %parallel_loop3A_1144 = %parallel_loop3A_987 to %parallel_loop3A_988 step %parallel_loop3A_989  : i32 {
      %parallel_loop3A_1145 = arith.constant 57344 : i32
      %parallel_loop3A_1146 = arith.addi %sub3A_98, %parallel_loop3A_1145 : i32
      %parallel_loop3A_1147 = arith.constant 16 : i32
      %parallel_loop3A_1148 = arith.muli %parallel_loop3A_1144, %parallel_loop3A_1147 : i32
      %parallel_loop3A_1149 = arith.addi %parallel_loop3A_1146, %parallel_loop3A_1148 : i32
      %parallel_loop3A_1150 = arith.constant 10 : i32
      %parallel_loop3A_1151 = arith.shrui %parallel_loop3A_1149, %parallel_loop3A_1150 : i32
      %parallel_loop3A_1152 = arith.constant 3 : i32
      %parallel_loop3A_1153 = arith.andi %parallel_loop3A_1151, %parallel_loop3A_1152 : i32
      %parallel_loop3A_1154 = arith.constant 128 : i32
      %parallel_loop3A_1155 = arith.muli %parallel_loop3A_1153, %parallel_loop3A_1154 : i32
      %parallel_loop3A_1156 = arith.constant 127 : i32
      %parallel_loop3A_1157 = arith.andi %parallel_loop3A_1149, %parallel_loop3A_1156 : i32
      %parallel_loop3A_1158 = arith.addi %parallel_loop3A_1155, %parallel_loop3A_1157 : i32
      %parallel_loop3A_1159 = arith.constant 12 : i32
      %parallel_loop3A_1160 = arith.shrui %parallel_loop3A_1149, %parallel_loop3A_1159 : i32
      %parallel_loop3A_1161 = arith.constant 63 : i32
      %parallel_loop3A_1162 = arith.andi %parallel_loop3A_1160, %parallel_loop3A_1161 : i32
      %parallel_loop3A_1163 = arith.constant 8 : i32
      %parallel_loop3A_1164 = arith.muli %parallel_loop3A_1162, %parallel_loop3A_1163 : i32
      %parallel_loop3A_1165 = arith.constant 7 : i32
      %parallel_loop3A_1166 = arith.shrui %parallel_loop3A_1149, %parallel_loop3A_1165 : i32
      %parallel_loop3A_1167 = arith.constant 7 : i32
      %parallel_loop3A_1168 = arith.andi %parallel_loop3A_1166, %parallel_loop3A_1167 : i32
      %parallel_loop3A_1169 = arith.addi %parallel_loop3A_1164, %parallel_loop3A_1168 : i32
      %parallel_loop3A_1170 = vector.broadcast %parallel_loop3A_1158 : i32 to vector<16xi32>
      %parallel_loop3A_1171 = arith.addi %parallel_loop3A_1170, %iota3A : vector<16xi32>
      %parallel_loop3A_1172 = arith.sitofp %parallel_loop3A_1171 : vector<16xi32> to vector<16xf32>
      %parallel_loop3A_1173 = vector.broadcast %parallel_loop3A_1169 : i32 to vector<16xi32>
      %parallel_loop3A_1174 = arith.sitofp %parallel_loop3A_1173 : vector<16xi32> to vector<16xf32>
      %parallel_loop3A_1175 = vector.broadcast %mul3A_54 : f32 to vector<16xf32>
      %parallel_loop3A_1176 = arith.mulf %parallel_loop3A_1175, %parallel_loop3A_1172 : vector<16xf32>
      %parallel_loop3A_1177 = vector.broadcast %mul3A_58 : f32 to vector<16xf32>
      %parallel_loop3A_1178 = arith.mulf %parallel_loop3A_1177, %parallel_loop3A_1174 : vector<16xf32>
      %parallel_loop3A_1179 = vector.broadcast %add3A_85 : f32 to vector<16xf32>
      %parallel_loop3A_1180 = arith.addf %parallel_loop3A_1178, %parallel_loop3A_1179 : vector<16xf32>
      %parallel_loop3A_1181 = arith.addf %parallel_loop3A_1176, %parallel_loop3A_1180 : vector<16xf32>
      %parallel_loop3A_1182 = vector.broadcast %mul3A_64 : f32 to vector<16xf32>
      %parallel_loop3A_1183 = arith.mulf %parallel_loop3A_1182, %parallel_loop3A_1172 : vector<16xf32>
      %parallel_loop3A_1184 = vector.broadcast %mul3A_68 : f32 to vector<16xf32>
      %parallel_loop3A_1185 = arith.mulf %parallel_loop3A_1184, %parallel_loop3A_1174 : vector<16xf32>
      %parallel_loop3A_1186 = vector.broadcast %add3A_89 : f32 to vector<16xf32>
      %parallel_loop3A_1187 = arith.addf %parallel_loop3A_1185, %parallel_loop3A_1186 : vector<16xf32>
      %parallel_loop3A_1188 = arith.addf %parallel_loop3A_1183, %parallel_loop3A_1187 : vector<16xf32>
      %parallel_loop3A_1189 = vector.broadcast %mul3A_73 : f32 to vector<16xf32>
      %parallel_loop3A_1190 = arith.mulf %parallel_loop3A_1189, %parallel_loop3A_1172 : vector<16xf32>
      %parallel_loop3A_1191 = vector.broadcast %mul3A_77 : f32 to vector<16xf32>
      %parallel_loop3A_1192 = arith.mulf %parallel_loop3A_1191, %parallel_loop3A_1174 : vector<16xf32>
      %parallel_loop3A_1193 = vector.broadcast %add3A_93 : f32 to vector<16xf32>
      %parallel_loop3A_1194 = arith.addf %parallel_loop3A_1192, %parallel_loop3A_1193 : vector<16xf32>
      %parallel_loop3A_1195 = arith.addf %parallel_loop3A_1190, %parallel_loop3A_1194 : vector<16xf32>
      %parallel_loop3A_1196 = arith.constant 16 : i32
      %parallel_loop3A_1197 = arith.muli %parallel_loop3A_1144, %parallel_loop3A_1196 : i32
      %parallel_loop3A_1198 = arith.constant 8192 : i32
      %parallel_loop3A_1199 = arith.addi %parallel_loop3A_1198, %parallel_loop3A_1197 : i32
      %parallel_loop3A_1200 = arith.index_cast %parallel_loop3A_1199 : i32 to index
      %parallel_loop3A_1201 = tpu.vector_load %arg5[%parallel_loop3A_1200] {strides = array<i32>} : memref<16384xf32, #tpu.memory_space<vmem>>, vector<16xf32>,
      %parallel_loop3A_1202 = arith.constant 8 : i32
      %parallel_loop3A_1203 = arith.shrui %parallel_loop3A_1144, %parallel_loop3A_1202 : i32
      %parallel_loop3A_1204 = arith.constant 1 : i32
      %parallel_loop3A_1205 = arith.andi %parallel_loop3A_1203, %parallel_loop3A_1204 : i32
      %parallel_loop3A_1206 = arith.constant 32 : i32
      %parallel_loop3A_1207 = arith.muli %parallel_loop3A_1205, %parallel_loop3A_1206 : i32
      %parallel_loop3A_1208 = arith.constant 3 : i32
      %parallel_loop3A_1209 = arith.shrui %parallel_loop3A_1144, %parallel_loop3A_1208 : i32
      %parallel_loop3A_1210 = arith.constant 7 : i32
      %parallel_loop3A_1211 = arith.andi %parallel_loop3A_1209, %parallel_loop3A_1210 : i32
      %parallel_loop3A_1212 = arith.constant 4 : i32
      %parallel_loop3A_1213 = arith.muli %parallel_loop3A_1211, %parallel_loop3A_1212 : i32
      %parallel_loop3A_1214 = arith.addi %parallel_loop3A_1207, %parallel_loop3A_1213 : i32
      %parallel_loop3A_1215 = arith.constant 6 : i32
      %parallel_loop3A_1216 = arith.shrui %parallel_loop3A_1144, %parallel_loop3A_1215 : i32
      %parallel_loop3A_1217 = arith.constant 3 : i32
      %parallel_loop3A_1218 = arith.andi %parallel_loop3A_1216, %parallel_loop3A_1217 : i32
      %parallel_loop3A_1219 = arith.addi %parallel_loop3A_1214, %parallel_loop3A_1218 : i32
      %parallel_loop3A_1220 = arith.constant 7 : i32
      %parallel_loop3A_1221 = arith.andi %parallel_loop3A_1144, %parallel_loop3A_1220 : i32
      %parallel_loop3A_1222 = arith.constant 16 : i32
      %parallel_loop3A_1223 = arith.muli %parallel_loop3A_1221, %parallel_loop3A_1222 : i32
      %parallel_loop3A_1224 = arith.constant 192 : i32
      %parallel_loop3A_1225 = arith.addi %parallel_loop3A_1224, %parallel_loop3A_1219 : i32
      %parallel_loop3A_1226 = arith.mulf %parallel_loop3A_1201, %parallel_loop3A_1181 : vector<16xf32>
      %parallel_loop3A_1227 = arith.constant 0 : i32
      %parallel_loop3A_1228 = arith.index_cast %parallel_loop3A_1225 : i32 to index
      %parallel_loop3A_1229 = arith.index_cast %parallel_loop3A_1227 : i32 to index
      %parallel_loop3A_1230 = arith.index_cast %parallel_loop3A_1223 : i32 to index
      %parallel_loop3A_1231 = tpu.vector_load %arg6[%parallel_loop3A_1228, %parallel_loop3A_1229, %parallel_loop3A_1230] {strides = array<i32>} : memref<384x1x128xf32, #tpu.memory_space<vmem>>, vector<16xf32>,
      tpu.vector_store %arg6[%parallel_loop3A_1228, %parallel_loop3A_1229, %parallel_loop3A_1230], %parallel_loop3A_1226 {strides = array<i32>} : memref<384x1x128xf32, #tpu.memory_space<vmem>>, vector<16xf32>,
      %parallel_loop3A_1232 = arith.mulf %parallel_loop3A_1201, %parallel_loop3A_1188 : vector<16xf32>
      %parallel_loop3A_1233 = arith.constant 64 : i32
      %parallel_loop3A_1234 = arith.addi %parallel_loop3A_1225, %parallel_loop3A_1233 : i32
      %parallel_loop3A_1235 = arith.constant 0 : i32
      %parallel_loop3A_1236 = arith.index_cast %parallel_loop3A_1234 : i32 to index
      %parallel_loop3A_1237 = arith.index_cast %parallel_loop3A_1235 : i32 to index
      %parallel_loop3A_1238 = arith.index_cast %parallel_loop3A_1223 : i32 to index
      %parallel_loop3A_1239 = tpu.vector_load %arg6[%parallel_loop3A_1236, %parallel_loop3A_1237, %parallel_loop3A_1238] {strides = array<i32>} : memref<384x1x128xf32, #tpu.memory_space<vmem>>, vector<16xf32>,
      tpu.vector_store %arg6[%parallel_loop3A_1236, %parallel_loop3A_1237, %parallel_loop3A_1238], %parallel_loop3A_1232 {strides = array<i32>} : memref<384x1x128xf32, #tpu.memory_space<vmem>>, vector<16xf32>,
      %parallel_loop3A_1240 = arith.mulf %parallel_loop3A_1201, %parallel_loop3A_1195 : vector<16xf32>
      %parallel_loop3A_1241 = arith.constant 128 : i32
      %parallel_loop3A_1242 = arith.addi %parallel_loop3A_1225, %parallel_loop3A_1241 : i32
      %parallel_loop3A_1243 = arith.constant 0 : i32
      %parallel_loop3A_1244 = arith.index_cast %parallel_loop3A_1242 : i32 to index
      %parallel_loop3A_1245 = arith.index_cast %parallel_loop3A_1243 : i32 to index
      %parallel_loop3A_1246 = arith.index_cast %parallel_loop3A_1223 : i32 to index
      %parallel_loop3A_1247 = tpu.vector_load %arg6[%parallel_loop3A_1244, %parallel_loop3A_1245, %parallel_loop3A_1246] {strides = array<i32>} : memref<384x1x128xf32, #tpu.memory_space<vmem>>, vector<16xf32>,
      tpu.vector_store %arg6[%parallel_loop3A_1244, %parallel_loop3A_1245, %parallel_loop3A_1246], %parallel_loop3A_1240 {strides = array<i32>} : memref<384x1x128xf32, #tpu.memory_space<vmem>>, vector<16xf32>,
    } {sc.loop_unroll_factor = 4 : i64, sc.parallel_access}
    %mul3A_990 = arith.constant 65536 : i32
    %mul3A_991 = arith.muli %add3A, %mul3A_990 : i32
    %add3A_992 = arith.constant 57344 : i32
    %add3A_993 = arith.addi %mul3A_991, %add3A_992 : i32
    %jit3A_994 = arith.constant 128 : i32
    %div3A_995 = arith.divsi %add3A_993, %jit3A_994 : i32
    %sign3A_996 = arith.constant 0 : i32
    %sign3A_997 = arith.cmpi sgt, %add3A_993, %sign3A_996 : i32
    %sign3A_998 = arith.extui %sign3A_997 : i1 to i32
    %sign3A_999 = arith.constant 0 : i32
    %sign3A_1000 = arith.cmpi slt, %add3A_993, %sign3A_999 : i32
    %sign3A_1001 = arith.extui %sign3A_1000 : i1 to i32
    %sign3A_1002 = arith.subi %sign3A_998, %sign3A_1001 : i32
    %sign3A_1003 = arith.constant 0 : i32
    %sign3A_1004 = arith.cmpi sgt, %jit3A_994, %sign3A_1003 : i32
    %sign3A_1005 = arith.extui %sign3A_1004 : i1 to i32
    %sign3A_1006 = arith.constant 0 : i32
    %sign3A_1007 = arith.cmpi slt, %jit3A_994, %sign3A_1006 : i32
    %sign3A_1008 = arith.extui %sign3A_1007 : i1 to i32
    %sign3A_1009 = arith.subi %sign3A_1005, %sign3A_1008 : i32
    %ne3A_1010 = arith.cmpi ne, %sign3A_1002, %sign3A_1009 : i32
    %rem3A_1011 = arith.remsi %add3A_993, %jit3A_994 : i32
    %ne3A_1012 = arith.constant 0 : i32
    %ne3A_1013 = arith.cmpi ne, %rem3A_1011, %ne3A_1012 : i32
    %and3A_1014 = arith.andi %ne3A_1010, %ne3A_1013 : i1
    %sub3A_1015 = arith.constant 1 : i32
    %sub3A_1016 = arith.subi %div3A_995, %sub3A_1015 : i32
    %select_n3A_1017 = arith.select %and3A_1014, %sub3A_1016, %div3A_995 : i32
    %dma_start3A_1018 = arith.constant 192 : i32
    %dma_start3A_1019 = arith.constant 0 : i32
    %dma_start3A_1020 = arith.constant 0 : i32
    %dma_start3A_1021 = tpu.memref_slice %arg6[%dma_start3A_1018, %dma_start3A_1019, %dma_start3A_1020] : memref<384x1x128xf32, #tpu.memory_space<vmem>> -> memref<64x1x128xf32, #tpu.memory_space<vmem>>
    %dma_start3A_1022 = arith.constant 0 : i32
    %dma_start3A_1023 = arith.constant 0 : i32
    %dma_start3A_1024 = tpu.memref_slice %arg4[%select_n3A_1017, %dma_start3A_1022, %dma_start3A_1023] : memref<16384x4x128xf32, #tpu.memory_space<hbm>> -> memref<64x1x128xf32, #tpu.memory_space<hbm>>
    %dma_start3A_1025 = arith.constant 0 : i32
    %dma_start3A_1026 = arith.constant 0 : i32
    %dma_start3A_1027 = tpu.memref_slice %arg4[%select_n3A_1017, %dma_start3A_1025, %dma_start3A_1026] : memref<16384x4x128xf32, #tpu.memory_space<hbm>> -> memref<64x1x128xf32, #tpu.memory_space<hbm>>
    %dma_start3A_1028 = arith.constant 192 : i32
    %dma_start3A_1029 = arith.constant 0 : i32
    %dma_start3A_1030 = arith.constant 0 : i32
    %dma_start3A_1031 = tpu.memref_slice %arg6[%dma_start3A_1028, %dma_start3A_1029, %dma_start3A_1030] : memref<384x1x128xf32, #tpu.memory_space<vmem>> -> memref<64x1x128xf32, #tpu.memory_space<vmem>>
    tpu.enqueue_dma source(%dma_start3A_1031 : memref<64x1x128xf32, #tpu.memory_space<vmem>>) target(%dma_start3A_1027 : memref<64x1x128xf32, #tpu.memory_space<hbm>>) target_semaphore(%arg11 : memref<!tpu.dma_semaphore, #tpu.memory_space<semaphore_mem>>)
    %dma_start3A_1032 = arith.constant 256 : i32
    %dma_start3A_1033 = arith.constant 0 : i32
    %dma_start3A_1034 = arith.constant 0 : i32
    %dma_start3A_1035 = tpu.memref_slice %arg6[%dma_start3A_1032, %dma_start3A_1033, %dma_start3A_1034] : memref<384x1x128xf32, #tpu.memory_space<vmem>> -> memref<64x1x128xf32, #tpu.memory_space<vmem>>
    %dma_start3A_1036 = arith.constant 1 : i32
    %dma_start3A_1037 = arith.constant 0 : i32
    %dma_start3A_1038 = tpu.memref_slice %arg4[%select_n3A_1017, %dma_start3A_1036, %dma_start3A_1037] : memref<16384x4x128xf32, #tpu.memory_space<hbm>> -> memref<64x1x128xf32, #tpu.memory_space<hbm>>
    %dma_start3A_1039 = arith.constant 1 : i32
    %dma_start3A_1040 = arith.constant 0 : i32
    %dma_start3A_1041 = tpu.memref_slice %arg4[%select_n3A_1017, %dma_start3A_1039, %dma_start3A_1040] : memref<16384x4x128xf32, #tpu.memory_space<hbm>> -> memref<64x1x128xf32, #tpu.memory_space<hbm>>
    %dma_start3A_1042 = arith.constant 256 : i32
    %dma_start3A_1043 = arith.constant 0 : i32
    %dma_start3A_1044 = arith.constant 0 : i32
    %dma_start3A_1045 = tpu.memref_slice %arg6[%dma_start3A_1042, %dma_start3A_1043, %dma_start3A_1044] : memref<384x1x128xf32, #tpu.memory_space<vmem>> -> memref<64x1x128xf32, #tpu.memory_space<vmem>>
    tpu.enqueue_dma source(%dma_start3A_1045 : memref<64x1x128xf32, #tpu.memory_space<vmem>>) target(%dma_start3A_1041 : memref<64x1x128xf32, #tpu.memory_space<hbm>>) target_semaphore(%arg11 : memref<!tpu.dma_semaphore, #tpu.memory_space<semaphore_mem>>)
    %dma_start3A_1046 = arith.constant 320 : i32
    %dma_start3A_1047 = arith.constant 0 : i32
    %dma_start3A_1048 = arith.constant 0 : i32
    %dma_start3A_1049 = tpu.memref_slice %arg6[%dma_start3A_1046, %dma_start3A_1047, %dma_start3A_1048] : memref<384x1x128xf32, #tpu.memory_space<vmem>> -> memref<64x1x128xf32, #tpu.memory_space<vmem>>
    %dma_start3A_1050 = arith.constant 2 : i32
    %dma_start3A_1051 = arith.constant 0 : i32
    %dma_start3A_1052 = tpu.memref_slice %arg4[%select_n3A_1017, %dma_start3A_1050, %dma_start3A_1051] : memref<16384x4x128xf32, #tpu.memory_space<hbm>> -> memref<64x1x128xf32, #tpu.memory_space<hbm>>
    %dma_start3A_1053 = arith.constant 2 : i32
    %dma_start3A_1054 = arith.constant 0 : i32
    %dma_start3A_1055 = tpu.memref_slice %arg4[%select_n3A_1017, %dma_start3A_1053, %dma_start3A_1054] : memref<16384x4x128xf32, #tpu.memory_space<hbm>> -> memref<64x1x128xf32, #tpu.memory_space<hbm>>
    %dma_start3A_1056 = arith.constant 320 : i32
    %dma_start3A_1057 = arith.constant 0 : i32
    %dma_start3A_1058 = arith.constant 0 : i32
    %dma_start3A_1059 = tpu.memref_slice %arg6[%dma_start3A_1056, %dma_start3A_1057, %dma_start3A_1058] : memref<384x1x128xf32, #tpu.memory_space<vmem>> -> memref<64x1x128xf32, #tpu.memory_space<vmem>>
    tpu.enqueue_dma source(%dma_start3A_1059 : memref<64x1x128xf32, #tpu.memory_space<vmem>>) target(%dma_start3A_1055 : memref<64x1x128xf32, #tpu.memory_space<hbm>>) target_semaphore(%arg11 : memref<!tpu.dma_semaphore, #tpu.memory_space<semaphore_mem>>)
    %dma_wait3A_1060 = arith.constant 0 : i32
    %dma_wait3A_1061 = arith.constant 0 : i32
    %dma_wait3A_1062 = arith.constant 0 : i32
    %dma_wait3A_1063 = tpu.memref_slice %arg6[%dma_wait3A_1060, %dma_wait3A_1061, %dma_wait3A_1062] : memref<384x1x128xf32, #tpu.memory_space<vmem>> -> memref<64x1x128xf32, #tpu.memory_space<vmem>>
    %dma_wait3A_1064 = arith.constant 0 : i32
    %dma_wait3A_1065 = arith.constant 0 : i32
    %dma_wait3A_1066 = tpu.memref_slice %arg4[%select_n3A_896, %dma_wait3A_1064, %dma_wait3A_1065] : memref<16384x4x128xf32, #tpu.memory_space<hbm>> -> memref<64x1x128xf32, #tpu.memory_space<hbm>>
    %dma_wait3A_1067 = arith.constant 0 : i32
    %dma_wait3A_1068 = arith.constant 0 : i32
    %dma_wait3A_1069 = tpu.memref_slice %arg4[%select_n3A_896, %dma_wait3A_1067, %dma_wait3A_1068] : memref<16384x4x128xf32, #tpu.memory_space<hbm>> -> memref<64x1x128xf32, #tpu.memory_space<hbm>>
    %dma_wait3A_1070 = arith.constant 0 : i32
    %dma_wait3A_1071 = arith.constant 0 : i32
    %dma_wait3A_1072 = arith.constant 0 : i32
    %dma_wait3A_1073 = tpu.memref_slice %arg6[%dma_wait3A_1070, %dma_wait3A_1071, %dma_wait3A_1072] : memref<384x1x128xf32, #tpu.memory_space<vmem>> -> memref<64x1x128xf32, #tpu.memory_space<vmem>>
    tpu.wait_dma2 semaphore(%arg10 : memref<!tpu.dma_semaphore, #tpu.memory_space<semaphore_mem>>) src(%dma_wait3A_1073 : memref<64x1x128xf32, #tpu.memory_space<vmem>>) dst(%dma_wait3A_1069 : memref<64x1x128xf32, #tpu.memory_space<hbm>>)
    %dma_wait3A_1074 = arith.constant 64 : i32
    %dma_wait3A_1075 = arith.constant 0 : i32
    %dma_wait3A_1076 = arith.constant 0 : i32
    %dma_wait3A_1077 = tpu.memref_slice %arg6[%dma_wait3A_1074, %dma_wait3A_1075, %dma_wait3A_1076] : memref<384x1x128xf32, #tpu.memory_space<vmem>> -> memref<64x1x128xf32, #tpu.memory_space<vmem>>
    %dma_wait3A_1078 = arith.constant 1 : i32
    %dma_wait3A_1079 = arith.constant 0 : i32
    %dma_wait3A_1080 = tpu.memref_slice %arg4[%select_n3A_896, %dma_wait3A_1078, %dma_wait3A_1079] : memref<16384x4x128xf32, #tpu.memory_space<hbm>> -> memref<64x1x128xf32, #tpu.memory_space<hbm>>
    %dma_wait3A_1081 = arith.constant 1 : i32
    %dma_wait3A_1082 = arith.constant 0 : i32
    %dma_wait3A_1083 = tpu.memref_slice %arg4[%select_n3A_896, %dma_wait3A_1081, %dma_wait3A_1082] : memref<16384x4x128xf32, #tpu.memory_space<hbm>> -> memref<64x1x128xf32, #tpu.memory_space<hbm>>
    %dma_wait3A_1084 = arith.constant 64 : i32
    %dma_wait3A_1085 = arith.constant 0 : i32
    %dma_wait3A_1086 = arith.constant 0 : i32
    %dma_wait3A_1087 = tpu.memref_slice %arg6[%dma_wait3A_1084, %dma_wait3A_1085, %dma_wait3A_1086] : memref<384x1x128xf32, #tpu.memory_space<vmem>> -> memref<64x1x128xf32, #tpu.memory_space<vmem>>
    tpu.wait_dma2 semaphore(%arg10 : memref<!tpu.dma_semaphore, #tpu.memory_space<semaphore_mem>>) src(%dma_wait3A_1087 : memref<64x1x128xf32, #tpu.memory_space<vmem>>) dst(%dma_wait3A_1083 : memref<64x1x128xf32, #tpu.memory_space<hbm>>)
    %dma_wait3A_1088 = arith.constant 128 : i32
    %dma_wait3A_1089 = arith.constant 0 : i32
    %dma_wait3A_1090 = arith.constant 0 : i32
    %dma_wait3A_1091 = tpu.memref_slice %arg6[%dma_wait3A_1088, %dma_wait3A_1089, %dma_wait3A_1090] : memref<384x1x128xf32, #tpu.memory_space<vmem>> -> memref<64x1x128xf32, #tpu.memory_space<vmem>>
    %dma_wait3A_1092 = arith.constant 2 : i32
    %dma_wait3A_1093 = arith.constant 0 : i32
    %dma_wait3A_1094 = tpu.memref_slice %arg4[%select_n3A_896, %dma_wait3A_1092, %dma_wait3A_1093] : memref<16384x4x128xf32, #tpu.memory_space<hbm>> -> memref<64x1x128xf32, #tpu.memory_space<hbm>>
    %dma_wait3A_1095 = arith.constant 2 : i32
    %dma_wait3A_1096 = arith.constant 0 : i32
    %dma_wait3A_1097 = tpu.memref_slice %arg4[%select_n3A_896, %dma_wait3A_1095, %dma_wait3A_1096] : memref<16384x4x128xf32, #tpu.memory_space<hbm>> -> memref<64x1x128xf32, #tpu.memory_space<hbm>>
    %dma_wait3A_1098 = arith.constant 128 : i32
    %dma_wait3A_1099 = arith.constant 0 : i32
    %dma_wait3A_1100 = arith.constant 0 : i32
    %dma_wait3A_1101 = tpu.memref_slice %arg6[%dma_wait3A_1098, %dma_wait3A_1099, %dma_wait3A_1100] : memref<384x1x128xf32, #tpu.memory_space<vmem>> -> memref<64x1x128xf32, #tpu.memory_space<vmem>>
    tpu.wait_dma2 semaphore(%arg10 : memref<!tpu.dma_semaphore, #tpu.memory_space<semaphore_mem>>) src(%dma_wait3A_1101 : memref<64x1x128xf32, #tpu.memory_space<vmem>>) dst(%dma_wait3A_1097 : memref<64x1x128xf32, #tpu.memory_space<hbm>>)
    %dma_wait3A_1102 = arith.constant 192 : i32
    %dma_wait3A_1103 = arith.constant 0 : i32
    %dma_wait3A_1104 = arith.constant 0 : i32
    %dma_wait3A_1105 = tpu.memref_slice %arg6[%dma_wait3A_1102, %dma_wait3A_1103, %dma_wait3A_1104] : memref<384x1x128xf32, #tpu.memory_space<vmem>> -> memref<64x1x128xf32, #tpu.memory_space<vmem>>
    %dma_wait3A_1106 = arith.constant 0 : i32
    %dma_wait3A_1107 = arith.constant 0 : i32
    %dma_wait3A_1108 = tpu.memref_slice %arg4[%select_n3A_1017, %dma_wait3A_1106, %dma_wait3A_1107] : memref<16384x4x128xf32, #tpu.memory_space<hbm>> -> memref<64x1x128xf32, #tpu.memory_space<hbm>>
    %dma_wait3A_1109 = arith.constant 0 : i32
    %dma_wait3A_1110 = arith.constant 0 : i32
    %dma_wait3A_1111 = tpu.memref_slice %arg4[%select_n3A_1017, %dma_wait3A_1109, %dma_wait3A_1110] : memref<16384x4x128xf32, #tpu.memory_space<hbm>> -> memref<64x1x128xf32, #tpu.memory_space<hbm>>
    %dma_wait3A_1112 = arith.constant 192 : i32
    %dma_wait3A_1113 = arith.constant 0 : i32
    %dma_wait3A_1114 = arith.constant 0 : i32
    %dma_wait3A_1115 = tpu.memref_slice %arg6[%dma_wait3A_1112, %dma_wait3A_1113, %dma_wait3A_1114] : memref<384x1x128xf32, #tpu.memory_space<vmem>> -> memref<64x1x128xf32, #tpu.memory_space<vmem>>
    tpu.wait_dma2 semaphore(%arg11 : memref<!tpu.dma_semaphore, #tpu.memory_space<semaphore_mem>>) src(%dma_wait3A_1115 : memref<64x1x128xf32, #tpu.memory_space<vmem>>) dst(%dma_wait3A_1111 : memref<64x1x128xf32, #tpu.memory_space<hbm>>)
    %dma_wait3A_1116 = arith.constant 256 : i32
    %dma_wait3A_1117 = arith.constant 0 : i32
    %dma_wait3A_1118 = arith.constant 0 : i32
    %dma_wait3A_1119 = tpu.memref_slice %arg6[%dma_wait3A_1116, %dma_wait3A_1117, %dma_wait3A_1118] : memref<384x1x128xf32, #tpu.memory_space<vmem>> -> memref<64x1x128xf32, #tpu.memory_space<vmem>>
    %dma_wait3A_1120 = arith.constant 1 : i32
    %dma_wait3A_1121 = arith.constant 0 : i32
    %dma_wait3A_1122 = tpu.memref_slice %arg4[%select_n3A_1017, %dma_wait3A_1120, %dma_wait3A_1121] : memref<16384x4x128xf32, #tpu.memory_space<hbm>> -> memref<64x1x128xf32, #tpu.memory_space<hbm>>
    %dma_wait3A_1123 = arith.constant 1 : i32
    %dma_wait3A_1124 = arith.constant 0 : i32
    %dma_wait3A_1125 = tpu.memref_slice %arg4[%select_n3A_1017, %dma_wait3A_1123, %dma_wait3A_1124] : memref<16384x4x128xf32, #tpu.memory_space<hbm>> -> memref<64x1x128xf32, #tpu.memory_space<hbm>>
    %dma_wait3A_1126 = arith.constant 256 : i32
    %dma_wait3A_1127 = arith.constant 0 : i32
    %dma_wait3A_1128 = arith.constant 0 : i32
    %dma_wait3A_1129 = tpu.memref_slice %arg6[%dma_wait3A_1126, %dma_wait3A_1127, %dma_wait3A_1128] : memref<384x1x128xf32, #tpu.memory_space<vmem>> -> memref<64x1x128xf32, #tpu.memory_space<vmem>>
    tpu.wait_dma2 semaphore(%arg11 : memref<!tpu.dma_semaphore, #tpu.memory_space<semaphore_mem>>) src(%dma_wait3A_1129 : memref<64x1x128xf32, #tpu.memory_space<vmem>>) dst(%dma_wait3A_1125 : memref<64x1x128xf32, #tpu.memory_space<hbm>>)
    %dma_wait3A_1130 = arith.constant 320 : i32
    %dma_wait3A_1131 = arith.constant 0 : i32
    %dma_wait3A_1132 = arith.constant 0 : i32
    %dma_wait3A_1133 = tpu.memref_slice %arg6[%dma_wait3A_1130, %dma_wait3A_1131, %dma_wait3A_1132] : memref<384x1x128xf32, #tpu.memory_space<vmem>> -> memref<64x1x128xf32, #tpu.memory_space<vmem>>
    %dma_wait3A_1134 = arith.constant 2 : i32
    %dma_wait3A_1135 = arith.constant 0 : i32
    %dma_wait3A_1136 = tpu.memref_slice %arg4[%select_n3A_1017, %dma_wait3A_1134, %dma_wait3A_1135] : memref<16384x4x128xf32, #tpu.memory_space<hbm>> -> memref<64x1x128xf32, #tpu.memory_space<hbm>>
    %dma_wait3A_1137 = arith.constant 2 : i32
    %dma_wait3A_1138 = arith.constant 0 : i32
    %dma_wait3A_1139 = tpu.memref_slice %arg4[%select_n3A_1017, %dma_wait3A_1137, %dma_wait3A_1138] : memref<16384x4x128xf32, #tpu.memory_space<hbm>> -> memref<64x1x128xf32, #tpu.memory_space<hbm>>
    %dma_wait3A_1140 = arith.constant 320 : i32
    %dma_wait3A_1141 = arith.constant 0 : i32
    %dma_wait3A_1142 = arith.constant 0 : i32
    %dma_wait3A_1143 = tpu.memref_slice %arg6[%dma_wait3A_1140, %dma_wait3A_1141, %dma_wait3A_1142] : memref<384x1x128xf32, #tpu.memory_space<vmem>> -> memref<64x1x128xf32, #tpu.memory_space<vmem>>
    tpu.wait_dma2 semaphore(%arg11 : memref<!tpu.dma_semaphore, #tpu.memory_space<semaphore_mem>>) src(%dma_wait3A_1143 : memref<64x1x128xf32, #tpu.memory_space<vmem>>) dst(%dma_wait3A_1139 : memref<64x1x128xf32, #tpu.memory_space<hbm>>)
    return
  }
}

</mosaic_0001>

<sc_bundles>
// kernel: kernel.3.cloned.1.call-start
scs
__scs_entry_jumppad:
0x0: {  	(pc) =	sbr.rel $0x88, $3  }
0x1: {  	(tag) =	ssettag $0x0;
	lr =	simm.s32 $0x1  }
0x2: {  	[smem:$0x3F9F] =	sst lr;
	_ =	strace $0xD0000000  }
0x3: {  	_ = 	snop  }
0x4: {  	_ = 	snop  }
0x5: {  	_ = 	snop  }
0x6: {  	_ = 	snop  }
0x7: {  	_ = 	snop  }
__scs_overlays_trampoline_lowered:
0x8: {  	[smem:$0x3FAE] =	sst s0  }
0x9: {  	[smem:$0x3FAF] =	sst s1  }
0xa: {  	[smem:$0x3FB0] =	sst s2  }
0xb: {  	[smem:$0x3FB1] =	sst s3  }
0xc: {  	[smem:$0x3FB2] =	sst s4  }
0xd: {  	[smem:$0x3FB3] =	sst s5  }
0xe: {  	[smem:$0x3FB4] =	sst s6  }
0xf: {  	[smem:$0x3FB5] =	sst s7  }
0x10: {  	[smem:$0x3FB6] =	sst s8  }
0x11: {  	[smem:$0x3FB7] =	sst s9;
	s0 =	simm.s32 @!p0 $0x0  }
0x12: {  	s1 =	sld [smem:$0x3F9D];
	s0 =	simm.s32 @p0 $0x1  }
0x13: {  	[smem:$0x3FB8] =	sst s0;
	s0 =	simm.s32 @!p1 $0x0  }
0x14: {  	s2 =	sld [smem:$0x3F9C];
	s0 =	simm.s32 @p1 $0x1  }
0x15: {  	[smem:$0x3FB9] =	sst s0;
	s0 =	simm.s32 @!p2 $0x0  }
0x16: {  	s3 =	sld [smem:$0x3FDB];
	s0 =	simm.s32 @p2 $0x1  }
0x17: {  	s4 =	simm.s32 $0x1BF5;
	[smem:$0x3FBB] =	sst s0  }
0x18: {  	s0 =	sld [smem:$0x3F9E];
	_ =	swait.ge [sflag:s4], $0x0  }
0x19: {  	s7 =	sld [smem:$0x3F9F]  }
0x1a: {  	s8 =	sadd.s32 $0xFFFFE003, lr  }
0x1b: {  	s9 =	sadd.s32 $0xFFFFFEF7, lr;
	s5 =	simm.s32 $0xFFFFFFFF;
	p2 =	slt.u32 s8, $0xFFFFF086  }
0x1c: {  	p1 =	slt.u32 s9, $0xF7A;
	s5 =	simm.s32 @!p2 $0x0  }
0x1d: {  	s5 =	simm.s32 @p1 $0x1;
	p0 =	seq.s32 s7, s2  }
0x1e: {  	s7 =	smul.u32 @!p0 $0xF7A, s2;
	p2 =	seq.s32 @!p0 s5, $0x0  }
0x1f: {  	s9 =	smul.u32 $0xF7A, s1;
	s8 =	simm.s32 @!p0 $0x1BF5;
	p2 =	por !p2, p0  }
0x20: {  	[sflag:s8] =	ssyncset.s32 @!p0 $0xFFFFF086;
	s6 =	sadd.s32 @!p0 s3, s7;
	s7 =	simm.s32 @!p0 $0x108  }
0x21: {  	s3 =	sadd.s32 s3, s9;
	s6 =	sadd.s32 @!p0 $0x88, s6;
	s7 =	simm.s32 @p2 $0x1082  }
0x22: {  	[simem:s7], [sflag:s8] =	dma.local @!p0 [hbm:s6], $0xF7A  }
0x23: {  	s9 =	sor.u32 $0xD0000000, s2;
	s6 =	simm.s32 $0x108;
	_ =	swait.ge @!p0 [sflag:s8], $0x0  }
0x24: {  	s3 =	sadd.s32 $0x88, s3;
	s6 =	simm.s32 @!p1 $0x1082;
	[sflag:s4] =	ssyncset.s32 $0xFFFFF086  }
0x25: {  	[simem:s6], [sflag:s4] =	dma.local [hbm:s3], $0xF7A  }
0x26: {  	[smem:$0x3F9F] =	sst s1;
	(tag) =	ssettag s2;
	_ =	strace s9  }
0x27: {  	s1 =	sld [smem:$0x3FAF]  }
0x28: {  	s2 =	sld [smem:$0x3FB0]  }
0x29: {  	s4 =	sld [smem:$0x3FB2]  }
0x2a: {  	p0 =	seq.s32 s5, $0x0;
	s5 =	sld [smem:$0x3FB3]  }
0x2b: {  	s6 =	sld [smem:$0x3FB4]  }
0x2c: {  	s7 =	sld [smem:$0x3FB5]  }
0x2d: {  	s3 =	simm.s32 $0x108;
	s8 =	sld [smem:$0x3FB6]  }
0x2e: {  	s3 =	simm.s32 @!p0 $0x1082;
	s9 =	sld [smem:$0x3FB7]  }
0x2f: {  	lr =	sadd.s32 s0, s3;
	s0 =	sld [smem:$0x3FAE]  }
0x30: {  	s3 =	sld [smem:$0x3FB1]  }
0x31: {  	[smem:$0x3FBA] =	sst s10  }
0x32: {  	s10 =	sld [smem:$0x3FB8];
	_ =	sdelay $0x3  }
0x33: {  	p0 =	seq.s32 s10, $0x1;
	s10 =	sld [smem:$0x3FBA];
	_ =	sdelay $0x3  }
0x34: {  	[smem:$0x3FBA] =	sst s10  }
0x35: {  	s10 =	sld [smem:$0x3FB9];
	_ =	sdelay $0x3  }
0x36: {  	p1 =	seq.s32 s10, $0x1;
	s10 =	sld [smem:$0x3FBA];
	_ =	sdelay $0x3  }
0x37: {  	[smem:$0x3FBA] =	sst s10  }
0x38: {  	s10 =	sld [smem:$0x3FBB]  }
0x39: {  	_ = 	snop;
	(pc) =	sbr.ind lr, $3  }
0x3a: {  	_ = 	snop  }
0x3b: {  	_ = 	snop  }
0x3c: {  	p2 =	seq.s32 s10, $0x1;
	s10 =	sld [smem:$0x3FBA]  }
0x3d: {  	_ =	shalt  }
0x3e: {  	_ =	shalt  }
0x3f: {  	_ =	shalt  }
0x40: {  	_ =	shalt  }
0x41: {  	_ =	shalt  }
0x42: {  	_ =	shalt  }
0x43: {  	_ =	shalt  }
0x44: {  	_ =	shalt  }
0x45: {  	_ =	shalt  }
0x46: {  	_ =	shalt  }
0x47: {  	_ =	shalt  }
0x48: {  	_ =	shalt  }
0x49: {  	_ =	shalt  }
0x4a: {  	_ =	shalt  }
0x4b: {  	_ =	shalt  }
0x4c: {  	_ =	shalt  }
0x4d: {  	_ =	shalt  }
0x4e: {  	_ =	shalt  }
0x4f: {  	_ =	shalt  }
0x50: {  	_ =	shalt  }
0x51: {  	_ =	shalt  }
0x52: {  	_ =	shalt  }
0x53: {  	_ =	shalt  }
0x54: {  	_ =	shalt  }
0x55: {  	_ =	shalt  }
0x56: {  	_ =	shalt  }
0x57: {  	_ =	shalt  }
0x58: {  	_ =	shalt  }
0x59: {  	_ =	shalt  }
0x5a: {  	_ =	shalt  }
0x5b: {  	_ =	shalt  }
0x5c: {  	_ =	shalt  }
0x5d: {  	_ =	shalt  }
0x5e: {  	_ =	shalt  }
0x5f: {  	_ =	shalt  }
0x60: {  	_ =	shalt  }
0x61: {  	_ =	shalt  }
0x62: {  	_ =	shalt  }
0x63: {  	_ =	shalt  }
0x64: {  	_ =	shalt  }
0x65: {  	_ =	shalt  }
0x66: {  	_ =	shalt  }
0x67: {  	_ =	shalt  }
0x68: {  	_ =	shalt  }
0x69: {  	_ =	shalt  }
0x6a: {  	_ =	shalt  }
0x6b: {  	_ =	shalt  }
0x6c: {  	_ =	shalt  }
0x6d: {  	_ =	shalt  }
0x6e: {  	_ =	shalt  }
0x6f: {  	_ =	shalt  }
0x70: {  	_ =	shalt  }
0x71: {  	_ =	shalt  }
0x72: {  	_ =	shalt  }
0x73: {  	_ =	shalt  }
0x74: {  	_ =	shalt  }
0x75: {  	_ =	shalt  }
0x76: {  	_ =	shalt  }
0x77: {  	_ =	shalt  }
0x78: {  	_ =	shalt  }
0x79: {  	_ =	shalt  }
0x7a: {  	_ =	shalt  }
0x7b: {  	_ =	shalt  }
0x7c: {  	_ =	shalt  }
0x7d: {  	_ =	shalt  }
0x7e: {  	_ =	shalt  }
0x7f: {  	_ =	shalt  }
0x80: {  	_ =	shalt  }
0x81: {  	_ =	shalt  }
0x82: {  	_ =	shalt  }
0x83: {  	_ =	shalt  }
0x84: {  	_ =	shalt  }
0x85: {  	_ =	shalt  }
0x86: {  	_ =	shalt  }
0x87: {  	_ =	shalt  }
.Lfunc_end0:
.L_simem_size_0:
called_computation_lowered:
.L_overlay_start_0:
0x88: {  	s2 =	sld [smem:$0x3FD9]  }
0x89: {  	s3 =	sld [smem:$0x3FFE];
	_ =	sdelay $0x1  }
0x8a: {  	s1 =	srdreg.scid  }
0x8b: {  	s0 =	sand.u32 $0x1, s1  }
0x8c: {  	s17 =	sshll.u32 s0, $0xA;
	s2 =	sadd.s32 s3, s2  }
0x8d: {  	s2 =	sadd.s32 s2, s17  }
0x8e: {  	[smem:$0x3FC6] =	sst s2  }
0x8f: {  	_ = 	snop  }
0x90: {  	s2 =	sld [smem:$0x3FC9]  }
0x91: {  	s18 =	sld [smem:$0x3FD0];
	(tm) =	ssettm $0x1  }
0x92: {  	s4 =	sld [smem:$0x3FFB];
	_ =	sdelay $0x3  }
0x93: {  	_ =	strace s4  }
0x94: {  	s4 =	sld [smem:$0x3FFC];
	_ =	sdelay $0x3  }
0x95: {  	_ =	strace s4  }
0x96: {  	s4 =	sld [smem:$0x3FFD];
	_ =	sdelay $0x3  }
0x97: {  	_ =	strace s4  }
0x98: {  	_ =	strace $0x8FFFFFFF  }
0x99: {  	s19 =	sld [smem:$0x3FDB];
	_ =	sdelay $0x1  }
0x9a: {  	s5 =	simm.s32 $_scs_section_size  }
0x9b: {  	s6 =	simm.s32 $_size__tile_overlayer_lowered;
	s7 =	simm.s32 $_tile_overlayer_lowered  }
0x9c: {  	s22 =	simm.s32 $0x1BFF;
	s21 =	sshll.u32 s7, $0x1;
	s4 =	sadd.s32 s5, s19  }
0x9d: {  	s8 =	simm.s32 $0x0;
	s20 =	sshll.u32 s6, $0x1;
	s6 =	sadd.s32 s21, s4  }
0x9e: {  	[timem:s8], [sflag:s22] =	dma.local [hbm:s6], s20  }
0x9f: {  	_ =	swait.ge [sflag:s22], s20  }
0xa0: {  	s5 =	ssub.s32 $0x0, s20;
	[sflag:s22] =	ssyncset.done $0x0  }
0xa1: {  	[sflag:s22] =	ssyncadd.s32 s5;
	_ =	sdelay $0x1  }
0xa2: {  	s23 =	simm.s32 $0x1B8B  }
0xa3: {  	_ =	swait.ge [sflag:s23], $0x1  }
0xa4: {  	[sflag:s23] =	ssyncset.done $0x0  }
0xa5: {  	s25 =	simm.s32 $0x1B8E;
	s24 =	sld [smem:$0x3FFE];
	[sflag:s23] =	ssyncadd.s32 $0xFFFFFFFF  }
0xa6: {  	s26 =	simm.s32 $execute0_lowered;
	[smem:$0x3FD2] =	sst s25  }
0xa7: {  	s6 =	sshll.u32 s26, $0x1;
	_ =	strace $0x80000046;
	[dreg:$0x1] =	wrdreg $0xFFFFFFFF  }
0xa8: {  	s28 =	simm.s32 $_size_execute0_lowered;
	s4 =	sadd.s32 s4, s6;
	[dreg:$0x0] =	wrdreg $0x0  }
0xa9: {  	s6 =	sshll.u32 s28, $0x1;
	[dreg:$0x2] =	wrdreg s4  }
0xaa: {  	[dreg:$0x3] =	wrdreg s6  }
0xab: {  	[dreg:$0x4] =	wrdreg $0xC0  }
0xac: {  	_ =	task [dreg:s8], $0x5FFFF  }
0xad: {  	[dreg:$0x1] =	wrdreg $0xFFFFFFFF  }
0xae: {  	[dreg:$0x0] =	wrdreg $0x60  }
0xaf: {  	[dreg:$0x2] =	wrdreg s2  }
0xb0: {  	[dreg:$0x3] =	wrdreg s24  }
0xb1: {  	[dreg:$0x4] =	wrdreg s18  }
0xb2: {  	[dreg:$0x5] =	wrdreg $0x9  }
0xb3: {  	_ =	task.clear_ibuf [dreg:s8], $0x6FFFF;
	_ =	strace $0x90000046  }
0xb4: {  	s29 =	simm.s32 $0x9;
	_ =	strace $0x80000048  }
0xb5: {  	_ =	swait.ge [sflag:s29], $0x1  }
0xb6: {  	[sflag:s29] =	ssyncadd.s32 $0xFFFFFFFF  }
0xb7: {  	_ =	strace $0x90000048  }
0xb8: {  	_ =	sfence  }
0xb9: {  	s30 =	sld [smem:$0x0];
	_ =	sdelay $0x2  }
0xba: {  	s31 =	sshll.u32 s1, $0xD;
	s1 =	sshrl.u32 s1, $0x2  }
0xbb: {  	s3 =	sand.u32 $0x4000, s31;
	s1 =	sadd.s32 s1, s30  }
0xbc: {  	s0 =	sor.u32 s3, s0;
	s1 =	sshll.u32 s1, $0x11  }
0xbd: {  	s0 =	sor.u32 s1, s0  }
0xbe: {  	s0 =	sadd.s32 $0x8F2B, s0  }
0xbf: {  	[sflag:s0] =	ssyncadd.remote.s32 $0x1  }
0xc0: {  	_ =	sfence.sel $0xFFFF  }
0xc1: {  	[dreg:$0x0] =	wrdreg $0xFFFFFFFF;
	(pc) =	sbr.abs _section_cstart, $3  }
0xc2: {  	[dreg:$0x1] =	wrdreg $0xFFFFFFFF  }
0xc3: {  	_ =	task.clear_ibuf [dreg:s8], $0x2FFFF;
	_ =	strace $0x9FFFFFFF  }
0xc4: {  	(tm) =	ssettm $0x7FFFFFFF  }
0xc5: {  	_ =	shalt  }
tec
execute0_lowered:
.L_overlay_start_1:
0x0: {  	(tag) =	ssettag $0x1  }
0x1: {  	s5 =	rddreg [dreg:$0x0];
	s0 =	srdreg.scid  }
0x2: {  	s1 =	rddreg [dreg:$0x2];
	s7 =	simm.s32 $0x0;
	s18 =	stileid.u32  }
0x3: {  	s0 =	sand.u32 $0x1, s0;
	s15 =	sand.u32 $0x3, s18;
	[smem:$0x7FF] =	sst s7  }
0x4: {  	s11 =	sadd.s32 $0x10, s1;
	s2 =	sshll.u32 s0, $0x4;
	s3 =	ssub.s32 $0x2, s0  }
0x5: {  	p1 =	sne.s32 s15, $0x0;
	s6 =	sor.u32 s18, s2;
	s4 =	sshrl.u32 s3, $0x1  }
0x6: {  	s15 =	sadd.s32 $0x20, s1;
	p0 =	seq.s32 s6, $0x0;
	s3 =	ssub.s32 s3, s4  }
0x7: {  	s4 =	simm.s32 $0x1;
	s9 =	sshll.u32 s6, $0x10;
	s16 =	sshrl.u32 s6, $0x2  }
0x8: {  	s17 =	sshll.u32 s6, $0xD;
	s10 =	sshll.u32 s6, $0xF;
	p0 =	por !p1, !p0  }
0x9: {  	s25 =	sor.u32 $0x2000, s9;
	s19 =	sadd.s32 s5, s17;
	s21 =	sadd.s32 s1, s10  }
0xa: {  	s6 =	sor.u32 $0x4000, s9;
	s22 =	sor.u32 $0x6000, s9;
	[dreg:$0x6] =	wrdreg s19  }
0xb: {  	s31 =	sadd.s32 s10, s11;
	s7 =	sadd.s32 s10, s15;
	[dreg:$0x8] =	wrdreg s21  }
0xc: {  	p0 =	por !p0, !p0;
	s8 =	sshrl.u32 s25, $0x3;
	[dreg:$0x10] =	wrdreg s31  }
0xd: {  	s12 =	sshrl.u32 s6, $0x3;
	s13 =	sshrl.u32 s22, $0x3;
	[dreg:$0x11] =	wrdreg s7  }
0xe: {  	[dreg:$0x9] =	wrdreg s22;
	s4 =	simm.s32 @!p0 $0x0;
	s20 =	sadd.s32 s5, s8  }
0xf: {  	s8 =	sor.u32 $0x8000, s9;
	s23 =	sadd.s32 s5, s12;
	s24 =	sadd.s32 s5, s13  }
0x10: {  	s12 =	sor.u32 $0xA000, s9;
	s13 =	sor.u32 $0xC000, s9;
	[dreg:$0x7] =	wrdreg s20  }
0x11: {  	s4 =	ssub.s32 s16, s4;
	s14 =	sshrl.u32 s8, $0x3;
	[dreg:$0xa] =	wrdreg s23  }
0x12: {  	[dreg:$0xb] =	wrdreg s24;
	s28 =	sshrl.u32 s12, $0x3;
	s26 =	sadd.s32 s5, s14  }
0x13: {  	s16 =	sshrl.u32 s13, $0x3;
	s29 =	sadd.s32 s5, s28;
	[dreg:$0xc] =	wrdreg s26  }
0x14: {  	s20 =	sshrl.u32 s22, $0x1;
	s30 =	sadd.s32 s5, s16;
	[dreg:$0xd] =	wrdreg s29  }
0x15: {  	s23 =	sadd.s32 s1, s20;
	[dreg:$0xe] =	wrdreg s30  }
0x16: {  	s31 =	sshrl.u32 s12, $0x1;
	s24 =	sadd.s32 s20, s11;
	[dreg:$0x18] =	wrdreg s23  }
0x17: {  	s7 =	sadd.s32 s1, s31;
	[dreg:$0x19] =	wrdreg s24  }
0x18: {  	s14 =	sor.u32 $0xE000, s9;
	s9 =	sshrl.u32 s25, $0x1;
	[dreg:$0x1e] =	wrdreg s7  }
0x19: {  	s10 =	sadd.s32 s1, s9;
	s24 =	rddreg [dreg:$0x1]  }
0x1a: {  	s16 =	sadd.s32 s9, s11;
	[dreg:$0x12] =	wrdreg s10  }
0x1b: {  	s28 =	sshrl.u32 s8, $0x1;
	s26 =	sadd.s32 s20, s15;
	[dreg:$0x13] =	wrdreg s16  }
0x1c: {  	s29 =	sadd.s32 s1, s28;
	[dreg:$0x1a] =	wrdreg s26  }
0x1d: {  	s17 =	sshrl.u32 s14, $0x3;
	s30 =	sadd.s32 s28, s11;
	[dreg:$0x1b] =	wrdreg s29  }
0x1e: {  	s5 =	sadd.s32 s5, s17;
	[dreg:$0x1c] =	wrdreg s30  }
0x1f: {  	s16 =	sadd.s32 s31, s11;
	[dreg:$0xf] =	wrdreg s5  }
0x20: {  	s17 =	sshrl.u32 s6, $0x1;
	s5 =	sadd.s32 s9, s15;
	[dreg:$0x1f] =	wrdreg s16  }
0x21: {  	s19 =	sadd.s32 s1, s17;
	[dreg:$0x14] =	wrdreg s5  }
0x22: {  	s21 =	sadd.s32 s17, s11;
	[dreg:$0x15] =	wrdreg s19  }
0x23: {  	s22 =	sadd.s32 s17, s15;
	[dreg:$0x16] =	wrdreg s21  }
0x24: {  	s10 =	sshrl.u32 s13, $0x1;
	s17 =	sadd.s32 s31, s15;
	[dreg:$0x17] =	wrdreg s22  }
0x25: {  	s20 =	sadd.s32 s10, s11;
	[smem:$0x7F4] =	sst s17  }
0x26: {  	s5 =	sadd.s32 s28, s15;
	[smem:$0x7F6] =	sst s20  }
0x27: {  	s19 =	sadd.s32 s1, s10;
	[dreg:$0x1d] =	wrdreg s5  }
0x28: {  	s21 =	sadd.s32 s10, s15;
	s22 =	sshrl.u32 s14, $0x1;
	[smem:$0x7F5] =	sst s19  }
0x29: {  	[smem:$0x7F7] =	sst s21;
	s1 =	sadd.s32 s1, s22  }
0x2a: {  	s0 =	sshll.u32 s0, $0x14;
	s23 =	sadd.s32 s22, s11;
	[smem:$0x7F8] =	sst s1  }
0x2b: {  	s26 =	sshll.u32 s18, $0x10;
	s28 =	sadd.s32 s22, s15;
	[smem:$0x7F9] =	sst s23  }
0x2c: {  	s0 =	sor.u32 s26, s0;
	[smem:$0x7FA] =	sst s28  }
0x2d: {  	s29 =	sadd.s32 $0x400, s24;
	_ =	strace $0x80000047;
	[dreg:$0x4] =	wrdreg s0  }
0x2e: {  	s31 =	smax.u32 s3, $0x1;
	[smem:$0x7FB] =	sst s29  }
0x2f: {  	s30 =	sshll.u32 s4, $0x9;
	[smem:$0x7FC] =	sst s31  }
0x30: {  	s0 =	sshra.s32 s30, $0x2;
	[dreg:$0x5] =	wrdreg s25  }
0x31: {  	v0 =	vlaneseq.u32;
	s2 =	simm.s32 $0x0;
	[smem:$0x7FD] =	sst s0  }
.LBB2_1:
0x32: {  	s0 =	sld [smem:$0x7FB]  }
0x33: {  	[smem:$0x7F3] =	sst s2  }
0x34: {  	s2 =	simm.s32 $0x0;
	s1 =	simm.s32 $0x10000;
	s26 =	simm.s32 $0x5  }
0x35: {  	[tilespmem:s1], [sflag:$0x5] =	stream.linear.gather [hbm4b:s0+s2], $0x400, $0x38;
	[tilespmem:$0x10400] =	vst v63  }
0x36: {  	_ =	swait.ge [sflag:s26], $0x400  }
0x37: {  	s30 =	sld [smem:$0x7FD]  }
0x38: {  	[sflag:s26] =	ssyncset.done $0x0  }
0x39: {  	[sflag:s26] =	ssyncadd.s32 $0xFFFFFC00  }
0x3a: {  	v1 =	vld [tilespmem:s30+$0x10000];
	_ =	sdelay $0x4  }
0x3b: {  	(v2sf) =	vpush v1, $0x0  }
0x3c: {  	(v2sf) =	vpush v1, $0x1  }
0x3d: {  	(v2sf) =	vpush v1, $0x2  }
0x3e: {  	(v2sf) =	vpush v1, $0x3  }
0x3f: {  	(v2sf) =	vpush v1, $0x4  }
0x40: {  	(v2sf) =	vpush v1, $0x5  }
0x41: {  	(v2sf) =	vpush v1, $0x6  }
0x42: {  	(v2sf) =	vpush v1, $0x7  }
0x43: {  	(v2sf) =	vpush v1, $0x8;
	_ =	sdelay $0x6  }
0x44: {  	s1 =	spop (v2sf)  }
0x45: {  	s7 =	spop (v2sf)  }
0x46: {  	s3 =	spop (v2sf)  }
0x47: {  	s11 =	spop (v2sf)  }
0x48: {  	s15 =	spop (v2sf)  }
0x49: {  	s16 =	spop (v2sf)  }
0x4a: {  	s17 =	spop (v2sf)  }
0x4b: {  	s18 =	spop (v2sf);
	s22 =	smul.f32 s17, s16  }
0x4c: {  	s10 =	spop (v2sf);
	s20 =	smul.f32 s18, s16  }
0x4d: {  	s19 =	smul.f32 s10, s15  }
0x4e: {  	s21 =	smul.f32 s10, s11  }
0x4f: {  	s24 =	smul.f32 s17, s15;
	s19 =	ssub.f32 s19, s20  }
0x50: {  	s9 =	smul.f32 s18, s11;
	s21 =	ssub.f32 s21, s22  }
0x51: {  	s23 =	smul.f32 s19, s1  }
0x52: {  	s20 =	ssub.f32 s9, s24;
	s25 =	smul.f32 s21, s7  }
0x53: {  	_ = 	snop  }
0x54: {  	s26 =	smul.f32 s20, s3;
	s22 =	ssub.f32 s23, s25  }
0x55: {  	_ = 	snop  }
0x56: {  	s22 =	sadd.f32 s22, s26;
	_ =	sdelay $0x1  }
0x57: {  	v1 =	vmov s22  }
0x58: {  	(erf) = vrcp.f32 v1;
	_ =	sdelay $0x8  }
0x59: {  	v1 =	vpop (erf)  }
0x5a: {  	s29 =	smul.f32 s15, s3;
	(v2sf) =	vpush v1, $0x0  }
0x5b: {  	s0 =	smul.f32 s15, s1  }
0x5c: {  	s28 =	smul.f32 s16, s7  }
0x5d: {  	s4 =	smul.f32 s18, s3  }
0x5e: {  	s5 =	ssub.f32 s28, s29;
	s28 =	smul.f32 s17, s3  }
0x5f: {  	s16 =	smul.f32 s16, s1  }
0x60: {  	s17 =	smul.f32 s17, s7  }
0x61: {  	s18 =	smul.f32 s18, s1;
	s9 =	rddreg [dreg:$0x6]  }
0x62: {  	[tilespmem:s2], [sflag:$0x1] =	stream.linear.gather [hbm4b:s9+s2], $0x2000, $0x38;
	[tilespmem:$0x10400] =	vst v63  }
0x63: {  	s26 =	smul.f32 s10, s7  }
0x64: {  	s10 =	smul.f32 s10, s1  }
0x65: {  	s1 =	smul.f32 s11, s7;
	s7 =	ssub.f32 s17, s18  }
0x66: {  	s18 =	rddreg [dreg:$0x7]  }
0x67: {  	s23 =	ssub.f32 s4, s26;
	s4 =	simm.s32 $0x2000  }
0x68: {  	[tilespmem:s4], [sflag:$0x2] =	stream.linear.gather [hbm4b:s18+s2], $0x2000, $0x38;
	[tilespmem:$0x10400] =	vst v63  }
0x69: {  	s3 =	smul.f32 s11, s3;
	s30 =	spop (v2sf)  }
0x6a: {  	s19 =	smul.f32 s30, s19  }
0x6b: {  	s21 =	ssub.f32 $0.0e+00, s21;
	s23 =	smul.f32 s30, s23  }
0x6c: {  	s10 =	ssub.f32 s10, s28;
	s26 =	smul.f32 s30, s5  }
0x6d: {  	s21 =	smul.f32 s30, s21  }
0x6e: {  	s29 =	simm.s32 $0x0;
	s10 =	smul.f32 s30, s10  }
0x6f: {  	s9 =	sand.u32 $0x7, s29;
	s3 =	ssub.f32 s3, s16;
	s16 =	smul.f32 s30, s20  }
0x70: {  	s0 =	ssub.f32 s0, s1;
	s4 =	simm.s32 $0x1;
	s17 =	smul.f32 s30, s7  }
0x71: {  	s15 =	smul.f32 s30, s3;
	_ =	swait.ge [sflag:s4], $0x2000;
	s11 =	sadd.f32 s23, s19  }
0x72: {  	s0 =	smul.f32 s30, s0;
	s5 =	simm.s32 $0x30;
	s25 =	sadd.f32 s17, s16  }
0x73: {  	s7 =	simm.s32 $0x20;
	s22 =	rddreg [dreg:$0x4];
	s1 =	smul.f32 $5.000000000e-01, s11  }
0x74: {  	s3 =	sand.u32 $0x70, s5;
	s11 =	sadd.s32 $0x0, s22;
	s22 =	smul.f32 $5.000000000e-01, s25  }
0x75: {  	s11 =	sshrl.u32 s11, $0x9;
	s24 =	sadd.f32 s1, s26;
	s26 =	sand.u32 $0x180, s2  }
0x76: {  	s1 =	sand.u32 $0x60, s7;
	s30 =	sand.u32 $0x188, s11;
	s11 =	sand.u32 $0x40, s2  }
0x77: {  	v1 =	vmov s19;
	s28 =	sor.u32 s26, s3;
	s19 =	sor.u32 s9, s30;
	s25 =	sor.u32 s11, s26;
	v3 =	vmov s24  }
0x78: {  	s20 =	sadd.f32 s10, s21;
	v4 =	vor.u32 s28, v0;
	s24 =	sor.u32 s26, s1;
	v5 =	vmov s19;
	v6 =	vor.u32 s25, v0  }
0x79: {  	v7 =	vcvt.s32.f32 v4;
	v4 =	vor.u32 s24, v0;
	v8 =	vcvt.s32.f32 v5  }
0x7a: {  	s20 =	smul.f32 $5.000000000e-01, s20;
	v13 =	vcvt.s32.f32 v6;
	v5 =	vmov s16;
	v11 =	vcvt.s32.f32 v4  }
0x7b: {  	s31 =	simm.s32 $0x10;
	s7 =	simm.s32 $0x10;
	v4 =	vmov s21;
	v21 =	vmul.f32 v7, v1;
	v9 =	vbroadcast v8, $0x0  }
0x7c: {  	[sflag:s4] =	ssyncset.done $0x0;
	s30 =	sadd.f32 s20, s15;
	s15 =	sand.u32 $0x50, s7;
	v14 =	vmul.f32 v13, v4;
	v24 =	vmul.f32 v7, v5  }
0x7d: {  	v2 =	vmov s23;
	[sflag:s4] =	ssyncadd.s32 $0xFFFFE000;
	s23 =	rddreg [dreg:$0x4];
	s9 =	sor.u32 s26, s15;
	v12 =	vmul.f32 v7, v4;
	v26 =	vmul.f32 v13, v5  }
0x7e: {  	s5 =	sadd.f32 s22, s0;
	s0 =	simm.s32 $0x20;
	s22 =	simm.s32 $0x8;
	v8 =	vor.u32 s9, v0;
	v13 =	vmul.f32 v13, v1;
	v10 =	vmul.f32 v11, v4  }
0x7f: {  	s20 =	sand.u32 $0x20, s29;
	s25 =	sand.u32 $0x1C, s2;
	v6 =	vmov s17;
	s21 =	simm.s32 $0x40;
	v19 =	vcvt.s32.f32 v8;
	v20 =	vmul.f32 v11, v1  }
0x80: {  	s24 =	simm.s32 $0x70;
	v7 =	vmov s10;
	s10 =	sand.u32 $0x40, s21;
	s21 =	sand.u32 $0x180, s22;
	v29 =	vmul.f32 v11, v5;
	v15 =	vmul.f32 v9, v2  }
0x81: {  	s2 =	simm.s32 $0x60;
	s16 =	sand.u32 $0x70, s24;
	v8 =	vmov s30;
	s30 =	sor.u32 s10, s21;
	v22 =	vmul.f32 v9, v6;
	v28 =	vmul.f32 v9, v7  }
0x82: {  	s29 =	simm.s32 $0x80;
	s18 =	sand.u32 $0x60, s2;
	s4 =	sor.u32 s21, s16;
	v9 =	vmov s5;
	v16 =	vor.u32 s30, v0;
	v17 =	vmul.f32 v19, v4  }
0x83: {  	s28 =	simm.s32 $0x0;
	s22 =	sadd.s32 $0x40, s23;
	v25 =	vor.u32 s4, v0;
	s5 =	sor.u32 s21, s18;
	v18 =	vmul.f32 v19, v5;
	v16 =	vcvt.s32.f32 v16  }
0x84: {  	s17 =	simm.s32 $0x0;
	s7 =	sand.u32 $0x7, s28;
	s22 =	sshrl.u32 s22, $0x9;
	v11 =	vor.u32 s5, v0;
	v31 =	vcvt.s32.f32 v25;
	v15 =	vadd.f32 v15, v3  }
0x85: {  	s20 =	sor.u32 s25, s20;
	s25 =	simm.s32 $0x50;
	s22 =	sand.u32 $0x188, s22;
	v19 =	vmul.f32 v19, v1;
	v25 =	vcvt.s32.f32 v11;
	v27 =	vadd.f32 v22, v9  }
0x86: {  	s9 =	sand.u32 $0x3, s17;
	s17 =	sand.u32 $0x50, s25;
	s19 =	sor.u32 s7, s22;
	v22 =	vld [tilespmem:s0+$0x0];
	v34 =	vmul.f32 v31, v5;
	v33 =	vmul.f32 v31, v4;
	v23 =	vadd.f32 v15, v13  }
0x87: {  	s26 =	simm.s32 $0x4;
	s21 =	sor.u32 s21, s17;
	s22 =	simm.s32 $0x2;
	v13 =	vmov s19;
	v40 =	vadd.f32 v15, v20;
	v20 =	vmul.f32 v31, v1  }
0x88: {  	s24 =	simm.s32 $0x0;
	s30 =	sand.u32 $0x20, s28;
	s19 =	sand.u32 $0x1C, s22;
	v30 =	vadd.f32 v15, v21;
	v21 =	vor.u32 s21, v0;
	v11 =	vcvt.s32.f32 v13  }
0x89: {  	s20 =	sor.u32 s9, s20;
	s22 =	sand.u32 $0x3, s24;
	v32 =	vadd.f32 v27, v26;
	s19 =	sor.u32 s19, s30;
	v13 =	vmul.f32 v25, v4;
	v31 =	vcvt.s32.f32 v21  }
0x8a: {  	s20 =	sshll.u32 s20, $0x7;
	s28 =	simm.s32 $0x4;
	v35 =	vadd.f32 v27, v24;
	v21 =	vmul.f32 v16, v5;
	s19 =	sor.u32 s22, s19;
	v37 =	vbroadcast v11, $0x0  }
0x8b: {  	v36 =	vld [tilespmem:s0+$0x10];
	s23 =	sor.u32 $0x4000, s20;
	s20 =	simm.s32 $0x60;
	v38 =	vadd.f32 v27, v29;
	s19 =	sshll.u32 s19, $0x7;
	v11 =	vmul.f32 v16, v4;
	v40 =	vmul.f32 v22, v40  }
0x8c: {  	v24 =	vld [tilespmem:s0+$0xFFFFFFF0];
	v29 =	vadd.f32 v28, v8;
	s22 =	sor.u32 s1, s23;
	s1 =	sor.u32 s3, s23;
	s19 =	sor.u32 $0x4000, s19;
	v39 =	vmul.f32 v37, v2;
	v26 =	vmul.f32 v37, v6  }
.LBB2_2:
0x8d: {  	v28 =	vmul.f32 v37, v7;
	v52 =	vmul.f32 v16, v1  }
0x8e: {  	s26 =	sadd.s32 $0x4, s26;
	s21 =	sand.u32 $0x40, s29;
	v44 =	vmul.f32 v25, v1;
	v46 =	vmul.f32 v25, v5;
	v58 =	vadd.f32 v15, v19  }
0x8f: {  	s3 =	sadd.s32 $0x30, s29;
	s9 =	sand.u32 $0x180, s31;
	v43 =	vld [tilespmem:s0+$0xFFFFFFE0];
	s30 =	sadd.s32 $0x20, s29;
	v51 =	vmul.f32 v31, v4;
	v39 =	vadd.f32 v39, v3;
	v62 =	vadd.f32 v29, v10  }
0x90: {  	s4 =	rddreg [dreg:$0x4];
	s5 =	sadd.s32 $0x10, s29;
	s24 =	sshrl.u32 s26, $0x6;
	v42 =	vmul.f32 v31, v5;
	v45 =	vadd.f32 v29, v12;
	v38 =	vmul.f32 v22, v38  }
0x91: {  	s3 =	sand.u32 $0x70, s3;
	s2 =	sor.u32 s21, s9;
	s30 =	sand.u32 $0x60, s30;
	v31 =	vmul.f32 v31, v1;
	[tilespmem:s22+$0x0] =	vst v40;
	v25 =	vadd.f32 v29, v17;
	v22 =	vmul.f32 v22, v62  }
0x92: {  	s7 =	sshrl.u32 s26, $0x3;
	s0 =	sand.u32 $0x50, s5;
	v59 =	vadd.f32 v29, v14;
	s25 =	sor.u32 s9, s3;
	v16 =	vor.u32 s2, v0;
	[tilespmem:s22+$0x4000] =	vst v38;
	v30 =	vmul.f32 v36, v30  }
0x93: {  	v41 =	vmovc v34;
	s2 =	sand.u32 $0x7, s7;
	v53 =	vor.u32 s25, v0;
	v16 =	vcvt.s32.f32 v16;
	s25 =	sand.u32 $0x20, s7;
	s7 =	sand.u32 $0x1C, s28;
	v56 =	vmul.f32 v24, v25;
	v63 =	vld [tilespmem:s20+$0x0];
	[tilespmem:s22+$0x2000] =	vst v22  }
0x94: {  	s4 =	sadd.s32 s29, s4;
	s7 =	sor.u32 s7, s25;
	s25 =	sor.u32 s15, s23;
	v54 =	vmul.f32 v43, v23;
	v23 =	vadd.f32 v27, v18;
	v27 =	vmul.f32 v36, v35;
	[tilespmem:s1+$0x0] =	vst v30  }
0x95: {  	v12 =	vmovc v33;
	s5 =	sor.u32 s9, s30;
	s24 =	sand.u32 $0x3, s24;
	s4 =	sshrl.u32 s4, $0x9;
	v34 =	vadd.f32 v39, v52;
	v33 =	vcvt.s32.f32 v53;
	v61 =	vmul.f32 v24, v58;
	[tilespmem:s25+$0x2000] =	vst v56  }
0x96: {  	v10 =	vmovc v13;
	s4 =	sand.u32 $0x188, s4;
	v25 =	vor.u32 s5, v0;
	s7 =	sor.u32 s24, s7;
	v32 =	vmul.f32 v43, v32;
	v30 =	vmul.f32 v36, v45;
	[tilespmem:s1+$0x4000] =	vst v27  }
0x97: {  	v14 =	vmovc v11;
	v55 =	vadd.f32 v39, v44;
	s2 =	sor.u32 s2, s4;
	v25 =	vcvt.s32.f32 v25;
	s7 =	sshll.u32 s7, $0x7;
	v60 =	vmul.f32 v24, v23;
	v24 =	vld [tilespmem:s20+$0xFFFFFFF0];
	[tilespmem:s25+$0x0] =	vst v61  }
0x98: {  	s31 =	sadd.s32 $0x8, s31;
	v17 =	vmovc v51;
	v15 =	vmovc v39;
	v11 =	vmul.f32 v16, v4;
	v57 =	vmul.f32 v33, v1;
	s5 =	sor.u32 $0x4000, s7;
	s7 =	sor.u32 s11, s23;
	v27 =	vmov s2;
	[tilespmem:s1+$0x2000] =	vst v30  }
0x99: {  	p0 =	slt.u32 s26, $0x1FC;
	s29 =	sadd.s32 $0x40, s29;
	s9 =	sor.u32 s9, s0;
	v19 =	vmovc v31;
	v29 =	vmul.f32 v25, v4;
	v30 =	vadd.f32 v39, v20;
	[tilespmem:s7+$0x4000] =	vst v32;
	v31 =	vcvt.s32.f32 v27  }
.Ltmp0:
0x9a: {  	s28 =	sadd.s32 $0x2, s28;
	s15 =	smov.u32 s17;
	v27 =	vadd.f32 v26, v9;
	v26 =	vmul.f32 v43, v59;
	v23 =	vmovc v34;
	v34 =	vmul.f32 v33, v5;
	(pc) =	sbr.rel @p0 .LBB2_2-.Ltmp0, $4  }
0x9b: {  	s17 =	smov.u32 s0;
	s0 =	smov.u32 s20;
	s24 =	smov.u32 s18;
	v33 =	vmul.f32 v33, v4;
	v13 =	vmovc v29;
	v29 =	vadd.f32 v28, v8;
	v40 =	vmul.f32 v63, v55  }
0x9c: {  	v18 =	vmovc v42;
	s18 =	smov.u32 s30;
	s11 =	smov.u32 s10;
	s10 =	smov.u32 s21;
	[tilespmem:s7+$0x0] =	vst v54;
	v20 =	vmovc v57;
	v37 =	vbroadcast v31, $0x0;
	v31 =	vor.u32 s9, v0;
	v32 =	vadd.f32 v27, v21  }
0x9d: {  	s23 =	smov.u32 s19;
	s20 =	sadd.s32 $0x40, s20;
	s19 =	smov.u32 s5;
	[tilespmem:s25+$0x4000] =	vst v60;
	v22 =	vmovc v63;
	v35 =	vadd.f32 v27, v41;
	v21 =	vmul.f32 v16, v5;
	v31 =	vcvt.s32.f32 v31  }
0x9e: {  	s1 =	sor.u32 s16, s23;
	s22 =	sor.u32 s24, s23;
	s16 =	smov.u32 s3;
	v36 =	vld [tilespmem:s0+$0x10];
	[tilespmem:s7+$0x2000] =	vst v26;
	v38 =	vadd.f32 v27, v46;
	v39 =	vmul.f32 v37, v2;
	v26 =	vmul.f32 v37, v6  }
0x9f: {  	v17 =	vadd.f32 v29, v17  }
0xa0: {  	v28 =	vld [tilespmem:s0+$0xFFFFFFE0];
	v15 =	vadd.f32 v15, v19;
	v38 =	vmul.f32 v22, v38  }
0xa1: {  	[tilespmem:s22+$0x0] =	vst v40;
	v18 =	vadd.f32 v27, v18;
	v17 =	vmul.f32 v24, v17  }
0xa2: {  	s29 =	sor.u32 s15, s23;
	v15 =	vmul.f32 v24, v15;
	[tilespmem:s22+$0x4000] =	vst v38  }
0xa3: {  	v18 =	vmul.f32 v24, v18;
	[tilespmem:s29+$0x2000] =	vst v17  }
0xa4: {  	v30 =	vmul.f32 v36, v30;
	[tilespmem:s29+$0x0] =	vst v15  }
0xa5: {  	v12 =	vadd.f32 v29, v12;
	[tilespmem:s29+$0x4000] =	vst v18;
	v23 =	vmul.f32 v28, v23  }
0xa6: {  	s28 =	sor.u32 s11, s23;
	v10 =	vadd.f32 v29, v10;
	v18 =	vld [tilespmem:s20+$0xFFFFFFE0];
	[tilespmem:s1+$0x0] =	vst v30;
	v30 =	vmul.f32 v36, v35  }
0xa7: {  	v27 =	vld [tilespmem:s20+$0x0];
	v14 =	vadd.f32 v29, v14;
	v24 =	vadd.f32 v26, v9;
	v12 =	vmul.f32 v36, v12;
	[tilespmem:s28+$0x0] =	vst v23  }
0xa8: {  	v19 =	vadd.f32 v39, v3;
	v10 =	vmul.f32 v22, v10;
	v23 =	vld [tilespmem:s20+$0x10];
	[tilespmem:s1+$0x4000] =	vst v30;
	v30 =	vmul.f32 v25, v1  }
0xa9: {  	v21 =	vadd.f32 v24, v21;
	v32 =	vmul.f32 v28, v32;
	[tilespmem:s1+$0x2000] =	vst v12;
	v12 =	vmul.f32 v37, v7  }
0xaa: {  	[tilespmem:s22+$0x2000] =	vst v10;
	v14 =	vmul.f32 v28, v14;
	v25 =	vmul.f32 v25, v5;
	v17 =	vadd.f32 v19, v30  }
0xab: {  	v15 =	vadd.f32 v19, v20;
	[tilespmem:s28+$0x4000] =	vst v32;
	v12 =	vadd.f32 v12, v8;
	v21 =	vmul.f32 v18, v21  }
0xac: {  	s2 =	sor.u32 s10, s19;
	[tilespmem:s28+$0x2000] =	vst v14;
	v14 =	vadd.f32 v24, v25;
	v17 =	vmul.f32 v27, v17  }
0xad: {  	s30 =	sor.u32 s18, s19;
	v10 =	vadd.f32 v12, v33;
	[tilespmem:s2+$0x4000] =	vst v21;
	v15 =	vmul.f32 v23, v15  }
0xae: {  	v16 =	vmul.f32 v16, v1;
	s31 =	sor.u32 s16, s19;
	v20 =	vld [tilespmem:s20+$0xFFFFFFF0];
	v11 =	vadd.f32 v12, v11;
	v14 =	vmul.f32 v27, v14;
	[tilespmem:s30+$0x0] =	vst v17  }
0xaf: {  	v22 =	vadd.f32 v24, v34;
	v10 =	vmul.f32 v23, v10;
	v17 =	vmul.f32 v31, v4;
	[tilespmem:s31+$0x0] =	vst v15  }
0xb0: {  	v11 =	vmul.f32 v18, v11;
	v15 =	vadd.f32 v19, v16;
	v16 =	vmul.f32 v31, v1;
	[tilespmem:s30+$0x4000] =	vst v14  }
0xb1: {  	v14 =	vmul.f32 v23, v22;
	v22 =	vmul.f32 v31, v5;
	[tilespmem:s31+$0x2000] =	vst v10;
	v17 =	vadd.f32 v12, v17  }
0xb2: {  	[tilespmem:s2+$0x2000] =	vst v11;
	v10 =	vmul.f32 v18, v15;
	v15 =	vadd.f32 v19, v16  }
0xb3: {  	[tilespmem:s31+$0x4000] =	vst v14;
	v14 =	vadd.f32 v24, v22;
	v16 =	vmul.f32 v20, v17  }
0xb4: {  	s3 =	sor.u32 s17, s19;
	v12 =	vadd.f32 v12, v13;
	[tilespmem:s2+$0x0] =	vst v10;
	v10 =	vmul.f32 v20, v15  }
0xb5: {  	v14 =	vmul.f32 v20, v14;
	[tilespmem:s3+$0x2000] =	vst v16  }
0xb6: {  	[tilespmem:s3+$0x0] =	vst v10;
	v10 =	vmul.f32 v27, v12  }
0xb7: {  	[tilespmem:s3+$0x4000] =	vst v14  }
0xb8: {  	[tilespmem:s30+$0x2000] =	vst v10  }
0xb9: {  	s24 =	simm.s32 $0x80;
	s26 =	simm.s32 $0x200;
	s0 =	rddreg [dreg:$0x8]  }
0xba: {  	s4 =	simm.s32 $0x4000;
	s11 =	simm.s32 $0x0;
	s25 =	rddreg [dreg:$0x5]  }
0xbb: {  	[hbm4b:s0+s24] =	stream.strided.scatter [tilespmem:s4], [sflag:$0x3], $0x2000, s26, s24, $0x38;
	[tilespmem:$0x10400] =	vst v63  }
0xbc: {  	s7 =	simm.s32 $0x6000;
	s10 =	simm.s32 $0x8000;
	s16 =	sor.u32 s25, s11  }
0xbd: {  	s17 =	simm.s32 $0x0;
	s5 =	rddreg [dreg:$0x10];
	s0 =	sshrl.u32 s16, $0x9  }
0xbe: {  	[hbm4b:s5+s24] =	stream.strided.scatter [tilespmem:s7], [sflag:$0x3], $0x2000, s26, s24, $0x38;
	[tilespmem:$0x10400] =	vst v63  }
0xbf: {  	s3 =	sand.u32 $0x7, s17;
	s9 =	rddreg [dreg:$0x11];
	s0 =	sand.u32 $0x198, s0  }
0xc0: {  	s4 =	sand.u32 $0x180, s11;
	s3 =	sor.u32 s3, s0;
	s0 =	sand.u32 $0x40, s11  }
0xc1: {  	[hbm4b:s9+s24] =	stream.strided.scatter [tilespmem:s10], [sflag:$0x3], $0x2000, s26, s24, $0x38;
	[tilespmem:$0x10400] =	vst v63  }
0xc2: {  	v10 =	vmov s3;
	s19 =	sor.u32 $0x10, s0;
	s5 =	sor.u32 s0, s4  }
0xc3: {  	s21 =	sor.u32 $0x20, s0;
	s22 =	sor.u32 $0x30, s0;
	v10 =	vcvt.s32.f32 v10;
	s20 =	sor.u32 s4, s19  }
0xc4: {  	s9 =	sor.u32 s4, s21;
	v12 =	vor.u32 s5, v0;
	s4 =	sor.u32 s4, s22;
	v11 =	vor.u32 s20, v0  }
0xc5: {  	v12 =	vcvt.s32.f32 v12;
	v15 =	vor.u32 s4, v0;
	v10 =	vbroadcast v10, $0x0  }
0xc6: {  	v13 =	vcvt.s32.f32 v11;
	v11 =	vor.u32 s9, v0;
	v15 =	vcvt.s32.f32 v15  }
0xc7: {  	s18 =	simm.s32 $0x2;
	s15 =	rddreg [dreg:$0xa];
	v18 =	vcvt.s32.f32 v11;
	v11 =	vmul.f32 v12, v5  }
0xc8: {  	[tilespmem:s11], [sflag:$0x1] =	stream.linear.gather [hbm4b:s15+s11], $0x2000, $0x38;
	v20 =	vmul.f32 v12, v1;
	v12 =	vmul.f32 v12, v4;
	[tilespmem:$0x10400] =	vst v63  }
0xc9: {  	s7 =	sand.u32 $0x1F80, s11;
	_ =	swait.ge [sflag:s18], $0x2000;
	v14 =	vmul.f32 v10, v6;
	v16 =	vmul.f32 v10, v2  }
0xca: {  	s28 =	sor.u32 $0x2000, s7;
	[sflag:s18] =	ssyncset.done $0x0;
	v19 =	vmul.f32 v13, v5;
	v22 =	vmul.f32 v10, v7  }
0xcb: {  	s7 =	sor.u32 s0, s28;
	[sflag:s18] =	ssyncadd.s32 $0xFFFFE000;
	v26 =	vmul.f32 v13, v1;
	v27 =	vmul.f32 v15, v1  }
0xcc: {  	s1 =	sand.u32 $0x1C, s11;
	s2 =	sand.u32 $0x20, s17;
	s31 =	sor.u32 s19, s28;
	v28 =	vmul.f32 v15, v5;
	v17 =	vld [tilespmem:s7+$0x0];
	v21 =	vmul.f32 v18, v5;
	v14 =	vadd.f32 v14, v9  }
0xcd: {  	s1 =	sor.u32 s1, s2;
	s29 =	sor.u32 s21, s28;
	v23 =	vmul.f32 v18, v1;
	v25 =	vld [tilespmem:s31+$0x0];
	v16 =	vadd.f32 v16, v3;
	v22 =	vadd.f32 v22, v8  }
0xce: {  	s17 =	simm.s32 $0x8;
	s30 =	simm.s32 $0x0;
	s9 =	simm.s32 $0x40;
	v15 =	vmul.f32 v15, v4;
	v10 =	vadd.f32 v14, v11;
	v11 =	vld [tilespmem:s29+$0x0];
	v21 =	vadd.f32 v14, v21  }
0xcf: {  	s4 =	sand.u32 $0x3, s30;
	s15 =	sor.u32 s22, s28;
	s16 =	sor.u32 s25, s9;
	v13 =	vmul.f32 v13, v4;
	v20 =	vadd.f32 v16, v20;
	v23 =	vadd.f32 v16, v23  }
0xd0: {  	s2 =	sor.u32 s4, s1;
	s5 =	sshrl.u32 s16, $0x9;
	s18 =	simm.s32 $0x0;
	v24 =	vmul.f32 v18, v4;
	v19 =	vadd.f32 v14, v19;
	v15 =	vadd.f32 v22, v15  }
0xd1: {  	s1 =	sand.u32 $0x40, s9;
	s5 =	sand.u32 $0x198, s5;
	s23 =	sand.u32 $0x7, s18;
	v12 =	vadd.f32 v22, v12;
	v26 =	vadd.f32 v16, v26;
	v18 =	vmul.f32 v17, v10  }
0xd2: {  	s16 =	sor.u32 $0x20, s1;
	s7 =	sand.u32 $0x180, s17;
	s5 =	sor.u32 s23, s5;
	v13 =	vadd.f32 v22, v13;
	v10 =	vld [tilespmem:s15+$0x0];
	v29 =	vmul.f32 v17, v20;
	v19 =	vmul.f32 v25, v19  }
0xd3: {  	s29 =	sor.u32 s7, s16;
	v17 =	vmul.f32 v17, v12;
	v20 =	vmul.f32 v11, v21;
	v21 =	vmov s5  }
0xd4: {  	s2 =	sshll.u32 s2, $0x7;
	s30 =	sor.u32 s1, s7;
	v31 =	vor.u32 s29, v0;
	v63 =	vmul.f32 v25, v26;
	v21 =	vcvt.s32.f32 v21  }
0xd5: {  	s2 =	sor.u32 $0x4000, s2;
	s17 =	sor.u32 $0x10, s1;
	v12 =	vor.u32 s30, v0;
	v25 =	vmul.f32 v25, v13;
	v26 =	vcvt.s32.f32 v31  }
0xd6: {  	s31 =	sor.u32 s0, s2;
	s28 =	sor.u32 s7, s17;
	v14 =	vadd.f32 v14, v28;
	v61 =	vcvt.s32.f32 v12;
	v21 =	vbroadcast v21, $0x0  }
0xd7: {  	s4 =	sand.u32 $0x1F80, s9;
	s20 =	sor.u32 $0x30, s1;
	s10 =	sor.u32 s21, s2;
	v28 =	vor.u32 s28, v0;
	[tilespmem:s31+$0x6000] =	vst v29;
	v29 =	vmul.f32 v26, v1;
	v30 =	vmul.f32 v10, v15  }
0xd8: {  	s11 =	sor.u32 s19, s2;
	s19 =	simm.s32 $0x2;
	s0 =	sor.u32 s22, s2;
	[tilespmem:s31+$0xA000] =	vst v18;
	v18 =	vadd.f32 v16, v27;
	v15 =	vcvt.s32.f32 v28;
	v16 =	vmul.f32 v21, v6  }
0xd9: {  	s22 =	sor.u32 $0x2000, s4;
	s21 =	sand.u32 $0x1C, s19;
	s23 =	simm.s32 $0x0;
	[tilespmem:s11+$0xA000] =	vst v19;
	v23 =	vmul.f32 v11, v23;
	v13 =	vmul.f32 v61, v5  }
0xda: {  	s7 =	sor.u32 s7, s20;
	s28 =	sand.u32 $0x20, s18;
	s29 =	sor.u32 s1, s22;
	[tilespmem:s31+$0x8000] =	vst v17;
	v31 =	vmul.f32 v61, v1;
	v19 =	vadd.f32 v16, v9;
	v16 =	vmul.f32 v15, v5  }
0xdb: {  	s4 =	sand.u32 $0x3, s23;
	s2 =	sor.u32 s21, s28;
	v12 =	vor.u32 s7, v0;
	s31 =	sor.u32 s20, s22;
	v62 =	vmul.f32 v10, v14;
	v14 =	vld [tilespmem:s29+$0x0];
	[tilespmem:s0+$0x8000] =	vst v30;
	v30 =	vmul.f32 v26, v5  }
0xdc: {  	s2 =	sor.u32 s4, s2;
	[tilespmem:s11+$0x8000] =	vst v25;
	v28 =	vmul.f32 v21, v2;
	v25 =	vadd.f32 v19, v16;
	v16 =	vmul.f32 v26, v4;
	v26 =	vld [tilespmem:s31+$0x0]  }
0xdd: {  	s3 =	sor.u32 s16, s22;
	s18 =	simm.s32 $0x10;
	s2 =	sshll.u32 s2, $0x7;
	[tilespmem:s10+$0xA000] =	vst v20;
	v20 =	vadd.f32 v22, v24;
	v22 =	vcvt.s32.f32 v12;
	v24 =	vmul.f32 v61, v4  }
0xde: {  	s15 =	simm.s32 $0x4;
	s30 =	sor.u32 s17, s22;
	s2 =	sor.u32 $0x4000, s2;
	[tilespmem:s11+$0x6000] =	vst v63;
	v12 =	vadd.f32 v28, v3;
	v28 =	vmul.f32 v21, v7;
	v21 =	vld [tilespmem:s3+$0x0];
	v17 =	vadd.f32 v19, v13  }
0xdf: {  	s16 =	sor.u32 s16, s2;
	s11 =	sor.u32 s17, s2;
	s17 =	simm.s32 $0x4;
	[tilespmem:s10+$0x6000] =	vst v23;
	v23 =	vmul.f32 v15, v1;
	v32 =	vmul.f32 v22, v5;
	v30 =	vadd.f32 v19, v30  }
0xe0: {  	s19 =	sor.u32 s1, s2;
	s1 =	sor.u32 s20, s2;
	s20 =	simm.s32 $0x80;
	[tilespmem:s0+$0xA000] =	vst v62;
	v13 =	vld [tilespmem:s30+$0x0];
	v31 =	vadd.f32 v12, v31;
	v27 =	vmul.f32 v14, v17;
	v17 =	vmul.f32 v22, v1  }
.LBB2_4:
0xe1: {  	s15 =	sadd.s32 $0x4, s15;
	s2 =	sor.u32 s25, s20;
	s3 =	sand.u32 $0x40, s20;
	v15 =	vmul.f32 v15, v4;
	v29 =	vadd.f32 v12, v29;
	v18 =	vmul.f32 v10, v18;
	v10 =	vmovc v26  }
0xe2: {  	s5 =	sand.u32 $0x1C, s17;
	v26 =	vadd.f32 v28, v8;
	v22 =	vmul.f32 v22, v4;
	v33 =	vmul.f32 v11, v20;
	s2 =	sshrl.u32 s2, $0x9;
	s4 =	sshrl.u32 s15, $0x3  }
0xe3: {  	s9 =	sshrl.u32 s15, $0x6;
	v20 =	vmul.f32 v14, v31;
	v19 =	vadd.f32 v19, v32;
	s2 =	sand.u32 $0x198, s2;
	s7 =	sand.u32 $0x7, s4;
	v28 =	vmul.f32 v21, v29;
	[tilespmem:s0+$0x6000] =	vst v18  }
0xe4: {  	s22 =	sor.u32 $0x30, s3;
	s0 =	sand.u32 $0x180, s18;
	v29 =	vadd.f32 v26, v15;
	v15 =	vmul.f32 v21, v30;
	v18 =	vadd.f32 v26, v22;
	s2 =	sor.u32 s7, s2;
	[tilespmem:s10+$0x8000] =	vst v33  }
0xe5: {  	v25 =	vmul.f32 v13, v25;
	s21 =	sor.u32 $0x10, s3;
	v24 =	vadd.f32 v26, v24;
	v11 =	vmovc v21;
	s7 =	sor.u32 s3, s0;
	v22 =	vmov s2;
	s2 =	sor.u32 $0x20, s3;
	[tilespmem:s19+$0xA000] =	vst v27  }
0xe6: {  	s4 =	sand.u32 $0x20, s4;
	s10 =	sor.u32 s0, s21;
	v18 =	vmul.f32 v10, v18;
	v21 =	vcvt.s32.f32 v22;
	s23 =	sor.u32 s0, s2;
	v22 =	vadd.f32 v12, v23;
	[tilespmem:s16+$0xA000] =	vst v15  }
0xe7: {  	s4 =	sor.u32 s5, s4;
	s5 =	sand.u32 $0x3, s9;
	v24 =	vmul.f32 v14, v24;
	v15 =	vor.u32 s10, v0;
	s0 =	sor.u32 s0, s22;
	v23 =	vor.u32 s23, v0;
	[tilespmem:s11+$0xA000] =	vst v25  }
0xe8: {  	p0 =	slt.u32 s15, $0x1FC;
	v14 =	vor.u32 s7, v0;
	s4 =	sor.u32 s5, s4;
	s10 =	smov.u32 s16;
	v15 =	vcvt.s32.f32 v15;
	v21 =	vbroadcast v21, $0x0;
	[tilespmem:s1+$0x8000] =	vst v18  }
0xe9: {  	s5 =	sand.u32 $0x1F80, s20;
	s4 =	sshll.u32 s4, $0x7;
	v25 =	vcvt.s32.f32 v14;
	v27 =	vor.u32 s0, v0;
	v14 =	vmul.f32 v10, v19;
	s0 =	smov.u32 s1;
	[tilespmem:s10+$0x6000] =	vst v28  }
0xea: {  	s4 =	sor.u32 $0x4000, s4;
	s1 =	sor.u32 $0x2000, s5;
	v18 =	vadd.f32 v12, v17;
	v28 =	vmul.f32 v13, v22;
	v19 =	vmul.f32 v21, v2;
	[tilespmem:s19+$0x6000] =	vst v20  }
0xeb: {  	v29 =	vmul.f32 v13, v29;
	s5 =	sor.u32 s3, s1;
	s7 =	sor.u32 s21, s1;
	s9 =	sor.u32 s22, s1;
	v17 =	vmul.f32 v21, v6;
	v20 =	vadd.f32 v26, v16;
	[tilespmem:s0+$0xA000] =	vst v14  }
0xec: {  	s16 =	sor.u32 s2, s4;
	s1 =	sor.u32 s2, s1;
	v22 =	vcvt.s32.f32 v27;
	v16 =	vcvt.s32.f32 v23;
	v12 =	vadd.f32 v19, v3;
	v14 =	vld [tilespmem:s5+$0x0];
	[tilespmem:s19+$0x8000] =	vst v24  }
0xed: {  	v23 =	vmul.f32 v25, v5;
	v19 =	vadd.f32 v17, v9;
	v17 =	vmul.f32 v15, v5;
	v13 =	vld [tilespmem:s7+$0x0];
	[tilespmem:s11+$0x8000] =	vst v29  }
.Ltmp1:
0xee: {  	v31 =	vmul.f32 v25, v1;
	v30 =	vmul.f32 v16, v5;
	v26 =	vld [tilespmem:s9+$0x0];
	[tilespmem:s11+$0x6000] =	vst v28;
	(pc) =	sbr.rel @p0 .LBB2_4-.Ltmp1, $4  }
0xef: {  	v29 =	vmul.f32 v16, v1;
	v28 =	vmul.f32 v21, v7;
	v23 =	vadd.f32 v19, v23  }
0xf0: {  	v24 =	vmul.f32 v25, v4;
	v16 =	vmul.f32 v16, v4;
	v25 =	vadd.f32 v19, v17;
	v21 =	vld [tilespmem:s1+$0x0]  }
0xf1: {  	s17 =	sadd.s32 $0x2, s17;
	s18 =	sadd.s32 $0x8, s18;
	s11 =	sor.u32 s21, s4;
	v30 =	vadd.f32 v19, v30;
	v27 =	vmul.f32 v14, v23;
	v23 =	vmul.f32 v15, v1  }
0xf2: {  	s20 =	sadd.s32 $0x40, s20;
	v32 =	vmul.f32 v22, v5;
	s19 =	sor.u32 s3, s4;
	v31 =	vadd.f32 v12, v31;
	v17 =	vmul.f32 v22, v1;
	s1 =	sor.u32 s22, s4  }
0xf3: {  	v10 =	vmul.f32 v10, v18;
	v18 =	vadd.f32 v28, v8;
	v22 =	vmul.f32 v22, v4  }
0xf4: {  	v11 =	vmul.f32 v11, v20;
	[tilespmem:s19+$0xA000] =	vst v27  }
0xf5: {  	[tilespmem:s0+$0x6000] =	vst v10;
	v10 =	vmul.f32 v21, v30;
	v20 =	vadd.f32 v18, v22  }
0xf6: {  	[tilespmem:s10+$0x8000] =	vst v11;
	v11 =	vadd.f32 v12, v29;
	v22 =	vmul.f32 v13, v25  }
0xf7: {  	[tilespmem:s16+$0xA000] =	vst v10;
	v10 =	vmul.f32 v26, v20  }
0xf8: {  	v15 =	vmul.f32 v15, v4;
	v19 =	vadd.f32 v19, v32;
	v11 =	vmul.f32 v21, v11;
	[tilespmem:s11+$0xA000] =	vst v22  }
0xf9: {  	v20 =	vmul.f32 v14, v31;
	v22 =	vadd.f32 v18, v24;
	[tilespmem:s1+$0x8000] =	vst v10  }
0xfa: {  	v10 =	vadd.f32 v18, v15;
	[tilespmem:s16+$0x6000] =	vst v11;
	v11 =	vmul.f32 v26, v19  }
0xfb: {  	v15 =	vadd.f32 v12, v23;
	v14 =	vmul.f32 v14, v22;
	[tilespmem:s19+$0x6000] =	vst v20  }
0xfc: {  	v12 =	vadd.f32 v12, v17;
	v10 =	vmul.f32 v13, v10;
	[tilespmem:s1+$0xA000] =	vst v11  }
0xfd: {  	v11 =	vmul.f32 v13, v15;
	v13 =	vadd.f32 v18, v16;
	[tilespmem:s19+$0x8000] =	vst v14  }
0xfe: {  	[tilespmem:s11+$0x8000] =	vst v10;
	v10 =	vmul.f32 v26, v12  }
0xff: {  	[tilespmem:s11+$0x6000] =	vst v11;
	v11 =	vmul.f32 v21, v13  }
0x100: {  	s21 =	simm.s32 $0xC000;
	s23 =	simm.s32 $0xE000;
	[tilespmem:s1+$0x6000] =	vst v10  }
0x101: {  	s3 =	simm.s32 $0x0;
	s25 =	simm.s32 $0x2000;
	s7 =	simm.s32 $0x3;
	[tilespmem:s16+$0x8000] =	vst v11  }
0x102: {  	s30 =	simm.s32 $0x0;
	s19 =	simm.s32 $0xA000;
	s0 =	rddreg [dreg:$0x12]  }
0x103: {  	[hbm4b:s0+s24] =	stream.strided.scatter [tilespmem:s19], [sflag:$0x4], $0x2000, s26, s24, $0x38;
	[tilespmem:$0x10400] =	vst v63  }
0x104: {  	s2 =	simm.s32 $0x30;
	s15 =	simm.s32 $0x20;
	s20 =	rddreg [dreg:$0x13]  }
0x105: {  	[hbm4b:s20+s24] =	stream.strided.scatter [tilespmem:s21], [sflag:$0x4], $0x2000, s26, s24, $0x38;
	[tilespmem:$0x10400] =	vst v63  }
0x106: {  	s9 =	sor.u32 s6, s30;
	s5 =	sand.u32 $0x180, s3;
	s22 =	rddreg [dreg:$0x14]  }
0x107: {  	[hbm4b:s22+s24] =	stream.strided.scatter [tilespmem:s23], [sflag:$0x4], $0x2000, s26, s24, $0x38;
	[tilespmem:$0x10400] =	vst v63  }
0x108: {  	s15 =	sand.u32 $0x60, s15;
	s24 =	rddreg [dreg:$0xb];
	s26 =	simm.s32 $0x1  }
0x109: {  	[tilespmem:s25], [sflag:$0x2] =	stream.linear.gather [hbm4b:s24+s3], $0x2000, $0x38;
	[tilespmem:$0x10400] =	vst v63  }
0x10a: {  	s10 =	simm.s32 $0x0;
	s16 =	sand.u32 $0x70, s2;
	_ =	swait.ge [sflag:s26], $0x2000  }
0x10b: {  	s1 =	sshrl.u32 s9, $0x9;
	s2 =	sor.u32 s5, s16;
	[sflag:s26] =	ssyncset.done $0x0  }
0x10c: {  	s4 =	sand.u32 $0x7, s10;
	s1 =	sand.u32 $0x1A8, s1;
	v11 =	vor.u32 s2, v0;
	[sflag:s26] =	ssyncadd.s32 $0xFFFFE000  }
0x10d: {  	s1 =	sor.u32 s4, s1;
	s0 =	sand.u32 $0x40, s30;
	v11 =	vcvt.s32.f32 v11;
	_ =	swait.ge [sflag:s7], $0x2000  }
0x10e: {  	s11 =	simm.s32 $0x10;
	v10 =	vmov s1;
	s17 =	sor.u32 s0, s5;
	[sflag:s7] =	ssyncset.done $0x0  }
0x10f: {  	s19 =	sor.u32 s5, s15;
	s1 =	sand.u32 $0x50, s11;
	v10 =	vcvt.s32.f32 v10;
	v12 =	vor.u32 s17, v0;
	v24 =	vmul.f32 v11, v4;
	[sflag:s7] =	ssyncadd.s32 $0xFFFFE000  }
0x110: {  	s18 =	sor.u32 s5, s1;
	v16 =	vcvt.s32.f32 v12;
	v12 =	vor.u32 s19, v0;
	v20 =	vmul.f32 v11, v5;
	_ =	swait.ge [sflag:s7], $0x2000  }
0x111: {  	v21 =	vbroadcast v10, $0x0;
	v10 =	vor.u32 s18, v0;
	v22 =	vcvt.s32.f32 v12;
	[sflag:s7] =	ssyncset.done $0x0  }
0x112: {  	v10 =	vcvt.s32.f32 v10;
	v19 =	vmul.f32 v16, v1;
	[sflag:s7] =	ssyncadd.s32 $0xFFFFE000  }
0x113: {  	v18 =	vmul.f32 v16, v5;
	v13 =	vmul.f32 v21, v6;
	_ =	swait.ge [sflag:s7], $0x2000  }
0x114: {  	s9 =	simm.s32 $0x8;
	v14 =	vmul.f32 v21, v2;
	v15 =	vmul.f32 v22, v1;
	[sflag:s7] =	ssyncset.done $0x0  }
0x115: {  	s20 =	simm.s32 $0x20;
	s23 =	simm.s32 $0x70;
	v21 =	vmul.f32 v21, v7;
	v28 =	vmul.f32 v10, v4;
	[sflag:s7] =	ssyncadd.s32 $0xFFFFE000  }
0x116: {  	s9 =	sand.u32 $0x180, s9;
	s23 =	sand.u32 $0x70, s23;
	v23 =	vmul.f32 v10, v1;
	v12 =	vadd.f32 v13, v9;
	v17 =	vadd.f32 v14, v3;
	v27 =	vld [tilespmem:s20+$0xFFFFFFF0]  }
0x117: {  	v13 =	vmul.f32 v10, v5;
	v14 =	vmul.f32 v22, v5;
	v55 =	vadd.f32 v21, v8;
	s7 =	sor.u32 s9, s23;
	v29 =	vld [tilespmem:s20+$0xFFFFFFE0]  }
0x118: {  	s21 =	simm.s32 $0x40;
	v26 =	vadd.f32 v17, v15;
	v15 =	vmul.f32 v11, v1;
	v30 =	vld [tilespmem:s20+$0x10];
	v11 =	vor.u32 s7, v0  }
0x119: {  	s22 =	sor.u32 s6, s21;
	v13 =	vadd.f32 v12, v13;
	v10 =	vadd.f32 v12, v18;
	v25 =	vld [tilespmem:s20+$0x0];
	v51 =	vcvt.s32.f32 v11  }
0x11a: {  	s30 =	simm.s32 $0x60;
	s11 =	simm.s32 $0x0;
	s5 =	sshrl.u32 s22, $0x9;
	v56 =	vmul.f32 v22, v4;
	v18 =	vadd.f32 v12, v14;
	v12 =	vadd.f32 v12, v20  }
0x11b: {  	s17 =	sand.u32 $0x7, s11;
	s5 =	sand.u32 $0x1A8, s5;
	s25 =	simm.s32 $0x50;
	v37 =	vadd.f32 v17, v23;
	v44 =	vadd.f32 v17, v19;
	v45 =	vmul.f32 v51, v5  }
0x11c: {  	s5 =	sor.u32 s17, s5;
	s18 =	sand.u32 $0x50, s25;
	s26 =	sand.u32 $0x40, s21;
	v24 =	vadd.f32 v55, v24;
	v32 =	vmul.f32 v51, v1;
	v31 =	vmul.f32 v27, v13  }
0x11d: {  	s21 =	sand.u32 $0x20, s10;
	v28 =	vadd.f32 v55, v28;
	s7 =	sand.u32 $0x1C, s3;
	s20 =	simm.s32 $0x0;
	v33 =	vmul.f32 v29, v10;
	v10 =	vmul.f32 v51, v4  }
0x11e: {  	s24 =	sor.u32 s26, s9;
	v34 =	vadd.f32 v17, v15;
	s2 =	sor.u32 s7, s21;
	s4 =	sand.u32 $0x3, s20;
	v35 =	vmul.f32 v30, v12;
	v23 =	vmul.f32 v25, v18  }
0x11f: {  	s17 =	sand.u32 $0x60, s30;
	s30 =	simm.s32 $0x0;
	v14 =	vor.u32 s24, v0;
	s2 =	sor.u32 s4, s2;
	v53 =	vmul.f32 v25, v26;
	v54 =	vmul.f32 v29, v44  }
0x120: {  	s19 =	sor.u32 s9, s18;
	s24 =	simm.s32 $0x2;
	s2 =	sshll.u32 s2, $0x7;
	v13 =	vmov s5;
	v57 =	vmul.f32 v30, v34;
	v37 =	vmul.f32 v27, v37  }
0x121: {  	s25 =	sand.u32 $0x1C, s24;
	s20 =	sand.u32 $0x20, s11;
	v12 =	vor.u32 s19, v0;
	s19 =	sor.u32 $0x4000, s2;
	v30 =	vmul.f32 v30, v24;
	v13 =	vcvt.s32.f32 v13  }
0x122: {  	s4 =	sand.u32 $0x3, s30;
	s30 =	simm.s32 $0x80;
	v63 =	vmul.f32 v27, v28;
	v20 =	vcvt.s32.f32 v12;
	s1 =	sor.u32 s1, s19  }
0x123: {  	s22 =	sor.u32 s9, s17;
	s11 =	sor.u32 s6, s30;
	s2 =	sor.u32 s25, s20;
	[tilespmem:s1+$0x4000] =	vst v31;
	v31 =	vmul.f32 v16, v4;
	v11 =	vbroadcast v13, $0x0  }
0x124: {  	s20 =	simm.s32 $0x1;
	s2 =	sor.u32 s4, s2;
	s4 =	sshrl.u32 s11, $0x9;
	v13 =	vcvt.s32.f32 v14;
	v12 =	vmul.f32 v20, v4  }
0x125: {  	s21 =	simm.s32 $0xB0;
	s25 =	sand.u32 $0x7, s20;
	s4 =	sand.u32 $0x1A8, s4;
	v14 =	vor.u32 s22, v0;
	v38 =	vmul.f32 v20, v5;
	v46 =	vmul.f32 v20, v1  }
0x126: {  	s7 =	simm.s32 $0x90;
	s10 =	sand.u32 $0x70, s21;
	s4 =	sor.u32 s25, s4;
	v14 =	vcvt.s32.f32 v14;
	v15 =	vmul.f32 v11, v2  }
0x127: {  	s11 =	sand.u32 $0x40, s30;
	s2 =	sshll.u32 s2, $0x7;
	s22 =	simm.s32 $0x10;
	v16 =	vmov s4;
	v36 =	vmul.f32 v11, v6;
	v41 =	vmul.f32 v13, v1  }
0x128: {  	s28 =	sor.u32 s15, s19;
	s21 =	sor.u32 $0x4000, s2;
	s24 =	sand.u32 $0x180, s22;
	v43 =	vmul.f32 v13, v5;
	v58 =	vcvt.s32.f32 v16  }
0x129: {  	s2 =	sand.u32 $0x50, s7;
	v31 =	vadd.f32 v55, v31;
	s9 =	sor.u32 s24, s10;
	s30 =	sor.u32 s11, s24;
	v39 =	vmul.f32 v14, v5;
	v42 =	vmul.f32 v14, v1  }
0x12a: {  	s15 =	sor.u32 s18, s21;
	s18 =	simm.s32 $0xA0;
	s22 =	sor.u32 s24, s2;
	v17 =	vor.u32 s9, v0;
	v21 =	vor.u32 s30, v0;
	v36 =	vadd.f32 v36, v9  }
0x12b: {  	s0 =	sor.u32 s0, s19;
	s19 =	sor.u32 s16, s19;
	[tilespmem:s28+$0x4000] =	vst v23;
	s16 =	sand.u32 $0x60, s18;
	v59 =	vor.u32 s22, v0;
	v29 =	vmul.f32 v29, v31;
	v40 =	vadd.f32 v15, v3  }
0x12c: {  	s3 =	simm.s32 $0x60;
	[tilespmem:s0+$0x4000] =	vst v33;
	s5 =	sor.u32 s24, s16;
	v20 =	vcvt.s32.f32 v17;
	v21 =	vcvt.s32.f32 v21;
	v38 =	vadd.f32 v36, v38  }
0x12d: {  	[tilespmem:s19+$0x4000] =	vst v35;
	v17 =	vld [tilespmem:s3+$0x10];
	v31 =	vor.u32 s5, v0;
	v19 =	vadd.f32 v40, v42;
	v52 =	vadd.f32 v36, v43  }
0x12e: {  	v18 =	vld [tilespmem:s3+$0xFFFFFFF0];
	[tilespmem:s28+$0x0] =	vst v53;
	v31 =	vcvt.s32.f32 v31;
	v47 =	vadd.f32 v36, v39;
	v36 =	vadd.f32 v36, v45  }
0x12f: {  	v22 =	vld [tilespmem:s3+$0x0];
	[tilespmem:s0+$0x0] =	vst v54;
	v23 =	vadd.f32 v40, v32;
	v16 =	vmul.f32 v20, v4;
	v32 =	vbroadcast v58, $0x0  }
0x130: {  	[tilespmem:s19+$0x0] =	vst v57;
	s24 =	simm.s32 $0x4;
	v15 =	vld [tilespmem:s3+$0xFFFFFFE0];
	v33 =	vadd.f32 v40, v46;
	v27 =	vmul.f32 v21, v1;
	v43 =	vmul.f32 v21, v5  }
0x131: {  	[tilespmem:s1+$0x0] =	vst v37;
	s25 =	simm.s32 $0x0;
	s30 =	sand.u32 $0x20, s20;
	s4 =	sand.u32 $0x1C, s24;
	v41 =	vadd.f32 v40, v41;
	v40 =	vmul.f32 v20, v5;
	v60 =	vmul.f32 v32, v6  }
0x132: {  	[tilespmem:s19+$0x2000] =	vst v30;
	s20 =	simm.s32 $0xA0;
	s5 =	sand.u32 $0x3, s25;
	s4 =	sor.u32 s4, s30;
	v34 =	vmul.f32 v17, v36;
	v36 =	vcvt.s32.f32 v59  }
0x133: {  	s29 =	simm.s32 $0x6;
	[tilespmem:s1+$0x2000] =	vst v63;
	v35 =	vld [tilespmem:s20+$0xFFFFFFF0];
	s4 =	sor.u32 s5, s4;
	v39 =	vadd.f32 v55, v56;
	v38 =	vmul.f32 v18, v38;
	v24 =	vmul.f32 v32, v2  }
0x134: {  	s31 =	simm.s32 $0xF0;
	s19 =	sor.u32 s17, s21;
	[tilespmem:s0+$0x2000] =	vst v29;
	s4 =	sshll.u32 s4, $0x7;
	v61 =	vmul.f32 v22, v47;
	v37 =	vadd.f32 v60, v9;
	v62 =	vmul.f32 v36, v5  }
0x135: {  	s26 =	sor.u32 s26, s21;
	s23 =	sor.u32 s23, s21;
	v30 =	vld [tilespmem:s20+$0xFFFFFFE0];
	v42 =	vmul.f32 v31, v1;
	s18 =	sor.u32 $0x4000, s4;
	v26 =	vmul.f32 v15, v52;
	[tilespmem:s15+$0x4000] =	vst v38;
	v24 =	vadd.f32 v24, v3  }
0x136: {  	s22 =	simm.s32 $0x8;
	v28 =	vld [tilespmem:s20+$0x0];
	s0 =	simm.s32 $0x18;
	s17 =	sor.u32 s2, s18;
	v38 =	vmul.f32 v31, v5;
	[tilespmem:s19+$0x4000] =	vst v61;
	v29 =	vmul.f32 v36, v4;
	v44 =	vadd.f32 v37, v62  }
.LBB2_6:
0x137: {  	s22 =	sadd.s32 $0x4, s22;
	s1 =	sand.u32 $0x180, s0;
	s21 =	sand.u32 $0x70, s31;
	v36 =	vmul.f32 v36, v1;
	v42 =	vadd.f32 v24, v42;
	[tilespmem:s26+$0x4000] =	vst v26;
	v25 =	vmul.f32 v25, v39  }
0x138: {  	s2 =	sadd.s32 $0xFFFFFFD0, s31;
	s4 =	sand.u32 $0x1C, s29;
	s3 =	sor.u32 s1, s21;
	v26 =	vadd.f32 v37, v43;
	v39 =	vmul.f32 v35, v44;
	v43 =	vmul.f32 v20, v1;
	v44 =	vmovc v18  }
0x139: {  	v38 =	vadd.f32 v37, v38;
	v45 =	vmul.f32 v22, v19;
	s5 =	sor.u32 s6, s2;
	s7 =	sshrl.u32 s22, $0x3;
	s9 =	sshrl.u32 s22, $0x6;
	v18 =	vor.u32 s3, v0;
	[tilespmem:s28+$0x2000] =	vst v25;
	v19 =	vmovc v42  }
0x13a: {  	s28 =	sand.u32 $0x40, s2;
	s2 =	sshrl.u32 s5, $0x9;
	s3 =	sadd.s32 $0xFFFFFFF0, s31;
	v25 =	vadd.f32 v37, v40;
	v20 =	vcvt.s32.f32 v18;
	[tilespmem:s17+$0x4000] =	vst v39;
	v37 =	vld [tilespmem:s20+$0x10];
	v18 =	vmul.f32 v11, v7;
	v11 =	vmovc v32  }
0x13b: {  	s5 =	sand.u32 $0x7, s7;
	s2 =	sand.u32 $0x1A8, s2;
	s3 =	sand.u32 $0x60, s3;
	v26 =	vmul.f32 v30, v26;
	v32 =	vadd.f32 v24, v43;
	v39 =	vmul.f32 v15, v41;
	[tilespmem:s23+$0x4000] =	vst v34  }
0x13c: {  	s24 =	sor.u32 s28, s1;
	v41 =	vmul.f32 v14, v4;
	s2 =	sor.u32 s5, s2;
	s5 =	sand.u32 $0x20, s7;
	v34 =	vmul.f32 v13, v4;
	v40 =	vadd.f32 v18, v8;
	[tilespmem:s19+$0x0] =	vst v45  }
0x13d: {  	v42 =	vor.u32 s24, v0;
	v13 =	vmovc v21;
	v46 =	vmov s2;
	s2 =	sor.u32 s4, s5;
	s4 =	sand.u32 $0x3, s9;
	s5 =	sor.u32 s1, s3;
	[tilespmem:s26+$0x0] =	vst v39;
	v39 =	vmul.f32 v17, v23;
	v23 =	vmovc v32  }
0x13e: {  	s30 =	smov.u32 s10;
	p0 =	slt.u32 s22, $0x1FC;
	v14 =	vmovc v31;
	v43 =	vmul.f32 v20, v4;
	v32 =	vcvt.s32.f32 v46;
	s2 =	sor.u32 s4, s2;
	v45 =	vadd.f32 v40, v34;
	v18 =	vmovc v35  }
0x13f: {  	s10 =	smov.u32 s21;
	v21 =	vcvt.s32.f32 v42;
	s4 =	sadd.s32 $0xFFFFFFE0, s31;
	s2 =	sshll.u32 s2, $0x7;
	v46 =	vadd.f32 v40, v10;
	v10 =	vmovc v16;
	v34 =	vmul.f32 v37, v25;
	[tilespmem:s23+$0x0] =	vst v39  }
0x140: {  	v31 =	vmul.f32 v44, v33;
	s7 =	smov.u32 s11;
	s4 =	sand.u32 $0x50, s4;
	v42 =	vadd.f32 v40, v12;
	v16 =	vmovc v43;
	v12 =	vmovc v29;
	v32 =	vbroadcast v32, $0x0;
	s2 =	sor.u32 $0x4000, s2  }
0x141: {  	v33 =	vadd.f32 v24, v36;
	s11 =	smov.u32 s28;
	s9 =	smov.u32 s18;
	s1 =	sor.u32 s1, s4;
	v29 =	vmul.f32 v15, v45;
	v35 =	vmul.f32 v17, v46;
	v17 =	vmovc v37  }
0x142: {  	s28 =	smov.u32 s19;
	v39 =	vor.u32 s5, v0;
	v25 =	vmovc v22;
	v36 =	vor.u32 s1, v0;
	v15 =	vmovc v30;
	s18 =	smov.u32 s2;
	s1 =	smov.u32 s15;
	v37 =	vmul.f32 v32, v2;
	[tilespmem:s15+$0x0] =	vst v31  }
0x143: {  	v22 =	vmovc v28;
	v36 =	vcvt.s32.f32 v36;
	v31 =	vcvt.s32.f32 v39;
	v39 =	vadd.f32 v40, v41;
	s15 =	smov.u32 s17;
	[tilespmem:s26+$0x2000] =	vst v29  }
.Ltmp2:
0x144: {  	s20 =	sadd.s32 $0x40, s20;
	v28 =	vmul.f32 v32, v6;
	v41 =	vmul.f32 v22, v38;
	v40 =	vadd.f32 v37, v3;
	[tilespmem:s23+$0x2000] =	vst v35;
	(pc) =	sbr.rel @p0 .LBB2_6-.Ltmp2, $4  }
0x145: {  	s19 =	sor.u32 s16, s9;
	s16 =	smov.u32 s3;
	v29 =	vmul.f32 v36, v4;
	v38 =	vmul.f32 v31, v5;
	v35 =	vld [tilespmem:s20+$0xFFFFFFF0]  }
0x146: {  	v46 =	vmul.f32 v44, v42;
	v37 =	vadd.f32 v28, v9;
	v45 =	vmul.f32 v36, v5;
	v30 =	vld [tilespmem:s20+$0xFFFFFFE0];
	[tilespmem:s19+$0x4000] =	vst v41  }
0x147: {  	s17 =	sor.u32 s4, s18;
	s26 =	sor.u32 s7, s9;
	v42 =	vmul.f32 v31, v1;
	s23 =	sor.u32 s30, s9;
	v41 =	vadd.f32 v24, v27;
	v27 =	vmul.f32 v21, v1;
	v24 =	vmovc v40;
	v28 =	vld [tilespmem:s20+$0x0]  }
0x148: {  	s29 =	sadd.s32 $0x2, s29;
	s0 =	sadd.s32 $0x8, s0;
	s31 =	sadd.s32 $0x40, s31;
	v43 =	vmul.f32 v21, v5;
	v44 =	vadd.f32 v37, v45;
	v40 =	vmul.f32 v20, v5;
	[tilespmem:s1+$0x2000] =	vst v46  }
0x149: {  	v25 =	vmul.f32 v25, v39;
	[tilespmem:s26+$0x4000] =	vst v26;
	v11 =	vmul.f32 v11, v7  }
0x14a: {  	v19 =	vmul.f32 v22, v19;
	[tilespmem:s23+$0x4000] =	vst v34  }
0x14b: {  	v13 =	vmul.f32 v13, v4;
	v26 =	vmul.f32 v35, v44;
	[tilespmem:s28+$0x2000] =	vst v25;
	v11 =	vadd.f32 v11, v8  }
0x14c: {  	v25 =	vmul.f32 v15, v41;
	[tilespmem:s19+$0x0] =	vst v19  }
0x14d: {  	v19 =	vmul.f32 v17, v23;
	[tilespmem:s17+$0x4000] =	vst v26;
	v13 =	vadd.f32 v11, v13  }
0x14e: {  	v23 =	vmul.f32 v18, v33;
	[tilespmem:s26+$0x0] =	vst v25;
	v10 =	vadd.f32 v11, v10  }
0x14f: {  	v25 =	vadd.f32 v37, v38;
	[tilespmem:s23+$0x0] =	vst v19;
	v13 =	vmul.f32 v15, v13  }
0x150: {  	v14 =	vmul.f32 v14, v4;
	v12 =	vadd.f32 v11, v12;
	[tilespmem:s15+$0x0] =	vst v23;
	v10 =	vmul.f32 v17, v10  }
0x151: {  	v15 =	vld [tilespmem:s20+$0x10];
	v17 =	vadd.f32 v37, v43;
	[tilespmem:s26+$0x2000] =	vst v13;
	v13 =	vmul.f32 v28, v25  }
0x152: {  	s0 =	sor.u32 s16, s18;
	v19 =	vmul.f32 v36, v1;
	v11 =	vadd.f32 v11, v14;
	[tilespmem:s23+$0x2000] =	vst v10;
	v10 =	vmul.f32 v18, v12  }
0x153: {  	v12 =	vmul.f32 v20, v1;
	v17 =	vmul.f32 v30, v17;
	v18 =	vadd.f32 v24, v27;
	[tilespmem:s0+$0x4000] =	vst v13  }
0x154: {  	s1 =	sor.u32 s11, s18;
	v14 =	vadd.f32 v37, v40;
	[tilespmem:s15+$0x2000] =	vst v10;
	v10 =	vmul.f32 v22, v11;
	v11 =	vmul.f32 v32, v7  }
0x155: {  	v13 =	vadd.f32 v24, v42;
	v12 =	vadd.f32 v24, v12;
	[tilespmem:s1+$0x4000] =	vst v17;
	v18 =	vmul.f32 v30, v18  }
0x156: {  	v14 =	vmul.f32 v15, v14;
	[tilespmem:s19+$0x2000] =	vst v10;
	v10 =	vmul.f32 v21, v4;
	v11 =	vadd.f32 v11, v8  }
0x157: {  	s2 =	sor.u32 s10, s18;
	v17 =	vadd.f32 v24, v19;
	v13 =	vmul.f32 v28, v13;
	[tilespmem:s1+$0x0] =	vst v18  }
0x158: {  	v12 =	vmul.f32 v15, v12;
	[tilespmem:s2+$0x4000] =	vst v14;
	v10 =	vadd.f32 v11, v10  }
0x159: {  	[tilespmem:s0+$0x0] =	vst v13;
	v13 =	vmul.f32 v31, v4;
	v14 =	vadd.f32 v11, v16;
	v16 =	vmul.f32 v35, v17  }
0x15a: {  	[tilespmem:s2+$0x0] =	vst v12;
	v12 =	vadd.f32 v11, v29;
	v10 =	vmul.f32 v30, v10  }
0x15b: {  	v14 =	vmul.f32 v15, v14;
	[tilespmem:s17+$0x0] =	vst v16;
	v11 =	vadd.f32 v11, v13  }
0x15c: {  	[tilespmem:s1+$0x2000] =	vst v10;
	v10 =	vmul.f32 v35, v12  }
0x15d: {  	[tilespmem:s2+$0x2000] =	vst v14;
	v11 =	vmul.f32 v28, v11  }
0x15e: {  	[tilespmem:s17+$0x2000] =	vst v10  }
0x15f: {  	s3 =	simm.s32 $0x4000;
	[tilespmem:s0+$0x2000] =	vst v11  }
0x160: {  	s28 =	simm.s32 $0x200;
	s26 =	simm.s32 $0x80;
	s0 =	rddreg [dreg:$0x15]  }
0x161: {  	[hbm4b:s0+s26] =	stream.strided.scatter [tilespmem:s3], [sflag:$0x3], $0x2000, s28, s26, $0x38;
	[tilespmem:$0x10400] =	vst v63  }
0x162: {  	s5 =	simm.s32 $0x6000;
	s4 =	rddreg [dreg:$0x16]  }
0x163: {  	[hbm4b:s4+s26] =	stream.strided.scatter [tilespmem:s5], [sflag:$0x3], $0x2000, s28, s26, $0x38;
	[tilespmem:$0x10400] =	vst v63  }
0x164: {  	s9 =	simm.s32 $0x8000;
	s7 =	rddreg [dreg:$0x17]  }
0x165: {  	[hbm4b:s7+s26] =	stream.strided.scatter [tilespmem:s9], [sflag:$0x3], $0x2000, s28, s26, $0x38;
	[tilespmem:$0x10400] =	vst v63  }
0x166: {  	s10 =	simm.s32 $0x0;
	s15 =	simm.s32 $0x2;
	s11 =	rddreg [dreg:$0xc]  }
0x167: {  	[tilespmem:s10], [sflag:$0x1] =	stream.linear.gather [hbm4b:s11+s10], $0x2000, $0x38;
	[tilespmem:$0x10400] =	vst v63  }
0x168: {  	_ =	swait.ge [sflag:s15], $0x2000  }
0x169: {  	[sflag:s15] =	ssyncset.done $0x0  }
0x16a: {  	s16 =	simm.s32 $0x4;
	[sflag:s15] =	ssyncadd.s32 $0xFFFFE000  }
0x16b: {  	_ =	swait.ge [sflag:s16], $0x2000  }
0x16c: {  	s24 =	rddreg [dreg:$0x9]  }
0x16d: {  	s17 =	sor.u32 s24, s10  }
0x16e: {  	s18 =	simm.s32 $0x0;
	s0 =	sshrl.u32 s17, $0x9  }
0x16f: {  	s3 =	sand.u32 $0x7, s18;
	s0 =	sand.u32 $0x1B8, s0  }
0x170: {  	s4 =	sand.u32 $0x180, s10;
	s3 =	sor.u32 s3, s0;
	s0 =	sand.u32 $0x40, s10  }
0x171: {  	v10 =	vmov s3;
	s19 =	sor.u32 $0x10, s0;
	s5 =	sor.u32 s0, s4  }
0x172: {  	s21 =	sor.u32 $0x20, s0;
	s22 =	sor.u32 $0x30, s0;
	v10 =	vcvt.s32.f32 v10;
	s20 =	sor.u32 s4, s19  }
0x173: {  	[sflag:s16] =	ssyncset.done $0x0;
	s9 =	sor.u32 s4, s21;
	v12 =	vor.u32 s5, v0;
	s4 =	sor.u32 s4, s22;
	v11 =	vor.u32 s20, v0  }
0x174: {  	[sflag:s16] =	ssyncadd.s32 $0xFFFFE000;
	v12 =	vcvt.s32.f32 v12;
	v15 =	vor.u32 s4, v0;
	v10 =	vbroadcast v10, $0x0  }
0x175: {  	_ =	swait.ge [sflag:s16], $0x2000;
	v13 =	vcvt.s32.f32 v11;
	v11 =	vor.u32 s9, v0;
	v15 =	vcvt.s32.f32 v15  }
0x176: {  	[sflag:s16] =	ssyncset.done $0x0;
	v18 =	vcvt.s32.f32 v11;
	v11 =	vmul.f32 v12, v5  }
0x177: {  	[sflag:s16] =	ssyncadd.s32 $0xFFFFE000;
	v20 =	vmul.f32 v12, v1;
	v12 =	vmul.f32 v12, v4  }
0x178: {  	s7 =	sand.u32 $0x1F80, s10;
	_ =	swait.ge [sflag:s16], $0x2000;
	v14 =	vmul.f32 v10, v6;
	v16 =	vmul.f32 v10, v2  }
0x179: {  	s25 =	sor.u32 $0x2000, s7;
	[sflag:s16] =	ssyncset.done $0x0;
	v19 =	vmul.f32 v13, v5;
	v22 =	vmul.f32 v10, v7  }
0x17a: {  	s7 =	sor.u32 s0, s25;
	[sflag:s16] =	ssyncadd.s32 $0xFFFFE000;
	v26 =	vmul.f32 v13, v1;
	v27 =	vmul.f32 v15, v1  }
0x17b: {  	s30 =	simm.s32 $0x0;
	s31 =	sor.u32 s19, s25;
	v17 =	vld [tilespmem:s7+$0x0];
	v28 =	vmul.f32 v15, v5;
	v21 =	vmul.f32 v18, v5;
	v14 =	vadd.f32 v14, v9  }
0x17c: {  	s1 =	sand.u32 $0x1C, s10;
	s2 =	sand.u32 $0x20, s18;
	s29 =	sor.u32 s21, s25;
	v25 =	vld [tilespmem:s31+$0x0];
	v23 =	vmul.f32 v18, v1;
	v16 =	vadd.f32 v16, v3;
	v22 =	vadd.f32 v22, v8  }
0x17d: {  	s1 =	sor.u32 s1, s2;
	s18 =	simm.s32 $0x0;
	s9 =	simm.s32 $0x40;
	v15 =	vmul.f32 v15, v4;
	v10 =	vadd.f32 v14, v11;
	v11 =	vld [tilespmem:s29+$0x0];
	v21 =	vadd.f32 v14, v21  }
0x17e: {  	s23 =	sand.u32 $0x7, s18;
	s17 =	simm.s32 $0x8;
	s16 =	sor.u32 s24, s9;
	v13 =	vmul.f32 v13, v4;
	v20 =	vadd.f32 v16, v20;
	v23 =	vadd.f32 v16, v23  }
0x17f: {  	s15 =	sor.u32 s22, s25;
	s4 =	sand.u32 $0x3, s30;
	s5 =	sshrl.u32 s16, $0x9;
	v24 =	vmul.f32 v18, v4;
	v19 =	vadd.f32 v14, v19;
	v15 =	vadd.f32 v22, v15  }
0x180: {  	s2 =	sor.u32 s4, s1;
	s1 =	sand.u32 $0x40, s9;
	s5 =	sand.u32 $0x1B8, s5;
	v12 =	vadd.f32 v22, v12;
	v26 =	vadd.f32 v16, v26;
	v18 =	vmul.f32 v17, v10  }
0x181: {  	s7 =	sand.u32 $0x180, s17;
	s16 =	sor.u32 $0x20, s1;
	s5 =	sor.u32 s23, s5;
	v13 =	vadd.f32 v22, v13;
	v10 =	vld [tilespmem:s15+$0x0];
	v29 =	vmul.f32 v17, v20;
	v19 =	vmul.f32 v25, v19  }
0x182: {  	s29 =	sor.u32 s7, s16;
	v17 =	vmul.f32 v17, v12;
	v20 =	vmul.f32 v11, v21;
	v21 =	vmov s5  }
0x183: {  	s2 =	sshll.u32 s2, $0x7;
	s30 =	sor.u32 s1, s7;
	v31 =	vor.u32 s29, v0;
	v63 =	vmul.f32 v25, v26;
	v21 =	vcvt.s32.f32 v21  }
0x184: {  	s17 =	sor.u32 $0x10, s1;
	s2 =	sor.u32 $0x4000, s2;
	v12 =	vor.u32 s30, v0;
	v25 =	vmul.f32 v25, v13;
	v26 =	vcvt.s32.f32 v31  }
0x185: {  	s25 =	sor.u32 s7, s17;
	s31 =	sor.u32 s0, s2;
	v14 =	vadd.f32 v14, v28;
	v61 =	vcvt.s32.f32 v12;
	v21 =	vbroadcast v21, $0x0  }
0x186: {  	s4 =	sand.u32 $0x1F80, s9;
	s20 =	sor.u32 $0x30, s1;
	s10 =	sor.u32 s21, s2;
	v28 =	vor.u32 s25, v0;
	[tilespmem:s31+$0x6000] =	vst v29;
	v29 =	vmul.f32 v26, v1;
	v30 =	vmul.f32 v10, v15  }
0x187: {  	s11 =	sor.u32 s19, s2;
	s19 =	simm.s32 $0x2;
	s0 =	sor.u32 s22, s2;
	[tilespmem:s31+$0xA000] =	vst v18;
	v18 =	vadd.f32 v16, v27;
	v15 =	vcvt.s32.f32 v28;
	v16 =	vmul.f32 v21, v6  }
0x188: {  	s22 =	sor.u32 $0x2000, s4;
	s21 =	sand.u32 $0x1C, s19;
	s23 =	simm.s32 $0x0;
	[tilespmem:s11+$0xA000] =	vst v19;
	v23 =	vmul.f32 v11, v23;
	v13 =	vmul.f32 v61, v5  }
0x189: {  	s7 =	sor.u32 s7, s20;
	s25 =	sand.u32 $0x20, s18;
	s29 =	sor.u32 s1, s22;
	[tilespmem:s31+$0x8000] =	vst v17;
	v31 =	vmul.f32 v61, v1;
	v19 =	vadd.f32 v16, v9;
	v16 =	vmul.f32 v15, v5  }
0x18a: {  	s4 =	sand.u32 $0x3, s23;
	s2 =	sor.u32 s21, s25;
	v12 =	vor.u32 s7, v0;
	s31 =	sor.u32 s20, s22;
	v62 =	vmul.f32 v10, v14;
	v14 =	vld [tilespmem:s29+$0x0];
	[tilespmem:s0+$0x8000] =	vst v30;
	v30 =	vmul.f32 v26, v5  }
0x18b: {  	s2 =	sor.u32 s4, s2;
	[tilespmem:s11+$0x8000] =	vst v25;
	v28 =	vmul.f32 v21, v2;
	v25 =	vadd.f32 v19, v16;
	v16 =	vmul.f32 v26, v4;
	v26 =	vld [tilespmem:s31+$0x0]  }
0x18c: {  	s3 =	sor.u32 s16, s22;
	s18 =	simm.s32 $0x10;
	s2 =	sshll.u32 s2, $0x7;
	[tilespmem:s10+$0xA000] =	vst v20;
	v20 =	vadd.f32 v22, v24;
	v22 =	vcvt.s32.f32 v12;
	v24 =	vmul.f32 v61, v4  }
0x18d: {  	s15 =	simm.s32 $0x4;
	s30 =	sor.u32 s17, s22;
	s2 =	sor.u32 $0x4000, s2;
	[tilespmem:s11+$0x6000] =	vst v63;
	v12 =	vadd.f32 v28, v3;
	v28 =	vmul.f32 v21, v7;
	v21 =	vld [tilespmem:s3+$0x0];
	v17 =	vadd.f32 v19, v13  }
0x18e: {  	s16 =	sor.u32 s16, s2;
	s11 =	sor.u32 s17, s2;
	s17 =	simm.s32 $0x4;
	[tilespmem:s10+$0x6000] =	vst v23;
	v23 =	vmul.f32 v15, v1;
	v32 =	vmul.f32 v22, v5;
	v30 =	vadd.f32 v19, v30  }
0x18f: {  	s19 =	sor.u32 s1, s2;
	s1 =	sor.u32 s20, s2;
	s20 =	simm.s32 $0x80;
	[tilespmem:s0+$0xA000] =	vst v62;
	v13 =	vld [tilespmem:s30+$0x0];
	v31 =	vadd.f32 v12, v31;
	v27 =	vmul.f32 v14, v17;
	v17 =	vmul.f32 v22, v1  }
.LBB2_8:
0x190: {  	s15 =	sadd.s32 $0x4, s15;
	s2 =	sor.u32 s24, s20;
	s3 =	sand.u32 $0x40, s20;
	v15 =	vmul.f32 v15, v4;
	v29 =	vadd.f32 v12, v29;
	v18 =	vmul.f32 v10, v18;
	v10 =	vmovc v26  }
0x191: {  	s5 =	sand.u32 $0x1C, s17;
	v26 =	vadd.f32 v28, v8;
	v22 =	vmul.f32 v22, v4;
	v33 =	vmul.f32 v11, v20;
	s2 =	sshrl.u32 s2, $0x9;
	s4 =	sshrl.u32 s15, $0x3  }
0x192: {  	s9 =	sshrl.u32 s15, $0x6;
	v20 =	vmul.f32 v14, v31;
	v19 =	vadd.f32 v19, v32;
	s2 =	sand.u32 $0x1B8, s2;
	s7 =	sand.u32 $0x7, s4;
	v28 =	vmul.f32 v21, v29;
	[tilespmem:s0+$0x6000] =	vst v18  }
0x193: {  	s22 =	sor.u32 $0x30, s3;
	s0 =	sand.u32 $0x180, s18;
	v29 =	vadd.f32 v26, v15;
	v15 =	vmul.f32 v21, v30;
	v18 =	vadd.f32 v26, v22;
	s2 =	sor.u32 s7, s2;
	[tilespmem:s10+$0x8000] =	vst v33  }
0x194: {  	v25 =	vmul.f32 v13, v25;
	s21 =	sor.u32 $0x10, s3;
	v24 =	vadd.f32 v26, v24;
	v11 =	vmovc v21;
	s7 =	sor.u32 s3, s0;
	v22 =	vmov s2;
	s2 =	sor.u32 $0x20, s3;
	[tilespmem:s19+$0xA000] =	vst v27  }
0x195: {  	s4 =	sand.u32 $0x20, s4;
	s10 =	sor.u32 s0, s21;
	v18 =	vmul.f32 v10, v18;
	v21 =	vcvt.s32.f32 v22;
	s23 =	sor.u32 s0, s2;
	v22 =	vadd.f32 v12, v23;
	[tilespmem:s16+$0xA000] =	vst v15  }
0x196: {  	s4 =	sor.u32 s5, s4;
	s5 =	sand.u32 $0x3, s9;
	v24 =	vmul.f32 v14, v24;
	v15 =	vor.u32 s10, v0;
	s0 =	sor.u32 s0, s22;
	v23 =	vor.u32 s23, v0;
	[tilespmem:s11+$0xA000] =	vst v25  }
0x197: {  	p0 =	slt.u32 s15, $0x1FC;
	v14 =	vor.u32 s7, v0;
	s4 =	sor.u32 s5, s4;
	s10 =	smov.u32 s16;
	v15 =	vcvt.s32.f32 v15;
	v21 =	vbroadcast v21, $0x0;
	[tilespmem:s1+$0x8000] =	vst v18  }
0x198: {  	s5 =	sand.u32 $0x1F80, s20;
	s4 =	sshll.u32 s4, $0x7;
	v25 =	vcvt.s32.f32 v14;
	v27 =	vor.u32 s0, v0;
	v14 =	vmul.f32 v10, v19;
	s0 =	smov.u32 s1;
	[tilespmem:s10+$0x6000] =	vst v28  }
0x199: {  	s4 =	sor.u32 $0x4000, s4;
	s1 =	sor.u32 $0x2000, s5;
	v18 =	vadd.f32 v12, v17;
	v28 =	vmul.f32 v13, v22;
	v19 =	vmul.f32 v21, v2;
	[tilespmem:s19+$0x6000] =	vst v20  }
0x19a: {  	v29 =	vmul.f32 v13, v29;
	s5 =	sor.u32 s3, s1;
	s7 =	sor.u32 s21, s1;
	s9 =	sor.u32 s22, s1;
	v17 =	vmul.f32 v21, v6;
	v20 =	vadd.f32 v26, v16;
	[tilespmem:s0+$0xA000] =	vst v14  }
0x19b: {  	s16 =	sor.u32 s2, s4;
	s1 =	sor.u32 s2, s1;
	v22 =	vcvt.s32.f32 v27;
	v16 =	vcvt.s32.f32 v23;
	v12 =	vadd.f32 v19, v3;
	v14 =	vld [tilespmem:s5+$0x0];
	[tilespmem:s19+$0x8000] =	vst v24  }
0x19c: {  	v23 =	vmul.f32 v25, v5;
	v19 =	vadd.f32 v17, v9;
	v17 =	vmul.f32 v15, v5;
	v13 =	vld [tilespmem:s7+$0x0];
	[tilespmem:s11+$0x8000] =	vst v29  }
.Ltmp3:
0x19d: {  	v31 =	vmul.f32 v25, v1;
	v30 =	vmul.f32 v16, v5;
	v26 =	vld [tilespmem:s9+$0x0];
	[tilespmem:s11+$0x6000] =	vst v28;
	(pc) =	sbr.rel @p0 .LBB2_8-.Ltmp3, $4  }
0x19e: {  	v29 =	vmul.f32 v16, v1;
	v28 =	vmul.f32 v21, v7;
	v23 =	vadd.f32 v19, v23  }
0x19f: {  	v24 =	vmul.f32 v25, v4;
	v16 =	vmul.f32 v16, v4;
	v25 =	vadd.f32 v19, v17;
	v21 =	vld [tilespmem:s1+$0x0]  }
0x1a0: {  	s17 =	sadd.s32 $0x2, s17;
	s18 =	sadd.s32 $0x8, s18;
	s11 =	sor.u32 s21, s4;
	v30 =	vadd.f32 v19, v30;
	v27 =	vmul.f32 v14, v23;
	v23 =	vmul.f32 v15, v1  }
0x1a1: {  	s20 =	sadd.s32 $0x40, s20;
	v32 =	vmul.f32 v22, v5;
	s19 =	sor.u32 s3, s4;
	v31 =	vadd.f32 v12, v31;
	v17 =	vmul.f32 v22, v1;
	s1 =	sor.u32 s22, s4  }
0x1a2: {  	v10 =	vmul.f32 v10, v18;
	v18 =	vadd.f32 v28, v8;
	v22 =	vmul.f32 v22, v4  }
0x1a3: {  	v11 =	vmul.f32 v11, v20;
	[tilespmem:s19+$0xA000] =	vst v27  }
0x1a4: {  	[tilespmem:s0+$0x6000] =	vst v10;
	v10 =	vmul.f32 v21, v30;
	v20 =	vadd.f32 v18, v22  }
0x1a5: {  	[tilespmem:s10+$0x8000] =	vst v11;
	v11 =	vadd.f32 v12, v29;
	v22 =	vmul.f32 v13, v25  }
0x1a6: {  	[tilespmem:s16+$0xA000] =	vst v10;
	v10 =	vmul.f32 v26, v20  }
0x1a7: {  	v15 =	vmul.f32 v15, v4;
	v19 =	vadd.f32 v19, v32;
	v11 =	vmul.f32 v21, v11;
	[tilespmem:s11+$0xA000] =	vst v22  }
0x1a8: {  	v20 =	vmul.f32 v14, v31;
	v22 =	vadd.f32 v18, v24;
	[tilespmem:s1+$0x8000] =	vst v10  }
0x1a9: {  	v10 =	vadd.f32 v18, v15;
	[tilespmem:s16+$0x6000] =	vst v11;
	v11 =	vmul.f32 v26, v19  }
0x1aa: {  	v15 =	vadd.f32 v12, v23;
	v14 =	vmul.f32 v14, v22;
	[tilespmem:s19+$0x6000] =	vst v20  }
0x1ab: {  	v12 =	vadd.f32 v12, v17;
	v10 =	vmul.f32 v13, v10;
	[tilespmem:s1+$0xA000] =	vst v11  }
0x1ac: {  	v11 =	vmul.f32 v13, v15;
	v13 =	vadd.f32 v18, v16;
	[tilespmem:s19+$0x8000] =	vst v14  }
0x1ad: {  	[tilespmem:s11+$0x8000] =	vst v10;
	v10 =	vmul.f32 v26, v12  }
0x1ae: {  	[tilespmem:s11+$0x6000] =	vst v11;
	v11 =	vmul.f32 v21, v13  }
0x1af: {  	s21 =	simm.s32 $0xC000;
	s23 =	simm.s32 $0xE000;
	[tilespmem:s1+$0x6000] =	vst v10  }
0x1b0: {  	s3 =	simm.s32 $0x0;
	s25 =	simm.s32 $0x2000;
	s7 =	simm.s32 $0x3;
	[tilespmem:s16+$0x8000] =	vst v11  }
0x1b1: {  	s30 =	simm.s32 $0x0;
	s19 =	simm.s32 $0xA000;
	s0 =	rddreg [dreg:$0x18]  }
0x1b2: {  	[hbm4b:s0+s26] =	stream.strided.scatter [tilespmem:s19], [sflag:$0x4], $0x2000, s28, s26, $0x38;
	[tilespmem:$0x10400] =	vst v63  }
0x1b3: {  	s2 =	simm.s32 $0x30;
	s15 =	simm.s32 $0x20;
	s20 =	rddreg [dreg:$0x19]  }
0x1b4: {  	[hbm4b:s20+s26] =	stream.strided.scatter [tilespmem:s21], [sflag:$0x4], $0x2000, s28, s26, $0x38;
	[tilespmem:$0x10400] =	vst v63  }
0x1b5: {  	s9 =	sor.u32 s8, s30;
	s5 =	sand.u32 $0x180, s3;
	s22 =	rddreg [dreg:$0x1a]  }
0x1b6: {  	[hbm4b:s22+s26] =	stream.strided.scatter [tilespmem:s23], [sflag:$0x4], $0x2000, s28, s26, $0x38;
	[tilespmem:$0x10400] =	vst v63  }
0x1b7: {  	s15 =	sand.u32 $0x60, s15;
	s24 =	rddreg [dreg:$0xd];
	s26 =	simm.s32 $0x1  }
0x1b8: {  	[tilespmem:s25], [sflag:$0x2] =	stream.linear.gather [hbm4b:s24+s3], $0x2000, $0x38;
	[tilespmem:$0x10400] =	vst v63  }
0x1b9: {  	s10 =	simm.s32 $0x0;
	s16 =	sand.u32 $0x70, s2;
	_ =	swait.ge [sflag:s26], $0x2000  }
0x1ba: {  	s1 =	sshrl.u32 s9, $0x9;
	s2 =	sor.u32 s5, s16;
	[sflag:s26] =	ssyncset.done $0x0  }
0x1bb: {  	s4 =	sand.u32 $0x7, s10;
	s1 =	sand.u32 $0x1C8, s1;
	v11 =	vor.u32 s2, v0;
	[sflag:s26] =	ssyncadd.s32 $0xFFFFE000  }
0x1bc: {  	s1 =	sor.u32 s4, s1;
	s0 =	sand.u32 $0x40, s30;
	v11 =	vcvt.s32.f32 v11;
	_ =	swait.ge [sflag:s7], $0x2000  }
0x1bd: {  	s11 =	simm.s32 $0x10;
	v10 =	vmov s1;
	s17 =	sor.u32 s0, s5;
	[sflag:s7] =	ssyncset.done $0x0  }
0x1be: {  	s19 =	sor.u32 s5, s15;
	s1 =	sand.u32 $0x50, s11;
	v10 =	vcvt.s32.f32 v10;
	v12 =	vor.u32 s17, v0;
	v24 =	vmul.f32 v11, v4;
	[sflag:s7] =	ssyncadd.s32 $0xFFFFE000  }
0x1bf: {  	s18 =	sor.u32 s5, s1;
	v16 =	vcvt.s32.f32 v12;
	v12 =	vor.u32 s19, v0;
	v20 =	vmul.f32 v11, v5;
	_ =	swait.ge [sflag:s7], $0x2000  }
0x1c0: {  	v21 =	vbroadcast v10, $0x0;
	v10 =	vor.u32 s18, v0;
	v22 =	vcvt.s32.f32 v12;
	[sflag:s7] =	ssyncset.done $0x0  }
0x1c1: {  	v10 =	vcvt.s32.f32 v10;
	v19 =	vmul.f32 v16, v1;
	[sflag:s7] =	ssyncadd.s32 $0xFFFFE000  }
0x1c2: {  	v18 =	vmul.f32 v16, v5;
	v13 =	vmul.f32 v21, v6;
	_ =	swait.ge [sflag:s7], $0x2000  }
0x1c3: {  	s9 =	simm.s32 $0x8;
	v14 =	vmul.f32 v21, v2;
	v15 =	vmul.f32 v22, v1;
	[sflag:s7] =	ssyncset.done $0x0  }
0x1c4: {  	s20 =	simm.s32 $0x20;
	s23 =	simm.s32 $0x70;
	v21 =	vmul.f32 v21, v7;
	v28 =	vmul.f32 v10, v4;
	[sflag:s7] =	ssyncadd.s32 $0xFFFFE000  }
0x1c5: {  	s9 =	sand.u32 $0x180, s9;
	s23 =	sand.u32 $0x70, s23;
	v23 =	vmul.f32 v10, v1;
	v12 =	vadd.f32 v13, v9;
	v17 =	vadd.f32 v14, v3;
	v27 =	vld [tilespmem:s20+$0xFFFFFFF0]  }
0x1c6: {  	v13 =	vmul.f32 v10, v5;
	v14 =	vmul.f32 v22, v5;
	v55 =	vadd.f32 v21, v8;
	s7 =	sor.u32 s9, s23;
	v29 =	vld [tilespmem:s20+$0xFFFFFFE0]  }
0x1c7: {  	s21 =	simm.s32 $0x40;
	v26 =	vadd.f32 v17, v15;
	v15 =	vmul.f32 v11, v1;
	v30 =	vld [tilespmem:s20+$0x10];
	v11 =	vor.u32 s7, v0  }
0x1c8: {  	s22 =	sor.u32 s8, s21;
	v13 =	vadd.f32 v12, v13;
	v10 =	vadd.f32 v12, v18;
	v25 =	vld [tilespmem:s20+$0x0];
	v51 =	vcvt.s32.f32 v11  }
0x1c9: {  	s30 =	simm.s32 $0x60;
	s11 =	simm.s32 $0x0;
	s5 =	sshrl.u32 s22, $0x9;
	v56 =	vmul.f32 v22, v4;
	v18 =	vadd.f32 v12, v14;
	v12 =	vadd.f32 v12, v20  }
0x1ca: {  	s17 =	sand.u32 $0x7, s11;
	s5 =	sand.u32 $0x1C8, s5;
	s25 =	simm.s32 $0x50;
	v37 =	vadd.f32 v17, v23;
	v44 =	vadd.f32 v17, v19;
	v45 =	vmul.f32 v51, v5  }
0x1cb: {  	s5 =	sor.u32 s17, s5;
	s18 =	sand.u32 $0x50, s25;
	s26 =	sand.u32 $0x40, s21;
	v24 =	vadd.f32 v55, v24;
	v32 =	vmul.f32 v51, v1;
	v31 =	vmul.f32 v27, v13  }
0x1cc: {  	s21 =	sand.u32 $0x20, s10;
	v28 =	vadd.f32 v55, v28;
	s7 =	sand.u32 $0x1C, s3;
	s20 =	simm.s32 $0x0;
	v33 =	vmul.f32 v29, v10;
	v10 =	vmul.f32 v51, v4  }
0x1cd: {  	s24 =	sor.u32 s26, s9;
	v34 =	vadd.f32 v17, v15;
	s2 =	sor.u32 s7, s21;
	s4 =	sand.u32 $0x3, s20;
	v35 =	vmul.f32 v30, v12;
	v23 =	vmul.f32 v25, v18  }
0x1ce: {  	s17 =	sand.u32 $0x60, s30;
	s30 =	simm.s32 $0x0;
	v14 =	vor.u32 s24, v0;
	s2 =	sor.u32 s4, s2;
	v53 =	vmul.f32 v25, v26;
	v54 =	vmul.f32 v29, v44  }
0x1cf: {  	s19 =	sor.u32 s9, s18;
	s24 =	simm.s32 $0x2;
	s2 =	sshll.u32 s2, $0x7;
	v13 =	vmov s5;
	v57 =	vmul.f32 v30, v34;
	v37 =	vmul.f32 v27, v37  }
0x1d0: {  	s25 =	sand.u32 $0x1C, s24;
	s20 =	sand.u32 $0x20, s11;
	v12 =	vor.u32 s19, v0;
	s19 =	sor.u32 $0x4000, s2;
	v30 =	vmul.f32 v30, v24;
	v13 =	vcvt.s32.f32 v13  }
0x1d1: {  	s4 =	sand.u32 $0x3, s30;
	s30 =	simm.s32 $0x80;
	v63 =	vmul.f32 v27, v28;
	v20 =	vcvt.s32.f32 v12;
	s1 =	sor.u32 s1, s19  }
0x1d2: {  	s22 =	sor.u32 s9, s17;
	s11 =	sor.u32 s8, s30;
	s2 =	sor.u32 s25, s20;
	[tilespmem:s1+$0x4000] =	vst v31;
	v31 =	vmul.f32 v16, v4;
	v11 =	vbroadcast v13, $0x0  }
0x1d3: {  	s20 =	simm.s32 $0x1;
	s2 =	sor.u32 s4, s2;
	s4 =	sshrl.u32 s11, $0x9;
	v13 =	vcvt.s32.f32 v14;
	v12 =	vmul.f32 v20, v4  }
0x1d4: {  	s21 =	simm.s32 $0xB0;
	s25 =	sand.u32 $0x7, s20;
	s4 =	sand.u32 $0x1C8, s4;
	v14 =	vor.u32 s22, v0;
	v38 =	vmul.f32 v20, v5;
	v46 =	vmul.f32 v20, v1  }
0x1d5: {  	s7 =	simm.s32 $0x90;
	s10 =	sand.u32 $0x70, s21;
	s4 =	sor.u32 s25, s4;
	v14 =	vcvt.s32.f32 v14;
	v15 =	vmul.f32 v11, v2  }
0x1d6: {  	s11 =	sand.u32 $0x40, s30;
	s2 =	sshll.u32 s2, $0x7;
	s22 =	simm.s32 $0x10;
	v16 =	vmov s4;
	v36 =	vmul.f32 v11, v6;
	v41 =	vmul.f32 v13, v1  }
0x1d7: {  	s28 =	sor.u32 s15, s19;
	s21 =	sor.u32 $0x4000, s2;
	s24 =	sand.u32 $0x180, s22;
	v43 =	vmul.f32 v13, v5;
	v58 =	vcvt.s32.f32 v16  }
0x1d8: {  	s2 =	sand.u32 $0x50, s7;
	v31 =	vadd.f32 v55, v31;
	s9 =	sor.u32 s24, s10;
	s30 =	sor.u32 s11, s24;
	v39 =	vmul.f32 v14, v5;
	v42 =	vmul.f32 v14, v1  }
0x1d9: {  	s15 =	sor.u32 s18, s21;
	s18 =	simm.s32 $0xA0;
	s22 =	sor.u32 s24, s2;
	v17 =	vor.u32 s9, v0;
	v21 =	vor.u32 s30, v0;
	v36 =	vadd.f32 v36, v9  }
0x1da: {  	s0 =	sor.u32 s0, s19;
	s19 =	sor.u32 s16, s19;
	[tilespmem:s28+$0x4000] =	vst v23;
	s16 =	sand.u32 $0x60, s18;
	v59 =	vor.u32 s22, v0;
	v29 =	vmul.f32 v29, v31;
	v40 =	vadd.f32 v15, v3  }
0x1db: {  	s3 =	simm.s32 $0x60;
	[tilespmem:s0+$0x4000] =	vst v33;
	s5 =	sor.u32 s24, s16;
	v20 =	vcvt.s32.f32 v17;
	v21 =	vcvt.s32.f32 v21;
	v38 =	vadd.f32 v36, v38  }
0x1dc: {  	[tilespmem:s19+$0x4000] =	vst v35;
	v17 =	vld [tilespmem:s3+$0x10];
	v31 =	vor.u32 s5, v0;
	v19 =	vadd.f32 v40, v42;
	v52 =	vadd.f32 v36, v43  }
0x1dd: {  	v18 =	vld [tilespmem:s3+$0xFFFFFFF0];
	[tilespmem:s28+$0x0] =	vst v53;
	v31 =	vcvt.s32.f32 v31;
	v47 =	vadd.f32 v36, v39;
	v36 =	vadd.f32 v36, v45  }
0x1de: {  	v22 =	vld [tilespmem:s3+$0x0];
	[tilespmem:s0+$0x0] =	vst v54;
	v23 =	vadd.f32 v40, v32;
	v16 =	vmul.f32 v20, v4;
	v32 =	vbroadcast v58, $0x0  }
0x1df: {  	[tilespmem:s19+$0x0] =	vst v57;
	s24 =	simm.s32 $0x4;
	v15 =	vld [tilespmem:s3+$0xFFFFFFE0];
	v33 =	vadd.f32 v40, v46;
	v27 =	vmul.f32 v21, v1;
	v43 =	vmul.f32 v21, v5  }
0x1e0: {  	[tilespmem:s1+$0x0] =	vst v37;
	s25 =	simm.s32 $0x0;
	s30 =	sand.u32 $0x20, s20;
	s4 =	sand.u32 $0x1C, s24;
	v41 =	vadd.f32 v40, v41;
	v40 =	vmul.f32 v20, v5;
	v60 =	vmul.f32 v32, v6  }
0x1e1: {  	[tilespmem:s19+$0x2000] =	vst v30;
	s20 =	simm.s32 $0xA0;
	s5 =	sand.u32 $0x3, s25;
	s4 =	sor.u32 s4, s30;
	v34 =	vmul.f32 v17, v36;
	v36 =	vcvt.s32.f32 v59  }
0x1e2: {  	s29 =	simm.s32 $0x6;
	[tilespmem:s1+$0x2000] =	vst v63;
	v35 =	vld [tilespmem:s20+$0xFFFFFFF0];
	s4 =	sor.u32 s5, s4;
	v39 =	vadd.f32 v55, v56;
	v38 =	vmul.f32 v18, v38;
	v24 =	vmul.f32 v32, v2  }
0x1e3: {  	s31 =	simm.s32 $0xF0;
	s19 =	sor.u32 s17, s21;
	[tilespmem:s0+$0x2000] =	vst v29;
	s4 =	sshll.u32 s4, $0x7;
	v61 =	vmul.f32 v22, v47;
	v37 =	vadd.f32 v60, v9;
	v62 =	vmul.f32 v36, v5  }
0x1e4: {  	s26 =	sor.u32 s26, s21;
	s23 =	sor.u32 s23, s21;
	v30 =	vld [tilespmem:s20+$0xFFFFFFE0];
	v42 =	vmul.f32 v31, v1;
	s18 =	sor.u32 $0x4000, s4;
	v26 =	vmul.f32 v15, v52;
	[tilespmem:s15+$0x4000] =	vst v38;
	v24 =	vadd.f32 v24, v3  }
0x1e5: {  	s22 =	simm.s32 $0x8;
	v28 =	vld [tilespmem:s20+$0x0];
	s0 =	simm.s32 $0x18;
	s17 =	sor.u32 s2, s18;
	v38 =	vmul.f32 v31, v5;
	[tilespmem:s19+$0x4000] =	vst v61;
	v29 =	vmul.f32 v36, v4;
	v44 =	vadd.f32 v37, v62  }
.LBB2_10:
0x1e6: {  	s22 =	sadd.s32 $0x4, s22;
	s1 =	sand.u32 $0x180, s0;
	s21 =	sand.u32 $0x70, s31;
	v36 =	vmul.f32 v36, v1;
	v42 =	vadd.f32 v24, v42;
	[tilespmem:s26+$0x4000] =	vst v26;
	v25 =	vmul.f32 v25, v39  }
0x1e7: {  	s2 =	sadd.s32 $0xFFFFFFD0, s31;
	s4 =	sand.u32 $0x1C, s29;
	s3 =	sor.u32 s1, s21;
	v26 =	vadd.f32 v37, v43;
	v39 =	vmul.f32 v35, v44;
	v43 =	vmul.f32 v20, v1;
	v44 =	vmovc v18  }
0x1e8: {  	v38 =	vadd.f32 v37, v38;
	v45 =	vmul.f32 v22, v19;
	s5 =	sor.u32 s8, s2;
	s7 =	sshrl.u32 s22, $0x3;
	s9 =	sshrl.u32 s22, $0x6;
	v18 =	vor.u32 s3, v0;
	[tilespmem:s28+$0x2000] =	vst v25;
	v19 =	vmovc v42  }
0x1e9: {  	s28 =	sand.u32 $0x40, s2;
	s2 =	sshrl.u32 s5, $0x9;
	s3 =	sadd.s32 $0xFFFFFFF0, s31;
	v25 =	vadd.f32 v37, v40;
	v20 =	vcvt.s32.f32 v18;
	[tilespmem:s17+$0x4000] =	vst v39;
	v37 =	vld [tilespmem:s20+$0x10];
	v18 =	vmul.f32 v11, v7;
	v11 =	vmovc v32  }
0x1ea: {  	s5 =	sand.u32 $0x7, s7;
	s2 =	sand.u32 $0x1C8, s2;
	s3 =	sand.u32 $0x60, s3;
	v26 =	vmul.f32 v30, v26;
	v32 =	vadd.f32 v24, v43;
	v39 =	vmul.f32 v15, v41;
	[tilespmem:s23+$0x4000] =	vst v34  }
0x1eb: {  	s24 =	sor.u32 s28, s1;
	v41 =	vmul.f32 v14, v4;
	s2 =	sor.u32 s5, s2;
	s5 =	sand.u32 $0x20, s7;
	v34 =	vmul.f32 v13, v4;
	v40 =	vadd.f32 v18, v8;
	[tilespmem:s19+$0x0] =	vst v45  }
0x1ec: {  	v42 =	vor.u32 s24, v0;
	v13 =	vmovc v21;
	v46 =	vmov s2;
	s2 =	sor.u32 s4, s5;
	s4 =	sand.u32 $0x3, s9;
	s5 =	sor.u32 s1, s3;
	[tilespmem:s26+$0x0] =	vst v39;
	v39 =	vmul.f32 v17, v23;
	v23 =	vmovc v32  }
0x1ed: {  	s30 =	smov.u32 s10;
	p0 =	slt.u32 s22, $0x1FC;
	v14 =	vmovc v31;
	v43 =	vmul.f32 v20, v4;
	v32 =	vcvt.s32.f32 v46;
	s2 =	sor.u32 s4, s2;
	v45 =	vadd.f32 v40, v34;
	v18 =	vmovc v35  }
0x1ee: {  	s10 =	smov.u32 s21;
	v21 =	vcvt.s32.f32 v42;
	s4 =	sadd.s32 $0xFFFFFFE0, s31;
	s2 =	sshll.u32 s2, $0x7;
	v46 =	vadd.f32 v40, v10;
	v10 =	vmovc v16;
	v34 =	vmul.f32 v37, v25;
	[tilespmem:s23+$0x0] =	vst v39  }
0x1ef: {  	v31 =	vmul.f32 v44, v33;
	s7 =	smov.u32 s11;
	s4 =	sand.u32 $0x50, s4;
	v42 =	vadd.f32 v40, v12;
	v16 =	vmovc v43;
	v12 =	vmovc v29;
	v32 =	vbroadcast v32, $0x0;
	s2 =	sor.u32 $0x4000, s2  }
0x1f0: {  	v33 =	vadd.f32 v24, v36;
	s11 =	smov.u32 s28;
	s9 =	smov.u32 s18;
	s1 =	sor.u32 s1, s4;
	v29 =	vmul.f32 v15, v45;
	v35 =	vmul.f32 v17, v46;
	v17 =	vmovc v37  }
0x1f1: {  	s28 =	smov.u32 s19;
	v39 =	vor.u32 s5, v0;
	v25 =	vmovc v22;
	v36 =	vor.u32 s1, v0;
	v15 =	vmovc v30;
	s18 =	smov.u32 s2;
	s1 =	smov.u32 s15;
	v37 =	vmul.f32 v32, v2;
	[tilespmem:s15+$0x0] =	vst v31  }
0x1f2: {  	v22 =	vmovc v28;
	v36 =	vcvt.s32.f32 v36;
	v31 =	vcvt.s32.f32 v39;
	v39 =	vadd.f32 v40, v41;
	s15 =	smov.u32 s17;
	[tilespmem:s26+$0x2000] =	vst v29  }
.Ltmp4:
0x1f3: {  	s20 =	sadd.s32 $0x40, s20;
	v28 =	vmul.f32 v32, v6;
	v41 =	vmul.f32 v22, v38;
	v40 =	vadd.f32 v37, v3;
	[tilespmem:s23+$0x2000] =	vst v35;
	(pc) =	sbr.rel @p0 .LBB2_10-.Ltmp4, $4  }
0x1f4: {  	s19 =	sor.u32 s16, s9;
	s16 =	smov.u32 s3;
	v29 =	vmul.f32 v36, v4;
	v38 =	vmul.f32 v31, v5;
	v35 =	vld [tilespmem:s20+$0xFFFFFFF0]  }
0x1f5: {  	v46 =	vmul.f32 v44, v42;
	v37 =	vadd.f32 v28, v9;
	v45 =	vmul.f32 v36, v5;
	v30 =	vld [tilespmem:s20+$0xFFFFFFE0];
	[tilespmem:s19+$0x4000] =	vst v41  }
0x1f6: {  	s17 =	sor.u32 s4, s18;
	s26 =	sor.u32 s7, s9;
	v42 =	vmul.f32 v31, v1;
	s23 =	sor.u32 s30, s9;
	v41 =	vadd.f32 v24, v27;
	v27 =	vmul.f32 v21, v1;
	v24 =	vmovc v40;
	v28 =	vld [tilespmem:s20+$0x0]  }
0x1f7: {  	s29 =	sadd.s32 $0x2, s29;
	s0 =	sadd.s32 $0x8, s0;
	s31 =	sadd.s32 $0x40, s31;
	v43 =	vmul.f32 v21, v5;
	v44 =	vadd.f32 v37, v45;
	v40 =	vmul.f32 v20, v5;
	[tilespmem:s1+$0x2000] =	vst v46  }
0x1f8: {  	v25 =	vmul.f32 v25, v39;
	[tilespmem:s26+$0x4000] =	vst v26;
	v11 =	vmul.f32 v11, v7  }
0x1f9: {  	v19 =	vmul.f32 v22, v19;
	[tilespmem:s23+$0x4000] =	vst v34  }
0x1fa: {  	v13 =	vmul.f32 v13, v4;
	v26 =	vmul.f32 v35, v44;
	[tilespmem:s28+$0x2000] =	vst v25;
	v11 =	vadd.f32 v11, v8  }
0x1fb: {  	v25 =	vmul.f32 v15, v41;
	[tilespmem:s19+$0x0] =	vst v19  }
0x1fc: {  	v19 =	vmul.f32 v17, v23;
	[tilespmem:s17+$0x4000] =	vst v26;
	v13 =	vadd.f32 v11, v13  }
0x1fd: {  	v23 =	vmul.f32 v18, v33;
	[tilespmem:s26+$0x0] =	vst v25;
	v10 =	vadd.f32 v11, v10  }
0x1fe: {  	v25 =	vadd.f32 v37, v38;
	[tilespmem:s23+$0x0] =	vst v19;
	v13 =	vmul.f32 v15, v13  }
0x1ff: {  	v14 =	vmul.f32 v14, v4;
	v12 =	vadd.f32 v11, v12;
	[tilespmem:s15+$0x0] =	vst v23;
	v10 =	vmul.f32 v17, v10  }
0x200: {  	v15 =	vld [tilespmem:s20+$0x10];
	v17 =	vadd.f32 v37, v43;
	[tilespmem:s26+$0x2000] =	vst v13;
	v13 =	vmul.f32 v28, v25  }
0x201: {  	s0 =	sor.u32 s16, s18;
	v19 =	vmul.f32 v36, v1;
	v11 =	vadd.f32 v11, v14;
	[tilespmem:s23+$0x2000] =	vst v10;
	v10 =	vmul.f32 v18, v12  }
0x202: {  	v12 =	vmul.f32 v20, v1;
	v17 =	vmul.f32 v30, v17;
	v18 =	vadd.f32 v24, v27;
	[tilespmem:s0+$0x4000] =	vst v13  }
0x203: {  	s1 =	sor.u32 s11, s18;
	v14 =	vadd.f32 v37, v40;
	[tilespmem:s15+$0x2000] =	vst v10;
	v10 =	vmul.f32 v22, v11;
	v11 =	vmul.f32 v32, v7  }
0x204: {  	v13 =	vadd.f32 v24, v42;
	v12 =	vadd.f32 v24, v12;
	[tilespmem:s1+$0x4000] =	vst v17;
	v18 =	vmul.f32 v30, v18  }
0x205: {  	v14 =	vmul.f32 v15, v14;
	[tilespmem:s19+$0x2000] =	vst v10;
	v10 =	vmul.f32 v21, v4;
	v11 =	vadd.f32 v11, v8  }
0x206: {  	s2 =	sor.u32 s10, s18;
	v17 =	vadd.f32 v24, v19;
	v13 =	vmul.f32 v28, v13;
	[tilespmem:s1+$0x0] =	vst v18  }
0x207: {  	v12 =	vmul.f32 v15, v12;
	[tilespmem:s2+$0x4000] =	vst v14;
	v10 =	vadd.f32 v11, v10  }
0x208: {  	[tilespmem:s0+$0x0] =	vst v13;
	v13 =	vmul.f32 v31, v4;
	v14 =	vadd.f32 v11, v16;
	v16 =	vmul.f32 v35, v17  }
0x209: {  	[tilespmem:s2+$0x0] =	vst v12;
	v12 =	vadd.f32 v11, v29;
	v10 =	vmul.f32 v30, v10  }
0x20a: {  	v14 =	vmul.f32 v15, v14;
	[tilespmem:s17+$0x0] =	vst v16;
	v11 =	vadd.f32 v11, v13  }
0x20b: {  	[tilespmem:s1+$0x2000] =	vst v10;
	v10 =	vmul.f32 v35, v12  }
0x20c: {  	[tilespmem:s2+$0x2000] =	vst v14;
	v11 =	vmul.f32 v28, v11  }
0x20d: {  	s24 =	simm.s32 $0x80;
	s3 =	simm.s32 $0x4000;
	[tilespmem:s17+$0x2000] =	vst v10  }
0x20e: {  	s5 =	simm.s32 $0x6000;
	s9 =	simm.s32 $0x8000;
	s10 =	simm.s32 $0x0;
	[tilespmem:s0+$0x2000] =	vst v11  }
0x20f: {  	s16 =	simm.s32 $0x4;
	s26 =	simm.s32 $0x200;
	s0 =	rddreg [dreg:$0x1b]  }
0x210: {  	[hbm4b:s0+s24] =	stream.strided.scatter [tilespmem:s3], [sflag:$0x3], $0x2000, s26, s24, $0x38;
	[tilespmem:$0x10400] =	vst v63  }
0x211: {  	s18 =	simm.s32 $0x0;
	s17 =	sor.u32 s12, s10;
	s4 =	rddreg [dreg:$0x1c]  }
0x212: {  	[hbm4b:s4+s24] =	stream.strided.scatter [tilespmem:s5], [sflag:$0x3], $0x2000, s26, s24, $0x38;
	[tilespmem:$0x10400] =	vst v63  }
0x213: {  	s15 =	simm.s32 $0x2;
	s7 =	rddreg [dreg:$0x1d];
	s0 =	sshrl.u32 s17, $0x9  }
0x214: {  	[hbm4b:s7+s24] =	stream.strided.scatter [tilespmem:s9], [sflag:$0x3], $0x2000, s26, s24, $0x38;
	[tilespmem:$0x10400] =	vst v63  }
0x215: {  	s11 =	rddreg [dreg:$0xe];
	s3 =	sand.u32 $0x7, s18;
	s0 =	sand.u32 $0x1D8, s0  }
0x216: {  	[tilespmem:s10], [sflag:$0x1] =	stream.linear.gather [hbm4b:s11+s10], $0x2000, $0x38;
	[tilespmem:$0x10400] =	vst v63  }
0x217: {  	s3 =	sor.u32 s3, s0;
	s0 =	sand.u32 $0x40, s10;
	_ =	swait.ge [sflag:s15], $0x2000  }
0x218: {  	s4 =	sand.u32 $0x180, s10;
	s19 =	sor.u32 $0x10, s0;
	[sflag:s15] =	ssyncset.done $0x0  }
0x219: {  	v10 =	vmov s3;
	s5 =	sor.u32 s0, s4;
	s21 =	sor.u32 $0x20, s0;
	[sflag:s15] =	ssyncadd.s32 $0xFFFFE000  }
0x21a: {  	s3 =	sor.u32 $0x30, s0;
	v10 =	vcvt.s32.f32 v10;
	s20 =	sor.u32 s4, s19;
	_ =	swait.ge [sflag:s16], $0x2000  }
0x21b: {  	s9 =	sor.u32 s4, s21;
	v12 =	vor.u32 s5, v0;
	s4 =	sor.u32 s4, s3;
	v11 =	vor.u32 s20, v0;
	[sflag:s16] =	ssyncset.done $0x0  }
0x21c: {  	v12 =	vcvt.s32.f32 v12;
	v15 =	vor.u32 s4, v0;
	v10 =	vbroadcast v10, $0x0;
	[sflag:s16] =	ssyncadd.s32 $0xFFFFE000  }
0x21d: {  	v13 =	vcvt.s32.f32 v11;
	v11 =	vor.u32 s9, v0;
	v15 =	vcvt.s32.f32 v15;
	_ =	swait.ge [sflag:s16], $0x2000  }
0x21e: {  	v18 =	vcvt.s32.f32 v11;
	v11 =	vmul.f32 v12, v5;
	[sflag:s16] =	ssyncset.done $0x0  }
0x21f: {  	v20 =	vmul.f32 v12, v1;
	v12 =	vmul.f32 v12, v4;
	[sflag:s16] =	ssyncadd.s32 $0xFFFFE000  }
0x220: {  	s7 =	sand.u32 $0x1F80, s10;
	v14 =	vmul.f32 v10, v6;
	v16 =	vmul.f32 v10, v2;
	_ =	swait.ge [sflag:s16], $0x2000  }
0x221: {  	s28 =	sor.u32 $0x2000, s7;
	v19 =	vmul.f32 v13, v5;
	v22 =	vmul.f32 v10, v7;
	[sflag:s16] =	ssyncset.done $0x0  }
0x222: {  	s7 =	sor.u32 s0, s28;
	v26 =	vmul.f32 v13, v1;
	v27 =	vmul.f32 v15, v1;
	v14 =	vadd.f32 v14, v9;
	[sflag:s16] =	ssyncadd.s32 $0xFFFFE000  }
0x223: {  	s30 =	simm.s32 $0x0;
	s29 =	sor.u32 s21, s28;
	v28 =	vmul.f32 v15, v5;
	v21 =	vmul.f32 v18, v5;
	v16 =	vadd.f32 v16, v3;
	v17 =	vld [tilespmem:s7+$0x0]  }
0x224: {  	s1 =	sand.u32 $0x1C, s10;
	s2 =	sand.u32 $0x20, s18;
	s31 =	sor.u32 s19, s28;
	v23 =	vmul.f32 v18, v1;
	v22 =	vadd.f32 v22, v8;
	v10 =	vadd.f32 v14, v11;
	v11 =	vld [tilespmem:s29+$0x0]  }
0x225: {  	s1 =	sor.u32 s1, s2;
	s4 =	sand.u32 $0x3, s30;
	s9 =	simm.s32 $0x40;
	v15 =	vmul.f32 v15, v4;
	v21 =	vadd.f32 v14, v21;
	v20 =	vadd.f32 v16, v20;
	v25 =	vld [tilespmem:s31+$0x0]  }
0x226: {  	s25 =	simm.s32 $0x8;
	s2 =	sor.u32 s4, s1;
	s23 =	sor.u32 s12, s9;
	v13 =	vmul.f32 v13, v4;
	v23 =	vadd.f32 v16, v23;
	v19 =	vadd.f32 v14, v19  }
0x227: {  	s22 =	sor.u32 s3, s28;
	s28 =	simm.s32 $0x0;
	s5 =	sshrl.u32 s23, $0x9;
	v24 =	vmul.f32 v18, v4;
	v14 =	vadd.f32 v14, v28;
	v15 =	vadd.f32 v22, v15  }
0x228: {  	s1 =	sand.u32 $0x40, s9;
	s5 =	sand.u32 $0x1D8, s5;
	v12 =	vadd.f32 v22, v12;
	v26 =	vadd.f32 v16, v26;
	s29 =	sand.u32 $0x7, s28;
	v18 =	vmul.f32 v17, v10  }
0x229: {  	s17 =	sor.u32 $0x10, s1;
	v13 =	vadd.f32 v22, v13;
	s7 =	sand.u32 $0x180, s25;
	s5 =	sor.u32 s29, s5;
	v10 =	vld [tilespmem:s22+$0x0];
	v29 =	vmul.f32 v17, v20;
	v23 =	vmul.f32 v11, v23  }
0x22a: {  	s16 =	sor.u32 $0x20, s1;
	s30 =	sor.u32 s7, s17;
	v20 =	vmul.f32 v11, v21;
	v21 =	vmov s5;
	v19 =	vmul.f32 v25, v19  }
0x22b: {  	s2 =	sshll.u32 s2, $0x7;
	s31 =	sor.u32 s7, s16;
	v28 =	vor.u32 s30, v0;
	v17 =	vmul.f32 v17, v12;
	v21 =	vcvt.s32.f32 v21  }
0x22c: {  	s2 =	sor.u32 $0x4000, s2;
	s20 =	sor.u32 $0x30, s1;
	s18 =	sor.u32 s1, s7;
	v31 =	vor.u32 s31, v0;
	v63 =	vmul.f32 v25, v26;
	v25 =	vmul.f32 v25, v13  }
0x22d: {  	s11 =	sor.u32 s19, s2;
	s19 =	sor.u32 s0, s2;
	s7 =	sor.u32 s7, s20;
	v12 =	vor.u32 s18, v0;
	v26 =	vcvt.s32.f32 v31;
	v21 =	vbroadcast v21, $0x0  }
0x22e: {  	s4 =	sand.u32 $0x1F80, s9;
	s10 =	sor.u32 s21, s2;
	v61 =	vcvt.s32.f32 v12;
	v12 =	vor.u32 s7, v0;
	[tilespmem:s19+$0xA000] =	vst v18;
	v30 =	vmul.f32 v10, v15  }
0x22f: {  	s23 =	sor.u32 $0x2000, s4;
	[tilespmem:s10+$0xA000] =	vst v20;
	v18 =	vadd.f32 v16, v27;
	v15 =	vcvt.s32.f32 v28;
	v16 =	vmul.f32 v21, v6  }
0x230: {  	s21 =	simm.s32 $0x2;
	s0 =	sor.u32 s3, s2;
	s25 =	simm.s32 $0x0;
	v20 =	vadd.f32 v22, v24;
	v22 =	vcvt.s32.f32 v12;
	[tilespmem:s19+$0x6000] =	vst v29;
	v29 =	vmul.f32 v26, v1  }
0x231: {  	s28 =	sand.u32 $0x20, s28;
	s29 =	sor.u32 s1, s23;
	s22 =	sand.u32 $0x1C, s21;
	[tilespmem:s11+$0xA000] =	vst v19;
	v13 =	vmul.f32 v61, v5;
	v19 =	vadd.f32 v16, v9;
	v16 =	vmul.f32 v15, v5  }
0x232: {  	s4 =	sand.u32 $0x3, s25;
	s31 =	sor.u32 s20, s23;
	s2 =	sor.u32 s22, s28;
	[tilespmem:s11+$0x8000] =	vst v25;
	v62 =	vmul.f32 v10, v14;
	v28 =	vmul.f32 v21, v2;
	v14 =	vld [tilespmem:s29+$0x0]  }
0x233: {  	s2 =	sor.u32 s4, s2;
	[tilespmem:s0+$0x8000] =	vst v30;
	v30 =	vmul.f32 v26, v5;
	v25 =	vadd.f32 v19, v16;
	v16 =	vmul.f32 v26, v4;
	v26 =	vld [tilespmem:s31+$0x0]  }
0x234: {  	s15 =	simm.s32 $0x4;
	s3 =	sor.u32 s16, s23;
	[tilespmem:s10+$0x6000] =	vst v23;
	s2 =	sshll.u32 s2, $0x7;
	v31 =	vmul.f32 v61, v1;
	v24 =	vmul.f32 v61, v4  }
0x235: {  	s30 =	sor.u32 s17, s23;
	s18 =	simm.s32 $0x10;
	[tilespmem:s19+$0x8000] =	vst v17;
	s2 =	sor.u32 $0x4000, s2;
	v12 =	vadd.f32 v28, v3;
	v28 =	vmul.f32 v21, v7;
	v21 =	vld [tilespmem:s3+$0x0];
	v17 =	vadd.f32 v19, v13  }
0x236: {  	[tilespmem:s11+$0x6000] =	vst v63;
	v32 =	vmul.f32 v22, v5;
	s16 =	sor.u32 s16, s2;
	s11 =	sor.u32 s17, s2;
	s17 =	simm.s32 $0x4;
	v23 =	vmul.f32 v15, v1;
	v30 =	vadd.f32 v19, v30  }
0x237: {  	s19 =	sor.u32 s1, s2;
	s1 =	sor.u32 s20, s2;
	s20 =	simm.s32 $0x80;
	[tilespmem:s0+$0xA000] =	vst v62;
	v13 =	vld [tilespmem:s30+$0x0];
	v31 =	vadd.f32 v12, v31;
	v27 =	vmul.f32 v14, v17;
	v17 =	vmul.f32 v22, v1  }
.LBB2_12:
0x238: {  	s15 =	sadd.s32 $0x4, s15;
	s2 =	sor.u32 s12, s20;
	s3 =	sand.u32 $0x40, s20;
	v15 =	vmul.f32 v15, v4;
	v29 =	vadd.f32 v12, v29;
	v18 =	vmul.f32 v10, v18;
	v10 =	vmovc v26  }
0x239: {  	s5 =	sand.u32 $0x1C, s17;
	v26 =	vadd.f32 v28, v8;
	v22 =	vmul.f32 v22, v4;
	v33 =	vmul.f32 v11, v20;
	s2 =	sshrl.u32 s2, $0x9;
	s4 =	sshrl.u32 s15, $0x3  }
0x23a: {  	s9 =	sshrl.u32 s15, $0x6;
	v20 =	vmul.f32 v14, v31;
	v19 =	vadd.f32 v19, v32;
	s2 =	sand.u32 $0x1D8, s2;
	s7 =	sand.u32 $0x7, s4;
	v28 =	vmul.f32 v21, v29;
	[tilespmem:s0+$0x6000] =	vst v18  }
0x23b: {  	s22 =	sor.u32 $0x30, s3;
	s0 =	sand.u32 $0x180, s18;
	v29 =	vadd.f32 v26, v15;
	v15 =	vmul.f32 v21, v30;
	v18 =	vadd.f32 v26, v22;
	s2 =	sor.u32 s7, s2;
	[tilespmem:s10+$0x8000] =	vst v33  }
0x23c: {  	v25 =	vmul.f32 v13, v25;
	s21 =	sor.u32 $0x10, s3;
	v24 =	vadd.f32 v26, v24;
	v11 =	vmovc v21;
	s7 =	sor.u32 s3, s0;
	v22 =	vmov s2;
	s2 =	sor.u32 $0x20, s3;
	[tilespmem:s19+$0xA000] =	vst v27  }
0x23d: {  	s4 =	sand.u32 $0x20, s4;
	s10 =	sor.u32 s0, s21;
	v18 =	vmul.f32 v10, v18;
	v21 =	vcvt.s32.f32 v22;
	s23 =	sor.u32 s0, s2;
	v22 =	vadd.f32 v12, v23;
	[tilespmem:s16+$0xA000] =	vst v15  }
0x23e: {  	s4 =	sor.u32 s5, s4;
	s5 =	sand.u32 $0x3, s9;
	v24 =	vmul.f32 v14, v24;
	v15 =	vor.u32 s10, v0;
	s0 =	sor.u32 s0, s22;
	v23 =	vor.u32 s23, v0;
	[tilespmem:s11+$0xA000] =	vst v25  }
0x23f: {  	p0 =	slt.u32 s15, $0x1FC;
	v14 =	vor.u32 s7, v0;
	s4 =	sor.u32 s5, s4;
	s10 =	smov.u32 s16;
	v15 =	vcvt.s32.f32 v15;
	v21 =	vbroadcast v21, $0x0;
	[tilespmem:s1+$0x8000] =	vst v18  }
0x240: {  	s5 =	sand.u32 $0x1F80, s20;
	s4 =	sshll.u32 s4, $0x7;
	v25 =	vcvt.s32.f32 v14;
	v27 =	vor.u32 s0, v0;
	v14 =	vmul.f32 v10, v19;
	s0 =	smov.u32 s1;
	[tilespmem:s10+$0x6000] =	vst v28  }
0x241: {  	s4 =	sor.u32 $0x4000, s4;
	s1 =	sor.u32 $0x2000, s5;
	v18 =	vadd.f32 v12, v17;
	v28 =	vmul.f32 v13, v22;
	v19 =	vmul.f32 v21, v2;
	[tilespmem:s19+$0x6000] =	vst v20  }
0x242: {  	v29 =	vmul.f32 v13, v29;
	s5 =	sor.u32 s3, s1;
	s7 =	sor.u32 s21, s1;
	s9 =	sor.u32 s22, s1;
	v17 =	vmul.f32 v21, v6;
	v20 =	vadd.f32 v26, v16;
	[tilespmem:s0+$0xA000] =	vst v14  }
0x243: {  	s16 =	sor.u32 s2, s4;
	s1 =	sor.u32 s2, s1;
	v22 =	vcvt.s32.f32 v27;
	v16 =	vcvt.s32.f32 v23;
	v12 =	vadd.f32 v19, v3;
	v14 =	vld [tilespmem:s5+$0x0];
	[tilespmem:s19+$0x8000] =	vst v24  }
0x244: {  	v23 =	vmul.f32 v25, v5;
	v19 =	vadd.f32 v17, v9;
	v17 =	vmul.f32 v15, v5;
	v13 =	vld [tilespmem:s7+$0x0];
	[tilespmem:s11+$0x8000] =	vst v29  }
.Ltmp5:
0x245: {  	v31 =	vmul.f32 v25, v1;
	v30 =	vmul.f32 v16, v5;
	v26 =	vld [tilespmem:s9+$0x0];
	[tilespmem:s11+$0x6000] =	vst v28;
	(pc) =	sbr.rel @p0 .LBB2_12-.Ltmp5, $4  }
0x246: {  	v29 =	vmul.f32 v16, v1;
	v28 =	vmul.f32 v21, v7;
	v23 =	vadd.f32 v19, v23  }
0x247: {  	v24 =	vmul.f32 v25, v4;
	v16 =	vmul.f32 v16, v4;
	v25 =	vadd.f32 v19, v17;
	v21 =	vld [tilespmem:s1+$0x0]  }
0x248: {  	s17 =	sadd.s32 $0x2, s17;
	s18 =	sadd.s32 $0x8, s18;
	s11 =	sor.u32 s21, s4;
	v30 =	vadd.f32 v19, v30;
	v27 =	vmul.f32 v14, v23;
	v23 =	vmul.f32 v15, v1  }
0x249: {  	s20 =	sadd.s32 $0x40, s20;
	v32 =	vmul.f32 v22, v5;
	s19 =	sor.u32 s3, s4;
	v31 =	vadd.f32 v12, v31;
	v17 =	vmul.f32 v22, v1;
	s1 =	sor.u32 s22, s4  }
0x24a: {  	v10 =	vmul.f32 v10, v18;
	v18 =	vadd.f32 v28, v8;
	v22 =	vmul.f32 v22, v4  }
0x24b: {  	v11 =	vmul.f32 v11, v20;
	[tilespmem:s19+$0xA000] =	vst v27  }
0x24c: {  	[tilespmem:s0+$0x6000] =	vst v10;
	v10 =	vmul.f32 v21, v30;
	v20 =	vadd.f32 v18, v22  }
0x24d: {  	[tilespmem:s10+$0x8000] =	vst v11;
	v11 =	vadd.f32 v12, v29;
	v22 =	vmul.f32 v13, v25  }
0x24e: {  	[tilespmem:s16+$0xA000] =	vst v10;
	v10 =	vmul.f32 v26, v20  }
0x24f: {  	v15 =	vmul.f32 v15, v4;
	v19 =	vadd.f32 v19, v32;
	v11 =	vmul.f32 v21, v11;
	[tilespmem:s11+$0xA000] =	vst v22  }
0x250: {  	v20 =	vmul.f32 v14, v31;
	v22 =	vadd.f32 v18, v24;
	[tilespmem:s1+$0x8000] =	vst v10  }
0x251: {  	v10 =	vadd.f32 v18, v15;
	[tilespmem:s16+$0x6000] =	vst v11;
	v11 =	vmul.f32 v26, v19  }
0x252: {  	v15 =	vadd.f32 v12, v23;
	v14 =	vmul.f32 v14, v22;
	[tilespmem:s19+$0x6000] =	vst v20  }
0x253: {  	v12 =	vadd.f32 v12, v17;
	v10 =	vmul.f32 v13, v10;
	[tilespmem:s1+$0xA000] =	vst v11  }
0x254: {  	v11 =	vmul.f32 v13, v15;
	v13 =	vadd.f32 v18, v16;
	[tilespmem:s19+$0x8000] =	vst v14  }
0x255: {  	[tilespmem:s11+$0x8000] =	vst v10;
	v10 =	vmul.f32 v26, v12  }
0x256: {  	[tilespmem:s11+$0x6000] =	vst v11;
	v11 =	vmul.f32 v21, v13  }
0x257: {  	[tilespmem:s1+$0x6000] =	vst v10  }
0x258: {  	s21 =	simm.s32 $0xC000;
	s23 =	simm.s32 $0xE000;
	[tilespmem:s16+$0x8000] =	vst v11  }
0x259: {  	s3 =	simm.s32 $0x0;
	s25 =	simm.s32 $0x2000;
	s0 =	rddreg [dreg:$0x1e]  }
0x25a: {  	s7 =	simm.s32 $0x3;
	s19 =	simm.s32 $0xA000;
	s20 =	rddreg [dreg:$0x1f]  }
0x25b: {  	[hbm4b:s0+s24] =	stream.strided.scatter [tilespmem:s19], [sflag:$0x4], $0x2000, s26, s24, $0x38;
	[tilespmem:$0x10400] =	vst v63  }
0x25c: {  	s30 =	simm.s32 $0x0;
	s2 =	simm.s32 $0x30;
	s22 =	sld [smem:$0x7F4]  }
0x25d: {  	[hbm4b:s20+s24] =	stream.strided.scatter [tilespmem:s21], [sflag:$0x4], $0x2000, s26, s24, $0x38;
	[tilespmem:$0x10400] =	vst v63  }
0x25e: {  	s15 =	simm.s32 $0x20;
	s9 =	sor.u32 s13, s30;
	s5 =	sand.u32 $0x180, s3  }
0x25f: {  	[hbm4b:s22+s24] =	stream.strided.scatter [tilespmem:s23], [sflag:$0x4], $0x2000, s26, s24, $0x38;
	[tilespmem:$0x10400] =	vst v63  }
0x260: {  	s15 =	sand.u32 $0x60, s15;
	s24 =	rddreg [dreg:$0xf];
	s26 =	simm.s32 $0x1  }
0x261: {  	[tilespmem:s25], [sflag:$0x2] =	stream.linear.gather [hbm4b:s24+s3], $0x2000, $0x38;
	[tilespmem:$0x10400] =	vst v63  }
0x262: {  	s10 =	simm.s32 $0x0;
	s16 =	sand.u32 $0x70, s2;
	_ =	swait.ge [sflag:s26], $0x2000  }
0x263: {  	s1 =	sshrl.u32 s9, $0x9;
	s2 =	sor.u32 s5, s16;
	[sflag:s26] =	ssyncset.done $0x0  }
0x264: {  	s4 =	sand.u32 $0x7, s10;
	s1 =	sand.u32 $0x1E8, s1;
	v11 =	vor.u32 s2, v0;
	[sflag:s26] =	ssyncadd.s32 $0xFFFFE000  }
0x265: {  	s1 =	sor.u32 s4, s1;
	s0 =	sand.u32 $0x40, s30;
	v11 =	vcvt.s32.f32 v11;
	_ =	swait.ge [sflag:s7], $0x2000  }
0x266: {  	s11 =	simm.s32 $0x10;
	v10 =	vmov s1;
	s17 =	sor.u32 s0, s5;
	[sflag:s7] =	ssyncset.done $0x0  }
0x267: {  	s19 =	sor.u32 s5, s15;
	s1 =	sand.u32 $0x50, s11;
	v10 =	vcvt.s32.f32 v10;
	v12 =	vor.u32 s17, v0;
	v24 =	vmul.f32 v11, v4;
	[sflag:s7] =	ssyncadd.s32 $0xFFFFE000  }
0x268: {  	s18 =	sor.u32 s5, s1;
	v16 =	vcvt.s32.f32 v12;
	v12 =	vor.u32 s19, v0;
	v20 =	vmul.f32 v11, v5;
	_ =	swait.ge [sflag:s7], $0x2000  }
0x269: {  	v21 =	vbroadcast v10, $0x0;
	v10 =	vor.u32 s18, v0;
	v22 =	vcvt.s32.f32 v12;
	[sflag:s7] =	ssyncset.done $0x0  }
0x26a: {  	v10 =	vcvt.s32.f32 v10;
	v19 =	vmul.f32 v16, v1;
	[sflag:s7] =	ssyncadd.s32 $0xFFFFE000  }
0x26b: {  	v18 =	vmul.f32 v16, v5;
	v13 =	vmul.f32 v21, v6;
	_ =	swait.ge [sflag:s7], $0x2000  }
0x26c: {  	s9 =	simm.s32 $0x8;
	v14 =	vmul.f32 v21, v2;
	v15 =	vmul.f32 v22, v1;
	[sflag:s7] =	ssyncset.done $0x0  }
0x26d: {  	s20 =	simm.s32 $0x20;
	s23 =	simm.s32 $0x70;
	v21 =	vmul.f32 v21, v7;
	v28 =	vmul.f32 v10, v4;
	[sflag:s7] =	ssyncadd.s32 $0xFFFFE000  }
0x26e: {  	s9 =	sand.u32 $0x180, s9;
	s23 =	sand.u32 $0x70, s23;
	v23 =	vmul.f32 v10, v1;
	v12 =	vadd.f32 v13, v9;
	v17 =	vadd.f32 v14, v3;
	v27 =	vld [tilespmem:s20+$0xFFFFFFF0]  }
0x26f: {  	v13 =	vmul.f32 v10, v5;
	v14 =	vmul.f32 v22, v5;
	v55 =	vadd.f32 v21, v8;
	s7 =	sor.u32 s9, s23;
	v29 =	vld [tilespmem:s20+$0xFFFFFFE0]  }
0x270: {  	s21 =	simm.s32 $0x40;
	v26 =	vadd.f32 v17, v15;
	v15 =	vmul.f32 v11, v1;
	v30 =	vld [tilespmem:s20+$0x10];
	v11 =	vor.u32 s7, v0  }
0x271: {  	s22 =	sor.u32 s13, s21;
	v13 =	vadd.f32 v12, v13;
	v10 =	vadd.f32 v12, v18;
	v25 =	vld [tilespmem:s20+$0x0];
	v51 =	vcvt.s32.f32 v11  }
0x272: {  	s30 =	simm.s32 $0x60;
	s11 =	simm.s32 $0x0;
	s5 =	sshrl.u32 s22, $0x9;
	v56 =	vmul.f32 v22, v4;
	v18 =	vadd.f32 v12, v14;
	v12 =	vadd.f32 v12, v20  }
0x273: {  	s17 =	sand.u32 $0x7, s11;
	s5 =	sand.u32 $0x1E8, s5;
	s25 =	simm.s32 $0x50;
	v37 =	vadd.f32 v17, v23;
	v44 =	vadd.f32 v17, v19;
	v45 =	vmul.f32 v51, v5  }
0x274: {  	s5 =	sor.u32 s17, s5;
	s18 =	sand.u32 $0x50, s25;
	s26 =	sand.u32 $0x40, s21;
	v24 =	vadd.f32 v55, v24;
	v32 =	vmul.f32 v51, v1;
	v31 =	vmul.f32 v27, v13  }
0x275: {  	s21 =	sand.u32 $0x20, s10;
	v28 =	vadd.f32 v55, v28;
	s7 =	sand.u32 $0x1C, s3;
	s20 =	simm.s32 $0x0;
	v33 =	vmul.f32 v29, v10;
	v10 =	vmul.f32 v51, v4  }
0x276: {  	s24 =	sor.u32 s26, s9;
	v34 =	vadd.f32 v17, v15;
	s2 =	sor.u32 s7, s21;
	s4 =	sand.u32 $0x3, s20;
	v35 =	vmul.f32 v30, v12;
	v23 =	vmul.f32 v25, v18  }
0x277: {  	s17 =	sand.u32 $0x60, s30;
	s30 =	simm.s32 $0x0;
	v14 =	vor.u32 s24, v0;
	s2 =	sor.u32 s4, s2;
	v53 =	vmul.f32 v25, v26;
	v54 =	vmul.f32 v29, v44  }
0x278: {  	s19 =	sor.u32 s9, s18;
	s24 =	simm.s32 $0x2;
	s2 =	sshll.u32 s2, $0x7;
	v13 =	vmov s5;
	v57 =	vmul.f32 v30, v34;
	v37 =	vmul.f32 v27, v37  }
0x279: {  	s25 =	sand.u32 $0x1C, s24;
	s20 =	sand.u32 $0x20, s11;
	v12 =	vor.u32 s19, v0;
	s19 =	sor.u32 $0x4000, s2;
	v30 =	vmul.f32 v30, v24;
	v13 =	vcvt.s32.f32 v13  }
0x27a: {  	s4 =	sand.u32 $0x3, s30;
	s30 =	simm.s32 $0x80;
	v63 =	vmul.f32 v27, v28;
	v20 =	vcvt.s32.f32 v12;
	s1 =	sor.u32 s1, s19  }
0x27b: {  	s22 =	sor.u32 s9, s17;
	s11 =	sor.u32 s13, s30;
	s2 =	sor.u32 s25, s20;
	[tilespmem:s1+$0x4000] =	vst v31;
	v31 =	vmul.f32 v16, v4;
	v11 =	vbroadcast v13, $0x0  }
0x27c: {  	s20 =	simm.s32 $0x1;
	s2 =	sor.u32 s4, s2;
	s4 =	sshrl.u32 s11, $0x9;
	v13 =	vcvt.s32.f32 v14;
	v12 =	vmul.f32 v20, v4  }
0x27d: {  	s21 =	simm.s32 $0xB0;
	s25 =	sand.u32 $0x7, s20;
	s4 =	sand.u32 $0x1E8, s4;
	v14 =	vor.u32 s22, v0;
	v38 =	vmul.f32 v20, v5;
	v46 =	vmul.f32 v20, v1  }
0x27e: {  	s7 =	simm.s32 $0x90;
	s10 =	sand.u32 $0x70, s21;
	s4 =	sor.u32 s25, s4;
	v14 =	vcvt.s32.f32 v14;
	v15 =	vmul.f32 v11, v2  }
0x27f: {  	s11 =	sand.u32 $0x40, s30;
	s2 =	sshll.u32 s2, $0x7;
	s22 =	simm.s32 $0x10;
	v16 =	vmov s4;
	v36 =	vmul.f32 v11, v6;
	v41 =	vmul.f32 v13, v1  }
0x280: {  	s28 =	sor.u32 s15, s19;
	s21 =	sor.u32 $0x4000, s2;
	s24 =	sand.u32 $0x180, s22;
	v43 =	vmul.f32 v13, v5;
	v58 =	vcvt.s32.f32 v16  }
0x281: {  	s2 =	sand.u32 $0x50, s7;
	v31 =	vadd.f32 v55, v31;
	s9 =	sor.u32 s24, s10;
	s30 =	sor.u32 s11, s24;
	v39 =	vmul.f32 v14, v5;
	v42 =	vmul.f32 v14, v1  }
0x282: {  	s15 =	sor.u32 s18, s21;
	s18 =	simm.s32 $0xA0;
	s22 =	sor.u32 s24, s2;
	v17 =	vor.u32 s9, v0;
	v21 =	vor.u32 s30, v0;
	v36 =	vadd.f32 v36, v9  }
0x283: {  	s0 =	sor.u32 s0, s19;
	s19 =	sor.u32 s16, s19;
	[tilespmem:s28+$0x4000] =	vst v23;
	s16 =	sand.u32 $0x60, s18;
	v59 =	vor.u32 s22, v0;
	v29 =	vmul.f32 v29, v31;
	v40 =	vadd.f32 v15, v3  }
0x284: {  	s3 =	simm.s32 $0x60;
	[tilespmem:s0+$0x4000] =	vst v33;
	s5 =	sor.u32 s24, s16;
	v20 =	vcvt.s32.f32 v17;
	v21 =	vcvt.s32.f32 v21;
	v38 =	vadd.f32 v36, v38  }
0x285: {  	[tilespmem:s19+$0x4000] =	vst v35;
	v17 =	vld [tilespmem:s3+$0x10];
	v31 =	vor.u32 s5, v0;
	v19 =	vadd.f32 v40, v42;
	v52 =	vadd.f32 v36, v43  }
0x286: {  	v18 =	vld [tilespmem:s3+$0xFFFFFFF0];
	[tilespmem:s28+$0x0] =	vst v53;
	v31 =	vcvt.s32.f32 v31;
	v47 =	vadd.f32 v36, v39;
	v36 =	vadd.f32 v36, v45  }
0x287: {  	v22 =	vld [tilespmem:s3+$0x0];
	[tilespmem:s0+$0x0] =	vst v54;
	v23 =	vadd.f32 v40, v32;
	v16 =	vmul.f32 v20, v4;
	v32 =	vbroadcast v58, $0x0  }
0x288: {  	[tilespmem:s19+$0x0] =	vst v57;
	s24 =	simm.s32 $0x4;
	v15 =	vld [tilespmem:s3+$0xFFFFFFE0];
	v33 =	vadd.f32 v40, v46;
	v27 =	vmul.f32 v21, v1;
	v43 =	vmul.f32 v21, v5  }
0x289: {  	[tilespmem:s1+$0x0] =	vst v37;
	s25 =	simm.s32 $0x0;
	s30 =	sand.u32 $0x20, s20;
	s4 =	sand.u32 $0x1C, s24;
	v41 =	vadd.f32 v40, v41;
	v40 =	vmul.f32 v20, v5;
	v60 =	vmul.f32 v32, v6  }
0x28a: {  	[tilespmem:s19+$0x2000] =	vst v30;
	s20 =	simm.s32 $0xA0;
	s5 =	sand.u32 $0x3, s25;
	s4 =	sor.u32 s4, s30;
	v34 =	vmul.f32 v17, v36;
	v36 =	vcvt.s32.f32 v59  }
0x28b: {  	s29 =	simm.s32 $0x6;
	[tilespmem:s1+$0x2000] =	vst v63;
	v35 =	vld [tilespmem:s20+$0xFFFFFFF0];
	s4 =	sor.u32 s5, s4;
	v39 =	vadd.f32 v55, v56;
	v38 =	vmul.f32 v18, v38;
	v24 =	vmul.f32 v32, v2  }
0x28c: {  	s31 =	simm.s32 $0xF0;
	s19 =	sor.u32 s17, s21;
	[tilespmem:s0+$0x2000] =	vst v29;
	s4 =	sshll.u32 s4, $0x7;
	v61 =	vmul.f32 v22, v47;
	v37 =	vadd.f32 v60, v9;
	v62 =	vmul.f32 v36, v5  }
0x28d: {  	s26 =	sor.u32 s26, s21;
	s23 =	sor.u32 s23, s21;
	v30 =	vld [tilespmem:s20+$0xFFFFFFE0];
	v42 =	vmul.f32 v31, v1;
	s18 =	sor.u32 $0x4000, s4;
	v26 =	vmul.f32 v15, v52;
	[tilespmem:s15+$0x4000] =	vst v38;
	v24 =	vadd.f32 v24, v3  }
0x28e: {  	s22 =	simm.s32 $0x8;
	v28 =	vld [tilespmem:s20+$0x0];
	s0 =	simm.s32 $0x18;
	s17 =	sor.u32 s2, s18;
	v38 =	vmul.f32 v31, v5;
	[tilespmem:s19+$0x4000] =	vst v61;
	v29 =	vmul.f32 v36, v4;
	v44 =	vadd.f32 v37, v62  }
.LBB2_14:
0x28f: {  	s22 =	sadd.s32 $0x4, s22;
	s1 =	sand.u32 $0x180, s0;
	s21 =	sand.u32 $0x70, s31;
	v36 =	vmul.f32 v36, v1;
	v42 =	vadd.f32 v24, v42;
	[tilespmem:s26+$0x4000] =	vst v26;
	v25 =	vmul.f32 v25, v39  }
0x290: {  	s2 =	sadd.s32 $0xFFFFFFD0, s31;
	s4 =	sand.u32 $0x1C, s29;
	s3 =	sor.u32 s1, s21;
	v26 =	vadd.f32 v37, v43;
	v39 =	vmul.f32 v35, v44;
	v43 =	vmul.f32 v20, v1;
	v44 =	vmovc v18  }
0x291: {  	v38 =	vadd.f32 v37, v38;
	v45 =	vmul.f32 v22, v19;
	s5 =	sor.u32 s13, s2;
	s7 =	sshrl.u32 s22, $0x3;
	s9 =	sshrl.u32 s22, $0x6;
	v18 =	vor.u32 s3, v0;
	[tilespmem:s28+$0x2000] =	vst v25;
	v19 =	vmovc v42  }
0x292: {  	s28 =	sand.u32 $0x40, s2;
	s2 =	sshrl.u32 s5, $0x9;
	s3 =	sadd.s32 $0xFFFFFFF0, s31;
	v25 =	vadd.f32 v37, v40;
	v20 =	vcvt.s32.f32 v18;
	[tilespmem:s17+$0x4000] =	vst v39;
	v37 =	vld [tilespmem:s20+$0x10];
	v18 =	vmul.f32 v11, v7;
	v11 =	vmovc v32  }
0x293: {  	s5 =	sand.u32 $0x7, s7;
	s2 =	sand.u32 $0x1E8, s2;
	s3 =	sand.u32 $0x60, s3;
	v26 =	vmul.f32 v30, v26;
	v32 =	vadd.f32 v24, v43;
	v39 =	vmul.f32 v15, v41;
	[tilespmem:s23+$0x4000] =	vst v34  }
0x294: {  	s24 =	sor.u32 s28, s1;
	v41 =	vmul.f32 v14, v4;
	s2 =	sor.u32 s5, s2;
	s5 =	sand.u32 $0x20, s7;
	v34 =	vmul.f32 v13, v4;
	v40 =	vadd.f32 v18, v8;
	[tilespmem:s19+$0x0] =	vst v45  }
0x295: {  	v42 =	vor.u32 s24, v0;
	v13 =	vmovc v21;
	v46 =	vmov s2;
	s2 =	sor.u32 s4, s5;
	s4 =	sand.u32 $0x3, s9;
	s5 =	sor.u32 s1, s3;
	[tilespmem:s26+$0x0] =	vst v39;
	v39 =	vmul.f32 v17, v23;
	v23 =	vmovc v32  }
0x296: {  	s30 =	smov.u32 s10;
	p0 =	slt.u32 s22, $0x1FC;
	v14 =	vmovc v31;
	v43 =	vmul.f32 v20, v4;
	v32 =	vcvt.s32.f32 v46;
	s2 =	sor.u32 s4, s2;
	v45 =	vadd.f32 v40, v34;
	v18 =	vmovc v35  }
0x297: {  	s10 =	smov.u32 s21;
	v21 =	vcvt.s32.f32 v42;
	s4 =	sadd.s32 $0xFFFFFFE0, s31;
	s2 =	sshll.u32 s2, $0x7;
	v46 =	vadd.f32 v40, v10;
	v10 =	vmovc v16;
	v34 =	vmul.f32 v37, v25;
	[tilespmem:s23+$0x0] =	vst v39  }
0x298: {  	v31 =	vmul.f32 v44, v33;
	s7 =	smov.u32 s11;
	s4 =	sand.u32 $0x50, s4;
	v42 =	vadd.f32 v40, v12;
	v16 =	vmovc v43;
	v12 =	vmovc v29;
	v32 =	vbroadcast v32, $0x0;
	s2 =	sor.u32 $0x4000, s2  }
0x299: {  	v33 =	vadd.f32 v24, v36;
	s11 =	smov.u32 s28;
	s9 =	smov.u32 s18;
	s1 =	sor.u32 s1, s4;
	v29 =	vmul.f32 v15, v45;
	v35 =	vmul.f32 v17, v46;
	v17 =	vmovc v37  }
0x29a: {  	s28 =	smov.u32 s19;
	v39 =	vor.u32 s5, v0;
	v25 =	vmovc v22;
	v36 =	vor.u32 s1, v0;
	v15 =	vmovc v30;
	s18 =	smov.u32 s2;
	s1 =	smov.u32 s15;
	v37 =	vmul.f32 v32, v2;
	[tilespmem:s15+$0x0] =	vst v31  }
0x29b: {  	v22 =	vmovc v28;
	v36 =	vcvt.s32.f32 v36;
	v31 =	vcvt.s32.f32 v39;
	v39 =	vadd.f32 v40, v41;
	s15 =	smov.u32 s17;
	[tilespmem:s26+$0x2000] =	vst v29  }
.Ltmp6:
0x29c: {  	s20 =	sadd.s32 $0x40, s20;
	v28 =	vmul.f32 v32, v6;
	v41 =	vmul.f32 v22, v38;
	v40 =	vadd.f32 v37, v3;
	[tilespmem:s23+$0x2000] =	vst v35;
	(pc) =	sbr.rel @p0 .LBB2_14-.Ltmp6, $4  }
0x29d: {  	s19 =	sor.u32 s16, s9;
	s16 =	smov.u32 s3;
	v29 =	vmul.f32 v36, v4;
	v38 =	vmul.f32 v31, v5;
	v35 =	vld [tilespmem:s20+$0xFFFFFFF0]  }
0x29e: {  	v46 =	vmul.f32 v44, v42;
	v37 =	vadd.f32 v28, v9;
	v45 =	vmul.f32 v36, v5;
	v30 =	vld [tilespmem:s20+$0xFFFFFFE0];
	[tilespmem:s19+$0x4000] =	vst v41  }
0x29f: {  	s17 =	sor.u32 s4, s18;
	s26 =	sor.u32 s7, s9;
	v42 =	vmul.f32 v31, v1;
	s23 =	sor.u32 s30, s9;
	v41 =	vadd.f32 v24, v27;
	v27 =	vmul.f32 v21, v1;
	v24 =	vmovc v40;
	v28 =	vld [tilespmem:s20+$0x0]  }
0x2a0: {  	s29 =	sadd.s32 $0x2, s29;
	s0 =	sadd.s32 $0x8, s0;
	s31 =	sadd.s32 $0x40, s31;
	v43 =	vmul.f32 v21, v5;
	v44 =	vadd.f32 v37, v45;
	v40 =	vmul.f32 v20, v5;
	[tilespmem:s1+$0x2000] =	vst v46  }
0x2a1: {  	v25 =	vmul.f32 v25, v39;
	[tilespmem:s26+$0x4000] =	vst v26;
	v11 =	vmul.f32 v11, v7  }
0x2a2: {  	v19 =	vmul.f32 v22, v19;
	[tilespmem:s23+$0x4000] =	vst v34  }
0x2a3: {  	v13 =	vmul.f32 v13, v4;
	v26 =	vmul.f32 v35, v44;
	[tilespmem:s28+$0x2000] =	vst v25;
	v11 =	vadd.f32 v11, v8  }
0x2a4: {  	v25 =	vmul.f32 v15, v41;
	[tilespmem:s19+$0x0] =	vst v19  }
0x2a5: {  	v19 =	vmul.f32 v17, v23;
	[tilespmem:s17+$0x4000] =	vst v26;
	v13 =	vadd.f32 v11, v13  }
0x2a6: {  	v23 =	vmul.f32 v18, v33;
	[tilespmem:s26+$0x0] =	vst v25;
	v10 =	vadd.f32 v11, v10  }
0x2a7: {  	v25 =	vadd.f32 v37, v38;
	[tilespmem:s23+$0x0] =	vst v19;
	v13 =	vmul.f32 v15, v13  }
0x2a8: {  	v14 =	vmul.f32 v14, v4;
	v12 =	vadd.f32 v11, v12;
	[tilespmem:s15+$0x0] =	vst v23;
	v10 =	vmul.f32 v17, v10  }
0x2a9: {  	v15 =	vld [tilespmem:s20+$0x10];
	v17 =	vadd.f32 v37, v43;
	[tilespmem:s26+$0x2000] =	vst v13;
	v13 =	vmul.f32 v28, v25  }
0x2aa: {  	s0 =	sor.u32 s16, s18;
	v19 =	vmul.f32 v36, v1;
	v11 =	vadd.f32 v11, v14;
	[tilespmem:s23+$0x2000] =	vst v10;
	v10 =	vmul.f32 v18, v12  }
0x2ab: {  	v12 =	vmul.f32 v20, v1;
	v17 =	vmul.f32 v30, v17;
	v18 =	vadd.f32 v24, v27;
	[tilespmem:s0+$0x4000] =	vst v13  }
0x2ac: {  	s1 =	sor.u32 s11, s18;
	v14 =	vadd.f32 v37, v40;
	[tilespmem:s15+$0x2000] =	vst v10;
	v10 =	vmul.f32 v22, v11;
	v11 =	vmul.f32 v32, v7  }
0x2ad: {  	v13 =	vadd.f32 v24, v42;
	v12 =	vadd.f32 v24, v12;
	[tilespmem:s1+$0x4000] =	vst v17;
	v18 =	vmul.f32 v30, v18  }
0x2ae: {  	v14 =	vmul.f32 v15, v14;
	[tilespmem:s19+$0x2000] =	vst v10;
	v10 =	vmul.f32 v21, v4;
	v11 =	vadd.f32 v11, v8  }
0x2af: {  	s2 =	sor.u32 s10, s18;
	v17 =	vadd.f32 v24, v19;
	v13 =	vmul.f32 v28, v13;
	[tilespmem:s1+$0x0] =	vst v18  }
0x2b0: {  	v12 =	vmul.f32 v15, v12;
	[tilespmem:s2+$0x4000] =	vst v14;
	v10 =	vadd.f32 v11, v10  }
0x2b1: {  	[tilespmem:s0+$0x0] =	vst v13;
	v13 =	vmul.f32 v31, v4;
	v14 =	vadd.f32 v11, v16;
	v16 =	vmul.f32 v35, v17  }
0x2b2: {  	[tilespmem:s2+$0x0] =	vst v12;
	v12 =	vadd.f32 v11, v29;
	v10 =	vmul.f32 v30, v10  }
0x2b3: {  	v14 =	vmul.f32 v15, v14;
	[tilespmem:s17+$0x0] =	vst v16;
	v11 =	vadd.f32 v11, v13  }
0x2b4: {  	[tilespmem:s1+$0x2000] =	vst v10;
	v10 =	vmul.f32 v35, v12  }
0x2b5: {  	[tilespmem:s2+$0x2000] =	vst v14;
	v11 =	vmul.f32 v28, v11  }
0x2b6: {  	[tilespmem:s17+$0x2000] =	vst v10  }
0x2b7: {  	s24 =	simm.s32 $0x80;
	[tilespmem:s0+$0x2000] =	vst v11  }
0x2b8: {  	s3 =	simm.s32 $0x4000;
	s5 =	simm.s32 $0x6000;
	s0 =	sld [smem:$0x7F5]  }
0x2b9: {  	s9 =	simm.s32 $0x8000;
	s10 =	simm.s32 $0x2;
	s16 =	simm.s32 $0x0  }
0x2ba: {  	s26 =	simm.s32 $0x200;
	s17 =	sor.u32 s14, s16;
	s4 =	sld [smem:$0x7F6]  }
0x2bb: {  	[hbm4b:s0+s24] =	stream.strided.scatter [tilespmem:s3], [sflag:$0x3], $0x2000, s26, s24, $0x38;
	[tilespmem:$0x10400] =	vst v63  }
0x2bc: {  	s18 =	simm.s32 $0x0;
	s7 =	sld [smem:$0x7F7];
	s0 =	sshrl.u32 s17, $0x9  }
0x2bd: {  	[hbm4b:s4+s24] =	stream.strided.scatter [tilespmem:s5], [sflag:$0x3], $0x2000, s26, s24, $0x38;
	[tilespmem:$0x10400] =	vst v63  }
0x2be: {  	s11 =	simm.s32 $0x4;
	s3 =	sand.u32 $0x7, s18;
	s0 =	sand.u32 $0x1F8, s0  }
0x2bf: {  	[hbm4b:s7+s24] =	stream.strided.scatter [tilespmem:s9], [sflag:$0x3], $0x2000, s26, s24, $0x38;
	[tilespmem:$0x10400] =	vst v63  }
0x2c0: {  	s3 =	sor.u32 s3, s0;
	s0 =	sand.u32 $0x40, s16;
	_ =	swait.ge [sflag:s10], $0x2000  }
0x2c1: {  	s4 =	sand.u32 $0x180, s16;
	s19 =	sor.u32 $0x10, s0;
	[sflag:s10] =	ssyncset.done $0x0  }
0x2c2: {  	v10 =	vmov s3;
	s5 =	sor.u32 s0, s4;
	s21 =	sor.u32 $0x20, s0;
	[sflag:s10] =	ssyncadd.s32 $0xFFFFE000  }
0x2c3: {  	s3 =	sor.u32 $0x30, s0;
	v10 =	vcvt.s32.f32 v10;
	s20 =	sor.u32 s4, s19;
	_ =	swait.ge [sflag:s11], $0x2000  }
0x2c4: {  	s9 =	sor.u32 s4, s21;
	v12 =	vor.u32 s5, v0;
	s4 =	sor.u32 s4, s3;
	v11 =	vor.u32 s20, v0;
	[sflag:s11] =	ssyncset.done $0x0  }
0x2c5: {  	v12 =	vcvt.s32.f32 v12;
	v15 =	vor.u32 s4, v0;
	v10 =	vbroadcast v10, $0x0;
	[sflag:s11] =	ssyncadd.s32 $0xFFFFE000  }
0x2c6: {  	v13 =	vcvt.s32.f32 v11;
	v11 =	vor.u32 s9, v0;
	v15 =	vcvt.s32.f32 v15;
	_ =	swait.ge [sflag:s11], $0x2000  }
0x2c7: {  	v18 =	vcvt.s32.f32 v11;
	v11 =	vmul.f32 v12, v5;
	[sflag:s11] =	ssyncset.done $0x0  }
0x2c8: {  	v20 =	vmul.f32 v12, v1;
	v12 =	vmul.f32 v12, v4;
	[sflag:s11] =	ssyncadd.s32 $0xFFFFE000  }
0x2c9: {  	s7 =	sand.u32 $0x1F80, s16;
	v14 =	vmul.f32 v10, v6;
	v16 =	vmul.f32 v10, v2;
	_ =	swait.ge [sflag:s11], $0x2000  }
0x2ca: {  	s28 =	sor.u32 $0x2000, s7;
	v19 =	vmul.f32 v13, v5;
	v22 =	vmul.f32 v10, v7;
	[sflag:s11] =	ssyncset.done $0x0  }
0x2cb: {  	s7 =	sor.u32 s0, s28;
	v26 =	vmul.f32 v13, v1;
	v27 =	vmul.f32 v15, v1;
	v14 =	vadd.f32 v14, v9;
	[sflag:s11] =	ssyncadd.s32 $0xFFFFE000  }
0x2cc: {  	s30 =	simm.s32 $0x0;
	s29 =	sor.u32 s21, s28;
	v28 =	vmul.f32 v15, v5;
	v21 =	vmul.f32 v18, v5;
	v16 =	vadd.f32 v16, v3;
	v17 =	vld [tilespmem:s7+$0x0]  }
0x2cd: {  	s1 =	sand.u32 $0x1C, s16;
	s2 =	sand.u32 $0x20, s18;
	s31 =	sor.u32 s19, s28;
	v23 =	vmul.f32 v18, v1;
	v22 =	vadd.f32 v22, v8;
	v10 =	vadd.f32 v14, v11;
	v11 =	vld [tilespmem:s29+$0x0]  }
0x2ce: {  	s1 =	sor.u32 s1, s2;
	s4 =	sand.u32 $0x3, s30;
	s9 =	simm.s32 $0x40;
	v15 =	vmul.f32 v15, v4;
	v21 =	vadd.f32 v14, v21;
	v20 =	vadd.f32 v16, v20;
	v25 =	vld [tilespmem:s31+$0x0]  }
0x2cf: {  	s25 =	simm.s32 $0x8;
	s2 =	sor.u32 s4, s1;
	s23 =	sor.u32 s14, s9;
	v13 =	vmul.f32 v13, v4;
	v23 =	vadd.f32 v16, v23;
	v19 =	vadd.f32 v14, v19  }
0x2d0: {  	s22 =	sor.u32 s3, s28;
	s28 =	simm.s32 $0x0;
	s5 =	sshrl.u32 s23, $0x9;
	v24 =	vmul.f32 v18, v4;
	v14 =	vadd.f32 v14, v28;
	v15 =	vadd.f32 v22, v15  }
0x2d1: {  	s1 =	sand.u32 $0x40, s9;
	s5 =	sand.u32 $0x1F8, s5;
	v12 =	vadd.f32 v22, v12;
	v26 =	vadd.f32 v16, v26;
	s29 =	sand.u32 $0x7, s28;
	v18 =	vmul.f32 v17, v10  }
0x2d2: {  	s17 =	sor.u32 $0x10, s1;
	v13 =	vadd.f32 v22, v13;
	s7 =	sand.u32 $0x180, s25;
	s5 =	sor.u32 s29, s5;
	v10 =	vld [tilespmem:s22+$0x0];
	v29 =	vmul.f32 v17, v20;
	v23 =	vmul.f32 v11, v23  }
0x2d3: {  	s16 =	sor.u32 $0x20, s1;
	s30 =	sor.u32 s7, s17;
	v20 =	vmul.f32 v11, v21;
	v21 =	vmov s5;
	v19 =	vmul.f32 v25, v19  }
0x2d4: {  	s2 =	sshll.u32 s2, $0x7;
	s31 =	sor.u32 s7, s16;
	v28 =	vor.u32 s30, v0;
	v17 =	vmul.f32 v17, v12;
	v21 =	vcvt.s32.f32 v21  }
0x2d5: {  	s2 =	sor.u32 $0x4000, s2;
	s20 =	sor.u32 $0x30, s1;
	s18 =	sor.u32 s1, s7;
	v31 =	vor.u32 s31, v0;
	v63 =	vmul.f32 v25, v26;
	v25 =	vmul.f32 v25, v13  }
0x2d6: {  	s11 =	sor.u32 s19, s2;
	s19 =	sor.u32 s0, s2;
	s7 =	sor.u32 s7, s20;
	v12 =	vor.u32 s18, v0;
	v26 =	vcvt.s32.f32 v31;
	v21 =	vbroadcast v21, $0x0  }
0x2d7: {  	s4 =	sand.u32 $0x1F80, s9;
	s10 =	sor.u32 s21, s2;
	v61 =	vcvt.s32.f32 v12;
	v12 =	vor.u32 s7, v0;
	[tilespmem:s19+$0xA000] =	vst v18;
	v30 =	vmul.f32 v10, v15  }
0x2d8: {  	s23 =	sor.u32 $0x2000, s4;
	[tilespmem:s10+$0xA000] =	vst v20;
	v18 =	vadd.f32 v16, v27;
	v15 =	vcvt.s32.f32 v28;
	v16 =	vmul.f32 v21, v6  }
0x2d9: {  	s21 =	simm.s32 $0x2;
	s0 =	sor.u32 s3, s2;
	s25 =	simm.s32 $0x0;
	v20 =	vadd.f32 v22, v24;
	v22 =	vcvt.s32.f32 v12;
	[tilespmem:s19+$0x6000] =	vst v29;
	v29 =	vmul.f32 v26, v1  }
0x2da: {  	s28 =	sand.u32 $0x20, s28;
	s29 =	sor.u32 s1, s23;
	s22 =	sand.u32 $0x1C, s21;
	[tilespmem:s11+$0xA000] =	vst v19;
	v13 =	vmul.f32 v61, v5;
	v19 =	vadd.f32 v16, v9;
	v16 =	vmul.f32 v15, v5  }
0x2db: {  	s4 =	sand.u32 $0x3, s25;
	s31 =	sor.u32 s20, s23;
	s2 =	sor.u32 s22, s28;
	[tilespmem:s11+$0x8000] =	vst v25;
	v62 =	vmul.f32 v10, v14;
	v28 =	vmul.f32 v21, v2;
	v14 =	vld [tilespmem:s29+$0x0]  }
0x2dc: {  	s2 =	sor.u32 s4, s2;
	[tilespmem:s0+$0x8000] =	vst v30;
	v30 =	vmul.f32 v26, v5;
	v25 =	vadd.f32 v19, v16;
	v16 =	vmul.f32 v26, v4;
	v26 =	vld [tilespmem:s31+$0x0]  }
0x2dd: {  	s15 =	simm.s32 $0x4;
	s3 =	sor.u32 s16, s23;
	[tilespmem:s10+$0x6000] =	vst v23;
	s2 =	sshll.u32 s2, $0x7;
	v31 =	vmul.f32 v61, v1;
	v24 =	vmul.f32 v61, v4  }
0x2de: {  	s30 =	sor.u32 s17, s23;
	s18 =	simm.s32 $0x10;
	[tilespmem:s19+$0x8000] =	vst v17;
	s2 =	sor.u32 $0x4000, s2;
	v12 =	vadd.f32 v28, v3;
	v28 =	vmul.f32 v21, v7;
	v21 =	vld [tilespmem:s3+$0x0];
	v17 =	vadd.f32 v19, v13  }
0x2df: {  	[tilespmem:s11+$0x6000] =	vst v63;
	v32 =	vmul.f32 v22, v5;
	s16 =	sor.u32 s16, s2;
	s11 =	sor.u32 s17, s2;
	s17 =	simm.s32 $0x4;
	v23 =	vmul.f32 v15, v1;
	v30 =	vadd.f32 v19, v30  }
0x2e0: {  	s19 =	sor.u32 s1, s2;
	s1 =	sor.u32 s20, s2;
	s20 =	simm.s32 $0x80;
	[tilespmem:s0+$0xA000] =	vst v62;
	v13 =	vld [tilespmem:s30+$0x0];
	v31 =	vadd.f32 v12, v31;
	v27 =	vmul.f32 v14, v17;
	v17 =	vmul.f32 v22, v1  }
.LBB2_16:
0x2e1: {  	s15 =	sadd.s32 $0x4, s15;
	s2 =	sor.u32 s14, s20;
	s3 =	sand.u32 $0x40, s20;
	v15 =	vmul.f32 v15, v4;
	v29 =	vadd.f32 v12, v29;
	v18 =	vmul.f32 v10, v18;
	v10 =	vmovc v26  }
0x2e2: {  	s5 =	sand.u32 $0x1C, s17;
	v26 =	vadd.f32 v28, v8;
	v22 =	vmul.f32 v22, v4;
	v33 =	vmul.f32 v11, v20;
	s2 =	sshrl.u32 s2, $0x9;
	s4 =	sshrl.u32 s15, $0x3  }
0x2e3: {  	s9 =	sshrl.u32 s15, $0x6;
	v20 =	vmul.f32 v14, v31;
	v19 =	vadd.f32 v19, v32;
	s2 =	sand.u32 $0x1F8, s2;
	s7 =	sand.u32 $0x7, s4;
	v28 =	vmul.f32 v21, v29;
	[tilespmem:s0+$0x6000] =	vst v18  }
0x2e4: {  	s22 =	sor.u32 $0x30, s3;
	s0 =	sand.u32 $0x180, s18;
	v29 =	vadd.f32 v26, v15;
	v15 =	vmul.f32 v21, v30;
	v18 =	vadd.f32 v26, v22;
	s2 =	sor.u32 s7, s2;
	[tilespmem:s10+$0x8000] =	vst v33  }
0x2e5: {  	v25 =	vmul.f32 v13, v25;
	s21 =	sor.u32 $0x10, s3;
	v24 =	vadd.f32 v26, v24;
	v11 =	vmovc v21;
	s7 =	sor.u32 s3, s0;
	v22 =	vmov s2;
	s2 =	sor.u32 $0x20, s3;
	[tilespmem:s19+$0xA000] =	vst v27  }
0x2e6: {  	s4 =	sand.u32 $0x20, s4;
	s10 =	sor.u32 s0, s21;
	v18 =	vmul.f32 v10, v18;
	v21 =	vcvt.s32.f32 v22;
	s23 =	sor.u32 s0, s2;
	v22 =	vadd.f32 v12, v23;
	[tilespmem:s16+$0xA000] =	vst v15  }
0x2e7: {  	s4 =	sor.u32 s5, s4;
	s5 =	sand.u32 $0x3, s9;
	v24 =	vmul.f32 v14, v24;
	v15 =	vor.u32 s10, v0;
	s0 =	sor.u32 s0, s22;
	v23 =	vor.u32 s23, v0;
	[tilespmem:s11+$0xA000] =	vst v25  }
0x2e8: {  	p0 =	slt.u32 s15, $0x1FC;
	v14 =	vor.u32 s7, v0;
	s4 =	sor.u32 s5, s4;
	s10 =	smov.u32 s16;
	v15 =	vcvt.s32.f32 v15;
	v21 =	vbroadcast v21, $0x0;
	[tilespmem:s1+$0x8000] =	vst v18  }
0x2e9: {  	s5 =	sand.u32 $0x1F80, s20;
	s4 =	sshll.u32 s4, $0x7;
	v25 =	vcvt.s32.f32 v14;
	v27 =	vor.u32 s0, v0;
	v14 =	vmul.f32 v10, v19;
	s0 =	smov.u32 s1;
	[tilespmem:s10+$0x6000] =	vst v28  }
0x2ea: {  	s4 =	sor.u32 $0x4000, s4;
	s1 =	sor.u32 $0x2000, s5;
	v18 =	vadd.f32 v12, v17;
	v28 =	vmul.f32 v13, v22;
	v19 =	vmul.f32 v21, v2;
	[tilespmem:s19+$0x6000] =	vst v20  }
0x2eb: {  	v29 =	vmul.f32 v13, v29;
	s5 =	sor.u32 s3, s1;
	s7 =	sor.u32 s21, s1;
	s9 =	sor.u32 s22, s1;
	v17 =	vmul.f32 v21, v6;
	v20 =	vadd.f32 v26, v16;
	[tilespmem:s0+$0xA000] =	vst v14  }
0x2ec: {  	s16 =	sor.u32 s2, s4;
	s1 =	sor.u32 s2, s1;
	v22 =	vcvt.s32.f32 v27;
	v16 =	vcvt.s32.f32 v23;
	v12 =	vadd.f32 v19, v3;
	v14 =	vld [tilespmem:s5+$0x0];
	[tilespmem:s19+$0x8000] =	vst v24  }
0x2ed: {  	v23 =	vmul.f32 v25, v5;
	v19 =	vadd.f32 v17, v9;
	v17 =	vmul.f32 v15, v5;
	v13 =	vld [tilespmem:s7+$0x0];
	[tilespmem:s11+$0x8000] =	vst v29  }
.Ltmp7:
0x2ee: {  	v31 =	vmul.f32 v25, v1;
	v30 =	vmul.f32 v16, v5;
	v26 =	vld [tilespmem:s9+$0x0];
	[tilespmem:s11+$0x6000] =	vst v28;
	(pc) =	sbr.rel @p0 .LBB2_16-.Ltmp7, $4  }
0x2ef: {  	v29 =	vmul.f32 v16, v1;
	v28 =	vmul.f32 v21, v7;
	v23 =	vadd.f32 v19, v23  }
0x2f0: {  	v24 =	vmul.f32 v25, v4;
	v16 =	vmul.f32 v16, v4;
	v25 =	vadd.f32 v19, v17;
	v21 =	vld [tilespmem:s1+$0x0]  }
0x2f1: {  	s17 =	sadd.s32 $0x2, s17;
	s18 =	sadd.s32 $0x8, s18;
	s11 =	sor.u32 s21, s4;
	v30 =	vadd.f32 v19, v30;
	v27 =	vmul.f32 v14, v23;
	v23 =	vmul.f32 v15, v1  }
0x2f2: {  	s20 =	sadd.s32 $0x40, s20;
	v32 =	vmul.f32 v22, v5;
	s19 =	sor.u32 s3, s4;
	v31 =	vadd.f32 v12, v31;
	v17 =	vmul.f32 v22, v1;
	s1 =	sor.u32 s22, s4  }
0x2f3: {  	v1 =	vmul.f32 v10, v18  }
0x2f4: {  	v2 =	vadd.f32 v28, v8;
	v3 =	vmul.f32 v22, v4;
	v5 =	vmul.f32 v11, v20;
	[tilespmem:s19+$0xA000] =	vst v27  }
0x2f5: {  	v6 =	vmul.f32 v13, v25;
	[tilespmem:s0+$0x6000] =	vst v1  }
0x2f6: {  	v1 =	vmul.f32 v21, v30;
	v3 =	vadd.f32 v2, v3;
	[tilespmem:s10+$0x8000] =	vst v5  }
0x2f7: {  	v57 =	vadd.f32 v12, v29;
	v60 =	vmul.f32 v14, v31;
	[tilespmem:s11+$0xA000] =	vst v6  }
0x2f8: {  	v7 =	vadd.f32 v2, v24;
	[tilespmem:s16+$0xA000] =	vst v1;
	v1 =	vmul.f32 v26, v3;
	v3 =	vmul.f32 v15, v4  }
0x2f9: {  	v59 =	vadd.f32 v19, v32;
	v58 =	vmul.f32 v21, v57;
	[tilespmem:s19+$0x6000] =	vst v60  }
0x2fa: {  	v62 =	vmul.f32 v14, v7;
	[tilespmem:s1+$0x8000] =	vst v1;
	v1 =	vadd.f32 v2, v3  }
0x2fb: {  	v61 =	vadd.f32 v12, v23;
	[tilespmem:s16+$0x6000] =	vst v58;
	v3 =	vmul.f32 v26, v59  }
0x2fc: {  	v2 =	vadd.f32 v2, v16;
	[tilespmem:s19+$0x8000] =	vst v62;
	v1 =	vmul.f32 v13, v1  }
0x2fd: {  	v63 =	vadd.f32 v12, v17;
	[tilespmem:s1+$0xA000] =	vst v3;
	v3 =	vmul.f32 v13, v61  }
0x2fe: {  	v2 =	vmul.f32 v21, v2;
	[tilespmem:s11+$0x8000] =	vst v1  }
0x2ff: {  	v1 =	vmul.f32 v26, v63;
	[tilespmem:s11+$0x6000] =	vst v3  }
0x300: {  	[tilespmem:s16+$0x8000] =	vst v2  }
0x301: {  	[tilespmem:s1+$0x6000] =	vst v1  }
0x302: {  	s0 =	sld [smem:$0x7F8];
	_ =	sdelay $0x1  }
0x303: {  	s21 =	simm.s32 $0xA000;
	s22 =	sld [smem:$0x7F9]  }
0x304: {  	[hbm4b:s0+s24] =	stream.strided.scatter [tilespmem:s21], [sflag:$0x4], $0x2000, s26, s24, $0x38;
	[tilespmem:$0x10400] =	vst v63  }
0x305: {  	s23 =	simm.s32 $0xC000;
	s25 =	sld [smem:$0x7FA]  }
0x306: {  	[hbm4b:s22+s24] =	stream.strided.scatter [tilespmem:s23], [sflag:$0x4], $0x2000, s26, s24, $0x38;
	[tilespmem:$0x10400] =	vst v63  }
0x307: {  	s28 =	simm.s32 $0xE000;
	s29 =	simm.s32 $0x3  }
0x308: {  	[hbm4b:s25+s24] =	stream.strided.scatter [tilespmem:s28], [sflag:$0x4], $0x2000, s26, s24, $0x38;
	[tilespmem:$0x10400] =	vst v63  }
0x309: {  	_ =	swait.ge [sflag:s29], $0x2000  }
0x30a: {  	[sflag:s29] =	ssyncset.done $0x0  }
0x30b: {  	[sflag:s29] =	ssyncadd.s32 $0xFFFFE000  }
0x30c: {  	_ =	swait.ge [sflag:s29], $0x2000  }
0x30d: {  	[sflag:s29] =	ssyncset.done $0x0  }
0x30e: {  	[sflag:s29] =	ssyncadd.s32 $0xFFFFE000  }
0x30f: {  	_ =	swait.ge [sflag:s29], $0x2000  }
0x310: {  	[sflag:s29] =	ssyncset.done $0x0  }
0x311: {  	s30 =	simm.s32 $0x4;
	[sflag:s29] =	ssyncadd.s32 $0xFFFFE000  }
0x312: {  	_ =	swait.ge [sflag:s30], $0x2000  }
0x313: {  	[sflag:s30] =	ssyncset.done $0x0  }
0x314: {  	[sflag:s30] =	ssyncadd.s32 $0xFFFFE000  }
0x315: {  	_ =	swait.ge [sflag:s30], $0x2000  }
0x316: {  	[sflag:s30] =	ssyncset.done $0x0  }
0x317: {  	[sflag:s30] =	ssyncadd.s32 $0xFFFFE000  }
0x318: {  	_ =	swait.ge [sflag:s30], $0x2000  }
0x319: {  	s2 =	sld [smem:$0x7F3]  }
0x31a: {  	s31 =	sld [smem:$0x7FC];
	_ =	sdelay $0x1  }
0x31b: {  	s2 =	sadd.s32 $0x1, s2  }
0x31c: {  	p0 =	sne.s32 s2, s31  }
.Ltmp8:
0x31d: {  	_ = 	snop;
	(pc) =	sbr.rel @p0 .LBB2_1-.Ltmp8, $3  }
0x31e: {  	_ =	sdelay $0x1  }
0x31f: {  	[sflag:s30] =	ssyncset.done $0x0  }
0x320: {  	[sflag:s30] =	ssyncadd.s32 $0xFFFFE000  }
0x321: {  	_ =	sfence.sel $0x180000  }
0x322: {  	[bflag:$0x0] =	sbarrier.arrive $0xFFFF  }
0x323: {  	_ =	strace $0x90000047  }
0x324: {  	s0 =	stileid.u32;
	[bflag:$0x2] =	sbarrier.arrive $0xFFFF  }
0x325: {  	p0 =	sne.s32 s0, $0x0;
	s0 =	rddreg [dreg:$0x3]  }
0x326: {  	s0 =	sadd.s32 @!p0 $0x100000, s0  }
0x327: {  	[sflag:s0] =	ssyncadd.tile.s32 @!p0 $0x1;
	_ =	shalt  }
.Lfunc_end2:
_tile_overlayer_lowered:
.L_overlay_start_2:
0x328: {  	(tag) =	ssettag $0x2  }
0x329: {  	s0 =	rddreg [dreg:$0x0];
	s2 =	stileid.u32  }
0x32a: {  	s1 =	rddreg [dreg:$0x1];
	p0 =	sne.s32 s2, $0x0  }
0x32b: {  	s3 =	rddreg [dreg:$0x2];
	[bflag:$0x3] =	sbarrier.arrive $0xFFFF;
	s2 =	simm.s32 @!p0 $0x1C05  }
0x32c: {  	[timem:s3], [sflag:s2] =	dma.local @!p0 [hbm:s0], s1  }
0x32d: {  	s0 =	simm.s32 @!p0 $0x5  }
0x32e: {  	_ =	swait.ge @!p0 [sflag:s0], s1  }
0x32f: {  	s1 =	ssub.s32 @!p0 $0x0, s1;
	[sflag:s0] =	ssyncset.done @!p0 $0x0  }
0x330: {  	[sflag:s0] =	ssyncadd.s32 @!p0 s1  }
0x331: {  	[bflag:$0x3] =	sbarrier.arrive $0xFFFF  }
0x332: {  	_ =	shalt  }

</sc_bundles>
